<compile_context>
chip_gen: v7x
topology: tpu7x:2x2x1
jax: 0.10.2.dev20260603
libtpu: 0.0.44.dev20260713+nightly
codegen_flags: <defaults>
</compile_context>

<pallas_src>
import functools

import jax
import jax.numpy as jnp
from jax import lax
from jax.experimental import pallas as pl
from jax.experimental.pallas import tpu as pltpu
from jax.experimental.pallas import tpu_sc as plsc

B = 4
N_ANG = 180
N_DET = 384
SIN_SZ = N_ANG * N_DET
OUT_SZ = 256
NPIX = OUT_SZ * OUT_SZ
FILT_LEN = 129
HALF = (FILT_LEN - 1) // 2
PADDED = N_DET + 2 * HALF
NROW = B * N_ANG

NC = 2
NS = 16
NW = NC * NS
LANES = 16

PIX_PER_W = NPIX // NW
CHUNK_PIX = 32
NCHUNK = PIX_PER_W // CHUNK_PIX
CHUNK_NNZ = CHUNK_PIX * N_ANG
SC_CHUNK_NNZ = NS * CHUNK_NNZ
SC_NNZ = NPIX // NC * N_ANG
SC_PIX = NPIX // NC
UNROLL = 6


def _conv_body(xp_ref, k_ref, y_ref):
    y_ref[...] = jnp.dot(xp_ref[...], k_ref[...],
                         preferred_element_type=jnp.float32)


_conv = pl.pallas_call(
    _conv_body,
    out_shape=jax.ShapeDtypeStruct((NROW, N_DET), jnp.float32),
)


@functools.lru_cache(maxsize=1)
def _make_backproject():
    mesh = plsc.VectorSubcoreMesh(
        core_axis_name="c", subcore_axis_name="s",
        num_cores=NC, num_subcores=NS)

    @functools.partial(
        pl.kernel,
        mesh=mesh,
        compiler_params=pltpu.CompilerParams(needs_layout_passes=False),
        out_type=jax.ShapeDtypeStruct((B, NPIX), jnp.float32),
        scratch_types=[
            pltpu.VMEM((SIN_SZ,), jnp.float32),
            pltpu.VMEM((CHUNK_NNZ,), jnp.int32),
            pltpu.VMEM((CHUNK_NNZ,), jnp.float32),
            pltpu.VMEM((CHUNK_PIX,), jnp.float32),
            pltpu.VMEM((LANES,), jnp.float32),
            pltpu.VMEM_SHARED((SC_CHUNK_NNZ,), jnp.int32),
            pltpu.VMEM_SHARED((SC_CHUNK_NNZ,), jnp.int32),
            pltpu.VMEM_SHARED((SC_CHUNK_NNZ,), jnp.float32),
            pltpu.VMEM_SHARED((SC_CHUNK_NNZ,), jnp.float32),
            pltpu.VMEM_SHARED((SC_PIX,), jnp.float32),
            pltpu.VMEM_SHARED((SC_PIX,), jnp.float32),
            pltpu.SemaphoreType.DMA((2, 2)),
            pltpu.SemaphoreType.DMA((2,)),
        ],
    )
    def backproject(sf_hbm, rows_hbm, vals_hbm, bias_hbm, out_hbm,
                    table_v, rows_v, vals_v, outc_v, bias_v,
                    srows0, srows1, svals0, svals1, sout0, sout1,
                    sems, osems):
        ci = lax.axis_index("c")
        si = lax.axis_index("s")
        leader = si == 0
        srows_bufs = (srows0, srows1)
        svals_bufs = (svals0, svals1)
        sout_bufs = (sout0, sout1)
        pltpu.sync_copy(bias_hbm, bias_v)
        bias_vec = bias_v[...]
        lane = lax.iota(jnp.int32, LANES)
        sc_nnz0 = ci * SC_NNZ

        def start(buf, c):
            base = sc_nnz0 + (c & (NCHUNK - 1)) * SC_CHUNK_NNZ
            pltpu.async_copy(rows_hbm.at[pl.ds(base, SC_CHUNK_NNZ)],
                             srows_bufs[buf], sems.at[buf, 0])
            pltpu.async_copy(vals_hbm.at[pl.ds(base, SC_CHUNK_NNZ)],
                             svals_bufs[buf], sems.at[buf, 1])

        def wait(buf):
            pltpu.make_async_copy(rows_hbm.at[pl.ds(0, SC_CHUNK_NNZ)],
                                  srows_bufs[buf], sems.at[buf, 0]).wait()
            pltpu.make_async_copy(vals_hbm.at[pl.ds(0, SC_CHUNK_NNZ)],
                                  svals_bufs[buf], sems.at[buf, 1]).wait()

        def compute(c):
            for pb in range(CHUNK_PIX // LANES):
                idx0 = lane * N_ANG + pb * (LANES * N_ANG)

                def k_body(k, carry):
                    acc, idxv = carry
                    for u in range(UNROLL):
                        iu = idxv + u
                        rg = plsc.load_gather(rows_v, [iu])
                        vg = plsc.load_gather(vals_v, [iu])
                        tg = plsc.load_gather(table_v, [rg])
                        acc = acc + tg * vg
                    return acc, idxv + UNROLL

                acc, _ = lax.fori_loop(
                    0, N_ANG // UNROLL, k_body,
                    (jnp.zeros((LANES,), jnp.float32), idx0))
                outc_v[pl.ds(pb * LANES, LANES)] = acc + bias_vec

        def step(buf, c, obuf):
            @pl.when(leader)
            def _():
                wait(buf)

            plsc.subcore_barrier()
            pltpu.sync_copy(
                srows_bufs[buf].at[pl.ds(si * CHUNK_NNZ, CHUNK_NNZ)], rows_v)
            pltpu.sync_copy(
                svals_bufs[buf].at[pl.ds(si * CHUNK_NNZ, CHUNK_NNZ)], vals_v)
            plsc.subcore_barrier()

            @pl.when(leader)
            def _():
                start(buf, c + 2)

            compute(c)
            pltpu.sync_copy(
                outc_v,
                obuf.at[pl.ds(c * (NS * CHUNK_PIX) + si * CHUNK_PIX,
                              CHUNK_PIX)])

        @pl.when(leader)
        def _():
            start(0, 0)
            start(1, 1)

        for b in range(B):
            pltpu.sync_copy(sf_hbm.at[b], table_v)
            obuf = sout_bufs[b & 1]
            if b >= 2:
                @pl.when(leader)
                def _():
                    pltpu.make_async_copy(
                        obuf, out_hbm.at[b - 2, pl.ds(ci * SC_PIX, SC_PIX)],
                        osems.at[b & 1]).wait()

            def pair_body(i, _):
                c0 = i * 2
                step(0, c0, obuf)
                step(1, c0 + 1, obuf)
                return 0

            lax.fori_loop(0, NCHUNK // 2, pair_body, 0)
            plsc.subcore_barrier()

            @pl.when(leader)
            def _():
                pltpu.async_copy(
                    obuf, out_hbm.at[b, pl.ds(ci * SC_PIX, SC_PIX)],
                    osems.at[b & 1])

        @pl.when(leader)
        def _():
            wait(0)
            wait(1)
            for b in (B - 2, B - 1):
                pltpu.make_async_copy(
                    sout_bufs[b & 1],
                    out_hbm.at[b, pl.ds(ci * SC_PIX, SC_PIX)],
                    osems.at[b & 1]).wait()

    return backproject


def kernel(sin_fan, fbp_filter, A_vals, scale, bias, A_rows, A_cols):
    x = sin_fan.reshape(NROW, N_DET)
    xp = jnp.pad(x, ((0, 0), (HALF, HALF)))
    f = fbp_filter.reshape(FILT_LEN) * scale[0]
    c_ix = jnp.arange(PADDED, dtype=jnp.int32)[:, None]
    d_ix = jnp.arange(N_DET, dtype=jnp.int32)[None, :]
    diff = c_ix - d_ix
    band = jnp.where((diff >= 0) & (diff < FILT_LEN),
                     f[jnp.clip(diff, 0, FILT_LEN - 1)], 0.0)
    sf = _conv(xp, band).reshape(B, SIN_SZ)

    bias16 = jnp.broadcast_to(bias.astype(jnp.float32), (LANES,))
    out = _make_backproject()(sf, A_rows, A_vals, bias16)
    return out.reshape(B, OUT_SZ, OUT_SZ, 1)

# --- scband reference (transcript-rebuilt; emitter-appended) ---
"""Pipeline reference for scband-fbp-layer-20418274525760 (READ-ONLY COPY).

The authoritative reference and input builder live on the scoring server;
editing this copy changes nothing except your own understanding.
"""

import jax, jax.numpy as jnp
import numpy as np

B = 4
N_ANG = 180
N_DET = 384
SIN_SZ = N_ANG * N_DET
OUT_SZ = 256
NPIX = OUT_SZ * OUT_SZ
FILT_LEN = 129
NNZ = NPIX * N_ANG


def setup_inputs(seed: int = 0) -> dict:
    key = jax.random.key(seed)
    k1, k2, k3, k4 = jax.random.split(key, 4)
    sin_fan = jax.random.normal(k1, (B, N_ANG, N_DET, 1), dtype=jnp.float32)
    # learned ramp-like filter, shape [filter_width, in_ch, out_ch] as in TF conv1d
    fbp_filter = jax.random.normal(k2, (FILT_LEN, 1, 1), dtype=jnp.float32) * 0.1
    # sparse back-projection matrix A^T [SIN_SZ, NPIX]: each pixel gets one
    # sinogram sample per view -> N_ANG nnz per column
    A_rows = jax.random.randint(k3, (NNZ,), 0, SIN_SZ).astype(jnp.int32)
    A_cols = jnp.repeat(jnp.arange(NPIX, dtype=jnp.int32), N_ANG)
    A_vals = jax.random.uniform(k4, (NNZ,), dtype=jnp.float32)
    scale = jnp.array([10.0], dtype=jnp.float32)
    bias = jnp.array([0.0], dtype=jnp.float32)
    return {"sin_fan": sin_fan, "fbp_filter": fbp_filter, "A_vals": A_vals,
            "scale": scale, "bias": bias, "A_rows": A_rows, "A_cols": A_cols}


def reference(sin_fan, fbp_filter, A_vals, scale, bias, A_rows, A_cols):
    Bn, An, Dn, _ = sin_fan.shape
    sin_sz = An * Dn
    # tf.nn.conv1d along detector axis with [B, A] batch dims, SAME padding,
    # cross-correlation (no kernel flip)
    x = sin_fan.reshape(Bn * An, 1, Dn)                      # NCH
    kern = jnp.transpose(fbp_filter, (2, 1, 0))              # [W,I,O]->[O,I,W]
    y = jax.lax.conv_general_dilated(
        x, kern, window_strides=(1,), padding='SAME',
        dimension_numbers=('NCH', 'OIH', 'NCH'))
    sin_flt = y.reshape(Bn, sin_sz)
    # sparse_dense_matmul: out[b, j] = sum_nnz sin_flt[b, rows] * vals  scattered to cols
    contrib = sin_flt[:, A_rows] * A_vals[None, :]           # [B, nnz] gather
    fbp = jax.ops.segment_sum(contrib.T, A_cols, num_segments=NPIX).T  # [B, NPIX]
    fbp = fbp.reshape(Bn, OUT_SZ, OUT_SZ, 1)
    return fbp * scale + bias

if __name__ == "__main__":
    import jax
    _d = setup_inputs()
    print(jax.jit(kernel)(*tuple(_d.values())))

</pallas_src>

<mosaic_0001>
#map = affine_map<(d0, d1) -> (0, 0)>
#map1 = affine_map<(d0, d1) -> (0)>
module attributes {stable_mosaic.version = 14 : i64} {
  func.func @backproject(%arg0: i32, %arg1: i32, %arg2: memref<4x69120xf32, #tpu.memory_space<hbm>>, %arg3: memref<11796480xi32, #tpu.memory_space<hbm>>, %arg4: memref<11796480xf32, #tpu.memory_space<hbm>>, %arg5: memref<16xf32, #tpu.memory_space<hbm>>, %arg6: memref<4x65536xf32, #tpu.memory_space<hbm>>, %arg7: memref<69120xf32, #tpu.memory_space<vmem>>, %arg8: memref<5760xi32, #tpu.memory_space<vmem>>, %arg9: memref<5760xf32, #tpu.memory_space<vmem>>, %arg10: memref<32xf32, #tpu.memory_space<vmem>>, %arg11: memref<16xf32, #tpu.memory_space<vmem>>, %arg12: memref<92160xi32, #tpu.memory_space<vmem_shared>>, %arg13: memref<92160xi32, #tpu.memory_space<vmem_shared>>, %arg14: memref<92160xf32, #tpu.memory_space<vmem_shared>>, %arg15: memref<92160xf32, #tpu.memory_space<vmem_shared>>, %arg16: memref<32768xf32, #tpu.memory_space<vmem_shared>>, %arg17: memref<32768xf32, #tpu.memory_space<vmem_shared>>, %arg18: memref<2x2x!tpu.dma_semaphore, #tpu.memory_space<semaphore_mem>>, %arg19: memref<2x!tpu.dma_semaphore, #tpu.memory_space<semaphore_mem>>) attributes {dimension_semantics = [#tpu.dimension_semantics<core_parallel>, #tpu.dimension_semantics<subcore_parallel>], iteration_bounds = array<i64: 2, 16>, scalar_prefetch = 0 : i64, scratch_operands = 13 : i64, tpu.core_type = #tpu.core_type<sc_vector_subcore>, window_params = [{transform_indices = #map}, {transform_indices = #map1}, {transform_indices = #map1}, {transform_indices = #map1}, {transform_indices = #map}]} {
    %eq3A = arith.constant 0 : i32
    %eq3A_0 = arith.cmpi eq, %arg1, %eq3A : i32
    "tpu.region"() ({
      %run_scoped3A_58 = tpu.sem_alloc : memref<!tpu.dma_semaphore, #tpu.memory_space<semaphore_mem>>
      tpu.enqueue_dma source(%arg5 : memref<16xf32, #tpu.memory_space<hbm>>) target(%arg11 : memref<16xf32, #tpu.memory_space<vmem>>) target_semaphore(%run_scoped3A_58 : memref<!tpu.dma_semaphore, #tpu.memory_space<semaphore_mem>>)
      tpu.wait_dma2 semaphore(%run_scoped3A_58 : memref<!tpu.dma_semaphore, #tpu.memory_space<semaphore_mem>>) src(%arg5 : memref<16xf32, #tpu.memory_space<hbm>>) dst(%arg11 : memref<16xf32, #tpu.memory_space<vmem>>)
      tpu.yield
    }) : () -> ()
    %get3A = arith.constant 0 : index
    %get3A_1 = tpu.vector_load %arg11[%get3A] {strides = array<i32>} : memref<16xf32, #tpu.memory_space<vmem>>, vector<16xf32>,
    %iota3A = tpu.iota {dimensions = array<i32: 0>} : vector<16xi32>
    %mul3A = arith.constant 5898240 : i32
    %mul3A_2 = arith.muli %arg0, %mul3A : i32
    %convert_element_type3A = arith.extui %eq3A_0 : i1 to i32
    %cond3A = arith.constant 0 : i32
    %cond3A_3 = arith.cmpi ne, %convert_element_type3A, %cond3A : i32
    scf.if %cond3A_3 {
      %add3A = arith.constant 0 : i32
      %add3A_58 = arith.addi %mul3A_2, %add3A : i32
      %dma_start3A = arith.constant 0 : i32
      %dma_start3A_59 = arith.constant 0 : i32
      %dma_start3A_60 = tpu.memref_slice %arg18[%dma_start3A, %dma_start3A_59] : memref<2x2x!tpu.dma_semaphore, #tpu.memory_space<semaphore_mem>> -> memref<1x1x!tpu.dma_semaphore, #tpu.memory_space<semaphore_mem>>
      %dma_start3A_61 = tpu.memref_squeeze %dma_start3A_60 : memref<1x1x!tpu.dma_semaphore, #tpu.memory_space<semaphore_mem>> -> memref<!tpu.dma_semaphore, #tpu.memory_space<semaphore_mem>>
      %dma_start3A_62 = tpu.memref_slice %arg3[%add3A_58] : memref<11796480xi32, #tpu.memory_space<hbm>> -> memref<92160xi32, #tpu.memory_space<hbm>>
      tpu.enqueue_dma source(%dma_start3A_62 : memref<92160xi32, #tpu.memory_space<hbm>>) target(%arg12 : memref<92160xi32, #tpu.memory_space<vmem_shared>>) target_semaphore(%dma_start3A_61 : memref<!tpu.dma_semaphore, #tpu.memory_space<semaphore_mem>>)
      %dma_start3A_63 = arith.constant 0 : i32
      %dma_start3A_64 = arith.constant 1 : i32
      %dma_start3A_65 = tpu.memref_slice %arg18[%dma_start3A_63, %dma_start3A_64] : memref<2x2x!tpu.dma_semaphore, #tpu.memory_space<semaphore_mem>> -> memref<1x1x!tpu.dma_semaphore, #tpu.memory_space<semaphore_mem>>
      %dma_start3A_66 = tpu.memref_squeeze %dma_start3A_65 : memref<1x1x!tpu.dma_semaphore, #tpu.memory_space<semaphore_mem>> -> memref<!tpu.dma_semaphore, #tpu.memory_space<semaphore_mem>>
      %dma_start3A_67 = tpu.memref_slice %arg4[%add3A_58] : memref<11796480xf32, #tpu.memory_space<hbm>> -> memref<92160xf32, #tpu.memory_space<hbm>>
      tpu.enqueue_dma source(%dma_start3A_67 : memref<92160xf32, #tpu.memory_space<hbm>>) target(%arg14 : memref<92160xf32, #tpu.memory_space<vmem_shared>>) target_semaphore(%dma_start3A_66 : memref<!tpu.dma_semaphore, #tpu.memory_space<semaphore_mem>>)
      %add3A_68 = arith.constant 92160 : i32
      %add3A_69 = arith.addi %mul3A_2, %add3A_68 : i32
      %dma_start3A_70 = arith.constant 1 : i32
      %dma_start3A_71 = arith.constant 0 : i32
      %dma_start3A_72 = tpu.memref_slice %arg18[%dma_start3A_70, %dma_start3A_71] : memref<2x2x!tpu.dma_semaphore, #tpu.memory_space<semaphore_mem>> -> memref<1x1x!tpu.dma_semaphore, #tpu.memory_space<semaphore_mem>>
      %dma_start3A_73 = tpu.memref_squeeze %dma_start3A_72 : memref<1x1x!tpu.dma_semaphore, #tpu.memory_space<semaphore_mem>> -> memref<!tpu.dma_semaphore, #tpu.memory_space<semaphore_mem>>
      %dma_start3A_74 = tpu.memref_slice %arg3[%add3A_69] : memref<11796480xi32, #tpu.memory_space<hbm>> -> memref<92160xi32, #tpu.memory_space<hbm>>
      tpu.enqueue_dma source(%dma_start3A_74 : memref<92160xi32, #tpu.memory_space<hbm>>) target(%arg13 : memref<92160xi32, #tpu.memory_space<vmem_shared>>) target_semaphore(%dma_start3A_73 : memref<!tpu.dma_semaphore, #tpu.memory_space<semaphore_mem>>)
      %dma_start3A_75 = arith.constant 1 : i32
      %dma_start3A_76 = arith.constant 1 : i32
      %dma_start3A_77 = tpu.memref_slice %arg18[%dma_start3A_75, %dma_start3A_76] : memref<2x2x!tpu.dma_semaphore, #tpu.memory_space<semaphore_mem>> -> memref<1x1x!tpu.dma_semaphore, #tpu.memory_space<semaphore_mem>>
      %dma_start3A_78 = tpu.memref_squeeze %dma_start3A_77 : memref<1x1x!tpu.dma_semaphore, #tpu.memory_space<semaphore_mem>> -> memref<!tpu.dma_semaphore, #tpu.memory_space<semaphore_mem>>
      %dma_start3A_79 = tpu.memref_slice %arg4[%add3A_69] : memref<11796480xf32, #tpu.memory_space<hbm>> -> memref<92160xf32, #tpu.memory_space<hbm>>
      tpu.enqueue_dma source(%dma_start3A_79 : memref<92160xf32, #tpu.memory_space<hbm>>) target(%arg15 : memref<92160xf32, #tpu.memory_space<vmem_shared>>) target_semaphore(%dma_start3A_78 : memref<!tpu.dma_semaphore, #tpu.memory_space<semaphore_mem>>)
    } else {
    }
    %run_scoped3A = arith.constant 0 : i32
    "tpu.region"() ({
      %run_scoped3A_58 = tpu.sem_alloc : memref<!tpu.dma_semaphore, #tpu.memory_space<semaphore_mem>>
      %dma_start3A = arith.constant 0 : i32
      %dma_start3A_59 = tpu.memref_slice %arg2[%run_scoped3A, %dma_start3A] : memref<4x69120xf32, #tpu.memory_space<hbm>> -> memref<1x69120xf32, #tpu.memory_space<hbm>>
      %dma_start3A_60 = tpu.memref_squeeze %dma_start3A_59 : memref<1x69120xf32, #tpu.memory_space<hbm>> -> memref<69120xf32, #tpu.memory_space<hbm>>
      %dma_start3A_61 = arith.constant 0 : i32
      %dma_start3A_62 = tpu.memref_slice %arg2[%run_scoped3A, %dma_start3A_61] : memref<4x69120xf32, #tpu.memory_space<hbm>> -> memref<1x69120xf32, #tpu.memory_space<hbm>>
      %dma_start3A_63 = tpu.memref_squeeze %dma_start3A_62 : memref<1x69120xf32, #tpu.memory_space<hbm>> -> memref<69120xf32, #tpu.memory_space<hbm>>
      tpu.enqueue_dma source(%dma_start3A_63 : memref<69120xf32, #tpu.memory_space<hbm>>) target(%arg7 : memref<69120xf32, #tpu.memory_space<vmem>>) target_semaphore(%run_scoped3A_58 : memref<!tpu.dma_semaphore, #tpu.memory_space<semaphore_mem>>)
      %dma_wait3A = arith.constant 0 : i32
      %dma_wait3A_64 = tpu.memref_slice %arg2[%run_scoped3A, %dma_wait3A] : memref<4x69120xf32, #tpu.memory_space<hbm>> -> memref<1x69120xf32, #tpu.memory_space<hbm>>
      %dma_wait3A_65 = tpu.memref_squeeze %dma_wait3A_64 : memref<1x69120xf32, #tpu.memory_space<hbm>> -> memref<69120xf32, #tpu.memory_space<hbm>>
      %dma_wait3A_66 = arith.constant 0 : i32
      %dma_wait3A_67 = tpu.memref_slice %arg2[%run_scoped3A, %dma_wait3A_66] : memref<4x69120xf32, #tpu.memory_space<hbm>> -> memref<1x69120xf32, #tpu.memory_space<hbm>>
      %dma_wait3A_68 = tpu.memref_squeeze %dma_wait3A_67 : memref<1x69120xf32, #tpu.memory_space<hbm>> -> memref<69120xf32, #tpu.memory_space<hbm>>
      tpu.wait_dma2 semaphore(%run_scoped3A_58 : memref<!tpu.dma_semaphore, #tpu.memory_space<semaphore_mem>>) src(%dma_wait3A_68 : memref<69120xf32, #tpu.memory_space<hbm>>) dst(%arg7 : memref<69120xf32, #tpu.memory_space<vmem>>)
      tpu.yield
    }) : () -> ()
    %scan3A = arith.constant 0 : i32
    %scan3A_4 = arith.constant 0 : i32
    %scan3A_5 = arith.constant 32 : i32
    %scan3A_6 = arith.addi %scan3A_4, %scan3A_5 : i32
    %scan3A_7 = arith.constant 1 : i32
    %scan3A_8 = scf.for %scan3A_58 = %scan3A_4 to %scan3A_6 step %scan3A_7 iter_args(%scan3A_59 = %scan3A) -> (i32)  : i32 {
      %mul3A_60 = arith.constant 2 : i32
      %mul3A_61 = arith.muli %scan3A_58, %mul3A_60 : i32
      %convert_element_type3A_62 = arith.extui %eq3A_0 : i1 to i32
      %cond3A_63 = arith.constant 0 : i32
      %cond3A_64 = arith.cmpi ne, %convert_element_type3A_62, %cond3A_63 : i32
      scf.if %cond3A_64 {
        %dma_wait3A = arith.constant 0 : i32
        %dma_wait3A_164 = arith.constant 0 : i32
        %dma_wait3A_165 = tpu.memref_slice %arg18[%dma_wait3A, %dma_wait3A_164] : memref<2x2x!tpu.dma_semaphore, #tpu.memory_space<semaphore_mem>> -> memref<1x1x!tpu.dma_semaphore, #tpu.memory_space<semaphore_mem>>
        %dma_wait3A_166 = tpu.memref_squeeze %dma_wait3A_165 : memref<1x1x!tpu.dma_semaphore, #tpu.memory_space<semaphore_mem>> -> memref<!tpu.dma_semaphore, #tpu.memory_space<semaphore_mem>>
        %dma_wait3A_167 = arith.constant 0 : i32
        %dma_wait3A_168 = tpu.memref_slice %arg3[%dma_wait3A_167] : memref<11796480xi32, #tpu.memory_space<hbm>> -> memref<92160xi32, #tpu.memory_space<hbm>>
        tpu.wait_dma2 semaphore(%dma_wait3A_166 : memref<!tpu.dma_semaphore, #tpu.memory_space<semaphore_mem>>) src(%dma_wait3A_168 : memref<92160xi32, #tpu.memory_space<hbm>>) dst(%arg12 : memref<92160xi32, #tpu.memory_space<vmem_shared>>)
        %dma_wait3A_169 = arith.constant 0 : i32
        %dma_wait3A_170 = arith.constant 1 : i32
        %dma_wait3A_171 = tpu.memref_slice %arg18[%dma_wait3A_169, %dma_wait3A_170] : memref<2x2x!tpu.dma_semaphore, #tpu.memory_space<semaphore_mem>> -> memref<1x1x!tpu.dma_semaphore, #tpu.memory_space<semaphore_mem>>
        %dma_wait3A_172 = tpu.memref_squeeze %dma_wait3A_171 : memref<1x1x!tpu.dma_semaphore, #tpu.memory_space<semaphore_mem>> -> memref<!tpu.dma_semaphore, #tpu.memory_space<semaphore_mem>>
        %dma_wait3A_173 = arith.constant 0 : i32
        %dma_wait3A_174 = tpu.memref_slice %arg4[%dma_wait3A_173] : memref<11796480xf32, #tpu.memory_space<hbm>> -> memref<92160xf32, #tpu.memory_space<hbm>>
        tpu.wait_dma2 semaphore(%dma_wait3A_172 : memref<!tpu.dma_semaphore, #tpu.memory_space<semaphore_mem>>) src(%dma_wait3A_174 : memref<92160xf32, #tpu.memory_space<hbm>>) dst(%arg14 : memref<92160xf32, #tpu.memory_space<vmem_shared>>)
      } else {
      }
      %barrier3A_65 = arith.constant 0 : index
      tpu.barrier barrier_id(%barrier3A_65)
      %mul3A_66 = arith.constant 5760 : i32
      %mul3A_67 = arith.muli %arg1, %mul3A_66 : i32
      "tpu.region"() ({
        %run_scoped3A_164 = tpu.sem_alloc : memref<!tpu.dma_semaphore, #tpu.memory_space<semaphore_mem>>
        %dma_start3A = tpu.memref_slice %arg12[%mul3A_67] : memref<92160xi32, #tpu.memory_space<vmem_shared>> -> memref<5760xi32, #tpu.memory_space<vmem_shared>>
        %dma_start3A_165 = tpu.memref_slice %arg12[%mul3A_67] : memref<92160xi32, #tpu.memory_space<vmem_shared>> -> memref<5760xi32, #tpu.memory_space<vmem_shared>>
        tpu.enqueue_dma source(%dma_start3A_165 : memref<5760xi32, #tpu.memory_space<vmem_shared>>) target(%arg8 : memref<5760xi32, #tpu.memory_space<vmem>>) target_semaphore(%run_scoped3A_164 : memref<!tpu.dma_semaphore, #tpu.memory_space<semaphore_mem>>)
        %dma_wait3A = tpu.memref_slice %arg12[%mul3A_67] : memref<92160xi32, #tpu.memory_space<vmem_shared>> -> memref<5760xi32, #tpu.memory_space<vmem_shared>>
        %dma_wait3A_166 = tpu.memref_slice %arg12[%mul3A_67] : memref<92160xi32, #tpu.memory_space<vmem_shared>> -> memref<5760xi32, #tpu.memory_space<vmem_shared>>
        tpu.wait_dma2 semaphore(%run_scoped3A_164 : memref<!tpu.dma_semaphore, #tpu.memory_space<semaphore_mem>>) src(%dma_wait3A_166 : memref<5760xi32, #tpu.memory_space<vmem_shared>>) dst(%arg8 : memref<5760xi32, #tpu.memory_space<vmem>>)
        tpu.yield
      }) : () -> ()
      %mul3A_68 = arith.constant 5760 : i32
      %mul3A_69 = arith.muli %arg1, %mul3A_68 : i32
      "tpu.region"() ({
        %run_scoped3A_164 = tpu.sem_alloc : memref<!tpu.dma_semaphore, #tpu.memory_space<semaphore_mem>>
        %dma_start3A = tpu.memref_slice %arg14[%mul3A_69] : memref<92160xf32, #tpu.memory_space<vmem_shared>> -> memref<5760xf32, #tpu.memory_space<vmem_shared>>
        %dma_start3A_165 = tpu.memref_slice %arg14[%mul3A_69] : memref<92160xf32, #tpu.memory_space<vmem_shared>> -> memref<5760xf32, #tpu.memory_space<vmem_shared>>
        tpu.enqueue_dma source(%dma_start3A_165 : memref<5760xf32, #tpu.memory_space<vmem_shared>>) target(%arg9 : memref<5760xf32, #tpu.memory_space<vmem>>) target_semaphore(%run_scoped3A_164 : memref<!tpu.dma_semaphore, #tpu.memory_space<semaphore_mem>>)
        %dma_wait3A = tpu.memref_slice %arg14[%mul3A_69] : memref<92160xf32, #tpu.memory_space<vmem_shared>> -> memref<5760xf32, #tpu.memory_space<vmem_shared>>
        %dma_wait3A_166 = tpu.memref_slice %arg14[%mul3A_69] : memref<92160xf32, #tpu.memory_space<vmem_shared>> -> memref<5760xf32, #tpu.memory_space<vmem_shared>>
        tpu.wait_dma2 semaphore(%run_scoped3A_164 : memref<!tpu.dma_semaphore, #tpu.memory_space<semaphore_mem>>) src(%dma_wait3A_166 : memref<5760xf32, #tpu.memory_space<vmem_shared>>) dst(%arg9 : memref<5760xf32, #tpu.memory_space<vmem>>)
        tpu.yield
      }) : () -> ()
      %barrier3A_70 = arith.constant 0 : index
      tpu.barrier barrier_id(%barrier3A_70)
      %convert_element_type3A_71 = arith.extui %eq3A_0 : i1 to i32
      %cond3A_72 = arith.constant 0 : i32
      %cond3A_73 = arith.cmpi ne, %convert_element_type3A_71, %cond3A_72 : i32
      scf.if %cond3A_73 {
        %add3A_164 = arith.constant 2 : i32
        %add3A_165 = arith.addi %mul3A_61, %add3A_164 : i32
        %and3A = arith.constant 63 : i32
        %and3A_166 = arith.andi %add3A_165, %and3A : i32
        %mul3A_167 = arith.constant 92160 : i32
        %mul3A_168 = arith.muli %and3A_166, %mul3A_167 : i32
        %add3A_169 = arith.addi %mul3A_2, %mul3A_168 : i32
        %dma_start3A = arith.constant 0 : i32
        %dma_start3A_170 = arith.constant 0 : i32
        %dma_start3A_171 = tpu.memref_slice %arg18[%dma_start3A, %dma_start3A_170] : memref<2x2x!tpu.dma_semaphore, #tpu.memory_space<semaphore_mem>> -> memref<1x1x!tpu.dma_semaphore, #tpu.memory_space<semaphore_mem>>
        %dma_start3A_172 = tpu.memref_squeeze %dma_start3A_171 : memref<1x1x!tpu.dma_semaphore, #tpu.memory_space<semaphore_mem>> -> memref<!tpu.dma_semaphore, #tpu.memory_space<semaphore_mem>>
        %dma_start3A_173 = tpu.memref_slice %arg3[%add3A_169] : memref<11796480xi32, #tpu.memory_space<hbm>> -> memref<92160xi32, #tpu.memory_space<hbm>>
        tpu.enqueue_dma source(%dma_start3A_173 : memref<92160xi32, #tpu.memory_space<hbm>>) target(%arg12 : memref<92160xi32, #tpu.memory_space<vmem_shared>>) target_semaphore(%dma_start3A_172 : memref<!tpu.dma_semaphore, #tpu.memory_space<semaphore_mem>>)
        %dma_start3A_174 = arith.constant 0 : i32
        %dma_start3A_175 = arith.constant 1 : i32
        %dma_start3A_176 = tpu.memref_slice %arg18[%dma_start3A_174, %dma_start3A_175] : memref<2x2x!tpu.dma_semaphore, #tpu.memory_space<semaphore_mem>> -> memref<1x1x!tpu.dma_semaphore, #tpu.memory_space<semaphore_mem>>
        %dma_start3A_177 = tpu.memref_squeeze %dma_start3A_176 : memref<1x1x!tpu.dma_semaphore, #tpu.memory_space<semaphore_mem>> -> memref<!tpu.dma_semaphore, #tpu.memory_space<semaphore_mem>>
        %dma_start3A_178 = tpu.memref_slice %arg4[%add3A_169] : memref<11796480xf32, #tpu.memory_space<hbm>> -> memref<92160xf32, #tpu.memory_space<hbm>>
        tpu.enqueue_dma source(%dma_start3A_178 : memref<92160xf32, #tpu.memory_space<hbm>>) target(%arg14 : memref<92160xf32, #tpu.memory_space<vmem_shared>>) target_semaphore(%dma_start3A_177 : memref<!tpu.dma_semaphore, #tpu.memory_space<semaphore_mem>>)
      } else {
      }
      %mul3A_74 = arith.constant 180 : i32
      %mul3A_75 = vector.broadcast %mul3A_74 : i32 to vector<16xi32>
      %mul3A_76 = arith.muli %iota3A, %mul3A_75 : vector<16xi32>
      %add3A = arith.constant 0 : i32
      %add3A_77 = vector.broadcast %add3A : i32 to vector<16xi32>
      %add3A_78 = arith.addi %mul3A_76, %add3A_77 : vector<16xi32>
      %broadcast_in_dim3A = arith.constant 0.000000e+00 : f32
      %broadcast_in_dim3A_79 = vector.broadcast %broadcast_in_dim3A : f32 to vector<16xf32>
      %scan3A_80 = arith.constant 0 : i32
      %scan3A_81 = arith.constant 30 : i32
      %scan3A_82 = arith.addi %scan3A_80, %scan3A_81 : i32
      %scan3A_83 = arith.constant 1 : i32
      %scan3A_84:2 = scf.for %scan3A_164 = %scan3A_80 to %scan3A_82 step %scan3A_83 iter_args(%scan3A_165 = %broadcast_in_dim3A_79, %scan3A_166 = %add3A_78) -> (vector<16xf32>, vector<16xi32>)  : i32 {
        %add3A_167 = arith.constant 0 : i32
        %add3A_168 = vector.broadcast %add3A_167 : i32 to vector<16xi32>
        %add3A_169 = arith.addi %scan3A_166, %add3A_168 : vector<16xi32>
        %gather3A = tpu.vector_load_idx %arg8[%add3A_169] : memref<5760xi32, #tpu.memory_space<vmem>>[vector<16xi32>], vector<16xi32>,
        %gather3A_170 = tpu.vector_load_idx %arg9[%add3A_169] : memref<5760xf32, #tpu.memory_space<vmem>>[vector<16xi32>], vector<16xf32>,
        %gather3A_171 = tpu.vector_load_idx %arg7[%gather3A] : memref<69120xf32, #tpu.memory_space<vmem>>[vector<16xi32>], vector<16xf32>,
        %mul3A_172 = arith.mulf %gather3A_171, %gather3A_170 : vector<16xf32>
        %add3A_173 = arith.addf %scan3A_165, %mul3A_172 : vector<16xf32>
        %add3A_174 = arith.constant 1 : i32
        %add3A_175 = vector.broadcast %add3A_174 : i32 to vector<16xi32>
        %add3A_176 = arith.addi %scan3A_166, %add3A_175 : vector<16xi32>
        %gather3A_177 = tpu.vector_load_idx %arg8[%add3A_176] : memref<5760xi32, #tpu.memory_space<vmem>>[vector<16xi32>], vector<16xi32>,
        %gather3A_178 = tpu.vector_load_idx %arg9[%add3A_176] : memref<5760xf32, #tpu.memory_space<vmem>>[vector<16xi32>], vector<16xf32>,
        %gather3A_179 = tpu.vector_load_idx %arg7[%gather3A_177] : memref<69120xf32, #tpu.memory_space<vmem>>[vector<16xi32>], vector<16xf32>,
        %mul3A_180 = arith.mulf %gather3A_179, %gather3A_178 : vector<16xf32>
        %add3A_181 = arith.addf %add3A_173, %mul3A_180 : vector<16xf32>
        %add3A_182 = arith.constant 2 : i32
        %add3A_183 = vector.broadcast %add3A_182 : i32 to vector<16xi32>
        %add3A_184 = arith.addi %scan3A_166, %add3A_183 : vector<16xi32>
        %gather3A_185 = tpu.vector_load_idx %arg8[%add3A_184] : memref<5760xi32, #tpu.memory_space<vmem>>[vector<16xi32>], vector<16xi32>,
        %gather3A_186 = tpu.vector_load_idx %arg9[%add3A_184] : memref<5760xf32, #tpu.memory_space<vmem>>[vector<16xi32>], vector<16xf32>,
        %gather3A_187 = tpu.vector_load_idx %arg7[%gather3A_185] : memref<69120xf32, #tpu.memory_space<vmem>>[vector<16xi32>], vector<16xf32>,
        %mul3A_188 = arith.mulf %gather3A_187, %gather3A_186 : vector<16xf32>
        %add3A_189 = arith.addf %add3A_181, %mul3A_188 : vector<16xf32>
        %add3A_190 = arith.constant 3 : i32
        %add3A_191 = vector.broadcast %add3A_190 : i32 to vector<16xi32>
        %add3A_192 = arith.addi %scan3A_166, %add3A_191 : vector<16xi32>
        %gather3A_193 = tpu.vector_load_idx %arg8[%add3A_192] : memref<5760xi32, #tpu.memory_space<vmem>>[vector<16xi32>], vector<16xi32>,
        %gather3A_194 = tpu.vector_load_idx %arg9[%add3A_192] : memref<5760xf32, #tpu.memory_space<vmem>>[vector<16xi32>], vector<16xf32>,
        %gather3A_195 = tpu.vector_load_idx %arg7[%gather3A_193] : memref<69120xf32, #tpu.memory_space<vmem>>[vector<16xi32>], vector<16xf32>,
        %mul3A_196 = arith.mulf %gather3A_195, %gather3A_194 : vector<16xf32>
        %add3A_197 = arith.addf %add3A_189, %mul3A_196 : vector<16xf32>
        %add3A_198 = arith.constant 4 : i32
        %add3A_199 = vector.broadcast %add3A_198 : i32 to vector<16xi32>
        %add3A_200 = arith.addi %scan3A_166, %add3A_199 : vector<16xi32>
        %gather3A_201 = tpu.vector_load_idx %arg8[%add3A_200] : memref<5760xi32, #tpu.memory_space<vmem>>[vector<16xi32>], vector<16xi32>,
        %gather3A_202 = tpu.vector_load_idx %arg9[%add3A_200] : memref<5760xf32, #tpu.memory_space<vmem>>[vector<16xi32>], vector<16xf32>,
        %gather3A_203 = tpu.vector_load_idx %arg7[%gather3A_201] : memref<69120xf32, #tpu.memory_space<vmem>>[vector<16xi32>], vector<16xf32>,
        %mul3A_204 = arith.mulf %gather3A_203, %gather3A_202 : vector<16xf32>
        %add3A_205 = arith.addf %add3A_197, %mul3A_204 : vector<16xf32>
        %add3A_206 = arith.constant 5 : i32
        %add3A_207 = vector.broadcast %add3A_206 : i32 to vector<16xi32>
        %add3A_208 = arith.addi %scan3A_166, %add3A_207 : vector<16xi32>
        %gather3A_209 = tpu.vector_load_idx %arg8[%add3A_208] : memref<5760xi32, #tpu.memory_space<vmem>>[vector<16xi32>], vector<16xi32>,
        %gather3A_210 = tpu.vector_load_idx %arg9[%add3A_208] : memref<5760xf32, #tpu.memory_space<vmem>>[vector<16xi32>], vector<16xf32>,
        %gather3A_211 = tpu.vector_load_idx %arg7[%gather3A_209] : memref<69120xf32, #tpu.memory_space<vmem>>[vector<16xi32>], vector<16xf32>,
        %mul3A_212 = arith.mulf %gather3A_211, %gather3A_210 : vector<16xf32>
        %add3A_213 = arith.addf %add3A_205, %mul3A_212 : vector<16xf32>
        %add3A_214 = arith.constant 6 : i32
        %add3A_215 = vector.broadcast %add3A_214 : i32 to vector<16xi32>
        %add3A_216 = arith.addi %scan3A_166, %add3A_215 : vector<16xi32>
        scf.yield %add3A_213, %add3A_216 : vector<16xf32>, vector<16xi32>
      }
      %scan3A_85 = arith.constant 30 : i32
      %add3A_86 = arith.addf %scan3A_84#0, %get3A_1 : vector<16xf32>
      %swap3A = arith.constant 0 : index
      %swap3A_87 = tpu.vector_load %arg10[%swap3A] {strides = array<i32>} : memref<32xf32, #tpu.memory_space<vmem>>, vector<16xf32>,
      tpu.vector_store %arg10[%swap3A], %add3A_86 {strides = array<i32>} : memref<32xf32, #tpu.memory_space<vmem>>, vector<16xf32>,
      %mul3A_88 = arith.constant 180 : i32
      %mul3A_89 = vector.broadcast %mul3A_88 : i32 to vector<16xi32>
      %mul3A_90 = arith.muli %iota3A, %mul3A_89 : vector<16xi32>
      %add3A_91 = arith.constant 2880 : i32
      %add3A_92 = vector.broadcast %add3A_91 : i32 to vector<16xi32>
      %add3A_93 = arith.addi %mul3A_90, %add3A_92 : vector<16xi32>
      %broadcast_in_dim3A_94 = arith.constant 0.000000e+00 : f32
      %broadcast_in_dim3A_95 = vector.broadcast %broadcast_in_dim3A_94 : f32 to vector<16xf32>
      %scan3A_96 = arith.constant 0 : i32
      %scan3A_97 = arith.constant 30 : i32
      %scan3A_98 = arith.addi %scan3A_96, %scan3A_97 : i32
      %scan3A_99 = arith.constant 1 : i32
      %scan3A_100:2 = scf.for %scan3A_164 = %scan3A_96 to %scan3A_98 step %scan3A_99 iter_args(%scan3A_165 = %broadcast_in_dim3A_95, %scan3A_166 = %add3A_93) -> (vector<16xf32>, vector<16xi32>)  : i32 {
        %add3A_167 = arith.constant 0 : i32
        %add3A_168 = vector.broadcast %add3A_167 : i32 to vector<16xi32>
        %add3A_169 = arith.addi %scan3A_166, %add3A_168 : vector<16xi32>
        %gather3A = tpu.vector_load_idx %arg8[%add3A_169] : memref<5760xi32, #tpu.memory_space<vmem>>[vector<16xi32>], vector<16xi32>,
        %gather3A_170 = tpu.vector_load_idx %arg9[%add3A_169] : memref<5760xf32, #tpu.memory_space<vmem>>[vector<16xi32>], vector<16xf32>,
        %gather3A_171 = tpu.vector_load_idx %arg7[%gather3A] : memref<69120xf32, #tpu.memory_space<vmem>>[vector<16xi32>], vector<16xf32>,
        %mul3A_172 = arith.mulf %gather3A_171, %gather3A_170 : vector<16xf32>
        %add3A_173 = arith.addf %scan3A_165, %mul3A_172 : vector<16xf32>
        %add3A_174 = arith.constant 1 : i32
        %add3A_175 = vector.broadcast %add3A_174 : i32 to vector<16xi32>
        %add3A_176 = arith.addi %scan3A_166, %add3A_175 : vector<16xi32>
        %gather3A_177 = tpu.vector_load_idx %arg8[%add3A_176] : memref<5760xi32, #tpu.memory_space<vmem>>[vector<16xi32>], vector<16xi32>,
        %gather3A_178 = tpu.vector_load_idx %arg9[%add3A_176] : memref<5760xf32, #tpu.memory_space<vmem>>[vector<16xi32>], vector<16xf32>,
        %gather3A_179 = tpu.vector_load_idx %arg7[%gather3A_177] : memref<69120xf32, #tpu.memory_space<vmem>>[vector<16xi32>], vector<16xf32>,
        %mul3A_180 = arith.mulf %gather3A_179, %gather3A_178 : vector<16xf32>
        %add3A_181 = arith.addf %add3A_173, %mul3A_180 : vector<16xf32>
        %add3A_182 = arith.constant 2 : i32
        %add3A_183 = vector.broadcast %add3A_182 : i32 to vector<16xi32>
        %add3A_184 = arith.addi %scan3A_166, %add3A_183 : vector<16xi32>
        %gather3A_185 = tpu.vector_load_idx %arg8[%add3A_184] : memref<5760xi32, #tpu.memory_space<vmem>>[vector<16xi32>], vector<16xi32>,
        %gather3A_186 = tpu.vector_load_idx %arg9[%add3A_184] : memref<5760xf32, #tpu.memory_space<vmem>>[vector<16xi32>], vector<16xf32>,
        %gather3A_187 = tpu.vector_load_idx %arg7[%gather3A_185] : memref<69120xf32, #tpu.memory_space<vmem>>[vector<16xi32>], vector<16xf32>,
        %mul3A_188 = arith.mulf %gather3A_187, %gather3A_186 : vector<16xf32>
        %add3A_189 = arith.addf %add3A_181, %mul3A_188 : vector<16xf32>
        %add3A_190 = arith.constant 3 : i32
        %add3A_191 = vector.broadcast %add3A_190 : i32 to vector<16xi32>
        %add3A_192 = arith.addi %scan3A_166, %add3A_191 : vector<16xi32>
        %gather3A_193 = tpu.vector_load_idx %arg8[%add3A_192] : memref<5760xi32, #tpu.memory_space<vmem>>[vector<16xi32>], vector<16xi32>,
        %gather3A_194 = tpu.vector_load_idx %arg9[%add3A_192] : memref<5760xf32, #tpu.memory_space<vmem>>[vector<16xi32>], vector<16xf32>,
        %gather3A_195 = tpu.vector_load_idx %arg7[%gather3A_193] : memref<69120xf32, #tpu.memory_space<vmem>>[vector<16xi32>], vector<16xf32>,
        %mul3A_196 = arith.mulf %gather3A_195, %gather3A_194 : vector<16xf32>
        %add3A_197 = arith.addf %add3A_189, %mul3A_196 : vector<16xf32>
        %add3A_198 = arith.constant 4 : i32
        %add3A_199 = vector.broadcast %add3A_198 : i32 to vector<16xi32>
        %add3A_200 = arith.addi %scan3A_166, %add3A_199 : vector<16xi32>
        %gather3A_201 = tpu.vector_load_idx %arg8[%add3A_200] : memref<5760xi32, #tpu.memory_space<vmem>>[vector<16xi32>], vector<16xi32>,
        %gather3A_202 = tpu.vector_load_idx %arg9[%add3A_200] : memref<5760xf32, #tpu.memory_space<vmem>>[vector<16xi32>], vector<16xf32>,
        %gather3A_203 = tpu.vector_load_idx %arg7[%gather3A_201] : memref<69120xf32, #tpu.memory_space<vmem>>[vector<16xi32>], vector<16xf32>,
        %mul3A_204 = arith.mulf %gather3A_203, %gather3A_202 : vector<16xf32>
        %add3A_205 = arith.addf %add3A_197, %mul3A_204 : vector<16xf32>
        %add3A_206 = arith.constant 5 : i32
        %add3A_207 = vector.broadcast %add3A_206 : i32 to vector<16xi32>
        %add3A_208 = arith.addi %scan3A_166, %add3A_207 : vector<16xi32>
        %gather3A_209 = tpu.vector_load_idx %arg8[%add3A_208] : memref<5760xi32, #tpu.memory_space<vmem>>[vector<16xi32>], vector<16xi32>,
        %gather3A_210 = tpu.vector_load_idx %arg9[%add3A_208] : memref<5760xf32, #tpu.memory_space<vmem>>[vector<16xi32>], vector<16xf32>,
        %gather3A_211 = tpu.vector_load_idx %arg7[%gather3A_209] : memref<69120xf32, #tpu.memory_space<vmem>>[vector<16xi32>], vector<16xf32>,
        %mul3A_212 = arith.mulf %gather3A_211, %gather3A_210 : vector<16xf32>
        %add3A_213 = arith.addf %add3A_205, %mul3A_212 : vector<16xf32>
        %add3A_214 = arith.constant 6 : i32
        %add3A_215 = vector.broadcast %add3A_214 : i32 to vector<16xi32>
        %add3A_216 = arith.addi %scan3A_166, %add3A_215 : vector<16xi32>
        scf.yield %add3A_213, %add3A_216 : vector<16xf32>, vector<16xi32>
      }
      %scan3A_101 = arith.constant 30 : i32
      %add3A_102 = arith.addf %scan3A_100#0, %get3A_1 : vector<16xf32>
      %swap3A_103 = arith.constant 16 : index
      %swap3A_104 = tpu.vector_load %arg10[%swap3A_103] {strides = array<i32>} : memref<32xf32, #tpu.memory_space<vmem>>, vector<16xf32>,
      tpu.vector_store %arg10[%swap3A_103], %add3A_102 {strides = array<i32>} : memref<32xf32, #tpu.memory_space<vmem>>, vector<16xf32>,
      %mul3A_105 = arith.constant 512 : i32
      %mul3A_106 = arith.muli %mul3A_61, %mul3A_105 : i32
      %mul3A_107 = arith.constant 32 : i32
      %mul3A_108 = arith.muli %arg1, %mul3A_107 : i32
      %add3A_109 = arith.addi %mul3A_106, %mul3A_108 : i32
      "tpu.region"() ({
        %run_scoped3A_164 = tpu.sem_alloc : memref<!tpu.dma_semaphore, #tpu.memory_space<semaphore_mem>>
        %dma_start3A = tpu.memref_slice %arg16[%add3A_109] : memref<32768xf32, #tpu.memory_space<vmem_shared>> -> memref<32xf32, #tpu.memory_space<vmem_shared>>
        %dma_start3A_165 = tpu.memref_slice %arg16[%add3A_109] : memref<32768xf32, #tpu.memory_space<vmem_shared>> -> memref<32xf32, #tpu.memory_space<vmem_shared>>
        tpu.enqueue_dma source(%arg10 : memref<32xf32, #tpu.memory_space<vmem>>) target(%dma_start3A_165 : memref<32xf32, #tpu.memory_space<vmem_shared>>) target_semaphore(%run_scoped3A_164 : memref<!tpu.dma_semaphore, #tpu.memory_space<semaphore_mem>>)
        %dma_wait3A = tpu.memref_slice %arg16[%add3A_109] : memref<32768xf32, #tpu.memory_space<vmem_shared>> -> memref<32xf32, #tpu.memory_space<vmem_shared>>
        %dma_wait3A_166 = tpu.memref_slice %arg16[%add3A_109] : memref<32768xf32, #tpu.memory_space<vmem_shared>> -> memref<32xf32, #tpu.memory_space<vmem_shared>>
        tpu.wait_dma2 semaphore(%run_scoped3A_164 : memref<!tpu.dma_semaphore, #tpu.memory_space<semaphore_mem>>) src(%arg10 : memref<32xf32, #tpu.memory_space<vmem>>) dst(%dma_wait3A_166 : memref<32xf32, #tpu.memory_space<vmem_shared>>)
        tpu.yield
      }) : () -> ()
      %add3A_110 = arith.constant 1 : i32
      %add3A_111 = arith.addi %mul3A_61, %add3A_110 : i32
      %convert_element_type3A_112 = arith.extui %eq3A_0 : i1 to i32
      %cond3A_113 = arith.constant 0 : i32
      %cond3A_114 = arith.cmpi ne, %convert_element_type3A_112, %cond3A_113 : i32
      scf.if %cond3A_114 {
        %dma_wait3A = arith.constant 1 : i32
        %dma_wait3A_164 = arith.constant 0 : i32
        %dma_wait3A_165 = tpu.memref_slice %arg18[%dma_wait3A, %dma_wait3A_164] : memref<2x2x!tpu.dma_semaphore, #tpu.memory_space<semaphore_mem>> -> memref<1x1x!tpu.dma_semaphore, #tpu.memory_space<semaphore_mem>>
        %dma_wait3A_166 = tpu.memref_squeeze %dma_wait3A_165 : memref<1x1x!tpu.dma_semaphore, #tpu.memory_space<semaphore_mem>> -> memref<!tpu.dma_semaphore, #tpu.memory_space<semaphore_mem>>
        %dma_wait3A_167 = arith.constant 0 : i32
        %dma_wait3A_168 = tpu.memref_slice %arg3[%dma_wait3A_167] : memref<11796480xi32, #tpu.memory_space<hbm>> -> memref<92160xi32, #tpu.memory_space<hbm>>
        tpu.wait_dma2 semaphore(%dma_wait3A_166 : memref<!tpu.dma_semaphore, #tpu.memory_space<semaphore_mem>>) src(%dma_wait3A_168 : memref<92160xi32, #tpu.memory_space<hbm>>) dst(%arg13 : memref<92160xi32, #tpu.memory_space<vmem_shared>>)
        %dma_wait3A_169 = arith.constant 1 : i32
        %dma_wait3A_170 = arith.constant 1 : i32
        %dma_wait3A_171 = tpu.memref_slice %arg18[%dma_wait3A_169, %dma_wait3A_170] : memref<2x2x!tpu.dma_semaphore, #tpu.memory_space<semaphore_mem>> -> memref<1x1x!tpu.dma_semaphore, #tpu.memory_space<semaphore_mem>>
        %dma_wait3A_172 = tpu.memref_squeeze %dma_wait3A_171 : memref<1x1x!tpu.dma_semaphore, #tpu.memory_space<semaphore_mem>> -> memref<!tpu.dma_semaphore, #tpu.memory_space<semaphore_mem>>
        %dma_wait3A_173 = arith.constant 0 : i32
        %dma_wait3A_174 = tpu.memref_slice %arg4[%dma_wait3A_173] : memref<11796480xf32, #tpu.memory_space<hbm>> -> memref<92160xf32, #tpu.memory_space<hbm>>
        tpu.wait_dma2 semaphore(%dma_wait3A_172 : memref<!tpu.dma_semaphore, #tpu.memory_space<semaphore_mem>>) src(%dma_wait3A_174 : memref<92160xf32, #tpu.memory_space<hbm>>) dst(%arg15 : memref<92160xf32, #tpu.memory_space<vmem_shared>>)
      } else {
      }
      %barrier3A_115 = arith.constant 0 : index
      tpu.barrier barrier_id(%barrier3A_115)
      %mul3A_116 = arith.constant 5760 : i32
      %mul3A_117 = arith.muli %arg1, %mul3A_116 : i32
      "tpu.region"() ({
        %run_scoped3A_164 = tpu.sem_alloc : memref<!tpu.dma_semaphore, #tpu.memory_space<semaphore_mem>>
        %dma_start3A = tpu.memref_slice %arg13[%mul3A_117] : memref<92160xi32, #tpu.memory_space<vmem_shared>> -> memref<5760xi32, #tpu.memory_space<vmem_shared>>
        %dma_start3A_165 = tpu.memref_slice %arg13[%mul3A_117] : memref<92160xi32, #tpu.memory_space<vmem_shared>> -> memref<5760xi32, #tpu.memory_space<vmem_shared>>
        tpu.enqueue_dma source(%dma_start3A_165 : memref<5760xi32, #tpu.memory_space<vmem_shared>>) target(%arg8 : memref<5760xi32, #tpu.memory_space<vmem>>) target_semaphore(%run_scoped3A_164 : memref<!tpu.dma_semaphore, #tpu.memory_space<semaphore_mem>>)
        %dma_wait3A = tpu.memref_slice %arg13[%mul3A_117] : memref<92160xi32, #tpu.memory_space<vmem_shared>> -> memref<5760xi32, #tpu.memory_space<vmem_shared>>
        %dma_wait3A_166 = tpu.memref_slice %arg13[%mul3A_117] : memref<92160xi32, #tpu.memory_space<vmem_shared>> -> memref<5760xi32, #tpu.memory_space<vmem_shared>>
        tpu.wait_dma2 semaphore(%run_scoped3A_164 : memref<!tpu.dma_semaphore, #tpu.memory_space<semaphore_mem>>) src(%dma_wait3A_166 : memref<5760xi32, #tpu.memory_space<vmem_shared>>) dst(%arg8 : memref<5760xi32, #tpu.memory_space<vmem>>)
        tpu.yield
      }) : () -> ()
      %mul3A_118 = arith.constant 5760 : i32
      %mul3A_119 = arith.muli %arg1, %mul3A_118 : i32
      "tpu.region"() ({
        %run_scoped3A_164 = tpu.sem_alloc : memref<!tpu.dma_semaphore, #tpu.memory_space<semaphore_mem>>
        %dma_start3A = tpu.memref_slice %arg15[%mul3A_119] : memref<92160xf32, #tpu.memory_space<vmem_shared>> -> memref<5760xf32, #tpu.memory_space<vmem_shared>>
        %dma_start3A_165 = tpu.memref_slice %arg15[%mul3A_119] : memref<92160xf32, #tpu.memory_space<vmem_shared>> -> memref<5760xf32, #tpu.memory_space<vmem_shared>>
        tpu.enqueue_dma source(%dma_start3A_165 : memref<5760xf32, #tpu.memory_space<vmem_shared>>) target(%arg9 : memref<5760xf32, #tpu.memory_space<vmem>>) target_semaphore(%run_scoped3A_164 : memref<!tpu.dma_semaphore, #tpu.memory_space<semaphore_mem>>)
        %dma_wait3A = tpu.memref_slice %arg15[%mul3A_119] : memref<92160xf32, #tpu.memory_space<vmem_shared>> -> memref<5760xf32, #tpu.memory_space<vmem_shared>>
        %dma_wait3A_166 = tpu.memref_slice %arg15[%mul3A_119] : memref<92160xf32, #tpu.memory_space<vmem_shared>> -> memref<5760xf32, #tpu.memory_space<vmem_shared>>
        tpu.wait_dma2 semaphore(%run_scoped3A_164 : memref<!tpu.dma_semaphore, #tpu.memory_space<semaphore_mem>>) src(%dma_wait3A_166 : memref<5760xf32, #tpu.memory_space<vmem_shared>>) dst(%arg9 : memref<5760xf32, #tpu.memory_space<vmem>>)
        tpu.yield
      }) : () -> ()
      %barrier3A_120 = arith.constant 0 : index
      tpu.barrier barrier_id(%barrier3A_120)
      %convert_element_type3A_121 = arith.extui %eq3A_0 : i1 to i32
      %cond3A_122 = arith.constant 0 : i32
      %cond3A_123 = arith.cmpi ne, %convert_element_type3A_121, %cond3A_122 : i32
      scf.if %cond3A_123 {
        %add3A_164 = arith.constant 2 : i32
        %add3A_165 = arith.addi %add3A_111, %add3A_164 : i32
        %and3A = arith.constant 63 : i32
        %and3A_166 = arith.andi %add3A_165, %and3A : i32
        %mul3A_167 = arith.constant 92160 : i32
        %mul3A_168 = arith.muli %and3A_166, %mul3A_167 : i32
        %add3A_169 = arith.addi %mul3A_2, %mul3A_168 : i32
        %dma_start3A = arith.constant 1 : i32
        %dma_start3A_170 = arith.constant 0 : i32
        %dma_start3A_171 = tpu.memref_slice %arg18[%dma_start3A, %dma_start3A_170] : memref<2x2x!tpu.dma_semaphore, #tpu.memory_space<semaphore_mem>> -> memref<1x1x!tpu.dma_semaphore, #tpu.memory_space<semaphore_mem>>
        %dma_start3A_172 = tpu.memref_squeeze %dma_start3A_171 : memref<1x1x!tpu.dma_semaphore, #tpu.memory_space<semaphore_mem>> -> memref<!tpu.dma_semaphore, #tpu.memory_space<semaphore_mem>>
        %dma_start3A_173 = tpu.memref_slice %arg3[%add3A_169] : memref<11796480xi32, #tpu.memory_space<hbm>> -> memref<92160xi32, #tpu.memory_space<hbm>>
        tpu.enqueue_dma source(%dma_start3A_173 : memref<92160xi32, #tpu.memory_space<hbm>>) target(%arg13 : memref<92160xi32, #tpu.memory_space<vmem_shared>>) target_semaphore(%dma_start3A_172 : memref<!tpu.dma_semaphore, #tpu.memory_space<semaphore_mem>>)
        %dma_start3A_174 = arith.constant 1 : i32
        %dma_start3A_175 = arith.constant 1 : i32
        %dma_start3A_176 = tpu.memref_slice %arg18[%dma_start3A_174, %dma_start3A_175] : memref<2x2x!tpu.dma_semaphore, #tpu.memory_space<semaphore_mem>> -> memref<1x1x!tpu.dma_semaphore, #tpu.memory_space<semaphore_mem>>
        %dma_start3A_177 = tpu.memref_squeeze %dma_start3A_176 : memref<1x1x!tpu.dma_semaphore, #tpu.memory_space<semaphore_mem>> -> memref<!tpu.dma_semaphore, #tpu.memory_space<semaphore_mem>>
        %dma_start3A_178 = tpu.memref_slice %arg4[%add3A_169] : memref<11796480xf32, #tpu.memory_space<hbm>> -> memref<92160xf32, #tpu.memory_space<hbm>>
        tpu.enqueue_dma source(%dma_start3A_178 : memref<92160xf32, #tpu.memory_space<hbm>>) target(%arg15 : memref<92160xf32, #tpu.memory_space<vmem_shared>>) target_semaphore(%dma_start3A_177 : memref<!tpu.dma_semaphore, #tpu.memory_space<semaphore_mem>>)
      } else {
      }
      %mul3A_124 = arith.constant 180 : i32
      %mul3A_125 = vector.broadcast %mul3A_124 : i32 to vector<16xi32>
      %mul3A_126 = arith.muli %iota3A, %mul3A_125 : vector<16xi32>
      %add3A_127 = arith.constant 0 : i32
      %add3A_128 = vector.broadcast %add3A_127 : i32 to vector<16xi32>
      %add3A_129 = arith.addi %mul3A_126, %add3A_128 : vector<16xi32>
      %broadcast_in_dim3A_130 = arith.constant 0.000000e+00 : f32
      %broadcast_in_dim3A_131 = vector.broadcast %broadcast_in_dim3A_130 : f32 to vector<16xf32>
      %scan3A_132 = arith.constant 0 : i32
      %scan3A_133 = arith.constant 30 : i32
      %scan3A_134 = arith.addi %scan3A_132, %scan3A_133 : i32
      %scan3A_135 = arith.constant 1 : i32
      %scan3A_136:2 = scf.for %scan3A_164 = %scan3A_132 to %scan3A_134 step %scan3A_135 iter_args(%scan3A_165 = %broadcast_in_dim3A_131, %scan3A_166 = %add3A_129) -> (vector<16xf32>, vector<16xi32>)  : i32 {
        %add3A_167 = arith.constant 0 : i32
        %add3A_168 = vector.broadcast %add3A_167 : i32 to vector<16xi32>
        %add3A_169 = arith.addi %scan3A_166, %add3A_168 : vector<16xi32>
        %gather3A = tpu.vector_load_idx %arg8[%add3A_169] : memref<5760xi32, #tpu.memory_space<vmem>>[vector<16xi32>], vector<16xi32>,
        %gather3A_170 = tpu.vector_load_idx %arg9[%add3A_169] : memref<5760xf32, #tpu.memory_space<vmem>>[vector<16xi32>], vector<16xf32>,
        %gather3A_171 = tpu.vector_load_idx %arg7[%gather3A] : memref<69120xf32, #tpu.memory_space<vmem>>[vector<16xi32>], vector<16xf32>,
        %mul3A_172 = arith.mulf %gather3A_171, %gather3A_170 : vector<16xf32>
        %add3A_173 = arith.addf %scan3A_165, %mul3A_172 : vector<16xf32>
        %add3A_174 = arith.constant 1 : i32
        %add3A_175 = vector.broadcast %add3A_174 : i32 to vector<16xi32>
        %add3A_176 = arith.addi %scan3A_166, %add3A_175 : vector<16xi32>
        %gather3A_177 = tpu.vector_load_idx %arg8[%add3A_176] : memref<5760xi32, #tpu.memory_space<vmem>>[vector<16xi32>], vector<16xi32>,
        %gather3A_178 = tpu.vector_load_idx %arg9[%add3A_176] : memref<5760xf32, #tpu.memory_space<vmem>>[vector<16xi32>], vector<16xf32>,
        %gather3A_179 = tpu.vector_load_idx %arg7[%gather3A_177] : memref<69120xf32, #tpu.memory_space<vmem>>[vector<16xi32>], vector<16xf32>,
        %mul3A_180 = arith.mulf %gather3A_179, %gather3A_178 : vector<16xf32>
        %add3A_181 = arith.addf %add3A_173, %mul3A_180 : vector<16xf32>
        %add3A_182 = arith.constant 2 : i32
        %add3A_183 = vector.broadcast %add3A_182 : i32 to vector<16xi32>
        %add3A_184 = arith.addi %scan3A_166, %add3A_183 : vector<16xi32>
        %gather3A_185 = tpu.vector_load_idx %arg8[%add3A_184] : memref<5760xi32, #tpu.memory_space<vmem>>[vector<16xi32>], vector<16xi32>,
        %gather3A_186 = tpu.vector_load_idx %arg9[%add3A_184] : memref<5760xf32, #tpu.memory_space<vmem>>[vector<16xi32>], vector<16xf32>,
        %gather3A_187 = tpu.vector_load_idx %arg7[%gather3A_185] : memref<69120xf32, #tpu.memory_space<vmem>>[vector<16xi32>], vector<16xf32>,
        %mul3A_188 = arith.mulf %gather3A_187, %gather3A_186 : vector<16xf32>
        %add3A_189 = arith.addf %add3A_181, %mul3A_188 : vector<16xf32>
        %add3A_190 = arith.constant 3 : i32
        %add3A_191 = vector.broadcast %add3A_190 : i32 to vector<16xi32>
        %add3A_192 = arith.addi %scan3A_166, %add3A_191 : vector<16xi32>
        %gather3A_193 = tpu.vector_load_idx %arg8[%add3A_192] : memref<5760xi32, #tpu.memory_space<vmem>>[vector<16xi32>], vector<16xi32>,
        %gather3A_194 = tpu.vector_load_idx %arg9[%add3A_192] : memref<5760xf32, #tpu.memory_space<vmem>>[vector<16xi32>], vector<16xf32>,
        %gather3A_195 = tpu.vector_load_idx %arg7[%gather3A_193] : memref<69120xf32, #tpu.memory_space<vmem>>[vector<16xi32>], vector<16xf32>,
        %mul3A_196 = arith.mulf %gather3A_195, %gather3A_194 : vector<16xf32>
        %add3A_197 = arith.addf %add3A_189, %mul3A_196 : vector<16xf32>
        %add3A_198 = arith.constant 4 : i32
        %add3A_199 = vector.broadcast %add3A_198 : i32 to vector<16xi32>
        %add3A_200 = arith.addi %scan3A_166, %add3A_199 : vector<16xi32>
        %gather3A_201 = tpu.vector_load_idx %arg8[%add3A_200] : memref<5760xi32, #tpu.memory_space<vmem>>[vector<16xi32>], vector<16xi32>,
        %gather3A_202 = tpu.vector_load_idx %arg9[%add3A_200] : memref<5760xf32, #tpu.memory_space<vmem>>[vector<16xi32>], vector<16xf32>,
        %gather3A_203 = tpu.vector_load_idx %arg7[%gather3A_201] : memref<69120xf32, #tpu.memory_space<vmem>>[vector<16xi32>], vector<16xf32>,
        %mul3A_204 = arith.mulf %gather3A_203, %gather3A_202 : vector<16xf32>
        %add3A_205 = arith.addf %add3A_197, %mul3A_204 : vector<16xf32>
        %add3A_206 = arith.constant 5 : i32
        %add3A_207 = vector.broadcast %add3A_206 : i32 to vector<16xi32>
        %add3A_208 = arith.addi %scan3A_166, %add3A_207 : vector<16xi32>
        %gather3A_209 = tpu.vector_load_idx %arg8[%add3A_208] : memref<5760xi32, #tpu.memory_space<vmem>>[vector<16xi32>], vector<16xi32>,
        %gather3A_210 = tpu.vector_load_idx %arg9[%add3A_208] : memref<5760xf32, #tpu.memory_space<vmem>>[vector<16xi32>], vector<16xf32>,
        %gather3A_211 = tpu.vector_load_idx %arg7[%gather3A_209] : memref<69120xf32, #tpu.memory_space<vmem>>[vector<16xi32>], vector<16xf32>,
        %mul3A_212 = arith.mulf %gather3A_211, %gather3A_210 : vector<16xf32>
        %add3A_213 = arith.addf %add3A_205, %mul3A_212 : vector<16xf32>
        %add3A_214 = arith.constant 6 : i32
        %add3A_215 = vector.broadcast %add3A_214 : i32 to vector<16xi32>
        %add3A_216 = arith.addi %scan3A_166, %add3A_215 : vector<16xi32>
        scf.yield %add3A_213, %add3A_216 : vector<16xf32>, vector<16xi32>
      }
      %scan3A_137 = arith.constant 30 : i32
      %add3A_138 = arith.addf %scan3A_136#0, %get3A_1 : vector<16xf32>
      %swap3A_139 = arith.constant 0 : index
      %swap3A_140 = tpu.vector_load %arg10[%swap3A_139] {strides = array<i32>} : memref<32xf32, #tpu.memory_space<vmem>>, vector<16xf32>,
      tpu.vector_store %arg10[%swap3A_139], %add3A_138 {strides = array<i32>} : memref<32xf32, #tpu.memory_space<vmem>>, vector<16xf32>,
      %mul3A_141 = arith.constant 180 : i32
      %mul3A_142 = vector.broadcast %mul3A_141 : i32 to vector<16xi32>
      %mul3A_143 = arith.muli %iota3A, %mul3A_142 : vector<16xi32>
      %add3A_144 = arith.constant 2880 : i32
      %add3A_145 = vector.broadcast %add3A_144 : i32 to vector<16xi32>
      %add3A_146 = arith.addi %mul3A_143, %add3A_145 : vector<16xi32>
      %broadcast_in_dim3A_147 = arith.constant 0.000000e+00 : f32
      %broadcast_in_dim3A_148 = vector.broadcast %broadcast_in_dim3A_147 : f32 to vector<16xf32>
      %scan3A_149 = arith.constant 0 : i32
      %scan3A_150 = arith.constant 30 : i32
      %scan3A_151 = arith.addi %scan3A_149, %scan3A_150 : i32
      %scan3A_152 = arith.constant 1 : i32
      %scan3A_153:2 = scf.for %scan3A_164 = %scan3A_149 to %scan3A_151 step %scan3A_152 iter_args(%scan3A_165 = %broadcast_in_dim3A_148, %scan3A_166 = %add3A_146) -> (vector<16xf32>, vector<16xi32>)  : i32 {
        %add3A_167 = arith.constant 0 : i32
        %add3A_168 = vector.broadcast %add3A_167 : i32 to vector<16xi32>
        %add3A_169 = arith.addi %scan3A_166, %add3A_168 : vector<16xi32>
        %gather3A = tpu.vector_load_idx %arg8[%add3A_169] : memref<5760xi32, #tpu.memory_space<vmem>>[vector<16xi32>], vector<16xi32>,
        %gather3A_170 = tpu.vector_load_idx %arg9[%add3A_169] : memref<5760xf32, #tpu.memory_space<vmem>>[vector<16xi32>], vector<16xf32>,
        %gather3A_171 = tpu.vector_load_idx %arg7[%gather3A] : memref<69120xf32, #tpu.memory_space<vmem>>[vector<16xi32>], vector<16xf32>,
        %mul3A_172 = arith.mulf %gather3A_171, %gather3A_170 : vector<16xf32>
        %add3A_173 = arith.addf %scan3A_165, %mul3A_172 : vector<16xf32>
        %add3A_174 = arith.constant 1 : i32
        %add3A_175 = vector.broadcast %add3A_174 : i32 to vector<16xi32>
        %add3A_176 = arith.addi %scan3A_166, %add3A_175 : vector<16xi32>
        %gather3A_177 = tpu.vector_load_idx %arg8[%add3A_176] : memref<5760xi32, #tpu.memory_space<vmem>>[vector<16xi32>], vector<16xi32>,
        %gather3A_178 = tpu.vector_load_idx %arg9[%add3A_176] : memref<5760xf32, #tpu.memory_space<vmem>>[vector<16xi32>], vector<16xf32>,
        %gather3A_179 = tpu.vector_load_idx %arg7[%gather3A_177] : memref<69120xf32, #tpu.memory_space<vmem>>[vector<16xi32>], vector<16xf32>,
        %mul3A_180 = arith.mulf %gather3A_179, %gather3A_178 : vector<16xf32>
        %add3A_181 = arith.addf %add3A_173, %mul3A_180 : vector<16xf32>
        %add3A_182 = arith.constant 2 : i32
        %add3A_183 = vector.broadcast %add3A_182 : i32 to vector<16xi32>
        %add3A_184 = arith.addi %scan3A_166, %add3A_183 : vector<16xi32>
        %gather3A_185 = tpu.vector_load_idx %arg8[%add3A_184] : memref<5760xi32, #tpu.memory_space<vmem>>[vector<16xi32>], vector<16xi32>,
        %gather3A_186 = tpu.vector_load_idx %arg9[%add3A_184] : memref<5760xf32, #tpu.memory_space<vmem>>[vector<16xi32>], vector<16xf32>,
        %gather3A_187 = tpu.vector_load_idx %arg7[%gather3A_185] : memref<69120xf32, #tpu.memory_space<vmem>>[vector<16xi32>], vector<16xf32>,
        %mul3A_188 = arith.mulf %gather3A_187, %gather3A_186 : vector<16xf32>
        %add3A_189 = arith.addf %add3A_181, %mul3A_188 : vector<16xf32>
        %add3A_190 = arith.constant 3 : i32
        %add3A_191 = vector.broadcast %add3A_190 : i32 to vector<16xi32>
        %add3A_192 = arith.addi %scan3A_166, %add3A_191 : vector<16xi32>
        %gather3A_193 = tpu.vector_load_idx %arg8[%add3A_192] : memref<5760xi32, #tpu.memory_space<vmem>>[vector<16xi32>], vector<16xi32>,
        %gather3A_194 = tpu.vector_load_idx %arg9[%add3A_192] : memref<5760xf32, #tpu.memory_space<vmem>>[vector<16xi32>], vector<16xf32>,
        %gather3A_195 = tpu.vector_load_idx %arg7[%gather3A_193] : memref<69120xf32, #tpu.memory_space<vmem>>[vector<16xi32>], vector<16xf32>,
        %mul3A_196 = arith.mulf %gather3A_195, %gather3A_194 : vector<16xf32>
        %add3A_197 = arith.addf %add3A_189, %mul3A_196 : vector<16xf32>
        %add3A_198 = arith.constant 4 : i32
        %add3A_199 = vector.broadcast %add3A_198 : i32 to vector<16xi32>
        %add3A_200 = arith.addi %scan3A_166, %add3A_199 : vector<16xi32>
        %gather3A_201 = tpu.vector_load_idx %arg8[%add3A_200] : memref<5760xi32, #tpu.memory_space<vmem>>[vector<16xi32>], vector<16xi32>,
        %gather3A_202 = tpu.vector_load_idx %arg9[%add3A_200] : memref<5760xf32, #tpu.memory_space<vmem>>[vector<16xi32>], vector<16xf32>,
        %gather3A_203 = tpu.vector_load_idx %arg7[%gather3A_201] : memref<69120xf32, #tpu.memory_space<vmem>>[vector<16xi32>], vector<16xf32>,
        %mul3A_204 = arith.mulf %gather3A_203, %gather3A_202 : vector<16xf32>
        %add3A_205 = arith.addf %add3A_197, %mul3A_204 : vector<16xf32>
        %add3A_206 = arith.constant 5 : i32
        %add3A_207 = vector.broadcast %add3A_206 : i32 to vector<16xi32>
        %add3A_208 = arith.addi %scan3A_166, %add3A_207 : vector<16xi32>
        %gather3A_209 = tpu.vector_load_idx %arg8[%add3A_208] : memref<5760xi32, #tpu.memory_space<vmem>>[vector<16xi32>], vector<16xi32>,
        %gather3A_210 = tpu.vector_load_idx %arg9[%add3A_208] : memref<5760xf32, #tpu.memory_space<vmem>>[vector<16xi32>], vector<16xf32>,
        %gather3A_211 = tpu.vector_load_idx %arg7[%gather3A_209] : memref<69120xf32, #tpu.memory_space<vmem>>[vector<16xi32>], vector<16xf32>,
        %mul3A_212 = arith.mulf %gather3A_211, %gather3A_210 : vector<16xf32>
        %add3A_213 = arith.addf %add3A_205, %mul3A_212 : vector<16xf32>
        %add3A_214 = arith.constant 6 : i32
        %add3A_215 = vector.broadcast %add3A_214 : i32 to vector<16xi32>
        %add3A_216 = arith.addi %scan3A_166, %add3A_215 : vector<16xi32>
        scf.yield %add3A_213, %add3A_216 : vector<16xf32>, vector<16xi32>
      }
      %scan3A_154 = arith.constant 30 : i32
      %add3A_155 = arith.addf %scan3A_153#0, %get3A_1 : vector<16xf32>
      %swap3A_156 = arith.constant 16 : index
      %swap3A_157 = tpu.vector_load %arg10[%swap3A_156] {strides = array<i32>} : memref<32xf32, #tpu.memory_space<vmem>>, vector<16xf32>,
      tpu.vector_store %arg10[%swap3A_156], %add3A_155 {strides = array<i32>} : memref<32xf32, #tpu.memory_space<vmem>>, vector<16xf32>,
      %mul3A_158 = arith.constant 512 : i32
      %mul3A_159 = arith.muli %add3A_111, %mul3A_158 : i32
      %mul3A_160 = arith.constant 32 : i32
      %mul3A_161 = arith.muli %arg1, %mul3A_160 : i32
      %add3A_162 = arith.addi %mul3A_159, %mul3A_161 : i32
      "tpu.region"() ({
        %run_scoped3A_164 = tpu.sem_alloc : memref<!tpu.dma_semaphore, #tpu.memory_space<semaphore_mem>>
        %dma_start3A = tpu.memref_slice %arg16[%add3A_162] : memref<32768xf32, #tpu.memory_space<vmem_shared>> -> memref<32xf32, #tpu.memory_space<vmem_shared>>
        %dma_start3A_165 = tpu.memref_slice %arg16[%add3A_162] : memref<32768xf32, #tpu.memory_space<vmem_shared>> -> memref<32xf32, #tpu.memory_space<vmem_shared>>
        tpu.enqueue_dma source(%arg10 : memref<32xf32, #tpu.memory_space<vmem>>) target(%dma_start3A_165 : memref<32xf32, #tpu.memory_space<vmem_shared>>) target_semaphore(%run_scoped3A_164 : memref<!tpu.dma_semaphore, #tpu.memory_space<semaphore_mem>>)
        %dma_wait3A = tpu.memref_slice %arg16[%add3A_162] : memref<32768xf32, #tpu.memory_space<vmem_shared>> -> memref<32xf32, #tpu.memory_space<vmem_shared>>
        %dma_wait3A_166 = tpu.memref_slice %arg16[%add3A_162] : memref<32768xf32, #tpu.memory_space<vmem_shared>> -> memref<32xf32, #tpu.memory_space<vmem_shared>>
        tpu.wait_dma2 semaphore(%run_scoped3A_164 : memref<!tpu.dma_semaphore, #tpu.memory_space<semaphore_mem>>) src(%arg10 : memref<32xf32, #tpu.memory_space<vmem>>) dst(%dma_wait3A_166 : memref<32xf32, #tpu.memory_space<vmem_shared>>)
        tpu.yield
      }) : () -> ()
      %scan3A_163 = arith.constant 0 : i32
      scf.yield %scan3A_163 : i32
    }
    %scan3A_9 = arith.constant 32 : i32
    %barrier3A = arith.constant 0 : index
    tpu.barrier barrier_id(%barrier3A)
    %convert_element_type3A_10 = arith.extui %eq3A_0 : i1 to i32
    %cond3A_11 = arith.constant 0 : i32
    %cond3A_12 = arith.cmpi ne, %convert_element_type3A_10, %cond3A_11 : i32
    scf.if %cond3A_12 {
      %mul3A_58 = arith.constant 32768 : i32
      %mul3A_59 = arith.muli %arg0, %mul3A_58 : i32
      %dma_start3A = arith.constant 0 : i32
      %dma_start3A_60 = arith.constant 0 : i32
      %dma_start3A_61 = tpu.memref_slice %arg19[%dma_start3A_60] : memref<2x!tpu.dma_semaphore, #tpu.memory_space<semaphore_mem>> -> memref<1x!tpu.dma_semaphore, #tpu.memory_space<semaphore_mem>>
      %dma_start3A_62 = tpu.memref_squeeze %dma_start3A_61 : memref<1x!tpu.dma_semaphore, #tpu.memory_space<semaphore_mem>> -> memref<!tpu.dma_semaphore, #tpu.memory_space<semaphore_mem>>
      %dma_start3A_63 = tpu.memref_slice %arg6[%dma_start3A, %mul3A_59] : memref<4x65536xf32, #tpu.memory_space<hbm>> -> memref<1x32768xf32, #tpu.memory_space<hbm>>
      %dma_start3A_64 = tpu.memref_squeeze %dma_start3A_63 : memref<1x32768xf32, #tpu.memory_space<hbm>> -> memref<32768xf32, #tpu.memory_space<hbm>>
      tpu.enqueue_dma source(%arg16 : memref<32768xf32, #tpu.memory_space<vmem_shared>>) target(%dma_start3A_64 : memref<32768xf32, #tpu.memory_space<hbm>>) target_semaphore(%dma_start3A_62 : memref<!tpu.dma_semaphore, #tpu.memory_space<semaphore_mem>>)
    } else {
    }
    %run_scoped3A_13 = arith.constant 1 : i32
    "tpu.region"() ({
      %run_scoped3A_58 = tpu.sem_alloc : memref<!tpu.dma_semaphore, #tpu.memory_space<semaphore_mem>>
      %dma_start3A = arith.constant 0 : i32
      %dma_start3A_59 = tpu.memref_slice %arg2[%run_scoped3A_13, %dma_start3A] : memref<4x69120xf32, #tpu.memory_space<hbm>> -> memref<1x69120xf32, #tpu.memory_space<hbm>>
      %dma_start3A_60 = tpu.memref_squeeze %dma_start3A_59 : memref<1x69120xf32, #tpu.memory_space<hbm>> -> memref<69120xf32, #tpu.memory_space<hbm>>
      %dma_start3A_61 = arith.constant 0 : i32
      %dma_start3A_62 = tpu.memref_slice %arg2[%run_scoped3A_13, %dma_start3A_61] : memref<4x69120xf32, #tpu.memory_space<hbm>> -> memref<1x69120xf32, #tpu.memory_space<hbm>>
      %dma_start3A_63 = tpu.memref_squeeze %dma_start3A_62 : memref<1x69120xf32, #tpu.memory_space<hbm>> -> memref<69120xf32, #tpu.memory_space<hbm>>
      tpu.enqueue_dma source(%dma_start3A_63 : memref<69120xf32, #tpu.memory_space<hbm>>) target(%arg7 : memref<69120xf32, #tpu.memory_space<vmem>>) target_semaphore(%run_scoped3A_58 : memref<!tpu.dma_semaphore, #tpu.memory_space<semaphore_mem>>)
      %dma_wait3A = arith.constant 0 : i32
      %dma_wait3A_64 = tpu.memref_slice %arg2[%run_scoped3A_13, %dma_wait3A] : memref<4x69120xf32, #tpu.memory_space<hbm>> -> memref<1x69120xf32, #tpu.memory_space<hbm>>
      %dma_wait3A_65 = tpu.memref_squeeze %dma_wait3A_64 : memref<1x69120xf32, #tpu.memory_space<hbm>> -> memref<69120xf32, #tpu.memory_space<hbm>>
      %dma_wait3A_66 = arith.constant 0 : i32
      %dma_wait3A_67 = tpu.memref_slice %arg2[%run_scoped3A_13, %dma_wait3A_66] : memref<4x69120xf32, #tpu.memory_space<hbm>> -> memref<1x69120xf32, #tpu.memory_space<hbm>>
      %dma_wait3A_68 = tpu.memref_squeeze %dma_wait3A_67 : memref<1x69120xf32, #tpu.memory_space<hbm>> -> memref<69120xf32, #tpu.memory_space<hbm>>
      tpu.wait_dma2 semaphore(%run_scoped3A_58 : memref<!tpu.dma_semaphore, #tpu.memory_space<semaphore_mem>>) src(%dma_wait3A_68 : memref<69120xf32, #tpu.memory_space<hbm>>) dst(%arg7 : memref<69120xf32, #tpu.memory_space<vmem>>)
      tpu.yield
    }) : () -> ()
    %scan3A_14 = arith.constant 0 : i32
    %scan3A_15 = arith.constant 0 : i32
    %scan3A_16 = arith.constant 32 : i32
    %scan3A_17 = arith.addi %scan3A_15, %scan3A_16 : i32
    %scan3A_18 = arith.constant 1 : i32
    %scan3A_19 = scf.for %scan3A_58 = %scan3A_15 to %scan3A_17 step %scan3A_18 iter_args(%scan3A_59 = %scan3A_14) -> (i32)  : i32 {
      %mul3A_60 = arith.constant 2 : i32
      %mul3A_61 = arith.muli %scan3A_58, %mul3A_60 : i32
      %convert_element_type3A_62 = arith.extui %eq3A_0 : i1 to i32
      %cond3A_63 = arith.constant 0 : i32
      %cond3A_64 = arith.cmpi ne, %convert_element_type3A_62, %cond3A_63 : i32
      scf.if %cond3A_64 {
        %dma_wait3A = arith.constant 0 : i32
        %dma_wait3A_164 = arith.constant 0 : i32
        %dma_wait3A_165 = tpu.memref_slice %arg18[%dma_wait3A, %dma_wait3A_164] : memref<2x2x!tpu.dma_semaphore, #tpu.memory_space<semaphore_mem>> -> memref<1x1x!tpu.dma_semaphore, #tpu.memory_space<semaphore_mem>>
        %dma_wait3A_166 = tpu.memref_squeeze %dma_wait3A_165 : memref<1x1x!tpu.dma_semaphore, #tpu.memory_space<semaphore_mem>> -> memref<!tpu.dma_semaphore, #tpu.memory_space<semaphore_mem>>
        %dma_wait3A_167 = arith.constant 0 : i32
        %dma_wait3A_168 = tpu.memref_slice %arg3[%dma_wait3A_167] : memref<11796480xi32, #tpu.memory_space<hbm>> -> memref<92160xi32, #tpu.memory_space<hbm>>
        tpu.wait_dma2 semaphore(%dma_wait3A_166 : memref<!tpu.dma_semaphore, #tpu.memory_space<semaphore_mem>>) src(%dma_wait3A_168 : memref<92160xi32, #tpu.memory_space<hbm>>) dst(%arg12 : memref<92160xi32, #tpu.memory_space<vmem_shared>>)
        %dma_wait3A_169 = arith.constant 0 : i32
        %dma_wait3A_170 = arith.constant 1 : i32
        %dma_wait3A_171 = tpu.memref_slice %arg18[%dma_wait3A_169, %dma_wait3A_170] : memref<2x2x!tpu.dma_semaphore, #tpu.memory_space<semaphore_mem>> -> memref<1x1x!tpu.dma_semaphore, #tpu.memory_space<semaphore_mem>>
        %dma_wait3A_172 = tpu.memref_squeeze %dma_wait3A_171 : memref<1x1x!tpu.dma_semaphore, #tpu.memory_space<semaphore_mem>> -> memref<!tpu.dma_semaphore, #tpu.memory_space<semaphore_mem>>
        %dma_wait3A_173 = arith.constant 0 : i32
        %dma_wait3A_174 = tpu.memref_slice %arg4[%dma_wait3A_173] : memref<11796480xf32, #tpu.memory_space<hbm>> -> memref<92160xf32, #tpu.memory_space<hbm>>
        tpu.wait_dma2 semaphore(%dma_wait3A_172 : memref<!tpu.dma_semaphore, #tpu.memory_space<semaphore_mem>>) src(%dma_wait3A_174 : memref<92160xf32, #tpu.memory_space<hbm>>) dst(%arg14 : memref<92160xf32, #tpu.memory_space<vmem_shared>>)
      } else {
      }
      %barrier3A_65 = arith.constant 0 : index
      tpu.barrier barrier_id(%barrier3A_65)
      %mul3A_66 = arith.constant 5760 : i32
      %mul3A_67 = arith.muli %arg1, %mul3A_66 : i32
      "tpu.region"() ({
        %run_scoped3A_164 = tpu.sem_alloc : memref<!tpu.dma_semaphore, #tpu.memory_space<semaphore_mem>>
        %dma_start3A = tpu.memref_slice %arg12[%mul3A_67] : memref<92160xi32, #tpu.memory_space<vmem_shared>> -> memref<5760xi32, #tpu.memory_space<vmem_shared>>
        %dma_start3A_165 = tpu.memref_slice %arg12[%mul3A_67] : memref<92160xi32, #tpu.memory_space<vmem_shared>> -> memref<5760xi32, #tpu.memory_space<vmem_shared>>
        tpu.enqueue_dma source(%dma_start3A_165 : memref<5760xi32, #tpu.memory_space<vmem_shared>>) target(%arg8 : memref<5760xi32, #tpu.memory_space<vmem>>) target_semaphore(%run_scoped3A_164 : memref<!tpu.dma_semaphore, #tpu.memory_space<semaphore_mem>>)
        %dma_wait3A = tpu.memref_slice %arg12[%mul3A_67] : memref<92160xi32, #tpu.memory_space<vmem_shared>> -> memref<5760xi32, #tpu.memory_space<vmem_shared>>
        %dma_wait3A_166 = tpu.memref_slice %arg12[%mul3A_67] : memref<92160xi32, #tpu.memory_space<vmem_shared>> -> memref<5760xi32, #tpu.memory_space<vmem_shared>>
        tpu.wait_dma2 semaphore(%run_scoped3A_164 : memref<!tpu.dma_semaphore, #tpu.memory_space<semaphore_mem>>) src(%dma_wait3A_166 : memref<5760xi32, #tpu.memory_space<vmem_shared>>) dst(%arg8 : memref<5760xi32, #tpu.memory_space<vmem>>)
        tpu.yield
      }) : () -> ()
      %mul3A_68 = arith.constant 5760 : i32
      %mul3A_69 = arith.muli %arg1, %mul3A_68 : i32
      "tpu.region"() ({
        %run_scoped3A_164 = tpu.sem_alloc : memref<!tpu.dma_semaphore, #tpu.memory_space<semaphore_mem>>
        %dma_start3A = tpu.memref_slice %arg14[%mul3A_69] : memref<92160xf32, #tpu.memory_space<vmem_shared>> -> memref<5760xf32, #tpu.memory_space<vmem_shared>>
        %dma_start3A_165 = tpu.memref_slice %arg14[%mul3A_69] : memref<92160xf32, #tpu.memory_space<vmem_shared>> -> memref<5760xf32, #tpu.memory_space<vmem_shared>>
        tpu.enqueue_dma source(%dma_start3A_165 : memref<5760xf32, #tpu.memory_space<vmem_shared>>) target(%arg9 : memref<5760xf32, #tpu.memory_space<vmem>>) target_semaphore(%run_scoped3A_164 : memref<!tpu.dma_semaphore, #tpu.memory_space<semaphore_mem>>)
        %dma_wait3A = tpu.memref_slice %arg14[%mul3A_69] : memref<92160xf32, #tpu.memory_space<vmem_shared>> -> memref<5760xf32, #tpu.memory_space<vmem_shared>>
        %dma_wait3A_166 = tpu.memref_slice %arg14[%mul3A_69] : memref<92160xf32, #tpu.memory_space<vmem_shared>> -> memref<5760xf32, #tpu.memory_space<vmem_shared>>
        tpu.wait_dma2 semaphore(%run_scoped3A_164 : memref<!tpu.dma_semaphore, #tpu.memory_space<semaphore_mem>>) src(%dma_wait3A_166 : memref<5760xf32, #tpu.memory_space<vmem_shared>>) dst(%arg9 : memref<5760xf32, #tpu.memory_space<vmem>>)
        tpu.yield
      }) : () -> ()
      %barrier3A_70 = arith.constant 0 : index
      tpu.barrier barrier_id(%barrier3A_70)
      %convert_element_type3A_71 = arith.extui %eq3A_0 : i1 to i32
      %cond3A_72 = arith.constant 0 : i32
      %cond3A_73 = arith.cmpi ne, %convert_element_type3A_71, %cond3A_72 : i32
      scf.if %cond3A_73 {
        %add3A_164 = arith.constant 2 : i32
        %add3A_165 = arith.addi %mul3A_61, %add3A_164 : i32
        %and3A = arith.constant 63 : i32
        %and3A_166 = arith.andi %add3A_165, %and3A : i32
        %mul3A_167 = arith.constant 92160 : i32
        %mul3A_168 = arith.muli %and3A_166, %mul3A_167 : i32
        %add3A_169 = arith.addi %mul3A_2, %mul3A_168 : i32
        %dma_start3A = arith.constant 0 : i32
        %dma_start3A_170 = arith.constant 0 : i32
        %dma_start3A_171 = tpu.memref_slice %arg18[%dma_start3A, %dma_start3A_170] : memref<2x2x!tpu.dma_semaphore, #tpu.memory_space<semaphore_mem>> -> memref<1x1x!tpu.dma_semaphore, #tpu.memory_space<semaphore_mem>>
        %dma_start3A_172 = tpu.memref_squeeze %dma_start3A_171 : memref<1x1x!tpu.dma_semaphore, #tpu.memory_space<semaphore_mem>> -> memref<!tpu.dma_semaphore, #tpu.memory_space<semaphore_mem>>
        %dma_start3A_173 = tpu.memref_slice %arg3[%add3A_169] : memref<11796480xi32, #tpu.memory_space<hbm>> -> memref<92160xi32, #tpu.memory_space<hbm>>
        tpu.enqueue_dma source(%dma_start3A_173 : memref<92160xi32, #tpu.memory_space<hbm>>) target(%arg12 : memref<92160xi32, #tpu.memory_space<vmem_shared>>) target_semaphore(%dma_start3A_172 : memref<!tpu.dma_semaphore, #tpu.memory_space<semaphore_mem>>)
        %dma_start3A_174 = arith.constant 0 : i32
        %dma_start3A_175 = arith.constant 1 : i32
        %dma_start3A_176 = tpu.memref_slice %arg18[%dma_start3A_174, %dma_start3A_175] : memref<2x2x!tpu.dma_semaphore, #tpu.memory_space<semaphore_mem>> -> memref<1x1x!tpu.dma_semaphore, #tpu.memory_space<semaphore_mem>>
        %dma_start3A_177 = tpu.memref_squeeze %dma_start3A_176 : memref<1x1x!tpu.dma_semaphore, #tpu.memory_space<semaphore_mem>> -> memref<!tpu.dma_semaphore, #tpu.memory_space<semaphore_mem>>
        %dma_start3A_178 = tpu.memref_slice %arg4[%add3A_169] : memref<11796480xf32, #tpu.memory_space<hbm>> -> memref<92160xf32, #tpu.memory_space<hbm>>
        tpu.enqueue_dma source(%dma_start3A_178 : memref<92160xf32, #tpu.memory_space<hbm>>) target(%arg14 : memref<92160xf32, #tpu.memory_space<vmem_shared>>) target_semaphore(%dma_start3A_177 : memref<!tpu.dma_semaphore, #tpu.memory_space<semaphore_mem>>)
      } else {
      }
      %mul3A_74 = arith.constant 180 : i32
      %mul3A_75 = vector.broadcast %mul3A_74 : i32 to vector<16xi32>
      %mul3A_76 = arith.muli %iota3A, %mul3A_75 : vector<16xi32>
      %add3A = arith.constant 0 : i32
      %add3A_77 = vector.broadcast %add3A : i32 to vector<16xi32>
      %add3A_78 = arith.addi %mul3A_76, %add3A_77 : vector<16xi32>
      %broadcast_in_dim3A = arith.constant 0.000000e+00 : f32
      %broadcast_in_dim3A_79 = vector.broadcast %broadcast_in_dim3A : f32 to vector<16xf32>
      %scan3A_80 = arith.constant 0 : i32
      %scan3A_81 = arith.constant 30 : i32
      %scan3A_82 = arith.addi %scan3A_80, %scan3A_81 : i32
      %scan3A_83 = arith.constant 1 : i32
      %scan3A_84:2 = scf.for %scan3A_164 = %scan3A_80 to %scan3A_82 step %scan3A_83 iter_args(%scan3A_165 = %broadcast_in_dim3A_79, %scan3A_166 = %add3A_78) -> (vector<16xf32>, vector<16xi32>)  : i32 {
        %add3A_167 = arith.constant 0 : i32
        %add3A_168 = vector.broadcast %add3A_167 : i32 to vector<16xi32>
        %add3A_169 = arith.addi %scan3A_166, %add3A_168 : vector<16xi32>
        %gather3A = tpu.vector_load_idx %arg8[%add3A_169] : memref<5760xi32, #tpu.memory_space<vmem>>[vector<16xi32>], vector<16xi32>,
        %gather3A_170 = tpu.vector_load_idx %arg9[%add3A_169] : memref<5760xf32, #tpu.memory_space<vmem>>[vector<16xi32>], vector<16xf32>,
        %gather3A_171 = tpu.vector_load_idx %arg7[%gather3A] : memref<69120xf32, #tpu.memory_space<vmem>>[vector<16xi32>], vector<16xf32>,
        %mul3A_172 = arith.mulf %gather3A_171, %gather3A_170 : vector<16xf32>
        %add3A_173 = arith.addf %scan3A_165, %mul3A_172 : vector<16xf32>
        %add3A_174 = arith.constant 1 : i32
        %add3A_175 = vector.broadcast %add3A_174 : i32 to vector<16xi32>
        %add3A_176 = arith.addi %scan3A_166, %add3A_175 : vector<16xi32>
        %gather3A_177 = tpu.vector_load_idx %arg8[%add3A_176] : memref<5760xi32, #tpu.memory_space<vmem>>[vector<16xi32>], vector<16xi32>,
        %gather3A_178 = tpu.vector_load_idx %arg9[%add3A_176] : memref<5760xf32, #tpu.memory_space<vmem>>[vector<16xi32>], vector<16xf32>,
        %gather3A_179 = tpu.vector_load_idx %arg7[%gather3A_177] : memref<69120xf32, #tpu.memory_space<vmem>>[vector<16xi32>], vector<16xf32>,
        %mul3A_180 = arith.mulf %gather3A_179, %gather3A_178 : vector<16xf32>
        %add3A_181 = arith.addf %add3A_173, %mul3A_180 : vector<16xf32>
        %add3A_182 = arith.constant 2 : i32
        %add3A_183 = vector.broadcast %add3A_182 : i32 to vector<16xi32>
        %add3A_184 = arith.addi %scan3A_166, %add3A_183 : vector<16xi32>
        %gather3A_185 = tpu.vector_load_idx %arg8[%add3A_184] : memref<5760xi32, #tpu.memory_space<vmem>>[vector<16xi32>], vector<16xi32>,
        %gather3A_186 = tpu.vector_load_idx %arg9[%add3A_184] : memref<5760xf32, #tpu.memory_space<vmem>>[vector<16xi32>], vector<16xf32>,
        %gather3A_187 = tpu.vector_load_idx %arg7[%gather3A_185] : memref<69120xf32, #tpu.memory_space<vmem>>[vector<16xi32>], vector<16xf32>,
        %mul3A_188 = arith.mulf %gather3A_187, %gather3A_186 : vector<16xf32>
        %add3A_189 = arith.addf %add3A_181, %mul3A_188 : vector<16xf32>
        %add3A_190 = arith.constant 3 : i32
        %add3A_191 = vector.broadcast %add3A_190 : i32 to vector<16xi32>
        %add3A_192 = arith.addi %scan3A_166, %add3A_191 : vector<16xi32>
        %gather3A_193 = tpu.vector_load_idx %arg8[%add3A_192] : memref<5760xi32, #tpu.memory_space<vmem>>[vector<16xi32>], vector<16xi32>,
        %gather3A_194 = tpu.vector_load_idx %arg9[%add3A_192] : memref<5760xf32, #tpu.memory_space<vmem>>[vector<16xi32>], vector<16xf32>,
        %gather3A_195 = tpu.vector_load_idx %arg7[%gather3A_193] : memref<69120xf32, #tpu.memory_space<vmem>>[vector<16xi32>], vector<16xf32>,
        %mul3A_196 = arith.mulf %gather3A_195, %gather3A_194 : vector<16xf32>
        %add3A_197 = arith.addf %add3A_189, %mul3A_196 : vector<16xf32>
        %add3A_198 = arith.constant 4 : i32
        %add3A_199 = vector.broadcast %add3A_198 : i32 to vector<16xi32>
        %add3A_200 = arith.addi %scan3A_166, %add3A_199 : vector<16xi32>
        %gather3A_201 = tpu.vector_load_idx %arg8[%add3A_200] : memref<5760xi32, #tpu.memory_space<vmem>>[vector<16xi32>], vector<16xi32>,
        %gather3A_202 = tpu.vector_load_idx %arg9[%add3A_200] : memref<5760xf32, #tpu.memory_space<vmem>>[vector<16xi32>], vector<16xf32>,
        %gather3A_203 = tpu.vector_load_idx %arg7[%gather3A_201] : memref<69120xf32, #tpu.memory_space<vmem>>[vector<16xi32>], vector<16xf32>,
        %mul3A_204 = arith.mulf %gather3A_203, %gather3A_202 : vector<16xf32>
        %add3A_205 = arith.addf %add3A_197, %mul3A_204 : vector<16xf32>
        %add3A_206 = arith.constant 5 : i32
        %add3A_207 = vector.broadcast %add3A_206 : i32 to vector<16xi32>
        %add3A_208 = arith.addi %scan3A_166, %add3A_207 : vector<16xi32>
        %gather3A_209 = tpu.vector_load_idx %arg8[%add3A_208] : memref<5760xi32, #tpu.memory_space<vmem>>[vector<16xi32>], vector<16xi32>,
        %gather3A_210 = tpu.vector_load_idx %arg9[%add3A_208] : memref<5760xf32, #tpu.memory_space<vmem>>[vector<16xi32>], vector<16xf32>,
        %gather3A_211 = tpu.vector_load_idx %arg7[%gather3A_209] : memref<69120xf32, #tpu.memory_space<vmem>>[vector<16xi32>], vector<16xf32>,
        %mul3A_212 = arith.mulf %gather3A_211, %gather3A_210 : vector<16xf32>
        %add3A_213 = arith.addf %add3A_205, %mul3A_212 : vector<16xf32>
        %add3A_214 = arith.constant 6 : i32
        %add3A_215 = vector.broadcast %add3A_214 : i32 to vector<16xi32>
        %add3A_216 = arith.addi %scan3A_166, %add3A_215 : vector<16xi32>
        scf.yield %add3A_213, %add3A_216 : vector<16xf32>, vector<16xi32>
      }
      %scan3A_85 = arith.constant 30 : i32
      %add3A_86 = arith.addf %scan3A_84#0, %get3A_1 : vector<16xf32>
      %swap3A = arith.constant 0 : index
      %swap3A_87 = tpu.vector_load %arg10[%swap3A] {strides = array<i32>} : memref<32xf32, #tpu.memory_space<vmem>>, vector<16xf32>,
      tpu.vector_store %arg10[%swap3A], %add3A_86 {strides = array<i32>} : memref<32xf32, #tpu.memory_space<vmem>>, vector<16xf32>,
      %mul3A_88 = arith.constant 180 : i32
      %mul3A_89 = vector.broadcast %mul3A_88 : i32 to vector<16xi32>
      %mul3A_90 = arith.muli %iota3A, %mul3A_89 : vector<16xi32>
      %add3A_91 = arith.constant 2880 : i32
      %add3A_92 = vector.broadcast %add3A_91 : i32 to vector<16xi32>
      %add3A_93 = arith.addi %mul3A_90, %add3A_92 : vector<16xi32>
      %broadcast_in_dim3A_94 = arith.constant 0.000000e+00 : f32
      %broadcast_in_dim3A_95 = vector.broadcast %broadcast_in_dim3A_94 : f32 to vector<16xf32>
      %scan3A_96 = arith.constant 0 : i32
      %scan3A_97 = arith.constant 30 : i32
      %scan3A_98 = arith.addi %scan3A_96, %scan3A_97 : i32
      %scan3A_99 = arith.constant 1 : i32
      %scan3A_100:2 = scf.for %scan3A_164 = %scan3A_96 to %scan3A_98 step %scan3A_99 iter_args(%scan3A_165 = %broadcast_in_dim3A_95, %scan3A_166 = %add3A_93) -> (vector<16xf32>, vector<16xi32>)  : i32 {
        %add3A_167 = arith.constant 0 : i32
        %add3A_168 = vector.broadcast %add3A_167 : i32 to vector<16xi32>
        %add3A_169 = arith.addi %scan3A_166, %add3A_168 : vector<16xi32>
        %gather3A = tpu.vector_load_idx %arg8[%add3A_169] : memref<5760xi32, #tpu.memory_space<vmem>>[vector<16xi32>], vector<16xi32>,
        %gather3A_170 = tpu.vector_load_idx %arg9[%add3A_169] : memref<5760xf32, #tpu.memory_space<vmem>>[vector<16xi32>], vector<16xf32>,
        %gather3A_171 = tpu.vector_load_idx %arg7[%gather3A] : memref<69120xf32, #tpu.memory_space<vmem>>[vector<16xi32>], vector<16xf32>,
        %mul3A_172 = arith.mulf %gather3A_171, %gather3A_170 : vector<16xf32>
        %add3A_173 = arith.addf %scan3A_165, %mul3A_172 : vector<16xf32>
        %add3A_174 = arith.constant 1 : i32
        %add3A_175 = vector.broadcast %add3A_174 : i32 to vector<16xi32>
        %add3A_176 = arith.addi %scan3A_166, %add3A_175 : vector<16xi32>
        %gather3A_177 = tpu.vector_load_idx %arg8[%add3A_176] : memref<5760xi32, #tpu.memory_space<vmem>>[vector<16xi32>], vector<16xi32>,
        %gather3A_178 = tpu.vector_load_idx %arg9[%add3A_176] : memref<5760xf32, #tpu.memory_space<vmem>>[vector<16xi32>], vector<16xf32>,
        %gather3A_179 = tpu.vector_load_idx %arg7[%gather3A_177] : memref<69120xf32, #tpu.memory_space<vmem>>[vector<16xi32>], vector<16xf32>,
        %mul3A_180 = arith.mulf %gather3A_179, %gather3A_178 : vector<16xf32>
        %add3A_181 = arith.addf %add3A_173, %mul3A_180 : vector<16xf32>
        %add3A_182 = arith.constant 2 : i32
        %add3A_183 = vector.broadcast %add3A_182 : i32 to vector<16xi32>
        %add3A_184 = arith.addi %scan3A_166, %add3A_183 : vector<16xi32>
        %gather3A_185 = tpu.vector_load_idx %arg8[%add3A_184] : memref<5760xi32, #tpu.memory_space<vmem>>[vector<16xi32>], vector<16xi32>,
        %gather3A_186 = tpu.vector_load_idx %arg9[%add3A_184] : memref<5760xf32, #tpu.memory_space<vmem>>[vector<16xi32>], vector<16xf32>,
        %gather3A_187 = tpu.vector_load_idx %arg7[%gather3A_185] : memref<69120xf32, #tpu.memory_space<vmem>>[vector<16xi32>], vector<16xf32>,
        %mul3A_188 = arith.mulf %gather3A_187, %gather3A_186 : vector<16xf32>
        %add3A_189 = arith.addf %add3A_181, %mul3A_188 : vector<16xf32>
        %add3A_190 = arith.constant 3 : i32
        %add3A_191 = vector.broadcast %add3A_190 : i32 to vector<16xi32>
        %add3A_192 = arith.addi %scan3A_166, %add3A_191 : vector<16xi32>
        %gather3A_193 = tpu.vector_load_idx %arg8[%add3A_192] : memref<5760xi32, #tpu.memory_space<vmem>>[vector<16xi32>], vector<16xi32>,
        %gather3A_194 = tpu.vector_load_idx %arg9[%add3A_192] : memref<5760xf32, #tpu.memory_space<vmem>>[vector<16xi32>], vector<16xf32>,
        %gather3A_195 = tpu.vector_load_idx %arg7[%gather3A_193] : memref<69120xf32, #tpu.memory_space<vmem>>[vector<16xi32>], vector<16xf32>,
        %mul3A_196 = arith.mulf %gather3A_195, %gather3A_194 : vector<16xf32>
        %add3A_197 = arith.addf %add3A_189, %mul3A_196 : vector<16xf32>
        %add3A_198 = arith.constant 4 : i32
        %add3A_199 = vector.broadcast %add3A_198 : i32 to vector<16xi32>
        %add3A_200 = arith.addi %scan3A_166, %add3A_199 : vector<16xi32>
        %gather3A_201 = tpu.vector_load_idx %arg8[%add3A_200] : memref<5760xi32, #tpu.memory_space<vmem>>[vector<16xi32>], vector<16xi32>,
        %gather3A_202 = tpu.vector_load_idx %arg9[%add3A_200] : memref<5760xf32, #tpu.memory_space<vmem>>[vector<16xi32>], vector<16xf32>,
        %gather3A_203 = tpu.vector_load_idx %arg7[%gather3A_201] : memref<69120xf32, #tpu.memory_space<vmem>>[vector<16xi32>], vector<16xf32>,
        %mul3A_204 = arith.mulf %gather3A_203, %gather3A_202 : vector<16xf32>
        %add3A_205 = arith.addf %add3A_197, %mul3A_204 : vector<16xf32>
        %add3A_206 = arith.constant 5 : i32
        %add3A_207 = vector.broadcast %add3A_206 : i32 to vector<16xi32>
        %add3A_208 = arith.addi %scan3A_166, %add3A_207 : vector<16xi32>
        %gather3A_209 = tpu.vector_load_idx %arg8[%add3A_208] : memref<5760xi32, #tpu.memory_space<vmem>>[vector<16xi32>], vector<16xi32>,
        %gather3A_210 = tpu.vector_load_idx %arg9[%add3A_208] : memref<5760xf32, #tpu.memory_space<vmem>>[vector<16xi32>], vector<16xf32>,
        %gather3A_211 = tpu.vector_load_idx %arg7[%gather3A_209] : memref<69120xf32, #tpu.memory_space<vmem>>[vector<16xi32>], vector<16xf32>,
        %mul3A_212 = arith.mulf %gather3A_211, %gather3A_210 : vector<16xf32>
        %add3A_213 = arith.addf %add3A_205, %mul3A_212 : vector<16xf32>
        %add3A_214 = arith.constant 6 : i32
        %add3A_215 = vector.broadcast %add3A_214 : i32 to vector<16xi32>
        %add3A_216 = arith.addi %scan3A_166, %add3A_215 : vector<16xi32>
        scf.yield %add3A_213, %add3A_216 : vector<16xf32>, vector<16xi32>
      }
      %scan3A_101 = arith.constant 30 : i32
      %add3A_102 = arith.addf %scan3A_100#0, %get3A_1 : vector<16xf32>
      %swap3A_103 = arith.constant 16 : index
      %swap3A_104 = tpu.vector_load %arg10[%swap3A_103] {strides = array<i32>} : memref<32xf32, #tpu.memory_space<vmem>>, vector<16xf32>,
      tpu.vector_store %arg10[%swap3A_103], %add3A_102 {strides = array<i32>} : memref<32xf32, #tpu.memory_space<vmem>>, vector<16xf32>,
      %mul3A_105 = arith.constant 512 : i32
      %mul3A_106 = arith.muli %mul3A_61, %mul3A_105 : i32
      %mul3A_107 = arith.constant 32 : i32
      %mul3A_108 = arith.muli %arg1, %mul3A_107 : i32
      %add3A_109 = arith.addi %mul3A_106, %mul3A_108 : i32
      "tpu.region"() ({
        %run_scoped3A_164 = tpu.sem_alloc : memref<!tpu.dma_semaphore, #tpu.memory_space<semaphore_mem>>
        %dma_start3A = tpu.memref_slice %arg17[%add3A_109] : memref<32768xf32, #tpu.memory_space<vmem_shared>> -> memref<32xf32, #tpu.memory_space<vmem_shared>>
        %dma_start3A_165 = tpu.memref_slice %arg17[%add3A_109] : memref<32768xf32, #tpu.memory_space<vmem_shared>> -> memref<32xf32, #tpu.memory_space<vmem_shared>>
        tpu.enqueue_dma source(%arg10 : memref<32xf32, #tpu.memory_space<vmem>>) target(%dma_start3A_165 : memref<32xf32, #tpu.memory_space<vmem_shared>>) target_semaphore(%run_scoped3A_164 : memref<!tpu.dma_semaphore, #tpu.memory_space<semaphore_mem>>)
        %dma_wait3A = tpu.memref_slice %arg17[%add3A_109] : memref<32768xf32, #tpu.memory_space<vmem_shared>> -> memref<32xf32, #tpu.memory_space<vmem_shared>>
        %dma_wait3A_166 = tpu.memref_slice %arg17[%add3A_109] : memref<32768xf32, #tpu.memory_space<vmem_shared>> -> memref<32xf32, #tpu.memory_space<vmem_shared>>
        tpu.wait_dma2 semaphore(%run_scoped3A_164 : memref<!tpu.dma_semaphore, #tpu.memory_space<semaphore_mem>>) src(%arg10 : memref<32xf32, #tpu.memory_space<vmem>>) dst(%dma_wait3A_166 : memref<32xf32, #tpu.memory_space<vmem_shared>>)
        tpu.yield
      }) : () -> ()
      %add3A_110 = arith.constant 1 : i32
      %add3A_111 = arith.addi %mul3A_61, %add3A_110 : i32
      %convert_element_type3A_112 = arith.extui %eq3A_0 : i1 to i32
      %cond3A_113 = arith.constant 0 : i32
      %cond3A_114 = arith.cmpi ne, %convert_element_type3A_112, %cond3A_113 : i32
      scf.if %cond3A_114 {
        %dma_wait3A = arith.constant 1 : i32
        %dma_wait3A_164 = arith.constant 0 : i32
        %dma_wait3A_165 = tpu.memref_slice %arg18[%dma_wait3A, %dma_wait3A_164] : memref<2x2x!tpu.dma_semaphore, #tpu.memory_space<semaphore_mem>> -> memref<1x1x!tpu.dma_semaphore, #tpu.memory_space<semaphore_mem>>
        %dma_wait3A_166 = tpu.memref_squeeze %dma_wait3A_165 : memref<1x1x!tpu.dma_semaphore, #tpu.memory_space<semaphore_mem>> -> memref<!tpu.dma_semaphore, #tpu.memory_space<semaphore_mem>>
        %dma_wait3A_167 = arith.constant 0 : i32
        %dma_wait3A_168 = tpu.memref_slice %arg3[%dma_wait3A_167] : memref<11796480xi32, #tpu.memory_space<hbm>> -> memref<92160xi32, #tpu.memory_space<hbm>>
        tpu.wait_dma2 semaphore(%dma_wait3A_166 : memref<!tpu.dma_semaphore, #tpu.memory_space<semaphore_mem>>) src(%dma_wait3A_168 : memref<92160xi32, #tpu.memory_space<hbm>>) dst(%arg13 : memref<92160xi32, #tpu.memory_space<vmem_shared>>)
        %dma_wait3A_169 = arith.constant 1 : i32
        %dma_wait3A_170 = arith.constant 1 : i32
        %dma_wait3A_171 = tpu.memref_slice %arg18[%dma_wait3A_169, %dma_wait3A_170] : memref<2x2x!tpu.dma_semaphore, #tpu.memory_space<semaphore_mem>> -> memref<1x1x!tpu.dma_semaphore, #tpu.memory_space<semaphore_mem>>
        %dma_wait3A_172 = tpu.memref_squeeze %dma_wait3A_171 : memref<1x1x!tpu.dma_semaphore, #tpu.memory_space<semaphore_mem>> -> memref<!tpu.dma_semaphore, #tpu.memory_space<semaphore_mem>>
        %dma_wait3A_173 = arith.constant 0 : i32
        %dma_wait3A_174 = tpu.memref_slice %arg4[%dma_wait3A_173] : memref<11796480xf32, #tpu.memory_space<hbm>> -> memref<92160xf32, #tpu.memory_space<hbm>>
        tpu.wait_dma2 semaphore(%dma_wait3A_172 : memref<!tpu.dma_semaphore, #tpu.memory_space<semaphore_mem>>) src(%dma_wait3A_174 : memref<92160xf32, #tpu.memory_space<hbm>>) dst(%arg15 : memref<92160xf32, #tpu.memory_space<vmem_shared>>)
      } else {
      }
      %barrier3A_115 = arith.constant 0 : index
      tpu.barrier barrier_id(%barrier3A_115)
      %mul3A_116 = arith.constant 5760 : i32
      %mul3A_117 = arith.muli %arg1, %mul3A_116 : i32
      "tpu.region"() ({
        %run_scoped3A_164 = tpu.sem_alloc : memref<!tpu.dma_semaphore, #tpu.memory_space<semaphore_mem>>
        %dma_start3A = tpu.memref_slice %arg13[%mul3A_117] : memref<92160xi32, #tpu.memory_space<vmem_shared>> -> memref<5760xi32, #tpu.memory_space<vmem_shared>>
        %dma_start3A_165 = tpu.memref_slice %arg13[%mul3A_117] : memref<92160xi32, #tpu.memory_space<vmem_shared>> -> memref<5760xi32, #tpu.memory_space<vmem_shared>>
        tpu.enqueue_dma source(%dma_start3A_165 : memref<5760xi32, #tpu.memory_space<vmem_shared>>) target(%arg8 : memref<5760xi32, #tpu.memory_space<vmem>>) target_semaphore(%run_scoped3A_164 : memref<!tpu.dma_semaphore, #tpu.memory_space<semaphore_mem>>)
        %dma_wait3A = tpu.memref_slice %arg13[%mul3A_117] : memref<92160xi32, #tpu.memory_space<vmem_shared>> -> memref<5760xi32, #tpu.memory_space<vmem_shared>>
        %dma_wait3A_166 = tpu.memref_slice %arg13[%mul3A_117] : memref<92160xi32, #tpu.memory_space<vmem_shared>> -> memref<5760xi32, #tpu.memory_space<vmem_shared>>
        tpu.wait_dma2 semaphore(%run_scoped3A_164 : memref<!tpu.dma_semaphore, #tpu.memory_space<semaphore_mem>>) src(%dma_wait3A_166 : memref<5760xi32, #tpu.memory_space<vmem_shared>>) dst(%arg8 : memref<5760xi32, #tpu.memory_space<vmem>>)
        tpu.yield
      }) : () -> ()
      %mul3A_118 = arith.constant 5760 : i32
      %mul3A_119 = arith.muli %arg1, %mul3A_118 : i32
      "tpu.region"() ({
        %run_scoped3A_164 = tpu.sem_alloc : memref<!tpu.dma_semaphore, #tpu.memory_space<semaphore_mem>>
        %dma_start3A = tpu.memref_slice %arg15[%mul3A_119] : memref<92160xf32, #tpu.memory_space<vmem_shared>> -> memref<5760xf32, #tpu.memory_space<vmem_shared>>
        %dma_start3A_165 = tpu.memref_slice %arg15[%mul3A_119] : memref<92160xf32, #tpu.memory_space<vmem_shared>> -> memref<5760xf32, #tpu.memory_space<vmem_shared>>
        tpu.enqueue_dma source(%dma_start3A_165 : memref<5760xf32, #tpu.memory_space<vmem_shared>>) target(%arg9 : memref<5760xf32, #tpu.memory_space<vmem>>) target_semaphore(%run_scoped3A_164 : memref<!tpu.dma_semaphore, #tpu.memory_space<semaphore_mem>>)
        %dma_wait3A = tpu.memref_slice %arg15[%mul3A_119] : memref<92160xf32, #tpu.memory_space<vmem_shared>> -> memref<5760xf32, #tpu.memory_space<vmem_shared>>
        %dma_wait3A_166 = tpu.memref_slice %arg15[%mul3A_119] : memref<92160xf32, #tpu.memory_space<vmem_shared>> -> memref<5760xf32, #tpu.memory_space<vmem_shared>>
        tpu.wait_dma2 semaphore(%run_scoped3A_164 : memref<!tpu.dma_semaphore, #tpu.memory_space<semaphore_mem>>) src(%dma_wait3A_166 : memref<5760xf32, #tpu.memory_space<vmem_shared>>) dst(%arg9 : memref<5760xf32, #tpu.memory_space<vmem>>)
        tpu.yield
      }) : () -> ()
      %barrier3A_120 = arith.constant 0 : index
      tpu.barrier barrier_id(%barrier3A_120)
      %convert_element_type3A_121 = arith.extui %eq3A_0 : i1 to i32
      %cond3A_122 = arith.constant 0 : i32
      %cond3A_123 = arith.cmpi ne, %convert_element_type3A_121, %cond3A_122 : i32
      scf.if %cond3A_123 {
        %add3A_164 = arith.constant 2 : i32
        %add3A_165 = arith.addi %add3A_111, %add3A_164 : i32
        %and3A = arith.constant 63 : i32
        %and3A_166 = arith.andi %add3A_165, %and3A : i32
        %mul3A_167 = arith.constant 92160 : i32
        %mul3A_168 = arith.muli %and3A_166, %mul3A_167 : i32
        %add3A_169 = arith.addi %mul3A_2, %mul3A_168 : i32
        %dma_start3A = arith.constant 1 : i32
        %dma_start3A_170 = arith.constant 0 : i32
        %dma_start3A_171 = tpu.memref_slice %arg18[%dma_start3A, %dma_start3A_170] : memref<2x2x!tpu.dma_semaphore, #tpu.memory_space<semaphore_mem>> -> memref<1x1x!tpu.dma_semaphore, #tpu.memory_space<semaphore_mem>>
        %dma_start3A_172 = tpu.memref_squeeze %dma_start3A_171 : memref<1x1x!tpu.dma_semaphore, #tpu.memory_space<semaphore_mem>> -> memref<!tpu.dma_semaphore, #tpu.memory_space<semaphore_mem>>
        %dma_start3A_173 = tpu.memref_slice %arg3[%add3A_169] : memref<11796480xi32, #tpu.memory_space<hbm>> -> memref<92160xi32, #tpu.memory_space<hbm>>
        tpu.enqueue_dma source(%dma_start3A_173 : memref<92160xi32, #tpu.memory_space<hbm>>) target(%arg13 : memref<92160xi32, #tpu.memory_space<vmem_shared>>) target_semaphore(%dma_start3A_172 : memref<!tpu.dma_semaphore, #tpu.memory_space<semaphore_mem>>)
        %dma_start3A_174 = arith.constant 1 : i32
        %dma_start3A_175 = arith.constant 1 : i32
        %dma_start3A_176 = tpu.memref_slice %arg18[%dma_start3A_174, %dma_start3A_175] : memref<2x2x!tpu.dma_semaphore, #tpu.memory_space<semaphore_mem>> -> memref<1x1x!tpu.dma_semaphore, #tpu.memory_space<semaphore_mem>>
        %dma_start3A_177 = tpu.memref_squeeze %dma_start3A_176 : memref<1x1x!tpu.dma_semaphore, #tpu.memory_space<semaphore_mem>> -> memref<!tpu.dma_semaphore, #tpu.memory_space<semaphore_mem>>
        %dma_start3A_178 = tpu.memref_slice %arg4[%add3A_169] : memref<11796480xf32, #tpu.memory_space<hbm>> -> memref<92160xf32, #tpu.memory_space<hbm>>
        tpu.enqueue_dma source(%dma_start3A_178 : memref<92160xf32, #tpu.memory_space<hbm>>) target(%arg15 : memref<92160xf32, #tpu.memory_space<vmem_shared>>) target_semaphore(%dma_start3A_177 : memref<!tpu.dma_semaphore, #tpu.memory_space<semaphore_mem>>)
      } else {
      }
      %mul3A_124 = arith.constant 180 : i32
      %mul3A_125 = vector.broadcast %mul3A_124 : i32 to vector<16xi32>
      %mul3A_126 = arith.muli %iota3A, %mul3A_125 : vector<16xi32>
      %add3A_127 = arith.constant 0 : i32
      %add3A_128 = vector.broadcast %add3A_127 : i32 to vector<16xi32>
      %add3A_129 = arith.addi %mul3A_126, %add3A_128 : vector<16xi32>
      %broadcast_in_dim3A_130 = arith.constant 0.000000e+00 : f32
      %broadcast_in_dim3A_131 = vector.broadcast %broadcast_in_dim3A_130 : f32 to vector<16xf32>
      %scan3A_132 = arith.constant 0 : i32
      %scan3A_133 = arith.constant 30 : i32
      %scan3A_134 = arith.addi %scan3A_132, %scan3A_133 : i32
      %scan3A_135 = arith.constant 1 : i32
      %scan3A_136:2 = scf.for %scan3A_164 = %scan3A_132 to %scan3A_134 step %scan3A_135 iter_args(%scan3A_165 = %broadcast_in_dim3A_131, %scan3A_166 = %add3A_129) -> (vector<16xf32>, vector<16xi32>)  : i32 {
        %add3A_167 = arith.constant 0 : i32
        %add3A_168 = vector.broadcast %add3A_167 : i32 to vector<16xi32>
        %add3A_169 = arith.addi %scan3A_166, %add3A_168 : vector<16xi32>
        %gather3A = tpu.vector_load_idx %arg8[%add3A_169] : memref<5760xi32, #tpu.memory_space<vmem>>[vector<16xi32>], vector<16xi32>,
        %gather3A_170 = tpu.vector_load_idx %arg9[%add3A_169] : memref<5760xf32, #tpu.memory_space<vmem>>[vector<16xi32>], vector<16xf32>,
        %gather3A_171 = tpu.vector_load_idx %arg7[%gather3A] : memref<69120xf32, #tpu.memory_space<vmem>>[vector<16xi32>], vector<16xf32>,
        %mul3A_172 = arith.mulf %gather3A_171, %gather3A_170 : vector<16xf32>
        %add3A_173 = arith.addf %scan3A_165, %mul3A_172 : vector<16xf32>
        %add3A_174 = arith.constant 1 : i32
        %add3A_175 = vector.broadcast %add3A_174 : i32 to vector<16xi32>
        %add3A_176 = arith.addi %scan3A_166, %add3A_175 : vector<16xi32>
        %gather3A_177 = tpu.vector_load_idx %arg8[%add3A_176] : memref<5760xi32, #tpu.memory_space<vmem>>[vector<16xi32>], vector<16xi32>,
        %gather3A_178 = tpu.vector_load_idx %arg9[%add3A_176] : memref<5760xf32, #tpu.memory_space<vmem>>[vector<16xi32>], vector<16xf32>,
        %gather3A_179 = tpu.vector_load_idx %arg7[%gather3A_177] : memref<69120xf32, #tpu.memory_space<vmem>>[vector<16xi32>], vector<16xf32>,
        %mul3A_180 = arith.mulf %gather3A_179, %gather3A_178 : vector<16xf32>
        %add3A_181 = arith.addf %add3A_173, %mul3A_180 : vector<16xf32>
        %add3A_182 = arith.constant 2 : i32
        %add3A_183 = vector.broadcast %add3A_182 : i32 to vector<16xi32>
        %add3A_184 = arith.addi %scan3A_166, %add3A_183 : vector<16xi32>
        %gather3A_185 = tpu.vector_load_idx %arg8[%add3A_184] : memref<5760xi32, #tpu.memory_space<vmem>>[vector<16xi32>], vector<16xi32>,
        %gather3A_186 = tpu.vector_load_idx %arg9[%add3A_184] : memref<5760xf32, #tpu.memory_space<vmem>>[vector<16xi32>], vector<16xf32>,
        %gather3A_187 = tpu.vector_load_idx %arg7[%gather3A_185] : memref<69120xf32, #tpu.memory_space<vmem>>[vector<16xi32>], vector<16xf32>,
        %mul3A_188 = arith.mulf %gather3A_187, %gather3A_186 : vector<16xf32>
        %add3A_189 = arith.addf %add3A_181, %mul3A_188 : vector<16xf32>
        %add3A_190 = arith.constant 3 : i32
        %add3A_191 = vector.broadcast %add3A_190 : i32 to vector<16xi32>
        %add3A_192 = arith.addi %scan3A_166, %add3A_191 : vector<16xi32>
        %gather3A_193 = tpu.vector_load_idx %arg8[%add3A_192] : memref<5760xi32, #tpu.memory_space<vmem>>[vector<16xi32>], vector<16xi32>,
        %gather3A_194 = tpu.vector_load_idx %arg9[%add3A_192] : memref<5760xf32, #tpu.memory_space<vmem>>[vector<16xi32>], vector<16xf32>,
        %gather3A_195 = tpu.vector_load_idx %arg7[%gather3A_193] : memref<69120xf32, #tpu.memory_space<vmem>>[vector<16xi32>], vector<16xf32>,
        %mul3A_196 = arith.mulf %gather3A_195, %gather3A_194 : vector<16xf32>
        %add3A_197 = arith.addf %add3A_189, %mul3A_196 : vector<16xf32>
        %add3A_198 = arith.constant 4 : i32
        %add3A_199 = vector.broadcast %add3A_198 : i32 to vector<16xi32>
        %add3A_200 = arith.addi %scan3A_166, %add3A_199 : vector<16xi32>
        %gather3A_201 = tpu.vector_load_idx %arg8[%add3A_200] : memref<5760xi32, #tpu.memory_space<vmem>>[vector<16xi32>], vector<16xi32>,
        %gather3A_202 = tpu.vector_load_idx %arg9[%add3A_200] : memref<5760xf32, #tpu.memory_space<vmem>>[vector<16xi32>], vector<16xf32>,
        %gather3A_203 = tpu.vector_load_idx %arg7[%gather3A_201] : memref<69120xf32, #tpu.memory_space<vmem>>[vector<16xi32>], vector<16xf32>,
        %mul3A_204 = arith.mulf %gather3A_203, %gather3A_202 : vector<16xf32>
        %add3A_205 = arith.addf %add3A_197, %mul3A_204 : vector<16xf32>
        %add3A_206 = arith.constant 5 : i32
        %add3A_207 = vector.broadcast %add3A_206 : i32 to vector<16xi32>
        %add3A_208 = arith.addi %scan3A_166, %add3A_207 : vector<16xi32>
        %gather3A_209 = tpu.vector_load_idx %arg8[%add3A_208] : memref<5760xi32, #tpu.memory_space<vmem>>[vector<16xi32>], vector<16xi32>,
        %gather3A_210 = tpu.vector_load_idx %arg9[%add3A_208] : memref<5760xf32, #tpu.memory_space<vmem>>[vector<16xi32>], vector<16xf32>,
        %gather3A_211 = tpu.vector_load_idx %arg7[%gather3A_209] : memref<69120xf32, #tpu.memory_space<vmem>>[vector<16xi32>], vector<16xf32>,
        %mul3A_212 = arith.mulf %gather3A_211, %gather3A_210 : vector<16xf32>
        %add3A_213 = arith.addf %add3A_205, %mul3A_212 : vector<16xf32>
        %add3A_214 = arith.constant 6 : i32
        %add3A_215 = vector.broadcast %add3A_214 : i32 to vector<16xi32>
        %add3A_216 = arith.addi %scan3A_166, %add3A_215 : vector<16xi32>
        scf.yield %add3A_213, %add3A_216 : vector<16xf32>, vector<16xi32>
      }
      %scan3A_137 = arith.constant 30 : i32
      %add3A_138 = arith.addf %scan3A_136#0, %get3A_1 : vector<16xf32>
      %swap3A_139 = arith.constant 0 : index
      %swap3A_140 = tpu.vector_load %arg10[%swap3A_139] {strides = array<i32>} : memref<32xf32, #tpu.memory_space<vmem>>, vector<16xf32>,
      tpu.vector_store %arg10[%swap3A_139], %add3A_138 {strides = array<i32>} : memref<32xf32, #tpu.memory_space<vmem>>, vector<16xf32>,
      %mul3A_141 = arith.constant 180 : i32
      %mul3A_142 = vector.broadcast %mul3A_141 : i32 to vector<16xi32>
      %mul3A_143 = arith.muli %iota3A, %mul3A_142 : vector<16xi32>
      %add3A_144 = arith.constant 2880 : i32
      %add3A_145 = vector.broadcast %add3A_144 : i32 to vector<16xi32>
      %add3A_146 = arith.addi %mul3A_143, %add3A_145 : vector<16xi32>
      %broadcast_in_dim3A_147 = arith.constant 0.000000e+00 : f32
      %broadcast_in_dim3A_148 = vector.broadcast %broadcast_in_dim3A_147 : f32 to vector<16xf32>
      %scan3A_149 = arith.constant 0 : i32
      %scan3A_150 = arith.constant 30 : i32
      %scan3A_151 = arith.addi %scan3A_149, %scan3A_150 : i32
      %scan3A_152 = arith.constant 1 : i32
      %scan3A_153:2 = scf.for %scan3A_164 = %scan3A_149 to %scan3A_151 step %scan3A_152 iter_args(%scan3A_165 = %broadcast_in_dim3A_148, %scan3A_166 = %add3A_146) -> (vector<16xf32>, vector<16xi32>)  : i32 {
        %add3A_167 = arith.constant 0 : i32
        %add3A_168 = vector.broadcast %add3A_167 : i32 to vector<16xi32>
        %add3A_169 = arith.addi %scan3A_166, %add3A_168 : vector<16xi32>
        %gather3A = tpu.vector_load_idx %arg8[%add3A_169] : memref<5760xi32, #tpu.memory_space<vmem>>[vector<16xi32>], vector<16xi32>,
        %gather3A_170 = tpu.vector_load_idx %arg9[%add3A_169] : memref<5760xf32, #tpu.memory_space<vmem>>[vector<16xi32>], vector<16xf32>,
        %gather3A_171 = tpu.vector_load_idx %arg7[%gather3A] : memref<69120xf32, #tpu.memory_space<vmem>>[vector<16xi32>], vector<16xf32>,
        %mul3A_172 = arith.mulf %gather3A_171, %gather3A_170 : vector<16xf32>
        %add3A_173 = arith.addf %scan3A_165, %mul3A_172 : vector<16xf32>
        %add3A_174 = arith.constant 1 : i32
        %add3A_175 = vector.broadcast %add3A_174 : i32 to vector<16xi32>
        %add3A_176 = arith.addi %scan3A_166, %add3A_175 : vector<16xi32>
        %gather3A_177 = tpu.vector_load_idx %arg8[%add3A_176] : memref<5760xi32, #tpu.memory_space<vmem>>[vector<16xi32>], vector<16xi32>,
        %gather3A_178 = tpu.vector_load_idx %arg9[%add3A_176] : memref<5760xf32, #tpu.memory_space<vmem>>[vector<16xi32>], vector<16xf32>,
        %gather3A_179 = tpu.vector_load_idx %arg7[%gather3A_177] : memref<69120xf32, #tpu.memory_space<vmem>>[vector<16xi32>], vector<16xf32>,
        %mul3A_180 = arith.mulf %gather3A_179, %gather3A_178 : vector<16xf32>
        %add3A_181 = arith.addf %add3A_173, %mul3A_180 : vector<16xf32>
        %add3A_182 = arith.constant 2 : i32
        %add3A_183 = vector.broadcast %add3A_182 : i32 to vector<16xi32>
        %add3A_184 = arith.addi %scan3A_166, %add3A_183 : vector<16xi32>
        %gather3A_185 = tpu.vector_load_idx %arg8[%add3A_184] : memref<5760xi32, #tpu.memory_space<vmem>>[vector<16xi32>], vector<16xi32>,
        %gather3A_186 = tpu.vector_load_idx %arg9[%add3A_184] : memref<5760xf32, #tpu.memory_space<vmem>>[vector<16xi32>], vector<16xf32>,
        %gather3A_187 = tpu.vector_load_idx %arg7[%gather3A_185] : memref<69120xf32, #tpu.memory_space<vmem>>[vector<16xi32>], vector<16xf32>,
        %mul3A_188 = arith.mulf %gather3A_187, %gather3A_186 : vector<16xf32>
        %add3A_189 = arith.addf %add3A_181, %mul3A_188 : vector<16xf32>
        %add3A_190 = arith.constant 3 : i32
        %add3A_191 = vector.broadcast %add3A_190 : i32 to vector<16xi32>
        %add3A_192 = arith.addi %scan3A_166, %add3A_191 : vector<16xi32>
        %gather3A_193 = tpu.vector_load_idx %arg8[%add3A_192] : memref<5760xi32, #tpu.memory_space<vmem>>[vector<16xi32>], vector<16xi32>,
        %gather3A_194 = tpu.vector_load_idx %arg9[%add3A_192] : memref<5760xf32, #tpu.memory_space<vmem>>[vector<16xi32>], vector<16xf32>,
        %gather3A_195 = tpu.vector_load_idx %arg7[%gather3A_193] : memref<69120xf32, #tpu.memory_space<vmem>>[vector<16xi32>], vector<16xf32>,
        %mul3A_196 = arith.mulf %gather3A_195, %gather3A_194 : vector<16xf32>
        %add3A_197 = arith.addf %add3A_189, %mul3A_196 : vector<16xf32>
        %add3A_198 = arith.constant 4 : i32
        %add3A_199 = vector.broadcast %add3A_198 : i32 to vector<16xi32>
        %add3A_200 = arith.addi %scan3A_166, %add3A_199 : vector<16xi32>
        %gather3A_201 = tpu.vector_load_idx %arg8[%add3A_200] : memref<5760xi32, #tpu.memory_space<vmem>>[vector<16xi32>], vector<16xi32>,
        %gather3A_202 = tpu.vector_load_idx %arg9[%add3A_200] : memref<5760xf32, #tpu.memory_space<vmem>>[vector<16xi32>], vector<16xf32>,
        %gather3A_203 = tpu.vector_load_idx %arg7[%gather3A_201] : memref<69120xf32, #tpu.memory_space<vmem>>[vector<16xi32>], vector<16xf32>,
        %mul3A_204 = arith.mulf %gather3A_203, %gather3A_202 : vector<16xf32>
        %add3A_205 = arith.addf %add3A_197, %mul3A_204 : vector<16xf32>
        %add3A_206 = arith.constant 5 : i32
        %add3A_207 = vector.broadcast %add3A_206 : i32 to vector<16xi32>
        %add3A_208 = arith.addi %scan3A_166, %add3A_207 : vector<16xi32>
        %gather3A_209 = tpu.vector_load_idx %arg8[%add3A_208] : memref<5760xi32, #tpu.memory_space<vmem>>[vector<16xi32>], vector<16xi32>,
        %gather3A_210 = tpu.vector_load_idx %arg9[%add3A_208] : memref<5760xf32, #tpu.memory_space<vmem>>[vector<16xi32>], vector<16xf32>,
        %gather3A_211 = tpu.vector_load_idx %arg7[%gather3A_209] : memref<69120xf32, #tpu.memory_space<vmem>>[vector<16xi32>], vector<16xf32>,
        %mul3A_212 = arith.mulf %gather3A_211, %gather3A_210 : vector<16xf32>
        %add3A_213 = arith.addf %add3A_205, %mul3A_212 : vector<16xf32>
        %add3A_214 = arith.constant 6 : i32
        %add3A_215 = vector.broadcast %add3A_214 : i32 to vector<16xi32>
        %add3A_216 = arith.addi %scan3A_166, %add3A_215 : vector<16xi32>
        scf.yield %add3A_213, %add3A_216 : vector<16xf32>, vector<16xi32>
      }
      %scan3A_154 = arith.constant 30 : i32
      %add3A_155 = arith.addf %scan3A_153#0, %get3A_1 : vector<16xf32>
      %swap3A_156 = arith.constant 16 : index
      %swap3A_157 = tpu.vector_load %arg10[%swap3A_156] {strides = array<i32>} : memref<32xf32, #tpu.memory_space<vmem>>, vector<16xf32>,
      tpu.vector_store %arg10[%swap3A_156], %add3A_155 {strides = array<i32>} : memref<32xf32, #tpu.memory_space<vmem>>, vector<16xf32>,
      %mul3A_158 = arith.constant 512 : i32
      %mul3A_159 = arith.muli %add3A_111, %mul3A_158 : i32
      %mul3A_160 = arith.constant 32 : i32
      %mul3A_161 = arith.muli %arg1, %mul3A_160 : i32
      %add3A_162 = arith.addi %mul3A_159, %mul3A_161 : i32
      "tpu.region"() ({
        %run_scoped3A_164 = tpu.sem_alloc : memref<!tpu.dma_semaphore, #tpu.memory_space<semaphore_mem>>
        %dma_start3A = tpu.memref_slice %arg17[%add3A_162] : memref<32768xf32, #tpu.memory_space<vmem_shared>> -> memref<32xf32, #tpu.memory_space<vmem_shared>>
        %dma_start3A_165 = tpu.memref_slice %arg17[%add3A_162] : memref<32768xf32, #tpu.memory_space<vmem_shared>> -> memref<32xf32, #tpu.memory_space<vmem_shared>>
        tpu.enqueue_dma source(%arg10 : memref<32xf32, #tpu.memory_space<vmem>>) target(%dma_start3A_165 : memref<32xf32, #tpu.memory_space<vmem_shared>>) target_semaphore(%run_scoped3A_164 : memref<!tpu.dma_semaphore, #tpu.memory_space<semaphore_mem>>)
        %dma_wait3A = tpu.memref_slice %arg17[%add3A_162] : memref<32768xf32, #tpu.memory_space<vmem_shared>> -> memref<32xf32, #tpu.memory_space<vmem_shared>>
        %dma_wait3A_166 = tpu.memref_slice %arg17[%add3A_162] : memref<32768xf32, #tpu.memory_space<vmem_shared>> -> memref<32xf32, #tpu.memory_space<vmem_shared>>
        tpu.wait_dma2 semaphore(%run_scoped3A_164 : memref<!tpu.dma_semaphore, #tpu.memory_space<semaphore_mem>>) src(%arg10 : memref<32xf32, #tpu.memory_space<vmem>>) dst(%dma_wait3A_166 : memref<32xf32, #tpu.memory_space<vmem_shared>>)
        tpu.yield
      }) : () -> ()
      %scan3A_163 = arith.constant 0 : i32
      scf.yield %scan3A_163 : i32
    }
    %scan3A_20 = arith.constant 32 : i32
    %barrier3A_21 = arith.constant 0 : index
    tpu.barrier barrier_id(%barrier3A_21)
    %convert_element_type3A_22 = arith.extui %eq3A_0 : i1 to i32
    %cond3A_23 = arith.constant 0 : i32
    %cond3A_24 = arith.cmpi ne, %convert_element_type3A_22, %cond3A_23 : i32
    scf.if %cond3A_24 {
      %mul3A_58 = arith.constant 32768 : i32
      %mul3A_59 = arith.muli %arg0, %mul3A_58 : i32
      %dma_start3A = arith.constant 1 : i32
      %dma_start3A_60 = arith.constant 1 : i32
      %dma_start3A_61 = tpu.memref_slice %arg19[%dma_start3A_60] : memref<2x!tpu.dma_semaphore, #tpu.memory_space<semaphore_mem>> -> memref<1x!tpu.dma_semaphore, #tpu.memory_space<semaphore_mem>>
      %dma_start3A_62 = tpu.memref_squeeze %dma_start3A_61 : memref<1x!tpu.dma_semaphore, #tpu.memory_space<semaphore_mem>> -> memref<!tpu.dma_semaphore, #tpu.memory_space<semaphore_mem>>
      %dma_start3A_63 = tpu.memref_slice %arg6[%dma_start3A, %mul3A_59] : memref<4x65536xf32, #tpu.memory_space<hbm>> -> memref<1x32768xf32, #tpu.memory_space<hbm>>
      %dma_start3A_64 = tpu.memref_squeeze %dma_start3A_63 : memref<1x32768xf32, #tpu.memory_space<hbm>> -> memref<32768xf32, #tpu.memory_space<hbm>>
      tpu.enqueue_dma source(%arg17 : memref<32768xf32, #tpu.memory_space<vmem_shared>>) target(%dma_start3A_64 : memref<32768xf32, #tpu.memory_space<hbm>>) target_semaphore(%dma_start3A_62 : memref<!tpu.dma_semaphore, #tpu.memory_space<semaphore_mem>>)
    } else {
    }
    %run_scoped3A_25 = arith.constant 2 : i32
    "tpu.region"() ({
      %run_scoped3A_58 = tpu.sem_alloc : memref<!tpu.dma_semaphore, #tpu.memory_space<semaphore_mem>>
      %dma_start3A = arith.constant 0 : i32
      %dma_start3A_59 = tpu.memref_slice %arg2[%run_scoped3A_25, %dma_start3A] : memref<4x69120xf32, #tpu.memory_space<hbm>> -> memref<1x69120xf32, #tpu.memory_space<hbm>>
      %dma_start3A_60 = tpu.memref_squeeze %dma_start3A_59 : memref<1x69120xf32, #tpu.memory_space<hbm>> -> memref<69120xf32, #tpu.memory_space<hbm>>
      %dma_start3A_61 = arith.constant 0 : i32
      %dma_start3A_62 = tpu.memref_slice %arg2[%run_scoped3A_25, %dma_start3A_61] : memref<4x69120xf32, #tpu.memory_space<hbm>> -> memref<1x69120xf32, #tpu.memory_space<hbm>>
      %dma_start3A_63 = tpu.memref_squeeze %dma_start3A_62 : memref<1x69120xf32, #tpu.memory_space<hbm>> -> memref<69120xf32, #tpu.memory_space<hbm>>
      tpu.enqueue_dma source(%dma_start3A_63 : memref<69120xf32, #tpu.memory_space<hbm>>) target(%arg7 : memref<69120xf32, #tpu.memory_space<vmem>>) target_semaphore(%run_scoped3A_58 : memref<!tpu.dma_semaphore, #tpu.memory_space<semaphore_mem>>)
      %dma_wait3A = arith.constant 0 : i32
      %dma_wait3A_64 = tpu.memref_slice %arg2[%run_scoped3A_25, %dma_wait3A] : memref<4x69120xf32, #tpu.memory_space<hbm>> -> memref<1x69120xf32, #tpu.memory_space<hbm>>
      %dma_wait3A_65 = tpu.memref_squeeze %dma_wait3A_64 : memref<1x69120xf32, #tpu.memory_space<hbm>> -> memref<69120xf32, #tpu.memory_space<hbm>>
      %dma_wait3A_66 = arith.constant 0 : i32
      %dma_wait3A_67 = tpu.memref_slice %arg2[%run_scoped3A_25, %dma_wait3A_66] : memref<4x69120xf32, #tpu.memory_space<hbm>> -> memref<1x69120xf32, #tpu.memory_space<hbm>>
      %dma_wait3A_68 = tpu.memref_squeeze %dma_wait3A_67 : memref<1x69120xf32, #tpu.memory_space<hbm>> -> memref<69120xf32, #tpu.memory_space<hbm>>
      tpu.wait_dma2 semaphore(%run_scoped3A_58 : memref<!tpu.dma_semaphore, #tpu.memory_space<semaphore_mem>>) src(%dma_wait3A_68 : memref<69120xf32, #tpu.memory_space<hbm>>) dst(%arg7 : memref<69120xf32, #tpu.memory_space<vmem>>)
      tpu.yield
    }) : () -> ()
    %convert_element_type3A_26 = arith.extui %eq3A_0 : i1 to i32
    %cond3A_27 = arith.constant 0 : i32
    %cond3A_28 = arith.cmpi ne, %convert_element_type3A_26, %cond3A_27 : i32
    scf.if %cond3A_28 {
      %mul3A_58 = arith.constant 32768 : i32
      %mul3A_59 = arith.muli %arg0, %mul3A_58 : i32
      %dma_wait3A = arith.constant 0 : i32
      %dma_wait3A_60 = arith.constant 0 : i32
      %dma_wait3A_61 = tpu.memref_slice %arg19[%dma_wait3A_60] : memref<2x!tpu.dma_semaphore, #tpu.memory_space<semaphore_mem>> -> memref<1x!tpu.dma_semaphore, #tpu.memory_space<semaphore_mem>>
      %dma_wait3A_62 = tpu.memref_squeeze %dma_wait3A_61 : memref<1x!tpu.dma_semaphore, #tpu.memory_space<semaphore_mem>> -> memref<!tpu.dma_semaphore, #tpu.memory_space<semaphore_mem>>
      %dma_wait3A_63 = tpu.memref_slice %arg6[%dma_wait3A, %mul3A_59] : memref<4x65536xf32, #tpu.memory_space<hbm>> -> memref<1x32768xf32, #tpu.memory_space<hbm>>
      %dma_wait3A_64 = tpu.memref_squeeze %dma_wait3A_63 : memref<1x32768xf32, #tpu.memory_space<hbm>> -> memref<32768xf32, #tpu.memory_space<hbm>>
      tpu.wait_dma2 semaphore(%dma_wait3A_62 : memref<!tpu.dma_semaphore, #tpu.memory_space<semaphore_mem>>) src(%arg16 : memref<32768xf32, #tpu.memory_space<vmem_shared>>) dst(%dma_wait3A_64 : memref<32768xf32, #tpu.memory_space<hbm>>)
    } else {
    }
    %scan3A_29 = arith.constant 0 : i32
    %scan3A_30 = arith.constant 0 : i32
    %scan3A_31 = arith.constant 32 : i32
    %scan3A_32 = arith.addi %scan3A_30, %scan3A_31 : i32
    %scan3A_33 = arith.constant 1 : i32
    %scan3A_34 = scf.for %scan3A_58 = %scan3A_30 to %scan3A_32 step %scan3A_33 iter_args(%scan3A_59 = %scan3A_29) -> (i32)  : i32 {
      %mul3A_60 = arith.constant 2 : i32
      %mul3A_61 = arith.muli %scan3A_58, %mul3A_60 : i32
      %convert_element_type3A_62 = arith.extui %eq3A_0 : i1 to i32
      %cond3A_63 = arith.constant 0 : i32
      %cond3A_64 = arith.cmpi ne, %convert_element_type3A_62, %cond3A_63 : i32
      scf.if %cond3A_64 {
        %dma_wait3A = arith.constant 0 : i32
        %dma_wait3A_164 = arith.constant 0 : i32
        %dma_wait3A_165 = tpu.memref_slice %arg18[%dma_wait3A, %dma_wait3A_164] : memref<2x2x!tpu.dma_semaphore, #tpu.memory_space<semaphore_mem>> -> memref<1x1x!tpu.dma_semaphore, #tpu.memory_space<semaphore_mem>>
        %dma_wait3A_166 = tpu.memref_squeeze %dma_wait3A_165 : memref<1x1x!tpu.dma_semaphore, #tpu.memory_space<semaphore_mem>> -> memref<!tpu.dma_semaphore, #tpu.memory_space<semaphore_mem>>
        %dma_wait3A_167 = arith.constant 0 : i32
        %dma_wait3A_168 = tpu.memref_slice %arg3[%dma_wait3A_167] : memref<11796480xi32, #tpu.memory_space<hbm>> -> memref<92160xi32, #tpu.memory_space<hbm>>
        tpu.wait_dma2 semaphore(%dma_wait3A_166 : memref<!tpu.dma_semaphore, #tpu.memory_space<semaphore_mem>>) src(%dma_wait3A_168 : memref<92160xi32, #tpu.memory_space<hbm>>) dst(%arg12 : memref<92160xi32, #tpu.memory_space<vmem_shared>>)
        %dma_wait3A_169 = arith.constant 0 : i32
        %dma_wait3A_170 = arith.constant 1 : i32
        %dma_wait3A_171 = tpu.memref_slice %arg18[%dma_wait3A_169, %dma_wait3A_170] : memref<2x2x!tpu.dma_semaphore, #tpu.memory_space<semaphore_mem>> -> memref<1x1x!tpu.dma_semaphore, #tpu.memory_space<semaphore_mem>>
        %dma_wait3A_172 = tpu.memref_squeeze %dma_wait3A_171 : memref<1x1x!tpu.dma_semaphore, #tpu.memory_space<semaphore_mem>> -> memref<!tpu.dma_semaphore, #tpu.memory_space<semaphore_mem>>
        %dma_wait3A_173 = arith.constant 0 : i32
        %dma_wait3A_174 = tpu.memref_slice %arg4[%dma_wait3A_173] : memref<11796480xf32, #tpu.memory_space<hbm>> -> memref<92160xf32, #tpu.memory_space<hbm>>
        tpu.wait_dma2 semaphore(%dma_wait3A_172 : memref<!tpu.dma_semaphore, #tpu.memory_space<semaphore_mem>>) src(%dma_wait3A_174 : memref<92160xf32, #tpu.memory_space<hbm>>) dst(%arg14 : memref<92160xf32, #tpu.memory_space<vmem_shared>>)
      } else {
      }
      %barrier3A_65 = arith.constant 0 : index
      tpu.barrier barrier_id(%barrier3A_65)
      %mul3A_66 = arith.constant 5760 : i32
      %mul3A_67 = arith.muli %arg1, %mul3A_66 : i32
      "tpu.region"() ({
        %run_scoped3A_164 = tpu.sem_alloc : memref<!tpu.dma_semaphore, #tpu.memory_space<semaphore_mem>>
        %dma_start3A = tpu.memref_slice %arg12[%mul3A_67] : memref<92160xi32, #tpu.memory_space<vmem_shared>> -> memref<5760xi32, #tpu.memory_space<vmem_shared>>
        %dma_start3A_165 = tpu.memref_slice %arg12[%mul3A_67] : memref<92160xi32, #tpu.memory_space<vmem_shared>> -> memref<5760xi32, #tpu.memory_space<vmem_shared>>
        tpu.enqueue_dma source(%dma_start3A_165 : memref<5760xi32, #tpu.memory_space<vmem_shared>>) target(%arg8 : memref<5760xi32, #tpu.memory_space<vmem>>) target_semaphore(%run_scoped3A_164 : memref<!tpu.dma_semaphore, #tpu.memory_space<semaphore_mem>>)
        %dma_wait3A = tpu.memref_slice %arg12[%mul3A_67] : memref<92160xi32, #tpu.memory_space<vmem_shared>> -> memref<5760xi32, #tpu.memory_space<vmem_shared>>
        %dma_wait3A_166 = tpu.memref_slice %arg12[%mul3A_67] : memref<92160xi32, #tpu.memory_space<vmem_shared>> -> memref<5760xi32, #tpu.memory_space<vmem_shared>>
        tpu.wait_dma2 semaphore(%run_scoped3A_164 : memref<!tpu.dma_semaphore, #tpu.memory_space<semaphore_mem>>) src(%dma_wait3A_166 : memref<5760xi32, #tpu.memory_space<vmem_shared>>) dst(%arg8 : memref<5760xi32, #tpu.memory_space<vmem>>)
        tpu.yield
      }) : () -> ()
      %mul3A_68 = arith.constant 5760 : i32
      %mul3A_69 = arith.muli %arg1, %mul3A_68 : i32
      "tpu.region"() ({
        %run_scoped3A_164 = tpu.sem_alloc : memref<!tpu.dma_semaphore, #tpu.memory_space<semaphore_mem>>
        %dma_start3A = tpu.memref_slice %arg14[%mul3A_69] : memref<92160xf32, #tpu.memory_space<vmem_shared>> -> memref<5760xf32, #tpu.memory_space<vmem_shared>>
        %dma_start3A_165 = tpu.memref_slice %arg14[%mul3A_69] : memref<92160xf32, #tpu.memory_space<vmem_shared>> -> memref<5760xf32, #tpu.memory_space<vmem_shared>>
        tpu.enqueue_dma source(%dma_start3A_165 : memref<5760xf32, #tpu.memory_space<vmem_shared>>) target(%arg9 : memref<5760xf32, #tpu.memory_space<vmem>>) target_semaphore(%run_scoped3A_164 : memref<!tpu.dma_semaphore, #tpu.memory_space<semaphore_mem>>)
        %dma_wait3A = tpu.memref_slice %arg14[%mul3A_69] : memref<92160xf32, #tpu.memory_space<vmem_shared>> -> memref<5760xf32, #tpu.memory_space<vmem_shared>>
        %dma_wait3A_166 = tpu.memref_slice %arg14[%mul3A_69] : memref<92160xf32, #tpu.memory_space<vmem_shared>> -> memref<5760xf32, #tpu.memory_space<vmem_shared>>
        tpu.wait_dma2 semaphore(%run_scoped3A_164 : memref<!tpu.dma_semaphore, #tpu.memory_space<semaphore_mem>>) src(%dma_wait3A_166 : memref<5760xf32, #tpu.memory_space<vmem_shared>>) dst(%arg9 : memref<5760xf32, #tpu.memory_space<vmem>>)
        tpu.yield
      }) : () -> ()
      %barrier3A_70 = arith.constant 0 : index
      tpu.barrier barrier_id(%barrier3A_70)
      %convert_element_type3A_71 = arith.extui %eq3A_0 : i1 to i32
      %cond3A_72 = arith.constant 0 : i32
      %cond3A_73 = arith.cmpi ne, %convert_element_type3A_71, %cond3A_72 : i32
      scf.if %cond3A_73 {
        %add3A_164 = arith.constant 2 : i32
        %add3A_165 = arith.addi %mul3A_61, %add3A_164 : i32
        %and3A = arith.constant 63 : i32
        %and3A_166 = arith.andi %add3A_165, %and3A : i32
        %mul3A_167 = arith.constant 92160 : i32
        %mul3A_168 = arith.muli %and3A_166, %mul3A_167 : i32
        %add3A_169 = arith.addi %mul3A_2, %mul3A_168 : i32
        %dma_start3A = arith.constant 0 : i32
        %dma_start3A_170 = arith.constant 0 : i32
        %dma_start3A_171 = tpu.memref_slice %arg18[%dma_start3A, %dma_start3A_170] : memref<2x2x!tpu.dma_semaphore, #tpu.memory_space<semaphore_mem>> -> memref<1x1x!tpu.dma_semaphore, #tpu.memory_space<semaphore_mem>>
        %dma_start3A_172 = tpu.memref_squeeze %dma_start3A_171 : memref<1x1x!tpu.dma_semaphore, #tpu.memory_space<semaphore_mem>> -> memref<!tpu.dma_semaphore, #tpu.memory_space<semaphore_mem>>
        %dma_start3A_173 = tpu.memref_slice %arg3[%add3A_169] : memref<11796480xi32, #tpu.memory_space<hbm>> -> memref<92160xi32, #tpu.memory_space<hbm>>
        tpu.enqueue_dma source(%dma_start3A_173 : memref<92160xi32, #tpu.memory_space<hbm>>) target(%arg12 : memref<92160xi32, #tpu.memory_space<vmem_shared>>) target_semaphore(%dma_start3A_172 : memref<!tpu.dma_semaphore, #tpu.memory_space<semaphore_mem>>)
        %dma_start3A_174 = arith.constant 0 : i32
        %dma_start3A_175 = arith.constant 1 : i32
        %dma_start3A_176 = tpu.memref_slice %arg18[%dma_start3A_174, %dma_start3A_175] : memref<2x2x!tpu.dma_semaphore, #tpu.memory_space<semaphore_mem>> -> memref<1x1x!tpu.dma_semaphore, #tpu.memory_space<semaphore_mem>>
        %dma_start3A_177 = tpu.memref_squeeze %dma_start3A_176 : memref<1x1x!tpu.dma_semaphore, #tpu.memory_space<semaphore_mem>> -> memref<!tpu.dma_semaphore, #tpu.memory_space<semaphore_mem>>
        %dma_start3A_178 = tpu.memref_slice %arg4[%add3A_169] : memref<11796480xf32, #tpu.memory_space<hbm>> -> memref<92160xf32, #tpu.memory_space<hbm>>
        tpu.enqueue_dma source(%dma_start3A_178 : memref<92160xf32, #tpu.memory_space<hbm>>) target(%arg14 : memref<92160xf32, #tpu.memory_space<vmem_shared>>) target_semaphore(%dma_start3A_177 : memref<!tpu.dma_semaphore, #tpu.memory_space<semaphore_mem>>)
      } else {
      }
      %mul3A_74 = arith.constant 180 : i32
      %mul3A_75 = vector.broadcast %mul3A_74 : i32 to vector<16xi32>
      %mul3A_76 = arith.muli %iota3A, %mul3A_75 : vector<16xi32>
      %add3A = arith.constant 0 : i32
      %add3A_77 = vector.broadcast %add3A : i32 to vector<16xi32>
      %add3A_78 = arith.addi %mul3A_76, %add3A_77 : vector<16xi32>
      %broadcast_in_dim3A = arith.constant 0.000000e+00 : f32
      %broadcast_in_dim3A_79 = vector.broadcast %broadcast_in_dim3A : f32 to vector<16xf32>
      %scan3A_80 = arith.constant 0 : i32
      %scan3A_81 = arith.constant 30 : i32
      %scan3A_82 = arith.addi %scan3A_80, %scan3A_81 : i32
      %scan3A_83 = arith.constant 1 : i32
      %scan3A_84:2 = scf.for %scan3A_164 = %scan3A_80 to %scan3A_82 step %scan3A_83 iter_args(%scan3A_165 = %broadcast_in_dim3A_79, %scan3A_166 = %add3A_78) -> (vector<16xf32>, vector<16xi32>)  : i32 {
        %add3A_167 = arith.constant 0 : i32
        %add3A_168 = vector.broadcast %add3A_167 : i32 to vector<16xi32>
        %add3A_169 = arith.addi %scan3A_166, %add3A_168 : vector<16xi32>
        %gather3A = tpu.vector_load_idx %arg8[%add3A_169] : memref<5760xi32, #tpu.memory_space<vmem>>[vector<16xi32>], vector<16xi32>,
        %gather3A_170 = tpu.vector_load_idx %arg9[%add3A_169] : memref<5760xf32, #tpu.memory_space<vmem>>[vector<16xi32>], vector<16xf32>,
        %gather3A_171 = tpu.vector_load_idx %arg7[%gather3A] : memref<69120xf32, #tpu.memory_space<vmem>>[vector<16xi32>], vector<16xf32>,
        %mul3A_172 = arith.mulf %gather3A_171, %gather3A_170 : vector<16xf32>
        %add3A_173 = arith.addf %scan3A_165, %mul3A_172 : vector<16xf32>
        %add3A_174 = arith.constant 1 : i32
        %add3A_175 = vector.broadcast %add3A_174 : i32 to vector<16xi32>
        %add3A_176 = arith.addi %scan3A_166, %add3A_175 : vector<16xi32>
        %gather3A_177 = tpu.vector_load_idx %arg8[%add3A_176] : memref<5760xi32, #tpu.memory_space<vmem>>[vector<16xi32>], vector<16xi32>,
        %gather3A_178 = tpu.vector_load_idx %arg9[%add3A_176] : memref<5760xf32, #tpu.memory_space<vmem>>[vector<16xi32>], vector<16xf32>,
        %gather3A_179 = tpu.vector_load_idx %arg7[%gather3A_177] : memref<69120xf32, #tpu.memory_space<vmem>>[vector<16xi32>], vector<16xf32>,
        %mul3A_180 = arith.mulf %gather3A_179, %gather3A_178 : vector<16xf32>
        %add3A_181 = arith.addf %add3A_173, %mul3A_180 : vector<16xf32>
        %add3A_182 = arith.constant 2 : i32
        %add3A_183 = vector.broadcast %add3A_182 : i32 to vector<16xi32>
        %add3A_184 = arith.addi %scan3A_166, %add3A_183 : vector<16xi32>
        %gather3A_185 = tpu.vector_load_idx %arg8[%add3A_184] : memref<5760xi32, #tpu.memory_space<vmem>>[vector<16xi32>], vector<16xi32>,
        %gather3A_186 = tpu.vector_load_idx %arg9[%add3A_184] : memref<5760xf32, #tpu.memory_space<vmem>>[vector<16xi32>], vector<16xf32>,
        %gather3A_187 = tpu.vector_load_idx %arg7[%gather3A_185] : memref<69120xf32, #tpu.memory_space<vmem>>[vector<16xi32>], vector<16xf32>,
        %mul3A_188 = arith.mulf %gather3A_187, %gather3A_186 : vector<16xf32>
        %add3A_189 = arith.addf %add3A_181, %mul3A_188 : vector<16xf32>
        %add3A_190 = arith.constant 3 : i32
        %add3A_191 = vector.broadcast %add3A_190 : i32 to vector<16xi32>
        %add3A_192 = arith.addi %scan3A_166, %add3A_191 : vector<16xi32>
        %gather3A_193 = tpu.vector_load_idx %arg8[%add3A_192] : memref<5760xi32, #tpu.memory_space<vmem>>[vector<16xi32>], vector<16xi32>,
        %gather3A_194 = tpu.vector_load_idx %arg9[%add3A_192] : memref<5760xf32, #tpu.memory_space<vmem>>[vector<16xi32>], vector<16xf32>,
        %gather3A_195 = tpu.vector_load_idx %arg7[%gather3A_193] : memref<69120xf32, #tpu.memory_space<vmem>>[vector<16xi32>], vector<16xf32>,
        %mul3A_196 = arith.mulf %gather3A_195, %gather3A_194 : vector<16xf32>
        %add3A_197 = arith.addf %add3A_189, %mul3A_196 : vector<16xf32>
        %add3A_198 = arith.constant 4 : i32
        %add3A_199 = vector.broadcast %add3A_198 : i32 to vector<16xi32>
        %add3A_200 = arith.addi %scan3A_166, %add3A_199 : vector<16xi32>
        %gather3A_201 = tpu.vector_load_idx %arg8[%add3A_200] : memref<5760xi32, #tpu.memory_space<vmem>>[vector<16xi32>], vector<16xi32>,
        %gather3A_202 = tpu.vector_load_idx %arg9[%add3A_200] : memref<5760xf32, #tpu.memory_space<vmem>>[vector<16xi32>], vector<16xf32>,
        %gather3A_203 = tpu.vector_load_idx %arg7[%gather3A_201] : memref<69120xf32, #tpu.memory_space<vmem>>[vector<16xi32>], vector<16xf32>,
        %mul3A_204 = arith.mulf %gather3A_203, %gather3A_202 : vector<16xf32>
        %add3A_205 = arith.addf %add3A_197, %mul3A_204 : vector<16xf32>
        %add3A_206 = arith.constant 5 : i32
        %add3A_207 = vector.broadcast %add3A_206 : i32 to vector<16xi32>
        %add3A_208 = arith.addi %scan3A_166, %add3A_207 : vector<16xi32>
        %gather3A_209 = tpu.vector_load_idx %arg8[%add3A_208] : memref<5760xi32, #tpu.memory_space<vmem>>[vector<16xi32>], vector<16xi32>,
        %gather3A_210 = tpu.vector_load_idx %arg9[%add3A_208] : memref<5760xf32, #tpu.memory_space<vmem>>[vector<16xi32>], vector<16xf32>,
        %gather3A_211 = tpu.vector_load_idx %arg7[%gather3A_209] : memref<69120xf32, #tpu.memory_space<vmem>>[vector<16xi32>], vector<16xf32>,
        %mul3A_212 = arith.mulf %gather3A_211, %gather3A_210 : vector<16xf32>
        %add3A_213 = arith.addf %add3A_205, %mul3A_212 : vector<16xf32>
        %add3A_214 = arith.constant 6 : i32
        %add3A_215 = vector.broadcast %add3A_214 : i32 to vector<16xi32>
        %add3A_216 = arith.addi %scan3A_166, %add3A_215 : vector<16xi32>
        scf.yield %add3A_213, %add3A_216 : vector<16xf32>, vector<16xi32>
      }
      %scan3A_85 = arith.constant 30 : i32
      %add3A_86 = arith.addf %scan3A_84#0, %get3A_1 : vector<16xf32>
      %swap3A = arith.constant 0 : index
      %swap3A_87 = tpu.vector_load %arg10[%swap3A] {strides = array<i32>} : memref<32xf32, #tpu.memory_space<vmem>>, vector<16xf32>,
      tpu.vector_store %arg10[%swap3A], %add3A_86 {strides = array<i32>} : memref<32xf32, #tpu.memory_space<vmem>>, vector<16xf32>,
      %mul3A_88 = arith.constant 180 : i32
      %mul3A_89 = vector.broadcast %mul3A_88 : i32 to vector<16xi32>
      %mul3A_90 = arith.muli %iota3A, %mul3A_89 : vector<16xi32>
      %add3A_91 = arith.constant 2880 : i32
      %add3A_92 = vector.broadcast %add3A_91 : i32 to vector<16xi32>
      %add3A_93 = arith.addi %mul3A_90, %add3A_92 : vector<16xi32>
      %broadcast_in_dim3A_94 = arith.constant 0.000000e+00 : f32
      %broadcast_in_dim3A_95 = vector.broadcast %broadcast_in_dim3A_94 : f32 to vector<16xf32>
      %scan3A_96 = arith.constant 0 : i32
      %scan3A_97 = arith.constant 30 : i32
      %scan3A_98 = arith.addi %scan3A_96, %scan3A_97 : i32
      %scan3A_99 = arith.constant 1 : i32
      %scan3A_100:2 = scf.for %scan3A_164 = %scan3A_96 to %scan3A_98 step %scan3A_99 iter_args(%scan3A_165 = %broadcast_in_dim3A_95, %scan3A_166 = %add3A_93) -> (vector<16xf32>, vector<16xi32>)  : i32 {
        %add3A_167 = arith.constant 0 : i32
        %add3A_168 = vector.broadcast %add3A_167 : i32 to vector<16xi32>
        %add3A_169 = arith.addi %scan3A_166, %add3A_168 : vector<16xi32>
        %gather3A = tpu.vector_load_idx %arg8[%add3A_169] : memref<5760xi32, #tpu.memory_space<vmem>>[vector<16xi32>], vector<16xi32>,
        %gather3A_170 = tpu.vector_load_idx %arg9[%add3A_169] : memref<5760xf32, #tpu.memory_space<vmem>>[vector<16xi32>], vector<16xf32>,
        %gather3A_171 = tpu.vector_load_idx %arg7[%gather3A] : memref<69120xf32, #tpu.memory_space<vmem>>[vector<16xi32>], vector<16xf32>,
        %mul3A_172 = arith.mulf %gather3A_171, %gather3A_170 : vector<16xf32>
        %add3A_173 = arith.addf %scan3A_165, %mul3A_172 : vector<16xf32>
        %add3A_174 = arith.constant 1 : i32
        %add3A_175 = vector.broadcast %add3A_174 : i32 to vector<16xi32>
        %add3A_176 = arith.addi %scan3A_166, %add3A_175 : vector<16xi32>
        %gather3A_177 = tpu.vector_load_idx %arg8[%add3A_176] : memref<5760xi32, #tpu.memory_space<vmem>>[vector<16xi32>], vector<16xi32>,
        %gather3A_178 = tpu.vector_load_idx %arg9[%add3A_176] : memref<5760xf32, #tpu.memory_space<vmem>>[vector<16xi32>], vector<16xf32>,
        %gather3A_179 = tpu.vector_load_idx %arg7[%gather3A_177] : memref<69120xf32, #tpu.memory_space<vmem>>[vector<16xi32>], vector<16xf32>,
        %mul3A_180 = arith.mulf %gather3A_179, %gather3A_178 : vector<16xf32>
        %add3A_181 = arith.addf %add3A_173, %mul3A_180 : vector<16xf32>
        %add3A_182 = arith.constant 2 : i32
        %add3A_183 = vector.broadcast %add3A_182 : i32 to vector<16xi32>
        %add3A_184 = arith.addi %scan3A_166, %add3A_183 : vector<16xi32>
        %gather3A_185 = tpu.vector_load_idx %arg8[%add3A_184] : memref<5760xi32, #tpu.memory_space<vmem>>[vector<16xi32>], vector<16xi32>,
        %gather3A_186 = tpu.vector_load_idx %arg9[%add3A_184] : memref<5760xf32, #tpu.memory_space<vmem>>[vector<16xi32>], vector<16xf32>,
        %gather3A_187 = tpu.vector_load_idx %arg7[%gather3A_185] : memref<69120xf32, #tpu.memory_space<vmem>>[vector<16xi32>], vector<16xf32>,
        %mul3A_188 = arith.mulf %gather3A_187, %gather3A_186 : vector<16xf32>
        %add3A_189 = arith.addf %add3A_181, %mul3A_188 : vector<16xf32>
        %add3A_190 = arith.constant 3 : i32
        %add3A_191 = vector.broadcast %add3A_190 : i32 to vector<16xi32>
        %add3A_192 = arith.addi %scan3A_166, %add3A_191 : vector<16xi32>
        %gather3A_193 = tpu.vector_load_idx %arg8[%add3A_192] : memref<5760xi32, #tpu.memory_space<vmem>>[vector<16xi32>], vector<16xi32>,
        %gather3A_194 = tpu.vector_load_idx %arg9[%add3A_192] : memref<5760xf32, #tpu.memory_space<vmem>>[vector<16xi32>], vector<16xf32>,
        %gather3A_195 = tpu.vector_load_idx %arg7[%gather3A_193] : memref<69120xf32, #tpu.memory_space<vmem>>[vector<16xi32>], vector<16xf32>,
        %mul3A_196 = arith.mulf %gather3A_195, %gather3A_194 : vector<16xf32>
        %add3A_197 = arith.addf %add3A_189, %mul3A_196 : vector<16xf32>
        %add3A_198 = arith.constant 4 : i32
        %add3A_199 = vector.broadcast %add3A_198 : i32 to vector<16xi32>
        %add3A_200 = arith.addi %scan3A_166, %add3A_199 : vector<16xi32>
        %gather3A_201 = tpu.vector_load_idx %arg8[%add3A_200] : memref<5760xi32, #tpu.memory_space<vmem>>[vector<16xi32>], vector<16xi32>,
        %gather3A_202 = tpu.vector_load_idx %arg9[%add3A_200] : memref<5760xf32, #tpu.memory_space<vmem>>[vector<16xi32>], vector<16xf32>,
        %gather3A_203 = tpu.vector_load_idx %arg7[%gather3A_201] : memref<69120xf32, #tpu.memory_space<vmem>>[vector<16xi32>], vector<16xf32>,
        %mul3A_204 = arith.mulf %gather3A_203, %gather3A_202 : vector<16xf32>
        %add3A_205 = arith.addf %add3A_197, %mul3A_204 : vector<16xf32>
        %add3A_206 = arith.constant 5 : i32
        %add3A_207 = vector.broadcast %add3A_206 : i32 to vector<16xi32>
        %add3A_208 = arith.addi %scan3A_166, %add3A_207 : vector<16xi32>
        %gather3A_209 = tpu.vector_load_idx %arg8[%add3A_208] : memref<5760xi32, #tpu.memory_space<vmem>>[vector<16xi32>], vector<16xi32>,
        %gather3A_210 = tpu.vector_load_idx %arg9[%add3A_208] : memref<5760xf32, #tpu.memory_space<vmem>>[vector<16xi32>], vector<16xf32>,
        %gather3A_211 = tpu.vector_load_idx %arg7[%gather3A_209] : memref<69120xf32, #tpu.memory_space<vmem>>[vector<16xi32>], vector<16xf32>,
        %mul3A_212 = arith.mulf %gather3A_211, %gather3A_210 : vector<16xf32>
        %add3A_213 = arith.addf %add3A_205, %mul3A_212 : vector<16xf32>
        %add3A_214 = arith.constant 6 : i32
        %add3A_215 = vector.broadcast %add3A_214 : i32 to vector<16xi32>
        %add3A_216 = arith.addi %scan3A_166, %add3A_215 : vector<16xi32>
        scf.yield %add3A_213, %add3A_216 : vector<16xf32>, vector<16xi32>
      }
      %scan3A_101 = arith.constant 30 : i32
      %add3A_102 = arith.addf %scan3A_100#0, %get3A_1 : vector<16xf32>
      %swap3A_103 = arith.constant 16 : index
      %swap3A_104 = tpu.vector_load %arg10[%swap3A_103] {strides = array<i32>} : memref<32xf32, #tpu.memory_space<vmem>>, vector<16xf32>,
      tpu.vector_store %arg10[%swap3A_103], %add3A_102 {strides = array<i32>} : memref<32xf32, #tpu.memory_space<vmem>>, vector<16xf32>,
      %mul3A_105 = arith.constant 512 : i32
      %mul3A_106 = arith.muli %mul3A_61, %mul3A_105 : i32
      %mul3A_107 = arith.constant 32 : i32
      %mul3A_108 = arith.muli %arg1, %mul3A_107 : i32
      %add3A_109 = arith.addi %mul3A_106, %mul3A_108 : i32
      "tpu.region"() ({
        %run_scoped3A_164 = tpu.sem_alloc : memref<!tpu.dma_semaphore, #tpu.memory_space<semaphore_mem>>
        %dma_start3A = tpu.memref_slice %arg16[%add3A_109] : memref<32768xf32, #tpu.memory_space<vmem_shared>> -> memref<32xf32, #tpu.memory_space<vmem_shared>>
        %dma_start3A_165 = tpu.memref_slice %arg16[%add3A_109] : memref<32768xf32, #tpu.memory_space<vmem_shared>> -> memref<32xf32, #tpu.memory_space<vmem_shared>>
        tpu.enqueue_dma source(%arg10 : memref<32xf32, #tpu.memory_space<vmem>>) target(%dma_start3A_165 : memref<32xf32, #tpu.memory_space<vmem_shared>>) target_semaphore(%run_scoped3A_164 : memref<!tpu.dma_semaphore, #tpu.memory_space<semaphore_mem>>)
        %dma_wait3A = tpu.memref_slice %arg16[%add3A_109] : memref<32768xf32, #tpu.memory_space<vmem_shared>> -> memref<32xf32, #tpu.memory_space<vmem_shared>>
        %dma_wait3A_166 = tpu.memref_slice %arg16[%add3A_109] : memref<32768xf32, #tpu.memory_space<vmem_shared>> -> memref<32xf32, #tpu.memory_space<vmem_shared>>
        tpu.wait_dma2 semaphore(%run_scoped3A_164 : memref<!tpu.dma_semaphore, #tpu.memory_space<semaphore_mem>>) src(%arg10 : memref<32xf32, #tpu.memory_space<vmem>>) dst(%dma_wait3A_166 : memref<32xf32, #tpu.memory_space<vmem_shared>>)
        tpu.yield
      }) : () -> ()
      %add3A_110 = arith.constant 1 : i32
      %add3A_111 = arith.addi %mul3A_61, %add3A_110 : i32
      %convert_element_type3A_112 = arith.extui %eq3A_0 : i1 to i32
      %cond3A_113 = arith.constant 0 : i32
      %cond3A_114 = arith.cmpi ne, %convert_element_type3A_112, %cond3A_113 : i32
      scf.if %cond3A_114 {
        %dma_wait3A = arith.constant 1 : i32
        %dma_wait3A_164 = arith.constant 0 : i32
        %dma_wait3A_165 = tpu.memref_slice %arg18[%dma_wait3A, %dma_wait3A_164] : memref<2x2x!tpu.dma_semaphore, #tpu.memory_space<semaphore_mem>> -> memref<1x1x!tpu.dma_semaphore, #tpu.memory_space<semaphore_mem>>
        %dma_wait3A_166 = tpu.memref_squeeze %dma_wait3A_165 : memref<1x1x!tpu.dma_semaphore, #tpu.memory_space<semaphore_mem>> -> memref<!tpu.dma_semaphore, #tpu.memory_space<semaphore_mem>>
        %dma_wait3A_167 = arith.constant 0 : i32
        %dma_wait3A_168 = tpu.memref_slice %arg3[%dma_wait3A_167] : memref<11796480xi32, #tpu.memory_space<hbm>> -> memref<92160xi32, #tpu.memory_space<hbm>>
        tpu.wait_dma2 semaphore(%dma_wait3A_166 : memref<!tpu.dma_semaphore, #tpu.memory_space<semaphore_mem>>) src(%dma_wait3A_168 : memref<92160xi32, #tpu.memory_space<hbm>>) dst(%arg13 : memref<92160xi32, #tpu.memory_space<vmem_shared>>)
        %dma_wait3A_169 = arith.constant 1 : i32
        %dma_wait3A_170 = arith.constant 1 : i32
        %dma_wait3A_171 = tpu.memref_slice %arg18[%dma_wait3A_169, %dma_wait3A_170] : memref<2x2x!tpu.dma_semaphore, #tpu.memory_space<semaphore_mem>> -> memref<1x1x!tpu.dma_semaphore, #tpu.memory_space<semaphore_mem>>
        %dma_wait3A_172 = tpu.memref_squeeze %dma_wait3A_171 : memref<1x1x!tpu.dma_semaphore, #tpu.memory_space<semaphore_mem>> -> memref<!tpu.dma_semaphore, #tpu.memory_space<semaphore_mem>>
        %dma_wait3A_173 = arith.constant 0 : i32
        %dma_wait3A_174 = tpu.memref_slice %arg4[%dma_wait3A_173] : memref<11796480xf32, #tpu.memory_space<hbm>> -> memref<92160xf32, #tpu.memory_space<hbm>>
        tpu.wait_dma2 semaphore(%dma_wait3A_172 : memref<!tpu.dma_semaphore, #tpu.memory_space<semaphore_mem>>) src(%dma_wait3A_174 : memref<92160xf32, #tpu.memory_space<hbm>>) dst(%arg15 : memref<92160xf32, #tpu.memory_space<vmem_shared>>)
      } else {
      }
      %barrier3A_115 = arith.constant 0 : index
      tpu.barrier barrier_id(%barrier3A_115)
      %mul3A_116 = arith.constant 5760 : i32
      %mul3A_117 = arith.muli %arg1, %mul3A_116 : i32
      "tpu.region"() ({
        %run_scoped3A_164 = tpu.sem_alloc : memref<!tpu.dma_semaphore, #tpu.memory_space<semaphore_mem>>
        %dma_start3A = tpu.memref_slice %arg13[%mul3A_117] : memref<92160xi32, #tpu.memory_space<vmem_shared>> -> memref<5760xi32, #tpu.memory_space<vmem_shared>>
        %dma_start3A_165 = tpu.memref_slice %arg13[%mul3A_117] : memref<92160xi32, #tpu.memory_space<vmem_shared>> -> memref<5760xi32, #tpu.memory_space<vmem_shared>>
        tpu.enqueue_dma source(%dma_start3A_165 : memref<5760xi32, #tpu.memory_space<vmem_shared>>) target(%arg8 : memref<5760xi32, #tpu.memory_space<vmem>>) target_semaphore(%run_scoped3A_164 : memref<!tpu.dma_semaphore, #tpu.memory_space<semaphore_mem>>)
        %dma_wait3A = tpu.memref_slice %arg13[%mul3A_117] : memref<92160xi32, #tpu.memory_space<vmem_shared>> -> memref<5760xi32, #tpu.memory_space<vmem_shared>>
        %dma_wait3A_166 = tpu.memref_slice %arg13[%mul3A_117] : memref<92160xi32, #tpu.memory_space<vmem_shared>> -> memref<5760xi32, #tpu.memory_space<vmem_shared>>
        tpu.wait_dma2 semaphore(%run_scoped3A_164 : memref<!tpu.dma_semaphore, #tpu.memory_space<semaphore_mem>>) src(%dma_wait3A_166 : memref<5760xi32, #tpu.memory_space<vmem_shared>>) dst(%arg8 : memref<5760xi32, #tpu.memory_space<vmem>>)
        tpu.yield
      }) : () -> ()
      %mul3A_118 = arith.constant 5760 : i32
      %mul3A_119 = arith.muli %arg1, %mul3A_118 : i32
      "tpu.region"() ({
        %run_scoped3A_164 = tpu.sem_alloc : memref<!tpu.dma_semaphore, #tpu.memory_space<semaphore_mem>>
        %dma_start3A = tpu.memref_slice %arg15[%mul3A_119] : memref<92160xf32, #tpu.memory_space<vmem_shared>> -> memref<5760xf32, #tpu.memory_space<vmem_shared>>
        %dma_start3A_165 = tpu.memref_slice %arg15[%mul3A_119] : memref<92160xf32, #tpu.memory_space<vmem_shared>> -> memref<5760xf32, #tpu.memory_space<vmem_shared>>
        tpu.enqueue_dma source(%dma_start3A_165 : memref<5760xf32, #tpu.memory_space<vmem_shared>>) target(%arg9 : memref<5760xf32, #tpu.memory_space<vmem>>) target_semaphore(%run_scoped3A_164 : memref<!tpu.dma_semaphore, #tpu.memory_space<semaphore_mem>>)
        %dma_wait3A = tpu.memref_slice %arg15[%mul3A_119] : memref<92160xf32, #tpu.memory_space<vmem_shared>> -> memref<5760xf32, #tpu.memory_space<vmem_shared>>
        %dma_wait3A_166 = tpu.memref_slice %arg15[%mul3A_119] : memref<92160xf32, #tpu.memory_space<vmem_shared>> -> memref<5760xf32, #tpu.memory_space<vmem_shared>>
        tpu.wait_dma2 semaphore(%run_scoped3A_164 : memref<!tpu.dma_semaphore, #tpu.memory_space<semaphore_mem>>) src(%dma_wait3A_166 : memref<5760xf32, #tpu.memory_space<vmem_shared>>) dst(%arg9 : memref<5760xf32, #tpu.memory_space<vmem>>)
        tpu.yield
      }) : () -> ()
      %barrier3A_120 = arith.constant 0 : index
      tpu.barrier barrier_id(%barrier3A_120)
      %convert_element_type3A_121 = arith.extui %eq3A_0 : i1 to i32
      %cond3A_122 = arith.constant 0 : i32
      %cond3A_123 = arith.cmpi ne, %convert_element_type3A_121, %cond3A_122 : i32
      scf.if %cond3A_123 {
        %add3A_164 = arith.constant 2 : i32
        %add3A_165 = arith.addi %add3A_111, %add3A_164 : i32
        %and3A = arith.constant 63 : i32
        %and3A_166 = arith.andi %add3A_165, %and3A : i32
        %mul3A_167 = arith.constant 92160 : i32
        %mul3A_168 = arith.muli %and3A_166, %mul3A_167 : i32
        %add3A_169 = arith.addi %mul3A_2, %mul3A_168 : i32
        %dma_start3A = arith.constant 1 : i32
        %dma_start3A_170 = arith.constant 0 : i32
        %dma_start3A_171 = tpu.memref_slice %arg18[%dma_start3A, %dma_start3A_170] : memref<2x2x!tpu.dma_semaphore, #tpu.memory_space<semaphore_mem>> -> memref<1x1x!tpu.dma_semaphore, #tpu.memory_space<semaphore_mem>>
        %dma_start3A_172 = tpu.memref_squeeze %dma_start3A_171 : memref<1x1x!tpu.dma_semaphore, #tpu.memory_space<semaphore_mem>> -> memref<!tpu.dma_semaphore, #tpu.memory_space<semaphore_mem>>
        %dma_start3A_173 = tpu.memref_slice %arg3[%add3A_169] : memref<11796480xi32, #tpu.memory_space<hbm>> -> memref<92160xi32, #tpu.memory_space<hbm>>
        tpu.enqueue_dma source(%dma_start3A_173 : memref<92160xi32, #tpu.memory_space<hbm>>) target(%arg13 : memref<92160xi32, #tpu.memory_space<vmem_shared>>) target_semaphore(%dma_start3A_172 : memref<!tpu.dma_semaphore, #tpu.memory_space<semaphore_mem>>)
        %dma_start3A_174 = arith.constant 1 : i32
        %dma_start3A_175 = arith.constant 1 : i32
        %dma_start3A_176 = tpu.memref_slice %arg18[%dma_start3A_174, %dma_start3A_175] : memref<2x2x!tpu.dma_semaphore, #tpu.memory_space<semaphore_mem>> -> memref<1x1x!tpu.dma_semaphore, #tpu.memory_space<semaphore_mem>>
        %dma_start3A_177 = tpu.memref_squeeze %dma_start3A_176 : memref<1x1x!tpu.dma_semaphore, #tpu.memory_space<semaphore_mem>> -> memref<!tpu.dma_semaphore, #tpu.memory_space<semaphore_mem>>
        %dma_start3A_178 = tpu.memref_slice %arg4[%add3A_169] : memref<11796480xf32, #tpu.memory_space<hbm>> -> memref<92160xf32, #tpu.memory_space<hbm>>
        tpu.enqueue_dma source(%dma_start3A_178 : memref<92160xf32, #tpu.memory_space<hbm>>) target(%arg15 : memref<92160xf32, #tpu.memory_space<vmem_shared>>) target_semaphore(%dma_start3A_177 : memref<!tpu.dma_semaphore, #tpu.memory_space<semaphore_mem>>)
      } else {
      }
      %mul3A_124 = arith.constant 180 : i32
      %mul3A_125 = vector.broadcast %mul3A_124 : i32 to vector<16xi32>
      %mul3A_126 = arith.muli %iota3A, %mul3A_125 : vector<16xi32>
      %add3A_127 = arith.constant 0 : i32
      %add3A_128 = vector.broadcast %add3A_127 : i32 to vector<16xi32>
      %add3A_129 = arith.addi %mul3A_126, %add3A_128 : vector<16xi32>
      %broadcast_in_dim3A_130 = arith.constant 0.000000e+00 : f32
      %broadcast_in_dim3A_131 = vector.broadcast %broadcast_in_dim3A_130 : f32 to vector<16xf32>
      %scan3A_132 = arith.constant 0 : i32
      %scan3A_133 = arith.constant 30 : i32
      %scan3A_134 = arith.addi %scan3A_132, %scan3A_133 : i32
      %scan3A_135 = arith.constant 1 : i32
      %scan3A_136:2 = scf.for %scan3A_164 = %scan3A_132 to %scan3A_134 step %scan3A_135 iter_args(%scan3A_165 = %broadcast_in_dim3A_131, %scan3A_166 = %add3A_129) -> (vector<16xf32>, vector<16xi32>)  : i32 {
        %add3A_167 = arith.constant 0 : i32
        %add3A_168 = vector.broadcast %add3A_167 : i32 to vector<16xi32>
        %add3A_169 = arith.addi %scan3A_166, %add3A_168 : vector<16xi32>
        %gather3A = tpu.vector_load_idx %arg8[%add3A_169] : memref<5760xi32, #tpu.memory_space<vmem>>[vector<16xi32>], vector<16xi32>,
        %gather3A_170 = tpu.vector_load_idx %arg9[%add3A_169] : memref<5760xf32, #tpu.memory_space<vmem>>[vector<16xi32>], vector<16xf32>,
        %gather3A_171 = tpu.vector_load_idx %arg7[%gather3A] : memref<69120xf32, #tpu.memory_space<vmem>>[vector<16xi32>], vector<16xf32>,
        %mul3A_172 = arith.mulf %gather3A_171, %gather3A_170 : vector<16xf32>
        %add3A_173 = arith.addf %scan3A_165, %mul3A_172 : vector<16xf32>
        %add3A_174 = arith.constant 1 : i32
        %add3A_175 = vector.broadcast %add3A_174 : i32 to vector<16xi32>
        %add3A_176 = arith.addi %scan3A_166, %add3A_175 : vector<16xi32>
        %gather3A_177 = tpu.vector_load_idx %arg8[%add3A_176] : memref<5760xi32, #tpu.memory_space<vmem>>[vector<16xi32>], vector<16xi32>,
        %gather3A_178 = tpu.vector_load_idx %arg9[%add3A_176] : memref<5760xf32, #tpu.memory_space<vmem>>[vector<16xi32>], vector<16xf32>,
        %gather3A_179 = tpu.vector_load_idx %arg7[%gather3A_177] : memref<69120xf32, #tpu.memory_space<vmem>>[vector<16xi32>], vector<16xf32>,
        %mul3A_180 = arith.mulf %gather3A_179, %gather3A_178 : vector<16xf32>
        %add3A_181 = arith.addf %add3A_173, %mul3A_180 : vector<16xf32>
        %add3A_182 = arith.constant 2 : i32
        %add3A_183 = vector.broadcast %add3A_182 : i32 to vector<16xi32>
        %add3A_184 = arith.addi %scan3A_166, %add3A_183 : vector<16xi32>
        %gather3A_185 = tpu.vector_load_idx %arg8[%add3A_184] : memref<5760xi32, #tpu.memory_space<vmem>>[vector<16xi32>], vector<16xi32>,
        %gather3A_186 = tpu.vector_load_idx %arg9[%add3A_184] : memref<5760xf32, #tpu.memory_space<vmem>>[vector<16xi32>], vector<16xf32>,
        %gather3A_187 = tpu.vector_load_idx %arg7[%gather3A_185] : memref<69120xf32, #tpu.memory_space<vmem>>[vector<16xi32>], vector<16xf32>,
        %mul3A_188 = arith.mulf %gather3A_187, %gather3A_186 : vector<16xf32>
        %add3A_189 = arith.addf %add3A_181, %mul3A_188 : vector<16xf32>
        %add3A_190 = arith.constant 3 : i32
        %add3A_191 = vector.broadcast %add3A_190 : i32 to vector<16xi32>
        %add3A_192 = arith.addi %scan3A_166, %add3A_191 : vector<16xi32>
        %gather3A_193 = tpu.vector_load_idx %arg8[%add3A_192] : memref<5760xi32, #tpu.memory_space<vmem>>[vector<16xi32>], vector<16xi32>,
        %gather3A_194 = tpu.vector_load_idx %arg9[%add3A_192] : memref<5760xf32, #tpu.memory_space<vmem>>[vector<16xi32>], vector<16xf32>,
        %gather3A_195 = tpu.vector_load_idx %arg7[%gather3A_193] : memref<69120xf32, #tpu.memory_space<vmem>>[vector<16xi32>], vector<16xf32>,
        %mul3A_196 = arith.mulf %gather3A_195, %gather3A_194 : vector<16xf32>
        %add3A_197 = arith.addf %add3A_189, %mul3A_196 : vector<16xf32>
        %add3A_198 = arith.constant 4 : i32
        %add3A_199 = vector.broadcast %add3A_198 : i32 to vector<16xi32>
        %add3A_200 = arith.addi %scan3A_166, %add3A_199 : vector<16xi32>
        %gather3A_201 = tpu.vector_load_idx %arg8[%add3A_200] : memref<5760xi32, #tpu.memory_space<vmem>>[vector<16xi32>], vector<16xi32>,
        %gather3A_202 = tpu.vector_load_idx %arg9[%add3A_200] : memref<5760xf32, #tpu.memory_space<vmem>>[vector<16xi32>], vector<16xf32>,
        %gather3A_203 = tpu.vector_load_idx %arg7[%gather3A_201] : memref<69120xf32, #tpu.memory_space<vmem>>[vector<16xi32>], vector<16xf32>,
        %mul3A_204 = arith.mulf %gather3A_203, %gather3A_202 : vector<16xf32>
        %add3A_205 = arith.addf %add3A_197, %mul3A_204 : vector<16xf32>
        %add3A_206 = arith.constant 5 : i32
        %add3A_207 = vector.broadcast %add3A_206 : i32 to vector<16xi32>
        %add3A_208 = arith.addi %scan3A_166, %add3A_207 : vector<16xi32>
        %gather3A_209 = tpu.vector_load_idx %arg8[%add3A_208] : memref<5760xi32, #tpu.memory_space<vmem>>[vector<16xi32>], vector<16xi32>,
        %gather3A_210 = tpu.vector_load_idx %arg9[%add3A_208] : memref<5760xf32, #tpu.memory_space<vmem>>[vector<16xi32>], vector<16xf32>,
        %gather3A_211 = tpu.vector_load_idx %arg7[%gather3A_209] : memref<69120xf32, #tpu.memory_space<vmem>>[vector<16xi32>], vector<16xf32>,
        %mul3A_212 = arith.mulf %gather3A_211, %gather3A_210 : vector<16xf32>
        %add3A_213 = arith.addf %add3A_205, %mul3A_212 : vector<16xf32>
        %add3A_214 = arith.constant 6 : i32
        %add3A_215 = vector.broadcast %add3A_214 : i32 to vector<16xi32>
        %add3A_216 = arith.addi %scan3A_166, %add3A_215 : vector<16xi32>
        scf.yield %add3A_213, %add3A_216 : vector<16xf32>, vector<16xi32>
      }
      %scan3A_137 = arith.constant 30 : i32
      %add3A_138 = arith.addf %scan3A_136#0, %get3A_1 : vector<16xf32>
      %swap3A_139 = arith.constant 0 : index
      %swap3A_140 = tpu.vector_load %arg10[%swap3A_139] {strides = array<i32>} : memref<32xf32, #tpu.memory_space<vmem>>, vector<16xf32>,
      tpu.vector_store %arg10[%swap3A_139], %add3A_138 {strides = array<i32>} : memref<32xf32, #tpu.memory_space<vmem>>, vector<16xf32>,
      %mul3A_141 = arith.constant 180 : i32
      %mul3A_142 = vector.broadcast %mul3A_141 : i32 to vector<16xi32>
      %mul3A_143 = arith.muli %iota3A, %mul3A_142 : vector<16xi32>
      %add3A_144 = arith.constant 2880 : i32
      %add3A_145 = vector.broadcast %add3A_144 : i32 to vector<16xi32>
      %add3A_146 = arith.addi %mul3A_143, %add3A_145 : vector<16xi32>
      %broadcast_in_dim3A_147 = arith.constant 0.000000e+00 : f32
      %broadcast_in_dim3A_148 = vector.broadcast %broadcast_in_dim3A_147 : f32 to vector<16xf32>
      %scan3A_149 = arith.constant 0 : i32
      %scan3A_150 = arith.constant 30 : i32
      %scan3A_151 = arith.addi %scan3A_149, %scan3A_150 : i32
      %scan3A_152 = arith.constant 1 : i32
      %scan3A_153:2 = scf.for %scan3A_164 = %scan3A_149 to %scan3A_151 step %scan3A_152 iter_args(%scan3A_165 = %broadcast_in_dim3A_148, %scan3A_166 = %add3A_146) -> (vector<16xf32>, vector<16xi32>)  : i32 {
        %add3A_167 = arith.constant 0 : i32
        %add3A_168 = vector.broadcast %add3A_167 : i32 to vector<16xi32>
        %add3A_169 = arith.addi %scan3A_166, %add3A_168 : vector<16xi32>
        %gather3A = tpu.vector_load_idx %arg8[%add3A_169] : memref<5760xi32, #tpu.memory_space<vmem>>[vector<16xi32>], vector<16xi32>,
        %gather3A_170 = tpu.vector_load_idx %arg9[%add3A_169] : memref<5760xf32, #tpu.memory_space<vmem>>[vector<16xi32>], vector<16xf32>,
        %gather3A_171 = tpu.vector_load_idx %arg7[%gather3A] : memref<69120xf32, #tpu.memory_space<vmem>>[vector<16xi32>], vector<16xf32>,
        %mul3A_172 = arith.mulf %gather3A_171, %gather3A_170 : vector<16xf32>
        %add3A_173 = arith.addf %scan3A_165, %mul3A_172 : vector<16xf32>
        %add3A_174 = arith.constant 1 : i32
        %add3A_175 = vector.broadcast %add3A_174 : i32 to vector<16xi32>
        %add3A_176 = arith.addi %scan3A_166, %add3A_175 : vector<16xi32>
        %gather3A_177 = tpu.vector_load_idx %arg8[%add3A_176] : memref<5760xi32, #tpu.memory_space<vmem>>[vector<16xi32>], vector<16xi32>,
        %gather3A_178 = tpu.vector_load_idx %arg9[%add3A_176] : memref<5760xf32, #tpu.memory_space<vmem>>[vector<16xi32>], vector<16xf32>,
        %gather3A_179 = tpu.vector_load_idx %arg7[%gather3A_177] : memref<69120xf32, #tpu.memory_space<vmem>>[vector<16xi32>], vector<16xf32>,
        %mul3A_180 = arith.mulf %gather3A_179, %gather3A_178 : vector<16xf32>
        %add3A_181 = arith.addf %add3A_173, %mul3A_180 : vector<16xf32>
        %add3A_182 = arith.constant 2 : i32
        %add3A_183 = vector.broadcast %add3A_182 : i32 to vector<16xi32>
        %add3A_184 = arith.addi %scan3A_166, %add3A_183 : vector<16xi32>
        %gather3A_185 = tpu.vector_load_idx %arg8[%add3A_184] : memref<5760xi32, #tpu.memory_space<vmem>>[vector<16xi32>], vector<16xi32>,
        %gather3A_186 = tpu.vector_load_idx %arg9[%add3A_184] : memref<5760xf32, #tpu.memory_space<vmem>>[vector<16xi32>], vector<16xf32>,
        %gather3A_187 = tpu.vector_load_idx %arg7[%gather3A_185] : memref<69120xf32, #tpu.memory_space<vmem>>[vector<16xi32>], vector<16xf32>,
        %mul3A_188 = arith.mulf %gather3A_187, %gather3A_186 : vector<16xf32>
        %add3A_189 = arith.addf %add3A_181, %mul3A_188 : vector<16xf32>
        %add3A_190 = arith.constant 3 : i32
        %add3A_191 = vector.broadcast %add3A_190 : i32 to vector<16xi32>
        %add3A_192 = arith.addi %scan3A_166, %add3A_191 : vector<16xi32>
        %gather3A_193 = tpu.vector_load_idx %arg8[%add3A_192] : memref<5760xi32, #tpu.memory_space<vmem>>[vector<16xi32>], vector<16xi32>,
        %gather3A_194 = tpu.vector_load_idx %arg9[%add3A_192] : memref<5760xf32, #tpu.memory_space<vmem>>[vector<16xi32>], vector<16xf32>,
        %gather3A_195 = tpu.vector_load_idx %arg7[%gather3A_193] : memref<69120xf32, #tpu.memory_space<vmem>>[vector<16xi32>], vector<16xf32>,
        %mul3A_196 = arith.mulf %gather3A_195, %gather3A_194 : vector<16xf32>
        %add3A_197 = arith.addf %add3A_189, %mul3A_196 : vector<16xf32>
        %add3A_198 = arith.constant 4 : i32
        %add3A_199 = vector.broadcast %add3A_198 : i32 to vector<16xi32>
        %add3A_200 = arith.addi %scan3A_166, %add3A_199 : vector<16xi32>
        %gather3A_201 = tpu.vector_load_idx %arg8[%add3A_200] : memref<5760xi32, #tpu.memory_space<vmem>>[vector<16xi32>], vector<16xi32>,
        %gather3A_202 = tpu.vector_load_idx %arg9[%add3A_200] : memref<5760xf32, #tpu.memory_space<vmem>>[vector<16xi32>], vector<16xf32>,
        %gather3A_203 = tpu.vector_load_idx %arg7[%gather3A_201] : memref<69120xf32, #tpu.memory_space<vmem>>[vector<16xi32>], vector<16xf32>,
        %mul3A_204 = arith.mulf %gather3A_203, %gather3A_202 : vector<16xf32>
        %add3A_205 = arith.addf %add3A_197, %mul3A_204 : vector<16xf32>
        %add3A_206 = arith.constant 5 : i32
        %add3A_207 = vector.broadcast %add3A_206 : i32 to vector<16xi32>
        %add3A_208 = arith.addi %scan3A_166, %add3A_207 : vector<16xi32>
        %gather3A_209 = tpu.vector_load_idx %arg8[%add3A_208] : memref<5760xi32, #tpu.memory_space<vmem>>[vector<16xi32>], vector<16xi32>,
        %gather3A_210 = tpu.vector_load_idx %arg9[%add3A_208] : memref<5760xf32, #tpu.memory_space<vmem>>[vector<16xi32>], vector<16xf32>,
        %gather3A_211 = tpu.vector_load_idx %arg7[%gather3A_209] : memref<69120xf32, #tpu.memory_space<vmem>>[vector<16xi32>], vector<16xf32>,
        %mul3A_212 = arith.mulf %gather3A_211, %gather3A_210 : vector<16xf32>
        %add3A_213 = arith.addf %add3A_205, %mul3A_212 : vector<16xf32>
        %add3A_214 = arith.constant 6 : i32
        %add3A_215 = vector.broadcast %add3A_214 : i32 to vector<16xi32>
        %add3A_216 = arith.addi %scan3A_166, %add3A_215 : vector<16xi32>
        scf.yield %add3A_213, %add3A_216 : vector<16xf32>, vector<16xi32>
      }
      %scan3A_154 = arith.constant 30 : i32
      %add3A_155 = arith.addf %scan3A_153#0, %get3A_1 : vector<16xf32>
      %swap3A_156 = arith.constant 16 : index
      %swap3A_157 = tpu.vector_load %arg10[%swap3A_156] {strides = array<i32>} : memref<32xf32, #tpu.memory_space<vmem>>, vector<16xf32>,
      tpu.vector_store %arg10[%swap3A_156], %add3A_155 {strides = array<i32>} : memref<32xf32, #tpu.memory_space<vmem>>, vector<16xf32>,
      %mul3A_158 = arith.constant 512 : i32
      %mul3A_159 = arith.muli %add3A_111, %mul3A_158 : i32
      %mul3A_160 = arith.constant 32 : i32
      %mul3A_161 = arith.muli %arg1, %mul3A_160 : i32
      %add3A_162 = arith.addi %mul3A_159, %mul3A_161 : i32
      "tpu.region"() ({
        %run_scoped3A_164 = tpu.sem_alloc : memref<!tpu.dma_semaphore, #tpu.memory_space<semaphore_mem>>
        %dma_start3A = tpu.memref_slice %arg16[%add3A_162] : memref<32768xf32, #tpu.memory_space<vmem_shared>> -> memref<32xf32, #tpu.memory_space<vmem_shared>>
        %dma_start3A_165 = tpu.memref_slice %arg16[%add3A_162] : memref<32768xf32, #tpu.memory_space<vmem_shared>> -> memref<32xf32, #tpu.memory_space<vmem_shared>>
        tpu.enqueue_dma source(%arg10 : memref<32xf32, #tpu.memory_space<vmem>>) target(%dma_start3A_165 : memref<32xf32, #tpu.memory_space<vmem_shared>>) target_semaphore(%run_scoped3A_164 : memref<!tpu.dma_semaphore, #tpu.memory_space<semaphore_mem>>)
        %dma_wait3A = tpu.memref_slice %arg16[%add3A_162] : memref<32768xf32, #tpu.memory_space<vmem_shared>> -> memref<32xf32, #tpu.memory_space<vmem_shared>>
        %dma_wait3A_166 = tpu.memref_slice %arg16[%add3A_162] : memref<32768xf32, #tpu.memory_space<vmem_shared>> -> memref<32xf32, #tpu.memory_space<vmem_shared>>
        tpu.wait_dma2 semaphore(%run_scoped3A_164 : memref<!tpu.dma_semaphore, #tpu.memory_space<semaphore_mem>>) src(%arg10 : memref<32xf32, #tpu.memory_space<vmem>>) dst(%dma_wait3A_166 : memref<32xf32, #tpu.memory_space<vmem_shared>>)
        tpu.yield
      }) : () -> ()
      %scan3A_163 = arith.constant 0 : i32
      scf.yield %scan3A_163 : i32
    }
    %scan3A_35 = arith.constant 32 : i32
    %barrier3A_36 = arith.constant 0 : index
    tpu.barrier barrier_id(%barrier3A_36)
    %convert_element_type3A_37 = arith.extui %eq3A_0 : i1 to i32
    %cond3A_38 = arith.constant 0 : i32
    %cond3A_39 = arith.cmpi ne, %convert_element_type3A_37, %cond3A_38 : i32
    scf.if %cond3A_39 {
      %mul3A_58 = arith.constant 32768 : i32
      %mul3A_59 = arith.muli %arg0, %mul3A_58 : i32
      %dma_start3A = arith.constant 2 : i32
      %dma_start3A_60 = arith.constant 0 : i32
      %dma_start3A_61 = tpu.memref_slice %arg19[%dma_start3A_60] : memref<2x!tpu.dma_semaphore, #tpu.memory_space<semaphore_mem>> -> memref<1x!tpu.dma_semaphore, #tpu.memory_space<semaphore_mem>>
      %dma_start3A_62 = tpu.memref_squeeze %dma_start3A_61 : memref<1x!tpu.dma_semaphore, #tpu.memory_space<semaphore_mem>> -> memref<!tpu.dma_semaphore, #tpu.memory_space<semaphore_mem>>
      %dma_start3A_63 = tpu.memref_slice %arg6[%dma_start3A, %mul3A_59] : memref<4x65536xf32, #tpu.memory_space<hbm>> -> memref<1x32768xf32, #tpu.memory_space<hbm>>
      %dma_start3A_64 = tpu.memref_squeeze %dma_start3A_63 : memref<1x32768xf32, #tpu.memory_space<hbm>> -> memref<32768xf32, #tpu.memory_space<hbm>>
      tpu.enqueue_dma source(%arg16 : memref<32768xf32, #tpu.memory_space<vmem_shared>>) target(%dma_start3A_64 : memref<32768xf32, #tpu.memory_space<hbm>>) target_semaphore(%dma_start3A_62 : memref<!tpu.dma_semaphore, #tpu.memory_space<semaphore_mem>>)
    } else {
    }
    %run_scoped3A_40 = arith.constant 3 : i32
    "tpu.region"() ({
      %run_scoped3A_58 = tpu.sem_alloc : memref<!tpu.dma_semaphore, #tpu.memory_space<semaphore_mem>>
      %dma_start3A = arith.constant 0 : i32
      %dma_start3A_59 = tpu.memref_slice %arg2[%run_scoped3A_40, %dma_start3A] : memref<4x69120xf32, #tpu.memory_space<hbm>> -> memref<1x69120xf32, #tpu.memory_space<hbm>>
      %dma_start3A_60 = tpu.memref_squeeze %dma_start3A_59 : memref<1x69120xf32, #tpu.memory_space<hbm>> -> memref<69120xf32, #tpu.memory_space<hbm>>
      %dma_start3A_61 = arith.constant 0 : i32
      %dma_start3A_62 = tpu.memref_slice %arg2[%run_scoped3A_40, %dma_start3A_61] : memref<4x69120xf32, #tpu.memory_space<hbm>> -> memref<1x69120xf32, #tpu.memory_space<hbm>>
      %dma_start3A_63 = tpu.memref_squeeze %dma_start3A_62 : memref<1x69120xf32, #tpu.memory_space<hbm>> -> memref<69120xf32, #tpu.memory_space<hbm>>
      tpu.enqueue_dma source(%dma_start3A_63 : memref<69120xf32, #tpu.memory_space<hbm>>) target(%arg7 : memref<69120xf32, #tpu.memory_space<vmem>>) target_semaphore(%run_scoped3A_58 : memref<!tpu.dma_semaphore, #tpu.memory_space<semaphore_mem>>)
      %dma_wait3A = arith.constant 0 : i32
      %dma_wait3A_64 = tpu.memref_slice %arg2[%run_scoped3A_40, %dma_wait3A] : memref<4x69120xf32, #tpu.memory_space<hbm>> -> memref<1x69120xf32, #tpu.memory_space<hbm>>
      %dma_wait3A_65 = tpu.memref_squeeze %dma_wait3A_64 : memref<1x69120xf32, #tpu.memory_space<hbm>> -> memref<69120xf32, #tpu.memory_space<hbm>>
      %dma_wait3A_66 = arith.constant 0 : i32
      %dma_wait3A_67 = tpu.memref_slice %arg2[%run_scoped3A_40, %dma_wait3A_66] : memref<4x69120xf32, #tpu.memory_space<hbm>> -> memref<1x69120xf32, #tpu.memory_space<hbm>>
      %dma_wait3A_68 = tpu.memref_squeeze %dma_wait3A_67 : memref<1x69120xf32, #tpu.memory_space<hbm>> -> memref<69120xf32, #tpu.memory_space<hbm>>
      tpu.wait_dma2 semaphore(%run_scoped3A_58 : memref<!tpu.dma_semaphore, #tpu.memory_space<semaphore_mem>>) src(%dma_wait3A_68 : memref<69120xf32, #tpu.memory_space<hbm>>) dst(%arg7 : memref<69120xf32, #tpu.memory_space<vmem>>)
      tpu.yield
    }) : () -> ()
    %convert_element_type3A_41 = arith.extui %eq3A_0 : i1 to i32
    %cond3A_42 = arith.constant 0 : i32
    %cond3A_43 = arith.cmpi ne, %convert_element_type3A_41, %cond3A_42 : i32
    scf.if %cond3A_43 {
      %mul3A_58 = arith.constant 32768 : i32
      %mul3A_59 = arith.muli %arg0, %mul3A_58 : i32
      %dma_wait3A = arith.constant 1 : i32
      %dma_wait3A_60 = arith.constant 1 : i32
      %dma_wait3A_61 = tpu.memref_slice %arg19[%dma_wait3A_60] : memref<2x!tpu.dma_semaphore, #tpu.memory_space<semaphore_mem>> -> memref<1x!tpu.dma_semaphore, #tpu.memory_space<semaphore_mem>>
      %dma_wait3A_62 = tpu.memref_squeeze %dma_wait3A_61 : memref<1x!tpu.dma_semaphore, #tpu.memory_space<semaphore_mem>> -> memref<!tpu.dma_semaphore, #tpu.memory_space<semaphore_mem>>
      %dma_wait3A_63 = tpu.memref_slice %arg6[%dma_wait3A, %mul3A_59] : memref<4x65536xf32, #tpu.memory_space<hbm>> -> memref<1x32768xf32, #tpu.memory_space<hbm>>
      %dma_wait3A_64 = tpu.memref_squeeze %dma_wait3A_63 : memref<1x32768xf32, #tpu.memory_space<hbm>> -> memref<32768xf32, #tpu.memory_space<hbm>>
      tpu.wait_dma2 semaphore(%dma_wait3A_62 : memref<!tpu.dma_semaphore, #tpu.memory_space<semaphore_mem>>) src(%arg17 : memref<32768xf32, #tpu.memory_space<vmem_shared>>) dst(%dma_wait3A_64 : memref<32768xf32, #tpu.memory_space<hbm>>)
    } else {
    }
    %scan3A_44 = arith.constant 0 : i32
    %scan3A_45 = arith.constant 0 : i32
    %scan3A_46 = arith.constant 32 : i32
    %scan3A_47 = arith.addi %scan3A_45, %scan3A_46 : i32
    %scan3A_48 = arith.constant 1 : i32
    %scan3A_49 = scf.for %scan3A_58 = %scan3A_45 to %scan3A_47 step %scan3A_48 iter_args(%scan3A_59 = %scan3A_44) -> (i32)  : i32 {
      %mul3A_60 = arith.constant 2 : i32
      %mul3A_61 = arith.muli %scan3A_58, %mul3A_60 : i32
      %convert_element_type3A_62 = arith.extui %eq3A_0 : i1 to i32
      %cond3A_63 = arith.constant 0 : i32
      %cond3A_64 = arith.cmpi ne, %convert_element_type3A_62, %cond3A_63 : i32
      scf.if %cond3A_64 {
        %dma_wait3A = arith.constant 0 : i32
        %dma_wait3A_164 = arith.constant 0 : i32
        %dma_wait3A_165 = tpu.memref_slice %arg18[%dma_wait3A, %dma_wait3A_164] : memref<2x2x!tpu.dma_semaphore, #tpu.memory_space<semaphore_mem>> -> memref<1x1x!tpu.dma_semaphore, #tpu.memory_space<semaphore_mem>>
        %dma_wait3A_166 = tpu.memref_squeeze %dma_wait3A_165 : memref<1x1x!tpu.dma_semaphore, #tpu.memory_space<semaphore_mem>> -> memref<!tpu.dma_semaphore, #tpu.memory_space<semaphore_mem>>
        %dma_wait3A_167 = arith.constant 0 : i32
        %dma_wait3A_168 = tpu.memref_slice %arg3[%dma_wait3A_167] : memref<11796480xi32, #tpu.memory_space<hbm>> -> memref<92160xi32, #tpu.memory_space<hbm>>
        tpu.wait_dma2 semaphore(%dma_wait3A_166 : memref<!tpu.dma_semaphore, #tpu.memory_space<semaphore_mem>>) src(%dma_wait3A_168 : memref<92160xi32, #tpu.memory_space<hbm>>) dst(%arg12 : memref<92160xi32, #tpu.memory_space<vmem_shared>>)
        %dma_wait3A_169 = arith.constant 0 : i32
        %dma_wait3A_170 = arith.constant 1 : i32
        %dma_wait3A_171 = tpu.memref_slice %arg18[%dma_wait3A_169, %dma_wait3A_170] : memref<2x2x!tpu.dma_semaphore, #tpu.memory_space<semaphore_mem>> -> memref<1x1x!tpu.dma_semaphore, #tpu.memory_space<semaphore_mem>>
        %dma_wait3A_172 = tpu.memref_squeeze %dma_wait3A_171 : memref<1x1x!tpu.dma_semaphore, #tpu.memory_space<semaphore_mem>> -> memref<!tpu.dma_semaphore, #tpu.memory_space<semaphore_mem>>
        %dma_wait3A_173 = arith.constant 0 : i32
        %dma_wait3A_174 = tpu.memref_slice %arg4[%dma_wait3A_173] : memref<11796480xf32, #tpu.memory_space<hbm>> -> memref<92160xf32, #tpu.memory_space<hbm>>
        tpu.wait_dma2 semaphore(%dma_wait3A_172 : memref<!tpu.dma_semaphore, #tpu.memory_space<semaphore_mem>>) src(%dma_wait3A_174 : memref<92160xf32, #tpu.memory_space<hbm>>) dst(%arg14 : memref<92160xf32, #tpu.memory_space<vmem_shared>>)
      } else {
      }
      %barrier3A_65 = arith.constant 0 : index
      tpu.barrier barrier_id(%barrier3A_65)
      %mul3A_66 = arith.constant 5760 : i32
      %mul3A_67 = arith.muli %arg1, %mul3A_66 : i32
      "tpu.region"() ({
        %run_scoped3A_164 = tpu.sem_alloc : memref<!tpu.dma_semaphore, #tpu.memory_space<semaphore_mem>>
        %dma_start3A = tpu.memref_slice %arg12[%mul3A_67] : memref<92160xi32, #tpu.memory_space<vmem_shared>> -> memref<5760xi32, #tpu.memory_space<vmem_shared>>
        %dma_start3A_165 = tpu.memref_slice %arg12[%mul3A_67] : memref<92160xi32, #tpu.memory_space<vmem_shared>> -> memref<5760xi32, #tpu.memory_space<vmem_shared>>
        tpu.enqueue_dma source(%dma_start3A_165 : memref<5760xi32, #tpu.memory_space<vmem_shared>>) target(%arg8 : memref<5760xi32, #tpu.memory_space<vmem>>) target_semaphore(%run_scoped3A_164 : memref<!tpu.dma_semaphore, #tpu.memory_space<semaphore_mem>>)
        %dma_wait3A = tpu.memref_slice %arg12[%mul3A_67] : memref<92160xi32, #tpu.memory_space<vmem_shared>> -> memref<5760xi32, #tpu.memory_space<vmem_shared>>
        %dma_wait3A_166 = tpu.memref_slice %arg12[%mul3A_67] : memref<92160xi32, #tpu.memory_space<vmem_shared>> -> memref<5760xi32, #tpu.memory_space<vmem_shared>>
        tpu.wait_dma2 semaphore(%run_scoped3A_164 : memref<!tpu.dma_semaphore, #tpu.memory_space<semaphore_mem>>) src(%dma_wait3A_166 : memref<5760xi32, #tpu.memory_space<vmem_shared>>) dst(%arg8 : memref<5760xi32, #tpu.memory_space<vmem>>)
        tpu.yield
      }) : () -> ()
      %mul3A_68 = arith.constant 5760 : i32
      %mul3A_69 = arith.muli %arg1, %mul3A_68 : i32
      "tpu.region"() ({
        %run_scoped3A_164 = tpu.sem_alloc : memref<!tpu.dma_semaphore, #tpu.memory_space<semaphore_mem>>
        %dma_start3A = tpu.memref_slice %arg14[%mul3A_69] : memref<92160xf32, #tpu.memory_space<vmem_shared>> -> memref<5760xf32, #tpu.memory_space<vmem_shared>>
        %dma_start3A_165 = tpu.memref_slice %arg14[%mul3A_69] : memref<92160xf32, #tpu.memory_space<vmem_shared>> -> memref<5760xf32, #tpu.memory_space<vmem_shared>>
        tpu.enqueue_dma source(%dma_start3A_165 : memref<5760xf32, #tpu.memory_space<vmem_shared>>) target(%arg9 : memref<5760xf32, #tpu.memory_space<vmem>>) target_semaphore(%run_scoped3A_164 : memref<!tpu.dma_semaphore, #tpu.memory_space<semaphore_mem>>)
        %dma_wait3A = tpu.memref_slice %arg14[%mul3A_69] : memref<92160xf32, #tpu.memory_space<vmem_shared>> -> memref<5760xf32, #tpu.memory_space<vmem_shared>>
        %dma_wait3A_166 = tpu.memref_slice %arg14[%mul3A_69] : memref<92160xf32, #tpu.memory_space<vmem_shared>> -> memref<5760xf32, #tpu.memory_space<vmem_shared>>
        tpu.wait_dma2 semaphore(%run_scoped3A_164 : memref<!tpu.dma_semaphore, #tpu.memory_space<semaphore_mem>>) src(%dma_wait3A_166 : memref<5760xf32, #tpu.memory_space<vmem_shared>>) dst(%arg9 : memref<5760xf32, #tpu.memory_space<vmem>>)
        tpu.yield
      }) : () -> ()
      %barrier3A_70 = arith.constant 0 : index
      tpu.barrier barrier_id(%barrier3A_70)
      %convert_element_type3A_71 = arith.extui %eq3A_0 : i1 to i32
      %cond3A_72 = arith.constant 0 : i32
      %cond3A_73 = arith.cmpi ne, %convert_element_type3A_71, %cond3A_72 : i32
      scf.if %cond3A_73 {
        %add3A_164 = arith.constant 2 : i32
        %add3A_165 = arith.addi %mul3A_61, %add3A_164 : i32
        %and3A = arith.constant 63 : i32
        %and3A_166 = arith.andi %add3A_165, %and3A : i32
        %mul3A_167 = arith.constant 92160 : i32
        %mul3A_168 = arith.muli %and3A_166, %mul3A_167 : i32
        %add3A_169 = arith.addi %mul3A_2, %mul3A_168 : i32
        %dma_start3A = arith.constant 0 : i32
        %dma_start3A_170 = arith.constant 0 : i32
        %dma_start3A_171 = tpu.memref_slice %arg18[%dma_start3A, %dma_start3A_170] : memref<2x2x!tpu.dma_semaphore, #tpu.memory_space<semaphore_mem>> -> memref<1x1x!tpu.dma_semaphore, #tpu.memory_space<semaphore_mem>>
        %dma_start3A_172 = tpu.memref_squeeze %dma_start3A_171 : memref<1x1x!tpu.dma_semaphore, #tpu.memory_space<semaphore_mem>> -> memref<!tpu.dma_semaphore, #tpu.memory_space<semaphore_mem>>
        %dma_start3A_173 = tpu.memref_slice %arg3[%add3A_169] : memref<11796480xi32, #tpu.memory_space<hbm>> -> memref<92160xi32, #tpu.memory_space<hbm>>
        tpu.enqueue_dma source(%dma_start3A_173 : memref<92160xi32, #tpu.memory_space<hbm>>) target(%arg12 : memref<92160xi32, #tpu.memory_space<vmem_shared>>) target_semaphore(%dma_start3A_172 : memref<!tpu.dma_semaphore, #tpu.memory_space<semaphore_mem>>)
        %dma_start3A_174 = arith.constant 0 : i32
        %dma_start3A_175 = arith.constant 1 : i32
        %dma_start3A_176 = tpu.memref_slice %arg18[%dma_start3A_174, %dma_start3A_175] : memref<2x2x!tpu.dma_semaphore, #tpu.memory_space<semaphore_mem>> -> memref<1x1x!tpu.dma_semaphore, #tpu.memory_space<semaphore_mem>>
        %dma_start3A_177 = tpu.memref_squeeze %dma_start3A_176 : memref<1x1x!tpu.dma_semaphore, #tpu.memory_space<semaphore_mem>> -> memref<!tpu.dma_semaphore, #tpu.memory_space<semaphore_mem>>
        %dma_start3A_178 = tpu.memref_slice %arg4[%add3A_169] : memref<11796480xf32, #tpu.memory_space<hbm>> -> memref<92160xf32, #tpu.memory_space<hbm>>
        tpu.enqueue_dma source(%dma_start3A_178 : memref<92160xf32, #tpu.memory_space<hbm>>) target(%arg14 : memref<92160xf32, #tpu.memory_space<vmem_shared>>) target_semaphore(%dma_start3A_177 : memref<!tpu.dma_semaphore, #tpu.memory_space<semaphore_mem>>)
      } else {
      }
      %mul3A_74 = arith.constant 180 : i32
      %mul3A_75 = vector.broadcast %mul3A_74 : i32 to vector<16xi32>
      %mul3A_76 = arith.muli %iota3A, %mul3A_75 : vector<16xi32>
      %add3A = arith.constant 0 : i32
      %add3A_77 = vector.broadcast %add3A : i32 to vector<16xi32>
      %add3A_78 = arith.addi %mul3A_76, %add3A_77 : vector<16xi32>
      %broadcast_in_dim3A = arith.constant 0.000000e+00 : f32
      %broadcast_in_dim3A_79 = vector.broadcast %broadcast_in_dim3A : f32 to vector<16xf32>
      %scan3A_80 = arith.constant 0 : i32
      %scan3A_81 = arith.constant 30 : i32
      %scan3A_82 = arith.addi %scan3A_80, %scan3A_81 : i32
      %scan3A_83 = arith.constant 1 : i32
      %scan3A_84:2 = scf.for %scan3A_164 = %scan3A_80 to %scan3A_82 step %scan3A_83 iter_args(%scan3A_165 = %broadcast_in_dim3A_79, %scan3A_166 = %add3A_78) -> (vector<16xf32>, vector<16xi32>)  : i32 {
        %add3A_167 = arith.constant 0 : i32
        %add3A_168 = vector.broadcast %add3A_167 : i32 to vector<16xi32>
        %add3A_169 = arith.addi %scan3A_166, %add3A_168 : vector<16xi32>
        %gather3A = tpu.vector_load_idx %arg8[%add3A_169] : memref<5760xi32, #tpu.memory_space<vmem>>[vector<16xi32>], vector<16xi32>,
        %gather3A_170 = tpu.vector_load_idx %arg9[%add3A_169] : memref<5760xf32, #tpu.memory_space<vmem>>[vector<16xi32>], vector<16xf32>,
        %gather3A_171 = tpu.vector_load_idx %arg7[%gather3A] : memref<69120xf32, #tpu.memory_space<vmem>>[vector<16xi32>], vector<16xf32>,
        %mul3A_172 = arith.mulf %gather3A_171, %gather3A_170 : vector<16xf32>
        %add3A_173 = arith.addf %scan3A_165, %mul3A_172 : vector<16xf32>
        %add3A_174 = arith.constant 1 : i32
        %add3A_175 = vector.broadcast %add3A_174 : i32 to vector<16xi32>
        %add3A_176 = arith.addi %scan3A_166, %add3A_175 : vector<16xi32>
        %gather3A_177 = tpu.vector_load_idx %arg8[%add3A_176] : memref<5760xi32, #tpu.memory_space<vmem>>[vector<16xi32>], vector<16xi32>,
        %gather3A_178 = tpu.vector_load_idx %arg9[%add3A_176] : memref<5760xf32, #tpu.memory_space<vmem>>[vector<16xi32>], vector<16xf32>,
        %gather3A_179 = tpu.vector_load_idx %arg7[%gather3A_177] : memref<69120xf32, #tpu.memory_space<vmem>>[vector<16xi32>], vector<16xf32>,
        %mul3A_180 = arith.mulf %gather3A_179, %gather3A_178 : vector<16xf32>
        %add3A_181 = arith.addf %add3A_173, %mul3A_180 : vector<16xf32>
        %add3A_182 = arith.constant 2 : i32
        %add3A_183 = vector.broadcast %add3A_182 : i32 to vector<16xi32>
        %add3A_184 = arith.addi %scan3A_166, %add3A_183 : vector<16xi32>
        %gather3A_185 = tpu.vector_load_idx %arg8[%add3A_184] : memref<5760xi32, #tpu.memory_space<vmem>>[vector<16xi32>], vector<16xi32>,
        %gather3A_186 = tpu.vector_load_idx %arg9[%add3A_184] : memref<5760xf32, #tpu.memory_space<vmem>>[vector<16xi32>], vector<16xf32>,
        %gather3A_187 = tpu.vector_load_idx %arg7[%gather3A_185] : memref<69120xf32, #tpu.memory_space<vmem>>[vector<16xi32>], vector<16xf32>,
        %mul3A_188 = arith.mulf %gather3A_187, %gather3A_186 : vector<16xf32>
        %add3A_189 = arith.addf %add3A_181, %mul3A_188 : vector<16xf32>
        %add3A_190 = arith.constant 3 : i32
        %add3A_191 = vector.broadcast %add3A_190 : i32 to vector<16xi32>
        %add3A_192 = arith.addi %scan3A_166, %add3A_191 : vector<16xi32>
        %gather3A_193 = tpu.vector_load_idx %arg8[%add3A_192] : memref<5760xi32, #tpu.memory_space<vmem>>[vector<16xi32>], vector<16xi32>,
        %gather3A_194 = tpu.vector_load_idx %arg9[%add3A_192] : memref<5760xf32, #tpu.memory_space<vmem>>[vector<16xi32>], vector<16xf32>,
        %gather3A_195 = tpu.vector_load_idx %arg7[%gather3A_193] : memref<69120xf32, #tpu.memory_space<vmem>>[vector<16xi32>], vector<16xf32>,
        %mul3A_196 = arith.mulf %gather3A_195, %gather3A_194 : vector<16xf32>
        %add3A_197 = arith.addf %add3A_189, %mul3A_196 : vector<16xf32>
        %add3A_198 = arith.constant 4 : i32
        %add3A_199 = vector.broadcast %add3A_198 : i32 to vector<16xi32>
        %add3A_200 = arith.addi %scan3A_166, %add3A_199 : vector<16xi32>
        %gather3A_201 = tpu.vector_load_idx %arg8[%add3A_200] : memref<5760xi32, #tpu.memory_space<vmem>>[vector<16xi32>], vector<16xi32>,
        %gather3A_202 = tpu.vector_load_idx %arg9[%add3A_200] : memref<5760xf32, #tpu.memory_space<vmem>>[vector<16xi32>], vector<16xf32>,
        %gather3A_203 = tpu.vector_load_idx %arg7[%gather3A_201] : memref<69120xf32, #tpu.memory_space<vmem>>[vector<16xi32>], vector<16xf32>,
        %mul3A_204 = arith.mulf %gather3A_203, %gather3A_202 : vector<16xf32>
        %add3A_205 = arith.addf %add3A_197, %mul3A_204 : vector<16xf32>
        %add3A_206 = arith.constant 5 : i32
        %add3A_207 = vector.broadcast %add3A_206 : i32 to vector<16xi32>
        %add3A_208 = arith.addi %scan3A_166, %add3A_207 : vector<16xi32>
        %gather3A_209 = tpu.vector_load_idx %arg8[%add3A_208] : memref<5760xi32, #tpu.memory_space<vmem>>[vector<16xi32>], vector<16xi32>,
        %gather3A_210 = tpu.vector_load_idx %arg9[%add3A_208] : memref<5760xf32, #tpu.memory_space<vmem>>[vector<16xi32>], vector<16xf32>,
        %gather3A_211 = tpu.vector_load_idx %arg7[%gather3A_209] : memref<69120xf32, #tpu.memory_space<vmem>>[vector<16xi32>], vector<16xf32>,
        %mul3A_212 = arith.mulf %gather3A_211, %gather3A_210 : vector<16xf32>
        %add3A_213 = arith.addf %add3A_205, %mul3A_212 : vector<16xf32>
        %add3A_214 = arith.constant 6 : i32
        %add3A_215 = vector.broadcast %add3A_214 : i32 to vector<16xi32>
        %add3A_216 = arith.addi %scan3A_166, %add3A_215 : vector<16xi32>
        scf.yield %add3A_213, %add3A_216 : vector<16xf32>, vector<16xi32>
      }
      %scan3A_85 = arith.constant 30 : i32
      %add3A_86 = arith.addf %scan3A_84#0, %get3A_1 : vector<16xf32>
      %swap3A = arith.constant 0 : index
      %swap3A_87 = tpu.vector_load %arg10[%swap3A] {strides = array<i32>} : memref<32xf32, #tpu.memory_space<vmem>>, vector<16xf32>,
      tpu.vector_store %arg10[%swap3A], %add3A_86 {strides = array<i32>} : memref<32xf32, #tpu.memory_space<vmem>>, vector<16xf32>,
      %mul3A_88 = arith.constant 180 : i32
      %mul3A_89 = vector.broadcast %mul3A_88 : i32 to vector<16xi32>
      %mul3A_90 = arith.muli %iota3A, %mul3A_89 : vector<16xi32>
      %add3A_91 = arith.constant 2880 : i32
      %add3A_92 = vector.broadcast %add3A_91 : i32 to vector<16xi32>
      %add3A_93 = arith.addi %mul3A_90, %add3A_92 : vector<16xi32>
      %broadcast_in_dim3A_94 = arith.constant 0.000000e+00 : f32
      %broadcast_in_dim3A_95 = vector.broadcast %broadcast_in_dim3A_94 : f32 to vector<16xf32>
      %scan3A_96 = arith.constant 0 : i32
      %scan3A_97 = arith.constant 30 : i32
      %scan3A_98 = arith.addi %scan3A_96, %scan3A_97 : i32
      %scan3A_99 = arith.constant 1 : i32
      %scan3A_100:2 = scf.for %scan3A_164 = %scan3A_96 to %scan3A_98 step %scan3A_99 iter_args(%scan3A_165 = %broadcast_in_dim3A_95, %scan3A_166 = %add3A_93) -> (vector<16xf32>, vector<16xi32>)  : i32 {
        %add3A_167 = arith.constant 0 : i32
        %add3A_168 = vector.broadcast %add3A_167 : i32 to vector<16xi32>
        %add3A_169 = arith.addi %scan3A_166, %add3A_168 : vector<16xi32>
        %gather3A = tpu.vector_load_idx %arg8[%add3A_169] : memref<5760xi32, #tpu.memory_space<vmem>>[vector<16xi32>], vector<16xi32>,
        %gather3A_170 = tpu.vector_load_idx %arg9[%add3A_169] : memref<5760xf32, #tpu.memory_space<vmem>>[vector<16xi32>], vector<16xf32>,
        %gather3A_171 = tpu.vector_load_idx %arg7[%gather3A] : memref<69120xf32, #tpu.memory_space<vmem>>[vector<16xi32>], vector<16xf32>,
        %mul3A_172 = arith.mulf %gather3A_171, %gather3A_170 : vector<16xf32>
        %add3A_173 = arith.addf %scan3A_165, %mul3A_172 : vector<16xf32>
        %add3A_174 = arith.constant 1 : i32
        %add3A_175 = vector.broadcast %add3A_174 : i32 to vector<16xi32>
        %add3A_176 = arith.addi %scan3A_166, %add3A_175 : vector<16xi32>
        %gather3A_177 = tpu.vector_load_idx %arg8[%add3A_176] : memref<5760xi32, #tpu.memory_space<vmem>>[vector<16xi32>], vector<16xi32>,
        %gather3A_178 = tpu.vector_load_idx %arg9[%add3A_176] : memref<5760xf32, #tpu.memory_space<vmem>>[vector<16xi32>], vector<16xf32>,
        %gather3A_179 = tpu.vector_load_idx %arg7[%gather3A_177] : memref<69120xf32, #tpu.memory_space<vmem>>[vector<16xi32>], vector<16xf32>,
        %mul3A_180 = arith.mulf %gather3A_179, %gather3A_178 : vector<16xf32>
        %add3A_181 = arith.addf %add3A_173, %mul3A_180 : vector<16xf32>
        %add3A_182 = arith.constant 2 : i32
        %add3A_183 = vector.broadcast %add3A_182 : i32 to vector<16xi32>
        %add3A_184 = arith.addi %scan3A_166, %add3A_183 : vector<16xi32>
        %gather3A_185 = tpu.vector_load_idx %arg8[%add3A_184] : memref<5760xi32, #tpu.memory_space<vmem>>[vector<16xi32>], vector<16xi32>,
        %gather3A_186 = tpu.vector_load_idx %arg9[%add3A_184] : memref<5760xf32, #tpu.memory_space<vmem>>[vector<16xi32>], vector<16xf32>,
        %gather3A_187 = tpu.vector_load_idx %arg7[%gather3A_185] : memref<69120xf32, #tpu.memory_space<vmem>>[vector<16xi32>], vector<16xf32>,
        %mul3A_188 = arith.mulf %gather3A_187, %gather3A_186 : vector<16xf32>
        %add3A_189 = arith.addf %add3A_181, %mul3A_188 : vector<16xf32>
        %add3A_190 = arith.constant 3 : i32
        %add3A_191 = vector.broadcast %add3A_190 : i32 to vector<16xi32>
        %add3A_192 = arith.addi %scan3A_166, %add3A_191 : vector<16xi32>
        %gather3A_193 = tpu.vector_load_idx %arg8[%add3A_192] : memref<5760xi32, #tpu.memory_space<vmem>>[vector<16xi32>], vector<16xi32>,
        %gather3A_194 = tpu.vector_load_idx %arg9[%add3A_192] : memref<5760xf32, #tpu.memory_space<vmem>>[vector<16xi32>], vector<16xf32>,
        %gather3A_195 = tpu.vector_load_idx %arg7[%gather3A_193] : memref<69120xf32, #tpu.memory_space<vmem>>[vector<16xi32>], vector<16xf32>,
        %mul3A_196 = arith.mulf %gather3A_195, %gather3A_194 : vector<16xf32>
        %add3A_197 = arith.addf %add3A_189, %mul3A_196 : vector<16xf32>
        %add3A_198 = arith.constant 4 : i32
        %add3A_199 = vector.broadcast %add3A_198 : i32 to vector<16xi32>
        %add3A_200 = arith.addi %scan3A_166, %add3A_199 : vector<16xi32>
        %gather3A_201 = tpu.vector_load_idx %arg8[%add3A_200] : memref<5760xi32, #tpu.memory_space<vmem>>[vector<16xi32>], vector<16xi32>,
        %gather3A_202 = tpu.vector_load_idx %arg9[%add3A_200] : memref<5760xf32, #tpu.memory_space<vmem>>[vector<16xi32>], vector<16xf32>,
        %gather3A_203 = tpu.vector_load_idx %arg7[%gather3A_201] : memref<69120xf32, #tpu.memory_space<vmem>>[vector<16xi32>], vector<16xf32>,
        %mul3A_204 = arith.mulf %gather3A_203, %gather3A_202 : vector<16xf32>
        %add3A_205 = arith.addf %add3A_197, %mul3A_204 : vector<16xf32>
        %add3A_206 = arith.constant 5 : i32
        %add3A_207 = vector.broadcast %add3A_206 : i32 to vector<16xi32>
        %add3A_208 = arith.addi %scan3A_166, %add3A_207 : vector<16xi32>
        %gather3A_209 = tpu.vector_load_idx %arg8[%add3A_208] : memref<5760xi32, #tpu.memory_space<vmem>>[vector<16xi32>], vector<16xi32>,
        %gather3A_210 = tpu.vector_load_idx %arg9[%add3A_208] : memref<5760xf32, #tpu.memory_space<vmem>>[vector<16xi32>], vector<16xf32>,
        %gather3A_211 = tpu.vector_load_idx %arg7[%gather3A_209] : memref<69120xf32, #tpu.memory_space<vmem>>[vector<16xi32>], vector<16xf32>,
        %mul3A_212 = arith.mulf %gather3A_211, %gather3A_210 : vector<16xf32>
        %add3A_213 = arith.addf %add3A_205, %mul3A_212 : vector<16xf32>
        %add3A_214 = arith.constant 6 : i32
        %add3A_215 = vector.broadcast %add3A_214 : i32 to vector<16xi32>
        %add3A_216 = arith.addi %scan3A_166, %add3A_215 : vector<16xi32>
        scf.yield %add3A_213, %add3A_216 : vector<16xf32>, vector<16xi32>
      }
      %scan3A_101 = arith.constant 30 : i32
      %add3A_102 = arith.addf %scan3A_100#0, %get3A_1 : vector<16xf32>
      %swap3A_103 = arith.constant 16 : index
      %swap3A_104 = tpu.vector_load %arg10[%swap3A_103] {strides = array<i32>} : memref<32xf32, #tpu.memory_space<vmem>>, vector<16xf32>,
      tpu.vector_store %arg10[%swap3A_103], %add3A_102 {strides = array<i32>} : memref<32xf32, #tpu.memory_space<vmem>>, vector<16xf32>,
      %mul3A_105 = arith.constant 512 : i32
      %mul3A_106 = arith.muli %mul3A_61, %mul3A_105 : i32
      %mul3A_107 = arith.constant 32 : i32
      %mul3A_108 = arith.muli %arg1, %mul3A_107 : i32
      %add3A_109 = arith.addi %mul3A_106, %mul3A_108 : i32
      "tpu.region"() ({
        %run_scoped3A_164 = tpu.sem_alloc : memref<!tpu.dma_semaphore, #tpu.memory_space<semaphore_mem>>
        %dma_start3A = tpu.memref_slice %arg17[%add3A_109] : memref<32768xf32, #tpu.memory_space<vmem_shared>> -> memref<32xf32, #tpu.memory_space<vmem_shared>>
        %dma_start3A_165 = tpu.memref_slice %arg17[%add3A_109] : memref<32768xf32, #tpu.memory_space<vmem_shared>> -> memref<32xf32, #tpu.memory_space<vmem_shared>>
        tpu.enqueue_dma source(%arg10 : memref<32xf32, #tpu.memory_space<vmem>>) target(%dma_start3A_165 : memref<32xf32, #tpu.memory_space<vmem_shared>>) target_semaphore(%run_scoped3A_164 : memref<!tpu.dma_semaphore, #tpu.memory_space<semaphore_mem>>)
        %dma_wait3A = tpu.memref_slice %arg17[%add3A_109] : memref<32768xf32, #tpu.memory_space<vmem_shared>> -> memref<32xf32, #tpu.memory_space<vmem_shared>>
        %dma_wait3A_166 = tpu.memref_slice %arg17[%add3A_109] : memref<32768xf32, #tpu.memory_space<vmem_shared>> -> memref<32xf32, #tpu.memory_space<vmem_shared>>
        tpu.wait_dma2 semaphore(%run_scoped3A_164 : memref<!tpu.dma_semaphore, #tpu.memory_space<semaphore_mem>>) src(%arg10 : memref<32xf32, #tpu.memory_space<vmem>>) dst(%dma_wait3A_166 : memref<32xf32, #tpu.memory_space<vmem_shared>>)
        tpu.yield
      }) : () -> ()
      %add3A_110 = arith.constant 1 : i32
      %add3A_111 = arith.addi %mul3A_61, %add3A_110 : i32
      %convert_element_type3A_112 = arith.extui %eq3A_0 : i1 to i32
      %cond3A_113 = arith.constant 0 : i32
      %cond3A_114 = arith.cmpi ne, %convert_element_type3A_112, %cond3A_113 : i32
      scf.if %cond3A_114 {
        %dma_wait3A = arith.constant 1 : i32
        %dma_wait3A_164 = arith.constant 0 : i32
        %dma_wait3A_165 = tpu.memref_slice %arg18[%dma_wait3A, %dma_wait3A_164] : memref<2x2x!tpu.dma_semaphore, #tpu.memory_space<semaphore_mem>> -> memref<1x1x!tpu.dma_semaphore, #tpu.memory_space<semaphore_mem>>
        %dma_wait3A_166 = tpu.memref_squeeze %dma_wait3A_165 : memref<1x1x!tpu.dma_semaphore, #tpu.memory_space<semaphore_mem>> -> memref<!tpu.dma_semaphore, #tpu.memory_space<semaphore_mem>>
        %dma_wait3A_167 = arith.constant 0 : i32
        %dma_wait3A_168 = tpu.memref_slice %arg3[%dma_wait3A_167] : memref<11796480xi32, #tpu.memory_space<hbm>> -> memref<92160xi32, #tpu.memory_space<hbm>>
        tpu.wait_dma2 semaphore(%dma_wait3A_166 : memref<!tpu.dma_semaphore, #tpu.memory_space<semaphore_mem>>) src(%dma_wait3A_168 : memref<92160xi32, #tpu.memory_space<hbm>>) dst(%arg13 : memref<92160xi32, #tpu.memory_space<vmem_shared>>)
        %dma_wait3A_169 = arith.constant 1 : i32
        %dma_wait3A_170 = arith.constant 1 : i32
        %dma_wait3A_171 = tpu.memref_slice %arg18[%dma_wait3A_169, %dma_wait3A_170] : memref<2x2x!tpu.dma_semaphore, #tpu.memory_space<semaphore_mem>> -> memref<1x1x!tpu.dma_semaphore, #tpu.memory_space<semaphore_mem>>
        %dma_wait3A_172 = tpu.memref_squeeze %dma_wait3A_171 : memref<1x1x!tpu.dma_semaphore, #tpu.memory_space<semaphore_mem>> -> memref<!tpu.dma_semaphore, #tpu.memory_space<semaphore_mem>>
        %dma_wait3A_173 = arith.constant 0 : i32
        %dma_wait3A_174 = tpu.memref_slice %arg4[%dma_wait3A_173] : memref<11796480xf32, #tpu.memory_space<hbm>> -> memref<92160xf32, #tpu.memory_space<hbm>>
        tpu.wait_dma2 semaphore(%dma_wait3A_172 : memref<!tpu.dma_semaphore, #tpu.memory_space<semaphore_mem>>) src(%dma_wait3A_174 : memref<92160xf32, #tpu.memory_space<hbm>>) dst(%arg15 : memref<92160xf32, #tpu.memory_space<vmem_shared>>)
      } else {
      }
      %barrier3A_115 = arith.constant 0 : index
      tpu.barrier barrier_id(%barrier3A_115)
      %mul3A_116 = arith.constant 5760 : i32
      %mul3A_117 = arith.muli %arg1, %mul3A_116 : i32
      "tpu.region"() ({
        %run_scoped3A_164 = tpu.sem_alloc : memref<!tpu.dma_semaphore, #tpu.memory_space<semaphore_mem>>
        %dma_start3A = tpu.memref_slice %arg13[%mul3A_117] : memref<92160xi32, #tpu.memory_space<vmem_shared>> -> memref<5760xi32, #tpu.memory_space<vmem_shared>>
        %dma_start3A_165 = tpu.memref_slice %arg13[%mul3A_117] : memref<92160xi32, #tpu.memory_space<vmem_shared>> -> memref<5760xi32, #tpu.memory_space<vmem_shared>>
        tpu.enqueue_dma source(%dma_start3A_165 : memref<5760xi32, #tpu.memory_space<vmem_shared>>) target(%arg8 : memref<5760xi32, #tpu.memory_space<vmem>>) target_semaphore(%run_scoped3A_164 : memref<!tpu.dma_semaphore, #tpu.memory_space<semaphore_mem>>)
        %dma_wait3A = tpu.memref_slice %arg13[%mul3A_117] : memref<92160xi32, #tpu.memory_space<vmem_shared>> -> memref<5760xi32, #tpu.memory_space<vmem_shared>>
        %dma_wait3A_166 = tpu.memref_slice %arg13[%mul3A_117] : memref<92160xi32, #tpu.memory_space<vmem_shared>> -> memref<5760xi32, #tpu.memory_space<vmem_shared>>
        tpu.wait_dma2 semaphore(%run_scoped3A_164 : memref<!tpu.dma_semaphore, #tpu.memory_space<semaphore_mem>>) src(%dma_wait3A_166 : memref<5760xi32, #tpu.memory_space<vmem_shared>>) dst(%arg8 : memref<5760xi32, #tpu.memory_space<vmem>>)
        tpu.yield
      }) : () -> ()
      %mul3A_118 = arith.constant 5760 : i32
      %mul3A_119 = arith.muli %arg1, %mul3A_118 : i32
      "tpu.region"() ({
        %run_scoped3A_164 = tpu.sem_alloc : memref<!tpu.dma_semaphore, #tpu.memory_space<semaphore_mem>>
        %dma_start3A = tpu.memref_slice %arg15[%mul3A_119] : memref<92160xf32, #tpu.memory_space<vmem_shared>> -> memref<5760xf32, #tpu.memory_space<vmem_shared>>
        %dma_start3A_165 = tpu.memref_slice %arg15[%mul3A_119] : memref<92160xf32, #tpu.memory_space<vmem_shared>> -> memref<5760xf32, #tpu.memory_space<vmem_shared>>
        tpu.enqueue_dma source(%dma_start3A_165 : memref<5760xf32, #tpu.memory_space<vmem_shared>>) target(%arg9 : memref<5760xf32, #tpu.memory_space<vmem>>) target_semaphore(%run_scoped3A_164 : memref<!tpu.dma_semaphore, #tpu.memory_space<semaphore_mem>>)
        %dma_wait3A = tpu.memref_slice %arg15[%mul3A_119] : memref<92160xf32, #tpu.memory_space<vmem_shared>> -> memref<5760xf32, #tpu.memory_space<vmem_shared>>
        %dma_wait3A_166 = tpu.memref_slice %arg15[%mul3A_119] : memref<92160xf32, #tpu.memory_space<vmem_shared>> -> memref<5760xf32, #tpu.memory_space<vmem_shared>>
        tpu.wait_dma2 semaphore(%run_scoped3A_164 : memref<!tpu.dma_semaphore, #tpu.memory_space<semaphore_mem>>) src(%dma_wait3A_166 : memref<5760xf32, #tpu.memory_space<vmem_shared>>) dst(%arg9 : memref<5760xf32, #tpu.memory_space<vmem>>)
        tpu.yield
      }) : () -> ()
      %barrier3A_120 = arith.constant 0 : index
      tpu.barrier barrier_id(%barrier3A_120)
      %convert_element_type3A_121 = arith.extui %eq3A_0 : i1 to i32
      %cond3A_122 = arith.constant 0 : i32
      %cond3A_123 = arith.cmpi ne, %convert_element_type3A_121, %cond3A_122 : i32
      scf.if %cond3A_123 {
        %add3A_164 = arith.constant 2 : i32
        %add3A_165 = arith.addi %add3A_111, %add3A_164 : i32
        %and3A = arith.constant 63 : i32
        %and3A_166 = arith.andi %add3A_165, %and3A : i32
        %mul3A_167 = arith.constant 92160 : i32
        %mul3A_168 = arith.muli %and3A_166, %mul3A_167 : i32
        %add3A_169 = arith.addi %mul3A_2, %mul3A_168 : i32
        %dma_start3A = arith.constant 1 : i32
        %dma_start3A_170 = arith.constant 0 : i32
        %dma_start3A_171 = tpu.memref_slice %arg18[%dma_start3A, %dma_start3A_170] : memref<2x2x!tpu.dma_semaphore, #tpu.memory_space<semaphore_mem>> -> memref<1x1x!tpu.dma_semaphore, #tpu.memory_space<semaphore_mem>>
        %dma_start3A_172 = tpu.memref_squeeze %dma_start3A_171 : memref<1x1x!tpu.dma_semaphore, #tpu.memory_space<semaphore_mem>> -> memref<!tpu.dma_semaphore, #tpu.memory_space<semaphore_mem>>
        %dma_start3A_173 = tpu.memref_slice %arg3[%add3A_169] : memref<11796480xi32, #tpu.memory_space<hbm>> -> memref<92160xi32, #tpu.memory_space<hbm>>
        tpu.enqueue_dma source(%dma_start3A_173 : memref<92160xi32, #tpu.memory_space<hbm>>) target(%arg13 : memref<92160xi32, #tpu.memory_space<vmem_shared>>) target_semaphore(%dma_start3A_172 : memref<!tpu.dma_semaphore, #tpu.memory_space<semaphore_mem>>)
        %dma_start3A_174 = arith.constant 1 : i32
        %dma_start3A_175 = arith.constant 1 : i32
        %dma_start3A_176 = tpu.memref_slice %arg18[%dma_start3A_174, %dma_start3A_175] : memref<2x2x!tpu.dma_semaphore, #tpu.memory_space<semaphore_mem>> -> memref<1x1x!tpu.dma_semaphore, #tpu.memory_space<semaphore_mem>>
        %dma_start3A_177 = tpu.memref_squeeze %dma_start3A_176 : memref<1x1x!tpu.dma_semaphore, #tpu.memory_space<semaphore_mem>> -> memref<!tpu.dma_semaphore, #tpu.memory_space<semaphore_mem>>
        %dma_start3A_178 = tpu.memref_slice %arg4[%add3A_169] : memref<11796480xf32, #tpu.memory_space<hbm>> -> memref<92160xf32, #tpu.memory_space<hbm>>
        tpu.enqueue_dma source(%dma_start3A_178 : memref<92160xf32, #tpu.memory_space<hbm>>) target(%arg15 : memref<92160xf32, #tpu.memory_space<vmem_shared>>) target_semaphore(%dma_start3A_177 : memref<!tpu.dma_semaphore, #tpu.memory_space<semaphore_mem>>)
      } else {
      }
      %mul3A_124 = arith.constant 180 : i32
      %mul3A_125 = vector.broadcast %mul3A_124 : i32 to vector<16xi32>
      %mul3A_126 = arith.muli %iota3A, %mul3A_125 : vector<16xi32>
      %add3A_127 = arith.constant 0 : i32
      %add3A_128 = vector.broadcast %add3A_127 : i32 to vector<16xi32>
      %add3A_129 = arith.addi %mul3A_126, %add3A_128 : vector<16xi32>
      %broadcast_in_dim3A_130 = arith.constant 0.000000e+00 : f32
      %broadcast_in_dim3A_131 = vector.broadcast %broadcast_in_dim3A_130 : f32 to vector<16xf32>
      %scan3A_132 = arith.constant 0 : i32
      %scan3A_133 = arith.constant 30 : i32
      %scan3A_134 = arith.addi %scan3A_132, %scan3A_133 : i32
      %scan3A_135 = arith.constant 1 : i32
      %scan3A_136:2 = scf.for %scan3A_164 = %scan3A_132 to %scan3A_134 step %scan3A_135 iter_args(%scan3A_165 = %broadcast_in_dim3A_131, %scan3A_166 = %add3A_129) -> (vector<16xf32>, vector<16xi32>)  : i32 {
        %add3A_167 = arith.constant 0 : i32
        %add3A_168 = vector.broadcast %add3A_167 : i32 to vector<16xi32>
        %add3A_169 = arith.addi %scan3A_166, %add3A_168 : vector<16xi32>
        %gather3A = tpu.vector_load_idx %arg8[%add3A_169] : memref<5760xi32, #tpu.memory_space<vmem>>[vector<16xi32>], vector<16xi32>,
        %gather3A_170 = tpu.vector_load_idx %arg9[%add3A_169] : memref<5760xf32, #tpu.memory_space<vmem>>[vector<16xi32>], vector<16xf32>,
        %gather3A_171 = tpu.vector_load_idx %arg7[%gather3A] : memref<69120xf32, #tpu.memory_space<vmem>>[vector<16xi32>], vector<16xf32>,
        %mul3A_172 = arith.mulf %gather3A_171, %gather3A_170 : vector<16xf32>
        %add3A_173 = arith.addf %scan3A_165, %mul3A_172 : vector<16xf32>
        %add3A_174 = arith.constant 1 : i32
        %add3A_175 = vector.broadcast %add3A_174 : i32 to vector<16xi32>
        %add3A_176 = arith.addi %scan3A_166, %add3A_175 : vector<16xi32>
        %gather3A_177 = tpu.vector_load_idx %arg8[%add3A_176] : memref<5760xi32, #tpu.memory_space<vmem>>[vector<16xi32>], vector<16xi32>,
        %gather3A_178 = tpu.vector_load_idx %arg9[%add3A_176] : memref<5760xf32, #tpu.memory_space<vmem>>[vector<16xi32>], vector<16xf32>,
        %gather3A_179 = tpu.vector_load_idx %arg7[%gather3A_177] : memref<69120xf32, #tpu.memory_space<vmem>>[vector<16xi32>], vector<16xf32>,
        %mul3A_180 = arith.mulf %gather3A_179, %gather3A_178 : vector<16xf32>
        %add3A_181 = arith.addf %add3A_173, %mul3A_180 : vector<16xf32>
        %add3A_182 = arith.constant 2 : i32
        %add3A_183 = vector.broadcast %add3A_182 : i32 to vector<16xi32>
        %add3A_184 = arith.addi %scan3A_166, %add3A_183 : vector<16xi32>
        %gather3A_185 = tpu.vector_load_idx %arg8[%add3A_184] : memref<5760xi32, #tpu.memory_space<vmem>>[vector<16xi32>], vector<16xi32>,
        %gather3A_186 = tpu.vector_load_idx %arg9[%add3A_184] : memref<5760xf32, #tpu.memory_space<vmem>>[vector<16xi32>], vector<16xf32>,
        %gather3A_187 = tpu.vector_load_idx %arg7[%gather3A_185] : memref<69120xf32, #tpu.memory_space<vmem>>[vector<16xi32>], vector<16xf32>,
        %mul3A_188 = arith.mulf %gather3A_187, %gather3A_186 : vector<16xf32>
        %add3A_189 = arith.addf %add3A_181, %mul3A_188 : vector<16xf32>
        %add3A_190 = arith.constant 3 : i32
        %add3A_191 = vector.broadcast %add3A_190 : i32 to vector<16xi32>
        %add3A_192 = arith.addi %scan3A_166, %add3A_191 : vector<16xi32>
        %gather3A_193 = tpu.vector_load_idx %arg8[%add3A_192] : memref<5760xi32, #tpu.memory_space<vmem>>[vector<16xi32>], vector<16xi32>,
        %gather3A_194 = tpu.vector_load_idx %arg9[%add3A_192] : memref<5760xf32, #tpu.memory_space<vmem>>[vector<16xi32>], vector<16xf32>,
        %gather3A_195 = tpu.vector_load_idx %arg7[%gather3A_193] : memref<69120xf32, #tpu.memory_space<vmem>>[vector<16xi32>], vector<16xf32>,
        %mul3A_196 = arith.mulf %gather3A_195, %gather3A_194 : vector<16xf32>
        %add3A_197 = arith.addf %add3A_189, %mul3A_196 : vector<16xf32>
        %add3A_198 = arith.constant 4 : i32
        %add3A_199 = vector.broadcast %add3A_198 : i32 to vector<16xi32>
        %add3A_200 = arith.addi %scan3A_166, %add3A_199 : vector<16xi32>
        %gather3A_201 = tpu.vector_load_idx %arg8[%add3A_200] : memref<5760xi32, #tpu.memory_space<vmem>>[vector<16xi32>], vector<16xi32>,
        %gather3A_202 = tpu.vector_load_idx %arg9[%add3A_200] : memref<5760xf32, #tpu.memory_space<vmem>>[vector<16xi32>], vector<16xf32>,
        %gather3A_203 = tpu.vector_load_idx %arg7[%gather3A_201] : memref<69120xf32, #tpu.memory_space<vmem>>[vector<16xi32>], vector<16xf32>,
        %mul3A_204 = arith.mulf %gather3A_203, %gather3A_202 : vector<16xf32>
        %add3A_205 = arith.addf %add3A_197, %mul3A_204 : vector<16xf32>
        %add3A_206 = arith.constant 5 : i32
        %add3A_207 = vector.broadcast %add3A_206 : i32 to vector<16xi32>
        %add3A_208 = arith.addi %scan3A_166, %add3A_207 : vector<16xi32>
        %gather3A_209 = tpu.vector_load_idx %arg8[%add3A_208] : memref<5760xi32, #tpu.memory_space<vmem>>[vector<16xi32>], vector<16xi32>,
        %gather3A_210 = tpu.vector_load_idx %arg9[%add3A_208] : memref<5760xf32, #tpu.memory_space<vmem>>[vector<16xi32>], vector<16xf32>,
        %gather3A_211 = tpu.vector_load_idx %arg7[%gather3A_209] : memref<69120xf32, #tpu.memory_space<vmem>>[vector<16xi32>], vector<16xf32>,
        %mul3A_212 = arith.mulf %gather3A_211, %gather3A_210 : vector<16xf32>
        %add3A_213 = arith.addf %add3A_205, %mul3A_212 : vector<16xf32>
        %add3A_214 = arith.constant 6 : i32
        %add3A_215 = vector.broadcast %add3A_214 : i32 to vector<16xi32>
        %add3A_216 = arith.addi %scan3A_166, %add3A_215 : vector<16xi32>
        scf.yield %add3A_213, %add3A_216 : vector<16xf32>, vector<16xi32>
      }
      %scan3A_137 = arith.constant 30 : i32
      %add3A_138 = arith.addf %scan3A_136#0, %get3A_1 : vector<16xf32>
      %swap3A_139 = arith.constant 0 : index
      %swap3A_140 = tpu.vector_load %arg10[%swap3A_139] {strides = array<i32>} : memref<32xf32, #tpu.memory_space<vmem>>, vector<16xf32>,
      tpu.vector_store %arg10[%swap3A_139], %add3A_138 {strides = array<i32>} : memref<32xf32, #tpu.memory_space<vmem>>, vector<16xf32>,
      %mul3A_141 = arith.constant 180 : i32
      %mul3A_142 = vector.broadcast %mul3A_141 : i32 to vector<16xi32>
      %mul3A_143 = arith.muli %iota3A, %mul3A_142 : vector<16xi32>
      %add3A_144 = arith.constant 2880 : i32
      %add3A_145 = vector.broadcast %add3A_144 : i32 to vector<16xi32>
      %add3A_146 = arith.addi %mul3A_143, %add3A_145 : vector<16xi32>
      %broadcast_in_dim3A_147 = arith.constant 0.000000e+00 : f32
      %broadcast_in_dim3A_148 = vector.broadcast %broadcast_in_dim3A_147 : f32 to vector<16xf32>
      %scan3A_149 = arith.constant 0 : i32
      %scan3A_150 = arith.constant 30 : i32
      %scan3A_151 = arith.addi %scan3A_149, %scan3A_150 : i32
      %scan3A_152 = arith.constant 1 : i32
      %scan3A_153:2 = scf.for %scan3A_164 = %scan3A_149 to %scan3A_151 step %scan3A_152 iter_args(%scan3A_165 = %broadcast_in_dim3A_148, %scan3A_166 = %add3A_146) -> (vector<16xf32>, vector<16xi32>)  : i32 {
        %add3A_167 = arith.constant 0 : i32
        %add3A_168 = vector.broadcast %add3A_167 : i32 to vector<16xi32>
        %add3A_169 = arith.addi %scan3A_166, %add3A_168 : vector<16xi32>
        %gather3A = tpu.vector_load_idx %arg8[%add3A_169] : memref<5760xi32, #tpu.memory_space<vmem>>[vector<16xi32>], vector<16xi32>,
        %gather3A_170 = tpu.vector_load_idx %arg9[%add3A_169] : memref<5760xf32, #tpu.memory_space<vmem>>[vector<16xi32>], vector<16xf32>,
        %gather3A_171 = tpu.vector_load_idx %arg7[%gather3A] : memref<69120xf32, #tpu.memory_space<vmem>>[vector<16xi32>], vector<16xf32>,
        %mul3A_172 = arith.mulf %gather3A_171, %gather3A_170 : vector<16xf32>
        %add3A_173 = arith.addf %scan3A_165, %mul3A_172 : vector<16xf32>
        %add3A_174 = arith.constant 1 : i32
        %add3A_175 = vector.broadcast %add3A_174 : i32 to vector<16xi32>
        %add3A_176 = arith.addi %scan3A_166, %add3A_175 : vector<16xi32>
        %gather3A_177 = tpu.vector_load_idx %arg8[%add3A_176] : memref<5760xi32, #tpu.memory_space<vmem>>[vector<16xi32>], vector<16xi32>,
        %gather3A_178 = tpu.vector_load_idx %arg9[%add3A_176] : memref<5760xf32, #tpu.memory_space<vmem>>[vector<16xi32>], vector<16xf32>,
        %gather3A_179 = tpu.vector_load_idx %arg7[%gather3A_177] : memref<69120xf32, #tpu.memory_space<vmem>>[vector<16xi32>], vector<16xf32>,
        %mul3A_180 = arith.mulf %gather3A_179, %gather3A_178 : vector<16xf32>
        %add3A_181 = arith.addf %add3A_173, %mul3A_180 : vector<16xf32>
        %add3A_182 = arith.constant 2 : i32
        %add3A_183 = vector.broadcast %add3A_182 : i32 to vector<16xi32>
        %add3A_184 = arith.addi %scan3A_166, %add3A_183 : vector<16xi32>
        %gather3A_185 = tpu.vector_load_idx %arg8[%add3A_184] : memref<5760xi32, #tpu.memory_space<vmem>>[vector<16xi32>], vector<16xi32>,
        %gather3A_186 = tpu.vector_load_idx %arg9[%add3A_184] : memref<5760xf32, #tpu.memory_space<vmem>>[vector<16xi32>], vector<16xf32>,
        %gather3A_187 = tpu.vector_load_idx %arg7[%gather3A_185] : memref<69120xf32, #tpu.memory_space<vmem>>[vector<16xi32>], vector<16xf32>,
        %mul3A_188 = arith.mulf %gather3A_187, %gather3A_186 : vector<16xf32>
        %add3A_189 = arith.addf %add3A_181, %mul3A_188 : vector<16xf32>
        %add3A_190 = arith.constant 3 : i32
        %add3A_191 = vector.broadcast %add3A_190 : i32 to vector<16xi32>
        %add3A_192 = arith.addi %scan3A_166, %add3A_191 : vector<16xi32>
        %gather3A_193 = tpu.vector_load_idx %arg8[%add3A_192] : memref<5760xi32, #tpu.memory_space<vmem>>[vector<16xi32>], vector<16xi32>,
        %gather3A_194 = tpu.vector_load_idx %arg9[%add3A_192] : memref<5760xf32, #tpu.memory_space<vmem>>[vector<16xi32>], vector<16xf32>,
        %gather3A_195 = tpu.vector_load_idx %arg7[%gather3A_193] : memref<69120xf32, #tpu.memory_space<vmem>>[vector<16xi32>], vector<16xf32>,
        %mul3A_196 = arith.mulf %gather3A_195, %gather3A_194 : vector<16xf32>
        %add3A_197 = arith.addf %add3A_189, %mul3A_196 : vector<16xf32>
        %add3A_198 = arith.constant 4 : i32
        %add3A_199 = vector.broadcast %add3A_198 : i32 to vector<16xi32>
        %add3A_200 = arith.addi %scan3A_166, %add3A_199 : vector<16xi32>
        %gather3A_201 = tpu.vector_load_idx %arg8[%add3A_200] : memref<5760xi32, #tpu.memory_space<vmem>>[vector<16xi32>], vector<16xi32>,
        %gather3A_202 = tpu.vector_load_idx %arg9[%add3A_200] : memref<5760xf32, #tpu.memory_space<vmem>>[vector<16xi32>], vector<16xf32>,
        %gather3A_203 = tpu.vector_load_idx %arg7[%gather3A_201] : memref<69120xf32, #tpu.memory_space<vmem>>[vector<16xi32>], vector<16xf32>,
        %mul3A_204 = arith.mulf %gather3A_203, %gather3A_202 : vector<16xf32>
        %add3A_205 = arith.addf %add3A_197, %mul3A_204 : vector<16xf32>
        %add3A_206 = arith.constant 5 : i32
        %add3A_207 = vector.broadcast %add3A_206 : i32 to vector<16xi32>
        %add3A_208 = arith.addi %scan3A_166, %add3A_207 : vector<16xi32>
        %gather3A_209 = tpu.vector_load_idx %arg8[%add3A_208] : memref<5760xi32, #tpu.memory_space<vmem>>[vector<16xi32>], vector<16xi32>,
        %gather3A_210 = tpu.vector_load_idx %arg9[%add3A_208] : memref<5760xf32, #tpu.memory_space<vmem>>[vector<16xi32>], vector<16xf32>,
        %gather3A_211 = tpu.vector_load_idx %arg7[%gather3A_209] : memref<69120xf32, #tpu.memory_space<vmem>>[vector<16xi32>], vector<16xf32>,
        %mul3A_212 = arith.mulf %gather3A_211, %gather3A_210 : vector<16xf32>
        %add3A_213 = arith.addf %add3A_205, %mul3A_212 : vector<16xf32>
        %add3A_214 = arith.constant 6 : i32
        %add3A_215 = vector.broadcast %add3A_214 : i32 to vector<16xi32>
        %add3A_216 = arith.addi %scan3A_166, %add3A_215 : vector<16xi32>
        scf.yield %add3A_213, %add3A_216 : vector<16xf32>, vector<16xi32>
      }
      %scan3A_154 = arith.constant 30 : i32
      %add3A_155 = arith.addf %scan3A_153#0, %get3A_1 : vector<16xf32>
      %swap3A_156 = arith.constant 16 : index
      %swap3A_157 = tpu.vector_load %arg10[%swap3A_156] {strides = array<i32>} : memref<32xf32, #tpu.memory_space<vmem>>, vector<16xf32>,
      tpu.vector_store %arg10[%swap3A_156], %add3A_155 {strides = array<i32>} : memref<32xf32, #tpu.memory_space<vmem>>, vector<16xf32>,
      %mul3A_158 = arith.constant 512 : i32
      %mul3A_159 = arith.muli %add3A_111, %mul3A_158 : i32
      %mul3A_160 = arith.constant 32 : i32
      %mul3A_161 = arith.muli %arg1, %mul3A_160 : i32
      %add3A_162 = arith.addi %mul3A_159, %mul3A_161 : i32
      "tpu.region"() ({
        %run_scoped3A_164 = tpu.sem_alloc : memref<!tpu.dma_semaphore, #tpu.memory_space<semaphore_mem>>
        %dma_start3A = tpu.memref_slice %arg17[%add3A_162] : memref<32768xf32, #tpu.memory_space<vmem_shared>> -> memref<32xf32, #tpu.memory_space<vmem_shared>>
        %dma_start3A_165 = tpu.memref_slice %arg17[%add3A_162] : memref<32768xf32, #tpu.memory_space<vmem_shared>> -> memref<32xf32, #tpu.memory_space<vmem_shared>>
        tpu.enqueue_dma source(%arg10 : memref<32xf32, #tpu.memory_space<vmem>>) target(%dma_start3A_165 : memref<32xf32, #tpu.memory_space<vmem_shared>>) target_semaphore(%run_scoped3A_164 : memref<!tpu.dma_semaphore, #tpu.memory_space<semaphore_mem>>)
        %dma_wait3A = tpu.memref_slice %arg17[%add3A_162] : memref<32768xf32, #tpu.memory_space<vmem_shared>> -> memref<32xf32, #tpu.memory_space<vmem_shared>>
        %dma_wait3A_166 = tpu.memref_slice %arg17[%add3A_162] : memref<32768xf32, #tpu.memory_space<vmem_shared>> -> memref<32xf32, #tpu.memory_space<vmem_shared>>
        tpu.wait_dma2 semaphore(%run_scoped3A_164 : memref<!tpu.dma_semaphore, #tpu.memory_space<semaphore_mem>>) src(%arg10 : memref<32xf32, #tpu.memory_space<vmem>>) dst(%dma_wait3A_166 : memref<32xf32, #tpu.memory_space<vmem_shared>>)
        tpu.yield
      }) : () -> ()
      %scan3A_163 = arith.constant 0 : i32
      scf.yield %scan3A_163 : i32
    }
    %scan3A_50 = arith.constant 32 : i32
    %barrier3A_51 = arith.constant 0 : index
    tpu.barrier barrier_id(%barrier3A_51)
    %convert_element_type3A_52 = arith.extui %eq3A_0 : i1 to i32
    %cond3A_53 = arith.constant 0 : i32
    %cond3A_54 = arith.cmpi ne, %convert_element_type3A_52, %cond3A_53 : i32
    scf.if %cond3A_54 {
      %mul3A_58 = arith.constant 32768 : i32
      %mul3A_59 = arith.muli %arg0, %mul3A_58 : i32
      %dma_start3A = arith.constant 3 : i32
      %dma_start3A_60 = arith.constant 1 : i32
      %dma_start3A_61 = tpu.memref_slice %arg19[%dma_start3A_60] : memref<2x!tpu.dma_semaphore, #tpu.memory_space<semaphore_mem>> -> memref<1x!tpu.dma_semaphore, #tpu.memory_space<semaphore_mem>>
      %dma_start3A_62 = tpu.memref_squeeze %dma_start3A_61 : memref<1x!tpu.dma_semaphore, #tpu.memory_space<semaphore_mem>> -> memref<!tpu.dma_semaphore, #tpu.memory_space<semaphore_mem>>
      %dma_start3A_63 = tpu.memref_slice %arg6[%dma_start3A, %mul3A_59] : memref<4x65536xf32, #tpu.memory_space<hbm>> -> memref<1x32768xf32, #tpu.memory_space<hbm>>
      %dma_start3A_64 = tpu.memref_squeeze %dma_start3A_63 : memref<1x32768xf32, #tpu.memory_space<hbm>> -> memref<32768xf32, #tpu.memory_space<hbm>>
      tpu.enqueue_dma source(%arg17 : memref<32768xf32, #tpu.memory_space<vmem_shared>>) target(%dma_start3A_64 : memref<32768xf32, #tpu.memory_space<hbm>>) target_semaphore(%dma_start3A_62 : memref<!tpu.dma_semaphore, #tpu.memory_space<semaphore_mem>>)
    } else {
    }
    %convert_element_type3A_55 = arith.extui %eq3A_0 : i1 to i32
    %cond3A_56 = arith.constant 0 : i32
    %cond3A_57 = arith.cmpi ne, %convert_element_type3A_55, %cond3A_56 : i32
    scf.if %cond3A_57 {
      %dma_wait3A = arith.constant 0 : i32
      %dma_wait3A_58 = arith.constant 0 : i32
      %dma_wait3A_59 = tpu.memref_slice %arg18[%dma_wait3A, %dma_wait3A_58] : memref<2x2x!tpu.dma_semaphore, #tpu.memory_space<semaphore_mem>> -> memref<1x1x!tpu.dma_semaphore, #tpu.memory_space<semaphore_mem>>
      %dma_wait3A_60 = tpu.memref_squeeze %dma_wait3A_59 : memref<1x1x!tpu.dma_semaphore, #tpu.memory_space<semaphore_mem>> -> memref<!tpu.dma_semaphore, #tpu.memory_space<semaphore_mem>>
      %dma_wait3A_61 = arith.constant 0 : i32
      %dma_wait3A_62 = tpu.memref_slice %arg3[%dma_wait3A_61] : memref<11796480xi32, #tpu.memory_space<hbm>> -> memref<92160xi32, #tpu.memory_space<hbm>>
      tpu.wait_dma2 semaphore(%dma_wait3A_60 : memref<!tpu.dma_semaphore, #tpu.memory_space<semaphore_mem>>) src(%dma_wait3A_62 : memref<92160xi32, #tpu.memory_space<hbm>>) dst(%arg12 : memref<92160xi32, #tpu.memory_space<vmem_shared>>)
      %dma_wait3A_63 = arith.constant 0 : i32
      %dma_wait3A_64 = arith.constant 1 : i32
      %dma_wait3A_65 = tpu.memref_slice %arg18[%dma_wait3A_63, %dma_wait3A_64] : memref<2x2x!tpu.dma_semaphore, #tpu.memory_space<semaphore_mem>> -> memref<1x1x!tpu.dma_semaphore, #tpu.memory_space<semaphore_mem>>
      %dma_wait3A_66 = tpu.memref_squeeze %dma_wait3A_65 : memref<1x1x!tpu.dma_semaphore, #tpu.memory_space<semaphore_mem>> -> memref<!tpu.dma_semaphore, #tpu.memory_space<semaphore_mem>>
      %dma_wait3A_67 = arith.constant 0 : i32
      %dma_wait3A_68 = tpu.memref_slice %arg4[%dma_wait3A_67] : memref<11796480xf32, #tpu.memory_space<hbm>> -> memref<92160xf32, #tpu.memory_space<hbm>>
      tpu.wait_dma2 semaphore(%dma_wait3A_66 : memref<!tpu.dma_semaphore, #tpu.memory_space<semaphore_mem>>) src(%dma_wait3A_68 : memref<92160xf32, #tpu.memory_space<hbm>>) dst(%arg14 : memref<92160xf32, #tpu.memory_space<vmem_shared>>)
      %dma_wait3A_69 = arith.constant 1 : i32
      %dma_wait3A_70 = arith.constant 0 : i32
      %dma_wait3A_71 = tpu.memref_slice %arg18[%dma_wait3A_69, %dma_wait3A_70] : memref<2x2x!tpu.dma_semaphore, #tpu.memory_space<semaphore_mem>> -> memref<1x1x!tpu.dma_semaphore, #tpu.memory_space<semaphore_mem>>
      %dma_wait3A_72 = tpu.memref_squeeze %dma_wait3A_71 : memref<1x1x!tpu.dma_semaphore, #tpu.memory_space<semaphore_mem>> -> memref<!tpu.dma_semaphore, #tpu.memory_space<semaphore_mem>>
      %dma_wait3A_73 = arith.constant 0 : i32
      %dma_wait3A_74 = tpu.memref_slice %arg3[%dma_wait3A_73] : memref<11796480xi32, #tpu.memory_space<hbm>> -> memref<92160xi32, #tpu.memory_space<hbm>>
      tpu.wait_dma2 semaphore(%dma_wait3A_72 : memref<!tpu.dma_semaphore, #tpu.memory_space<semaphore_mem>>) src(%dma_wait3A_74 : memref<92160xi32, #tpu.memory_space<hbm>>) dst(%arg13 : memref<92160xi32, #tpu.memory_space<vmem_shared>>)
      %dma_wait3A_75 = arith.constant 1 : i32
      %dma_wait3A_76 = arith.constant 1 : i32
      %dma_wait3A_77 = tpu.memref_slice %arg18[%dma_wait3A_75, %dma_wait3A_76] : memref<2x2x!tpu.dma_semaphore, #tpu.memory_space<semaphore_mem>> -> memref<1x1x!tpu.dma_semaphore, #tpu.memory_space<semaphore_mem>>
      %dma_wait3A_78 = tpu.memref_squeeze %dma_wait3A_77 : memref<1x1x!tpu.dma_semaphore, #tpu.memory_space<semaphore_mem>> -> memref<!tpu.dma_semaphore, #tpu.memory_space<semaphore_mem>>
      %dma_wait3A_79 = arith.constant 0 : i32
      %dma_wait3A_80 = tpu.memref_slice %arg4[%dma_wait3A_79] : memref<11796480xf32, #tpu.memory_space<hbm>> -> memref<92160xf32, #tpu.memory_space<hbm>>
      tpu.wait_dma2 semaphore(%dma_wait3A_78 : memref<!tpu.dma_semaphore, #tpu.memory_space<semaphore_mem>>) src(%dma_wait3A_80 : memref<92160xf32, #tpu.memory_space<hbm>>) dst(%arg15 : memref<92160xf32, #tpu.memory_space<vmem_shared>>)
      %mul3A_81 = arith.constant 32768 : i32
      %mul3A_82 = arith.muli %arg0, %mul3A_81 : i32
      %dma_wait3A_83 = arith.constant 2 : i32
      %dma_wait3A_84 = arith.constant 0 : i32
      %dma_wait3A_85 = tpu.memref_slice %arg19[%dma_wait3A_84] : memref<2x!tpu.dma_semaphore, #tpu.memory_space<semaphore_mem>> -> memref<1x!tpu.dma_semaphore, #tpu.memory_space<semaphore_mem>>
      %dma_wait3A_86 = tpu.memref_squeeze %dma_wait3A_85 : memref<1x!tpu.dma_semaphore, #tpu.memory_space<semaphore_mem>> -> memref<!tpu.dma_semaphore, #tpu.memory_space<semaphore_mem>>
      %dma_wait3A_87 = tpu.memref_slice %arg6[%dma_wait3A_83, %mul3A_82] : memref<4x65536xf32, #tpu.memory_space<hbm>> -> memref<1x32768xf32, #tpu.memory_space<hbm>>
      %dma_wait3A_88 = tpu.memref_squeeze %dma_wait3A_87 : memref<1x32768xf32, #tpu.memory_space<hbm>> -> memref<32768xf32, #tpu.memory_space<hbm>>
      tpu.wait_dma2 semaphore(%dma_wait3A_86 : memref<!tpu.dma_semaphore, #tpu.memory_space<semaphore_mem>>) src(%arg16 : memref<32768xf32, #tpu.memory_space<vmem_shared>>) dst(%dma_wait3A_88 : memref<32768xf32, #tpu.memory_space<hbm>>)
      %mul3A_89 = arith.constant 32768 : i32
      %mul3A_90 = arith.muli %arg0, %mul3A_89 : i32
      %dma_wait3A_91 = arith.constant 3 : i32
      %dma_wait3A_92 = arith.constant 1 : i32
      %dma_wait3A_93 = tpu.memref_slice %arg19[%dma_wait3A_92] : memref<2x!tpu.dma_semaphore, #tpu.memory_space<semaphore_mem>> -> memref<1x!tpu.dma_semaphore, #tpu.memory_space<semaphore_mem>>
      %dma_wait3A_94 = tpu.memref_squeeze %dma_wait3A_93 : memref<1x!tpu.dma_semaphore, #tpu.memory_space<semaphore_mem>> -> memref<!tpu.dma_semaphore, #tpu.memory_space<semaphore_mem>>
      %dma_wait3A_95 = tpu.memref_slice %arg6[%dma_wait3A_91, %mul3A_90] : memref<4x65536xf32, #tpu.memory_space<hbm>> -> memref<1x32768xf32, #tpu.memory_space<hbm>>
      %dma_wait3A_96 = tpu.memref_squeeze %dma_wait3A_95 : memref<1x32768xf32, #tpu.memory_space<hbm>> -> memref<32768xf32, #tpu.memory_space<hbm>>
      tpu.wait_dma2 semaphore(%dma_wait3A_94 : memref<!tpu.dma_semaphore, #tpu.memory_space<semaphore_mem>>) src(%arg17 : memref<32768xf32, #tpu.memory_space<vmem_shared>>) dst(%dma_wait3A_96 : memref<32768xf32, #tpu.memory_space<hbm>>)
    } else {
    }
    return
  }
}

module attributes {stable_mosaic.version = 14 : i64} {
  func.func @_conv_body(%arg0: memref<720x512xf32, #tpu.memory_space<vmem>>, %arg1: memref<512x384xf32, #tpu.memory_space<vmem>>, %arg2: memref<720x384xf32, #tpu.memory_space<vmem>>) attributes {dimension_semantics = [], scalar_prefetch = 0 : i64, scratch_operands = 0 : i64, tpu.core_type = #tpu.core_type<tc>} {
    %get3A = arith.constant 0 : index
    %get3A_0 = arith.constant 0 : index
    %get3A_1 = vector.load %arg0[%get3A, %get3A_0] : memref<720x512xf32, #tpu.memory_space<vmem>>, vector<720x512xf32>
    %get3A_2 = arith.constant 0 : index
    %get3A_3 = arith.constant 0 : index
    %get3A_4 = vector.load %arg1[%get3A_2, %get3A_3] : memref<512x384xf32, #tpu.memory_space<vmem>>, vector<512x384xf32>
    %dot_general3A = arith.constant dense<0.000000e+00> : vector<720x384xf32>
    %dot_general3A_5 = tpu.matmul %get3A_1, %get3A_4, %dot_general3A {dimension_numbers = #tpu.dot_dimension_numbers<[1], [0], [0], [1], [0, 0, 1, 1], [], []>, transpose_lhs_hint = false} : vector<720x512xf32>, vector<512x384xf32>, vector<720x384xf32> -> vector<720x384xf32>
    %swap3A = arith.constant 0 : index
    %swap3A_6 = arith.constant 0 : index
    %swap3A_7 = vector.load %arg2[%swap3A, %swap3A_6] : memref<720x384xf32, #tpu.memory_space<vmem>>, vector<720x384xf32>
    tpu.vector_store %arg2[%swap3A, %swap3A_6], %dot_general3A_5 {strides = array<i32>} : memref<720x384xf32, #tpu.memory_space<vmem>>, vector<720x384xf32>,
    return
  }
}

</mosaic_0001>

<sc_bundles>
// kernel: kernel.4.cloned.1.call-start
scs
__scs_entry_jumppad:
0x0: {  	(pc) =	sbr.rel $0x88, $3  }
0x1: {  	(tag) =	ssettag $0x0;
	lr =	simm.s32 $0x1  }
0x2: {  	[smem:$0x3F9B] =	sst lr;
	_ =	strace $0xD0000000  }
0x3: {  	_ = 	snop  }
0x4: {  	_ = 	snop  }
0x5: {  	_ = 	snop  }
0x6: {  	_ = 	snop  }
0x7: {  	_ = 	snop  }
__scs_overlays_trampoline_lowered:
0x8: {  	[smem:$0x3FAA] =	sst s0  }
0x9: {  	[smem:$0x3FAB] =	sst s1  }
0xa: {  	[smem:$0x3FAC] =	sst s2  }
0xb: {  	[smem:$0x3FAD] =	sst s3  }
0xc: {  	[smem:$0x3FAE] =	sst s4  }
0xd: {  	[smem:$0x3FAF] =	sst s5  }
0xe: {  	[smem:$0x3FB0] =	sst s6  }
0xf: {  	[smem:$0x3FB1] =	sst s7  }
0x10: {  	[smem:$0x3FB2] =	sst s8  }
0x11: {  	[smem:$0x3FB3] =	sst s9;
	s0 =	simm.s32 @!p0 $0x0  }
0x12: {  	s1 =	sld [smem:$0x3F99];
	s0 =	simm.s32 @p0 $0x1  }
0x13: {  	[smem:$0x3FB4] =	sst s0;
	s0 =	simm.s32 @!p1 $0x0  }
0x14: {  	s2 =	sld [smem:$0x3F98];
	s0 =	simm.s32 @p1 $0x1  }
0x15: {  	[smem:$0x3FB5] =	sst s0;
	s0 =	simm.s32 @!p2 $0x0  }
0x16: {  	s3 =	sld [smem:$0x3FDB];
	s0 =	simm.s32 @p2 $0x1  }
0x17: {  	s4 =	simm.s32 $0x1BF5;
	[smem:$0x3FB7] =	sst s0  }
0x18: {  	s0 =	sld [smem:$0x3F9A];
	_ =	swait.ge [sflag:s4], $0x0  }
0x19: {  	s7 =	sld [smem:$0x3F9B]  }
0x1a: {  	s8 =	sadd.s32 $0xFFFFE003, lr  }
0x1b: {  	s9 =	sadd.s32 $0xFFFFFEF7, lr;
	s5 =	simm.s32 $0xFFFFFFFF;
	p2 =	slt.u32 s8, $0xFFFFF086  }
0x1c: {  	p1 =	slt.u32 s9, $0xF7A;
	s5 =	simm.s32 @!p2 $0x0  }
0x1d: {  	s5 =	simm.s32 @p1 $0x1;
	p0 =	seq.s32 s7, s2  }
0x1e: {  	s7 =	smul.u32 @!p0 $0xF7A, s2;
	p2 =	seq.s32 @!p0 s5, $0x0  }
0x1f: {  	s9 =	smul.u32 $0xF7A, s1;
	s8 =	simm.s32 @!p0 $0x1BF5;
	p2 =	por !p2, p0  }
0x20: {  	[sflag:s8] =	ssyncset.s32 @!p0 $0xFFFFF086;
	s6 =	sadd.s32 @!p0 s3, s7;
	s7 =	simm.s32 @!p0 $0x108  }
0x21: {  	s3 =	sadd.s32 s3, s9;
	s6 =	sadd.s32 @!p0 $0x88, s6;
	s7 =	simm.s32 @p2 $0x1082  }
0x22: {  	[simem:s7], [sflag:s8] =	dma.local @!p0 [hbm:s6], $0xF7A  }
0x23: {  	s9 =	sor.u32 $0xD0000000, s2;
	s6 =	simm.s32 $0x108;
	_ =	swait.ge @!p0 [sflag:s8], $0x0  }
0x24: {  	s3 =	sadd.s32 $0x88, s3;
	s6 =	simm.s32 @!p1 $0x1082;
	[sflag:s4] =	ssyncset.s32 $0xFFFFF086  }
0x25: {  	[simem:s6], [sflag:s4] =	dma.local [hbm:s3], $0xF7A  }
0x26: {  	[smem:$0x3F9B] =	sst s1;
	(tag) =	ssettag s2;
	_ =	strace s9  }
0x27: {  	s1 =	sld [smem:$0x3FAB]  }
0x28: {  	s2 =	sld [smem:$0x3FAC]  }
0x29: {  	s4 =	sld [smem:$0x3FAE]  }
0x2a: {  	p0 =	seq.s32 s5, $0x0;
	s5 =	sld [smem:$0x3FAF]  }
0x2b: {  	s6 =	sld [smem:$0x3FB0]  }
0x2c: {  	s7 =	sld [smem:$0x3FB1]  }
0x2d: {  	s3 =	simm.s32 $0x108;
	s8 =	sld [smem:$0x3FB2]  }
0x2e: {  	s3 =	simm.s32 @!p0 $0x1082;
	s9 =	sld [smem:$0x3FB3]  }
0x2f: {  	lr =	sadd.s32 s0, s3;
	s0 =	sld [smem:$0x3FAA]  }
0x30: {  	s3 =	sld [smem:$0x3FAD]  }
0x31: {  	[smem:$0x3FB6] =	sst s10  }
0x32: {  	s10 =	sld [smem:$0x3FB4];
	_ =	sdelay $0x3  }
0x33: {  	p0 =	seq.s32 s10, $0x1;
	s10 =	sld [smem:$0x3FB6];
	_ =	sdelay $0x3  }
0x34: {  	[smem:$0x3FB6] =	sst s10  }
0x35: {  	s10 =	sld [smem:$0x3FB5];
	_ =	sdelay $0x3  }
0x36: {  	p1 =	seq.s32 s10, $0x1;
	s10 =	sld [smem:$0x3FB6];
	_ =	sdelay $0x3  }
0x37: {  	[smem:$0x3FB6] =	sst s10  }
0x38: {  	s10 =	sld [smem:$0x3FB7]  }
0x39: {  	_ = 	snop;
	(pc) =	sbr.ind lr, $3  }
0x3a: {  	_ = 	snop  }
0x3b: {  	_ = 	snop  }
0x3c: {  	p2 =	seq.s32 s10, $0x1;
	s10 =	sld [smem:$0x3FB6]  }
0x3d: {  	_ =	shalt  }
0x3e: {  	_ =	shalt  }
0x3f: {  	_ =	shalt  }
0x40: {  	_ =	shalt  }
0x41: {  	_ =	shalt  }
0x42: {  	_ =	shalt  }
0x43: {  	_ =	shalt  }
0x44: {  	_ =	shalt  }
0x45: {  	_ =	shalt  }
0x46: {  	_ =	shalt  }
0x47: {  	_ =	shalt  }
0x48: {  	_ =	shalt  }
0x49: {  	_ =	shalt  }
0x4a: {  	_ =	shalt  }
0x4b: {  	_ =	shalt  }
0x4c: {  	_ =	shalt  }
0x4d: {  	_ =	shalt  }
0x4e: {  	_ =	shalt  }
0x4f: {  	_ =	shalt  }
0x50: {  	_ =	shalt  }
0x51: {  	_ =	shalt  }
0x52: {  	_ =	shalt  }
0x53: {  	_ =	shalt  }
0x54: {  	_ =	shalt  }
0x55: {  	_ =	shalt  }
0x56: {  	_ =	shalt  }
0x57: {  	_ =	shalt  }
0x58: {  	_ =	shalt  }
0x59: {  	_ =	shalt  }
0x5a: {  	_ =	shalt  }
0x5b: {  	_ =	shalt  }
0x5c: {  	_ =	shalt  }
0x5d: {  	_ =	shalt  }
0x5e: {  	_ =	shalt  }
0x5f: {  	_ =	shalt  }
0x60: {  	_ =	shalt  }
0x61: {  	_ =	shalt  }
0x62: {  	_ =	shalt  }
0x63: {  	_ =	shalt  }
0x64: {  	_ =	shalt  }
0x65: {  	_ =	shalt  }
0x66: {  	_ =	shalt  }
0x67: {  	_ =	shalt  }
0x68: {  	_ =	shalt  }
0x69: {  	_ =	shalt  }
0x6a: {  	_ =	shalt  }
0x6b: {  	_ =	shalt  }
0x6c: {  	_ =	shalt  }
0x6d: {  	_ =	shalt  }
0x6e: {  	_ =	shalt  }
0x6f: {  	_ =	shalt  }
0x70: {  	_ =	shalt  }
0x71: {  	_ =	shalt  }
0x72: {  	_ =	shalt  }
0x73: {  	_ =	shalt  }
0x74: {  	_ =	shalt  }
0x75: {  	_ =	shalt  }
0x76: {  	_ =	shalt  }
0x77: {  	_ =	shalt  }
0x78: {  	_ =	shalt  }
0x79: {  	_ =	shalt  }
0x7a: {  	_ =	shalt  }
0x7b: {  	_ =	shalt  }
0x7c: {  	_ =	shalt  }
0x7d: {  	_ =	shalt  }
0x7e: {  	_ =	shalt  }
0x7f: {  	_ =	shalt  }
0x80: {  	_ =	shalt  }
0x81: {  	_ =	shalt  }
0x82: {  	_ =	shalt  }
0x83: {  	_ =	shalt  }
0x84: {  	_ =	shalt  }
0x85: {  	_ =	shalt  }
0x86: {  	_ =	shalt  }
0x87: {  	_ =	shalt  }
.Lfunc_end0:
.L_simem_size_0:
called_computation_lowered:
.L_overlay_start_0:
0x88: {  	s2 =	sld [smem:$0x3FD9]  }
0x89: {  	s3 =	sld [smem:$0x3FFE];
	_ =	sdelay $0x1  }
0x8a: {  	s1 =	srdreg.scid  }
0x8b: {  	s0 =	sand.u32 $0x1, s1  }
0x8c: {  	s17 =	sshll.u32 s0, $0xA;
	s2 =	sadd.s32 s3, s2  }
0x8d: {  	s2 =	sadd.s32 s2, s17  }
0x8e: {  	[smem:$0x3FC2] =	sst s2  }
0x8f: {  	_ = 	snop  }
0x90: {  	s2 =	sld [smem:$0x3FC7]  }
0x91: {  	s18 =	sld [smem:$0x3FC4];
	(tm) =	ssettm $0x1  }
0x92: {  	s4 =	sld [smem:$0x3FFB];
	_ =	sdelay $0x3  }
0x93: {  	_ =	strace s4  }
0x94: {  	s4 =	sld [smem:$0x3FFC];
	_ =	sdelay $0x3  }
0x95: {  	_ =	strace s4  }
0x96: {  	s4 =	sld [smem:$0x3FFD];
	_ =	sdelay $0x3  }
0x97: {  	_ =	strace s4  }
0x98: {  	_ =	strace $0x8FFFFFFF  }
0x99: {  	s19 =	sld [smem:$0x3FDB];
	_ =	sdelay $0x1  }
0x9a: {  	s5 =	simm.s32 $_scs_section_size  }
0x9b: {  	s6 =	simm.s32 $_size__tile_overlayer_lowered;
	s7 =	simm.s32 $_tile_overlayer_lowered  }
0x9c: {  	s22 =	simm.s32 $0x1BFF;
	s21 =	sshll.u32 s7, $0x1;
	s4 =	sadd.s32 s5, s19  }
0x9d: {  	s8 =	simm.s32 $0x0;
	s20 =	sshll.u32 s6, $0x1;
	s6 =	sadd.s32 s21, s4  }
0x9e: {  	[timem:s8], [sflag:s22] =	dma.local [hbm:s6], s20  }
0x9f: {  	_ =	swait.ge [sflag:s22], s20  }
0xa0: {  	s5 =	ssub.s32 $0x0, s20;
	[sflag:s22] =	ssyncset.done $0x0  }
0xa1: {  	[sflag:s22] =	ssyncadd.s32 s5;
	_ =	sdelay $0x1  }
0xa2: {  	s23 =	simm.s32 $0x1B8B  }
0xa3: {  	_ =	swait.ge [sflag:s23], $0x1  }
0xa4: {  	[sflag:s23] =	ssyncset.done $0x0  }
0xa5: {  	s25 =	simm.s32 $0x1B8E;
	s24 =	sld [smem:$0x3FFE];
	[sflag:s23] =	ssyncadd.s32 $0xFFFFFFFF  }
0xa6: {  	s26 =	simm.s32 $execute0_lowered;
	[smem:$0x3FD2] =	sst s25  }
0xa7: {  	s6 =	sshll.u32 s26, $0x1;
	_ =	strace $0x80000046;
	[dreg:$0x1] =	wrdreg $0xFFFFFFFF  }
0xa8: {  	s28 =	simm.s32 $_size_execute0_lowered;
	s4 =	sadd.s32 s4, s6;
	[dreg:$0x0] =	wrdreg $0x0  }
0xa9: {  	s6 =	sshll.u32 s28, $0x1;
	[dreg:$0x2] =	wrdreg s4  }
0xaa: {  	[dreg:$0x3] =	wrdreg s6  }
0xab: {  	[dreg:$0x4] =	wrdreg $0xC0  }
0xac: {  	_ =	task [dreg:s8], $0x5FFFF  }
0xad: {  	[dreg:$0x1] =	wrdreg $0xFFFFFFFF  }
0xae: {  	[dreg:$0x0] =	wrdreg $0x60  }
0xaf: {  	[dreg:$0x2] =	wrdreg s24  }
0xb0: {  	[dreg:$0x3] =	wrdreg s18  }
0xb1: {  	[dreg:$0x4] =	wrdreg s2  }
0xb2: {  	[dreg:$0x5] =	wrdreg $0x13C000  }
0xb3: {  	[dreg:$0x6] =	wrdreg $0x169000  }
0xb4: {  	[dreg:$0x7] =	wrdreg $0x152800  }
0xb5: {  	[dreg:$0x8] =	wrdreg $0x17F800  }
0xb6: {  	[dreg:$0x9] =	wrdreg $0x196000  }
0xb7: {  	[dreg:$0xa] =	wrdreg $0x19E000  }
0xb8: {  	[dreg:$0xb] =	wrdreg $0x9  }
0xb9: {  	_ =	task.clear_ibuf [dreg:s8], $0xCFFFF;
	_ =	strace $0x90000046  }
0xba: {  	s29 =	simm.s32 $0x9;
	_ =	strace $0x80000048  }
0xbb: {  	_ =	swait.ge [sflag:s29], $0x1  }
0xbc: {  	[sflag:s29] =	ssyncadd.s32 $0xFFFFFFFF  }
0xbd: {  	_ =	strace $0x90000048  }
0xbe: {  	_ =	sfence  }
0xbf: {  	s30 =	sld [smem:$0x0];
	_ =	sdelay $0x2  }
0xc0: {  	s31 =	sshll.u32 s1, $0xD;
	s1 =	sshrl.u32 s1, $0x2  }
0xc1: {  	s3 =	sand.u32 $0x4000, s31;
	s1 =	sadd.s32 s1, s30  }
0xc2: {  	s0 =	sor.u32 s3, s0;
	s1 =	sshll.u32 s1, $0x11  }
0xc3: {  	s0 =	sor.u32 s1, s0  }
0xc4: {  	s0 =	sadd.s32 $0x8F2B, s0  }
0xc5: {  	[sflag:s0] =	ssyncadd.remote.s32 $0x1  }
0xc6: {  	_ =	sfence.sel $0xFFFF  }
0xc7: {  	[dreg:$0x0] =	wrdreg $0xFFFFFFFF;
	(pc) =	sbr.abs _section_cstart, $3  }
0xc8: {  	[dreg:$0x1] =	wrdreg $0xFFFFFFFF  }
0xc9: {  	_ =	task.clear_ibuf [dreg:s8], $0x2FFFF;
	_ =	strace $0x9FFFFFFF  }
0xca: {  	(tm) =	ssettm $0x7FFFFFFF  }
0xcb: {  	_ =	shalt  }
tec
execute0_lowered:
.L_overlay_start_1:
0x0: {  	(tag) =	ssettag $0x1  }
0x1: {  	s2 =	rddreg [dreg:$0x0]  }
0x2: {  	s0 =	rddreg [dreg:$0x1]  }
0x3: {  	s1 =	rddreg [dreg:$0x2]  }
0x4: {  	s11 =	rddreg [dreg:$0x3]  }
0x5: {  	s13 =	rddreg [dreg:$0x4]  }
0x6: {  	s14 =	rddreg [dreg:$0x5]  }
0x7: {  	s15 =	rddreg [dreg:$0x6]  }
0x8: {  	s7 =	rddreg [dreg:$0x7]  }
0x9: {  	s8 =	rddreg [dreg:$0x8]  }
0xa: {  	s9 =	simm.s32 $0x0;
	s3 =	srdreg.scid;
	s25 =	stileid.u32  }
0xb: {  	s30 =	simm.s32 $0x80;
	s31 =	simm.s32 $0x0;
	[smem:$0x7FF] =	sst s9  }
0xc: {  	s4 =	sadd.s32 $0x400, s2;
	s23 =	sadd.s32 $0x8C00, s2;
	s3 =	sand.u32 $0x1, s3  }
0xd: {  	s10 =	smul.u32 $0x1680, s25;
	s19 =	sshll.u32 s25, $0x5;
	p0 =	sne.s32 s25, $0x0  }
0xe: {  	s22 =	sadd.s32 $0x420, s2;
	_ =	strace $0x80000047;
	[dreg:$0xa] =	wrdreg s4  }
0xf: {  	[dreg:$0xb] =	wrdreg s23;
	s24 =	sshll.u32 s3, $0xE;
	s5 =	ssub.s32 $0x2, s3  }
0x10: {  	s12 =	smul.u32 $0x5A0000, s3;
	[dreg:$0x11] =	wrdreg s22;
	s3 =	sadd.s32 s24, s2  }
0x11: {  	s4 =	simm.s32 $0x10E00;
	s6 =	sshrl.u32 s5, $0x1;
	s23 =	sadd.s32 $0x8E00, s3  }
0x12: {  	s26 =	sshrl.u32 s12, $0x3;
	s25 =	sadd.s32 $0x8E10, s3;
	[dreg:$0x12] =	wrdreg s23  }
0x13: {  	s17 =	sadd.s32 s10, s11;
	s16 =	sadd.s32 s0, s26;
	[dreg:$0x13] =	wrdreg s25  }
0x14: {  	s5 =	ssub.s32 s5, s6;
	s28 =	sadd.s32 s1, s26;
	[dreg:$0xc] =	wrdreg s16  }
0x15: {  	s6 =	sor.u32 $0x2D00, s26;
	s26 =	sadd.s32 $0x8E20, s3;
	[dreg:$0xd] =	wrdreg s28  }
0x16: {  	s18 =	sadd.s32 s10, s13;
	s29 =	sadd.s32 s0, s6;
	[dreg:$0x14] =	wrdreg s26  }
0x17: {  	s20 =	sadd.s32 s10, s14;
	s6 =	sadd.s32 s1, s6;
	[dreg:$0xe] =	wrdreg s29  }
0x18: {  	v0 =	vlaneseq.u32;
	s21 =	sadd.s32 s10, s15;
	s16 =	sadd.s32 $0x410, s2;
	[dreg:$0xf] =	wrdreg s6  }
0x19: {  	v0 =	vmul.u32 $0xB4, v0;
	s24 =	sadd.s32 $0x430, s2;
	s28 =	sadd.s32 $0x8E30, s3;
	[dreg:$0x10] =	wrdreg s16  }
0x1a: {  	s3 =	simm.s32 $0x7;
	[dreg:$0x15] =	wrdreg s28;
	s29 =	smax.u32 s5, $0x1  }
0x1b: {  	v1 =	vadd.s32 $0xB40, v0;
	s5 =	simm.s32 $0x12480;
	s6 =	simm.s32 $0x13B00;
	[dreg:$0x16] =	wrdreg s29  }
.LBB2_1:
0x1c: {  	s2 =	rddreg [dreg:$0xb];
	s10 =	simm.s32 $0x13B80  }
0x1d: {  	[tilespmem:s10], [sflag:$0x7] =	stream.linear.gather [hbm4b:s2+s9], $0x80, $0x38;
	[tilespmem:$0x1A600] =	vst v63  }
0x1e: {  	_ =	swait.ge [sflag:s3], $0x80  }
0x1f: {  	[sflag:s3] =	ssyncset.done $0x0  }
0x20: {  	[sflag:s3] =	ssyncadd.s32 $0xFFFFFF80  }
0x21: {  	s2 =	rddreg [dreg:$0x3]  }
0x22: {  	s14 =	simm.s32 @!p0 $0x1C01;
	s10 =	rddreg [dreg:$0xc];
	s2 =	sshrl.u32 @!p0 s2, $0x3  }
0x23: {  	v2 =	vld [tilespmem:$0x13B80];
	[spmem:s2], [sflag:s14] =	dma.local @!p0 [hbm:s10], $0x2D00  }
0x24: {  	s10 =	rddreg [dreg:$0x4]  }
0x25: {  	s15 =	simm.s32 @!p0 $0x1C02;
	s11 =	rddreg [dreg:$0xd];
	s10 =	sshrl.u32 @!p0 s10, $0x3  }
0x26: {  	[spmem:s10], [sflag:s15] =	dma.local @!p0 [hbm:s11], $0x2D00  }
0x27: {  	s11 =	rddreg [dreg:$0x5]  }
0x28: {  	s13 =	simm.s32 @!p0 $0x1C03;
	s16 =	rddreg [dreg:$0xe];
	s11 =	sshrl.u32 @!p0 s11, $0x3  }
0x29: {  	[spmem:s11], [sflag:s13] =	dma.local @!p0 [hbm:s16], $0x2D00  }
0x2a: {  	s13 =	rddreg [dreg:$0x6]  }
0x2b: {  	s16 =	simm.s32 @!p0 $0x1C04;
	s22 =	rddreg [dreg:$0xf];
	s13 =	sshrl.u32 @!p0 s13, $0x3  }
0x2c: {  	[spmem:s13], [sflag:s16] =	dma.local @!p0 [hbm:s22], $0x2D00  }
0x2d: {  	s29 =	simm.s32 $0x200;
	s16 =	rddreg [dreg:$0xa]  }
0x2e: {  	[tilespmem:s9], [sflag:$0x7] =	stream.strided.gather [hbm4b:s16+s30], $0x10E00, s29, s30, $0x38;
	[tilespmem:$0x1A600] =	vst v63  }
0x2f: {  	_ =	swait.ge [sflag:s3], $0x10E00  }
0x30: {  	[sflag:s3] =	ssyncset.done $0x0  }
0x31: {  	s16 =	simm.s32 $0x0;
	[sflag:s3] =	ssyncadd.s32 $0xFFFEF200  }
.LBB2_2:
0x32: {  	[bflag:$0x0] =	sbarrier.arrive @p0 $0xFFFF;
	s22 =	simm.s32 @p0 $0x10E00  }
0x33: {  	[tilespmem:s22], [sflag:$0x7] =	stream.linear.gather @p0 [spmem:s17], $0x1680, $0x38;
	[tilespmem:$0x1A600] =	vst v63  }
0x34: {  	s22 =	simm.s32 @p0 $0x7  }
0x35: {  	_ =	swait.ge @p0 [sflag:s22], $0x1680  }
0x36: {  	[sflag:s22] =	ssyncset.done @p0 $0x0  }
0x37: {  	s25 =	simm.s32 @p0 $0x12480;
	[sflag:s22] =	ssyncadd.s32 @p0 $0xFFFFE980  }
0x38: {  	[tilespmem:s25], [sflag:$0x7] =	stream.linear.gather @p0 [spmem:s18], $0x1680, $0x38;
	[tilespmem:$0x1A600] =	vst v63  }
0x39: {  	_ =	swait.ge @p0 [sflag:s22], $0x1680  }
0x3a: {  	[sflag:s22] =	ssyncset.done @p0 $0x0  }
0x3b: {  	[sflag:s22] =	ssyncadd.s32 @p0 $0xFFFFE980  }
0x3c: {  	s22 =	simm.s32 @!p0 $0x1;
	[bflag:$0x0] =	sbarrier.arrive @p0 $0xFFFF  }
0x3d: {  	_ =	swait.ge @!p0 [sflag:s22], $0x2D00  }
0x3e: {  	[sflag:s22] =	ssyncset.done @!p0 $0x0  }
0x3f: {  	[sflag:s22] =	ssyncadd.s32 @!p0 $0xFFFFD300;
	s22 =	simm.s32 @!p0 $0x2  }
0x40: {  	_ =	swait.ge @!p0 [sflag:s22], $0x2D00  }
0x41: {  	[sflag:s22] =	ssyncset.done @!p0 $0x0  }
0x42: {  	[sflag:s22] =	ssyncadd.s32 @!p0 $0xFFFFD300  }
0x43: {  	s25 =	simm.s32 @!p0 $0x7;
	s22 =	simm.s32 @!p0 $0x10E00;
	[bflag:$0x0] =	sbarrier.arrive @!p0 $0xFFFF  }
0x44: {  	[tilespmem:s22], [sflag:$0x7] =	stream.linear.gather @!p0 [spmem:s17], $0x1680, $0x38;
	[tilespmem:$0x1A600] =	vst v63  }
0x45: {  	_ =	swait.ge @!p0 [sflag:s25], $0x1680  }
0x46: {  	[sflag:s25] =	ssyncset.done @!p0 $0x0  }
0x47: {  	s26 =	simm.s32 @!p0 $0x12480;
	s22 =	sshll.u32 s16, $0x1;
	[sflag:s25] =	ssyncadd.s32 @!p0 $0xFFFFE980  }
0x48: {  	[tilespmem:s26], [sflag:$0x7] =	stream.linear.gather @!p0 [spmem:s18], $0x1680, $0x38;
	[tilespmem:$0x1A600] =	vst v63  }
0x49: {  	s26 =	sadd.s32 @!p0 $0x2, s22  }
0x4a: {  	s26 =	sand.u32 @!p0 $0x3E, s26  }
0x4b: {  	s26 =	smul.u32 @!p0 $0x16800, s26  }
0x4c: {  	_ =	swait.ge @!p0 [sflag:s25], $0x1680  }
0x4d: {  	[sflag:s25] =	ssyncset.done @!p0 $0x0;
	s26 =	sadd.s32 @!p0 s12, s26  }
0x4e: {  	[sflag:s25] =	ssyncadd.s32 @!p0 $0xFFFFE980;
	s25 =	sshrl.u32 @!p0 s26, $0x3  }
0x4f: {  	v3 =	vor.u32 $0x1, v0;
	[bflag:$0x0] =	sbarrier.arrive @!p0 $0xFFFF;
	s26 =	sadd.s32 @!p0 s0, s25;
	s25 =	sadd.s32 @!p0 s1, s25  }
0x50: {  	v8 =	vadd.s32 $0x6, v0;
	[spmem:s2], [sflag:s14] =	dma.local @!p0 [hbm:s26], $0x2D00  }
0x51: {  	v4 =	vadd.s32 $0x2, v0;
	[spmem:s10], [sflag:s15] =	dma.local @!p0 [hbm:s25], $0x2D00  }
0x52: {  	v9 =	vld.idx.msk [tilespmem:v0+s4+$0x0], $0xffff  }
0x53: {  	v5 =	vadd.s32 $0x3, v0;
	v13 =	vld.idx.msk [tilespmem:v0+s5+$0x0], $0xffff  }
0x54: {  	v6 =	vadd.s32 $0x4, v0;
	v12 =	vld.idx.msk [tilespmem:v3+s4+$0x0], $0xffff  }
0x55: {  	v10 =	vadd.s32 $0x5, v0;
	v7 =	vld.idx.msk [tilespmem:v8+s4+$0x0], $0xffff  }
0x56: {  	v14 =	vld.idx.msk [tilespmem:v4+s4+$0x0], $0xffff  }
0x57: {  	v11 =	vld.idx.msk [tilespmem:v3+s5+$0x0], $0xffff  }
0x58: {  	v15 =	vld.idx.msk [tilespmem:v5+s4+$0x0], $0xffff  }
0x59: {  	v19 =	vld.idx.msk [tilespmem:v6+s4+$0x0], $0xffff  }
0x5a: {  	v18 =	vld.idx.msk [tilespmem:v10+s4+$0x0], $0xffff  }
0x5b: {  	v9 =	vld.idx.msk [tilespmem:v9+s9+$0x0], $0xffff  }
0x5c: {  	v16 =	vld.idx.msk [tilespmem:v4+s5+$0x0], $0xffff  }
0x5d: {  	v20 =	vld.idx.msk [tilespmem:v12+s9+$0x0], $0xffff  }
0x5e: {  	v17 =	vld.idx.msk [tilespmem:v14+s9+$0x0], $0xffff  }
0x5f: {  	v12 =	vld.idx.msk [tilespmem:v5+s5+$0x0], $0xffff  }
0x60: {  	v15 =	vld.idx.msk [tilespmem:v15+s9+$0x0], $0xffff;
	v22 =	vmul.f32 v9, v13  }
0x61: {  	v21 =	vimm.f32 $0.0e+00;
	s25 =	simm.s32 $0x1C;
	v14 =	vld.idx.msk [tilespmem:v6+s5+$0x0], $0xffff;
	v13 =	vor.u32 $0x1, v8;
	v9 =	vmov v8  }
.LBB2_3:
0x62: {  	p1 =	sne.s32 s25, $0x1;
	v8 =	vadd.s32 $0x6, v8;
	v21 =	vadd.f32 v22, v21;
	v11 =	vmul.f32 v20, v11;
	v19 =	vld.idx.msk [tilespmem:v19+s9+$0x0], $0xffff  }
0x63: {  	v22 =	vadd.s32 $0x2, v9;
	v20 =	vld.idx.msk [tilespmem:v10+s5+$0x0], $0xffff  }
0x64: {  	v10 =	vadd.f32 v11, v21;
	v11 =	vmul.f32 v17, v16;
	v16 =	vld.idx.msk [tilespmem:v18+s9+$0x0], $0xffff  }
0x65: {  	v24 =	vadd.s32 $0x3, v9;
	v23 =	vld.idx.msk [tilespmem:v9+s5+$0x0], $0xffff  }
0x66: {  	v25 =	vadd.s32 $0x4, v9;
	v12 =	vmul.f32 v15, v12;
	v17 =	vld.idx.msk [tilespmem:v13+s4+$0x0], $0xffff;
	v11 =	vadd.f32 v11, v10  }
0x67: {  	v15 =	vld.idx.msk [tilespmem:v8+s4+$0x0], $0xffff  }
0x68: {  	v10 =	vadd.s32 $0x5, v9;
	v9 =	vmovc v8;
	v14 =	vmul.f32 v19, v14;
	v26 =	vld.idx.msk [tilespmem:v22+s4+$0x0], $0xffff;
	v12 =	vadd.f32 v12, v11  }
0x69: {  	v11 =	vld.idx.msk [tilespmem:v13+s5+$0x0], $0xffff  }
0x6a: {  	v13 =	vld.idx.msk [tilespmem:v24+s4+$0x0], $0xffff;
	v12 =	vadd.f32 v14, v12;
	v14 =	vmul.f32 v16, v20  }
0x6b: {  	v19 =	vld.idx.msk [tilespmem:v25+s4+$0x0], $0xffff  }
0x6c: {  	v27 =	vld.idx.msk [tilespmem:v7+s9+$0x0], $0xffff;
	v21 =	vadd.f32 v14, v12;
	v7 =	vmov v15  }
0x6d: {  	v18 =	vld.idx.msk [tilespmem:v10+s4+$0x0], $0xffff  }
0x6e: {  	v20 =	vld.idx.msk [tilespmem:v17+s9+$0x0], $0xffff  }
.Ltmp0:
0x6f: {  	v16 =	vld.idx.msk [tilespmem:v22+s5+$0x0], $0xffff;
	(pc) =	sbr.rel @p1 .LBB2_3-.Ltmp0, $4  }
0x70: {  	v17 =	vld.idx.msk [tilespmem:v26+s9+$0x0], $0xffff  }
0x71: {  	v12 =	vld.idx.msk [tilespmem:v24+s5+$0x0], $0xffff  }
0x72: {  	v22 =	vmul.f32 v27, v23;
	v15 =	vld.idx.msk [tilespmem:v13+s9+$0x0], $0xffff  }
0x73: {  	s25 =	sadd.s32 $0xFFFFFFFF, s25;
	v13 =	vor.u32 $0x1, v8;
	v14 =	vld.idx.msk [tilespmem:v25+s5+$0x0], $0xffff  }
0x74: {  	_ =	sdelay $0x3  }
0x75: {  	v8 =	vld.idx.msk [tilespmem:v19+s9+$0x0], $0xffff;
	v19 =	vadd.s32 $0x2, v9  }
0x76: {  	v10 =	vld.idx.msk [tilespmem:v10+s5+$0x0], $0xffff  }
0x77: {  	v18 =	vld.idx.msk [tilespmem:v18+s9+$0x0], $0xffff;
	v23 =	vadd.s32 $0x3, v9  }
0x78: {  	v24 =	vld.idx.msk [tilespmem:v13+s4+$0x0], $0xffff  }
0x79: {  	v25 =	vadd.s32 $0x4, v9;
	v21 =	vadd.f32 v22, v21;
	v11 =	vmul.f32 v20, v11;
	v20 =	vld.idx.msk [tilespmem:v9+s5+$0x0], $0xffff  }
0x7a: {  	v9 =	vadd.s32 $0x5, v9;
	v22 =	vld.idx.msk [tilespmem:v19+s4+$0x0], $0xffff  }
0x7b: {  	v13 =	vld.idx.msk [tilespmem:v13+s5+$0x0], $0xffff;
	v16 =	vmul.f32 v17, v16;
	v11 =	vadd.f32 v11, v21  }
0x7c: {  	v17 =	vld.idx.msk [tilespmem:v23+s4+$0x0], $0xffff  }
0x7d: {  	v7 =	vld.idx.msk [tilespmem:v7+s9+$0x0], $0xffff;
	v12 =	vmul.f32 v15, v12;
	v11 =	vadd.f32 v16, v11  }
0x7e: {  	v15 =	vld.idx.msk [tilespmem:v25+s4+$0x0], $0xffff  }
0x7f: {  	v8 =	vmul.f32 v8, v14;
	v11 =	vadd.f32 v12, v11;
	v12 =	vld.idx.msk [tilespmem:v9+s4+$0x0], $0xffff  }
0x80: {  	v14 =	vld.idx.msk [tilespmem:v24+s9+$0x0], $0xffff  }
0x81: {  	v10 =	vmul.f32 v18, v10;
	v8 =	vadd.f32 v8, v11;
	v11 =	vld.idx.msk [tilespmem:v19+s5+$0x0], $0xffff  }
0x82: {  	v16 =	vld.idx.msk [tilespmem:v22+s9+$0x0], $0xffff  }
0x83: {  	v7 =	vmul.f32 v7, v20;
	v8 =	vadd.f32 v10, v8;
	v10 =	vld.idx.msk [tilespmem:v23+s5+$0x0], $0xffff  }
0x84: {  	v17 =	vld.idx.msk [tilespmem:v17+s9+$0x0], $0xffff  }
0x85: {  	v18 =	vld.idx.msk [tilespmem:v25+s5+$0x0], $0xffff;
	v7 =	vadd.f32 v7, v8;
	v8 =	vmul.f32 v14, v13  }
0x86: {  	v13 =	vld.idx.msk [tilespmem:v15+s9+$0x0], $0xffff  }
0x87: {  	v9 =	vld.idx.msk [tilespmem:v9+s5+$0x0], $0xffff;
	v7 =	vadd.f32 v8, v7;
	v8 =	vmul.f32 v16, v11  }
0x88: {  	v11 =	vld.idx.msk [tilespmem:v12+s9+$0x0], $0xffff  }
0x89: {  	v7 =	vadd.f32 v8, v7;
	v8 =	vmul.f32 v17, v10;
	_ =	sdelay $0x1  }
0x8a: {  	v7 =	vadd.f32 v8, v7;
	v8 =	vmul.f32 v13, v18;
	_ =	sdelay $0x1  }
0x8b: {  	v7 =	vadd.f32 v8, v7;
	v8 =	vmul.f32 v11, v9;
	_ =	sdelay $0x1  }
0x8c: {  	v7 =	vadd.f32 v8, v7;
	_ =	sdelay $0x1  }
0x8d: {  	v12 =	vadd.s32 $0x6, v1;
	v8 =	vadd.f32 v7, v2  }
0x8e: {  	v7 =	vor.u32 $0x1, v1  }
0x8f: {  	v9 =	vadd.s32 $0x3, v1;
	[tilespmem:$0x13B00] =	vst v8  }
0x90: {  	v8 =	vadd.s32 $0x2, v1;
	v13 =	vld.idx.msk [tilespmem:v1+s4+$0x0], $0xffff  }
0x91: {  	v10 =	vadd.s32 $0x4, v1;
	v17 =	vld.idx.msk [tilespmem:v1+s5+$0x0], $0xffff  }
0x92: {  	v14 =	vadd.s32 $0x5, v1;
	v11 =	vld.idx.msk [tilespmem:v12+s4+$0x0], $0xffff  }
0x93: {  	v16 =	vld.idx.msk [tilespmem:v7+s4+$0x0], $0xffff  }
0x94: {  	v19 =	vld.idx.msk [tilespmem:v9+s4+$0x0], $0xffff  }
0x95: {  	v18 =	vld.idx.msk [tilespmem:v8+s4+$0x0], $0xffff  }
0x96: {  	v23 =	vld.idx.msk [tilespmem:v10+s4+$0x0], $0xffff  }
0x97: {  	v22 =	vld.idx.msk [tilespmem:v14+s4+$0x0], $0xffff  }
0x98: {  	v15 =	vld.idx.msk [tilespmem:v7+s5+$0x0], $0xffff  }
0x99: {  	v13 =	vld.idx.msk [tilespmem:v13+s9+$0x0], $0xffff  }
0x9a: {  	v20 =	vld.idx.msk [tilespmem:v8+s5+$0x0], $0xffff  }
0x9b: {  	v24 =	vld.idx.msk [tilespmem:v16+s9+$0x0], $0xffff  }
0x9c: {  	v19 =	vld.idx.msk [tilespmem:v19+s9+$0x0], $0xffff  }
0x9d: {  	v21 =	vld.idx.msk [tilespmem:v18+s9+$0x0], $0xffff  }
0x9e: {  	v16 =	vld.idx.msk [tilespmem:v9+s5+$0x0], $0xffff;
	v26 =	vmul.f32 v13, v17  }
0x9f: {  	s25 =	simm.s32 $0x1C;
	v25 =	vimm.f32 $0.0e+00;
	v18 =	vld.idx.msk [tilespmem:v10+s5+$0x0], $0xffff;
	v17 =	vor.u32 $0x1, v12;
	v13 =	vmov v12  }
.LBB2_5:
0xa0: {  	p1 =	sne.s32 s25, $0x1;
	v12 =	vadd.s32 $0x6, v12;
	v25 =	vadd.f32 v26, v25;
	v15 =	vmul.f32 v24, v15;
	v23 =	vld.idx.msk [tilespmem:v23+s9+$0x0], $0xffff  }
0xa1: {  	v26 =	vadd.s32 $0x2, v13;
	v24 =	vld.idx.msk [tilespmem:v14+s5+$0x0], $0xffff  }
0xa2: {  	v14 =	vadd.f32 v15, v25;
	v15 =	vmul.f32 v21, v20;
	v20 =	vld.idx.msk [tilespmem:v22+s9+$0x0], $0xffff  }
0xa3: {  	v28 =	vadd.s32 $0x3, v13;
	v27 =	vld.idx.msk [tilespmem:v13+s5+$0x0], $0xffff  }
0xa4: {  	v29 =	vadd.s32 $0x4, v13;
	v16 =	vmul.f32 v19, v16;
	v21 =	vld.idx.msk [tilespmem:v17+s4+$0x0], $0xffff;
	v15 =	vadd.f32 v15, v14  }
0xa5: {  	v19 =	vld.idx.msk [tilespmem:v12+s4+$0x0], $0xffff  }
0xa6: {  	v14 =	vadd.s32 $0x5, v13;
	v13 =	vmovc v12;
	v18 =	vmul.f32 v23, v18;
	v30 =	vld.idx.msk [tilespmem:v26+s4+$0x0], $0xffff;
	v16 =	vadd.f32 v16, v15  }
0xa7: {  	v15 =	vld.idx.msk [tilespmem:v17+s5+$0x0], $0xffff  }
0xa8: {  	v17 =	vld.idx.msk [tilespmem:v28+s4+$0x0], $0xffff;
	v16 =	vadd.f32 v18, v16;
	v18 =	vmul.f32 v20, v24  }
0xa9: {  	v23 =	vld.idx.msk [tilespmem:v29+s4+$0x0], $0xffff  }
0xaa: {  	v31 =	vld.idx.msk [tilespmem:v11+s9+$0x0], $0xffff;
	v25 =	vadd.f32 v18, v16;
	v11 =	vmov v19  }
0xab: {  	v22 =	vld.idx.msk [tilespmem:v14+s4+$0x0], $0xffff  }
0xac: {  	v24 =	vld.idx.msk [tilespmem:v21+s9+$0x0], $0xffff  }
.Ltmp1:
0xad: {  	v20 =	vld.idx.msk [tilespmem:v26+s5+$0x0], $0xffff;
	(pc) =	sbr.rel @p1 .LBB2_5-.Ltmp1, $4  }
0xae: {  	v21 =	vld.idx.msk [tilespmem:v30+s9+$0x0], $0xffff  }
0xaf: {  	v16 =	vld.idx.msk [tilespmem:v28+s5+$0x0], $0xffff  }
0xb0: {  	v26 =	vmul.f32 v31, v27;
	v19 =	vld.idx.msk [tilespmem:v17+s9+$0x0], $0xffff  }
0xb1: {  	s25 =	sadd.s32 $0xFFFFFFFF, s25;
	v17 =	vor.u32 $0x1, v12;
	v18 =	vld.idx.msk [tilespmem:v29+s5+$0x0], $0xffff  }
0xb2: {  	_ =	sdelay $0x3  }
0xb3: {  	v12 =	vld.idx.msk [tilespmem:v23+s9+$0x0], $0xffff;
	v23 =	vadd.s32 $0x2, v13  }
0xb4: {  	v14 =	vld.idx.msk [tilespmem:v14+s5+$0x0], $0xffff  }
0xb5: {  	v22 =	vld.idx.msk [tilespmem:v22+s9+$0x0], $0xffff;
	v27 =	vadd.s32 $0x3, v13  }
0xb6: {  	v28 =	vld.idx.msk [tilespmem:v17+s4+$0x0], $0xffff  }
0xb7: {  	v29 =	vadd.s32 $0x4, v13;
	v25 =	vadd.f32 v26, v25;
	v15 =	vmul.f32 v24, v15;
	v24 =	vld.idx.msk [tilespmem:v13+s5+$0x0], $0xffff  }
0xb8: {  	v13 =	vadd.s32 $0x5, v13;
	v26 =	vld.idx.msk [tilespmem:v23+s4+$0x0], $0xffff  }
0xb9: {  	v17 =	vld.idx.msk [tilespmem:v17+s5+$0x0], $0xffff;
	v20 =	vmul.f32 v21, v20;
	v15 =	vadd.f32 v15, v25  }
0xba: {  	v21 =	vld.idx.msk [tilespmem:v27+s4+$0x0], $0xffff  }
0xbb: {  	v11 =	vld.idx.msk [tilespmem:v11+s9+$0x0], $0xffff;
	v16 =	vmul.f32 v19, v16;
	v15 =	vadd.f32 v20, v15  }
0xbc: {  	v19 =	vld.idx.msk [tilespmem:v29+s4+$0x0], $0xffff  }
0xbd: {  	v12 =	vmul.f32 v12, v18;
	v15 =	vadd.f32 v16, v15;
	v16 =	vld.idx.msk [tilespmem:v13+s4+$0x0], $0xffff  }
0xbe: {  	v18 =	vld.idx.msk [tilespmem:v28+s9+$0x0], $0xffff  }
0xbf: {  	v14 =	vmul.f32 v22, v14;
	v12 =	vadd.f32 v12, v15;
	v15 =	vld.idx.msk [tilespmem:v23+s5+$0x0], $0xffff  }
0xc0: {  	v20 =	vld.idx.msk [tilespmem:v26+s9+$0x0], $0xffff  }
0xc1: {  	v11 =	vmul.f32 v11, v24;
	v12 =	vadd.f32 v14, v12;
	v14 =	vld.idx.msk [tilespmem:v27+s5+$0x0], $0xffff  }
0xc2: {  	v21 =	vld.idx.msk [tilespmem:v21+s9+$0x0], $0xffff  }
0xc3: {  	v22 =	vld.idx.msk [tilespmem:v29+s5+$0x0], $0xffff;
	v11 =	vadd.f32 v11, v12;
	v12 =	vmul.f32 v18, v17  }
0xc4: {  	v17 =	vld.idx.msk [tilespmem:v19+s9+$0x0], $0xffff  }
0xc5: {  	v13 =	vld.idx.msk [tilespmem:v13+s5+$0x0], $0xffff;
	v11 =	vadd.f32 v12, v11;
	v12 =	vmul.f32 v20, v15  }
0xc6: {  	v15 =	vld.idx.msk [tilespmem:v16+s9+$0x0], $0xffff  }
0xc7: {  	v11 =	vadd.f32 v12, v11;
	v12 =	vmul.f32 v21, v14;
	_ =	sdelay $0x1  }
0xc8: {  	v11 =	vadd.f32 v12, v11;
	v12 =	vmul.f32 v17, v22;
	_ =	sdelay $0x1  }
0xc9: {  	v11 =	vadd.f32 v12, v11;
	v12 =	vmul.f32 v15, v13;
	_ =	sdelay $0x1  }
0xca: {  	v11 =	vadd.f32 v12, v11  }
0xcb: {  	s25 =	sshll.u32 s16, $0xA  }
0xcc: {  	s25 =	sand.u32 $0x3FFFFC00, s25;
	v11 =	vadd.f32 v11, v2  }
0xcd: {  	s25 =	sadd.s32 s25, s7  }
0xce: {  	s25 =	sadd.s32 s19, s25;
	[tilespmem:$0x13B10] =	vst v11  }
0xcf: {  	[spmem:s25] =	stream.linear.scatter [tilespmem:s6], [sflag:$0x7], $0x20, $0x38;
	[tilespmem:$0x1A600] =	vst v63  }
0xd0: {  	_ =	swait.ge [sflag:s3], $0x20  }
0xd1: {  	[sflag:s3] =	ssyncset.done $0x0  }
0xd2: {  	[sflag:s3] =	ssyncadd.s32 $0xFFFFFFE0  }
0xd3: {  	s26 =	simm.s32 @p0 $0x10E00;
	[bflag:$0x0] =	sbarrier.arrive @p0 $0xFFFF  }
0xd4: {  	[tilespmem:s26], [sflag:$0x7] =	stream.linear.gather @p0 [spmem:s20], $0x1680, $0x38;
	[tilespmem:$0x1A600] =	vst v63  }
0xd5: {  	s26 =	simm.s32 @p0 $0x7  }
0xd6: {  	_ =	swait.ge @p0 [sflag:s26], $0x1680  }
0xd7: {  	[sflag:s26] =	ssyncset.done @p0 $0x0  }
0xd8: {  	s28 =	simm.s32 @p0 $0x12480;
	[sflag:s26] =	ssyncadd.s32 @p0 $0xFFFFE980  }
0xd9: {  	[tilespmem:s28], [sflag:$0x7] =	stream.linear.gather @p0 [spmem:s21], $0x1680, $0x38;
	[tilespmem:$0x1A600] =	vst v63  }
0xda: {  	_ =	swait.ge @p0 [sflag:s26], $0x1680  }
0xdb: {  	[sflag:s26] =	ssyncset.done @p0 $0x0  }
0xdc: {  	[sflag:s26] =	ssyncadd.s32 @p0 $0xFFFFE980  }
0xdd: {  	s26 =	simm.s32 @!p0 $0x3;
	[bflag:$0x0] =	sbarrier.arrive @p0 $0xFFFF  }
0xde: {  	_ =	swait.ge @!p0 [sflag:s26], $0x2D00  }
0xdf: {  	[sflag:s26] =	ssyncset.done @!p0 $0x0  }
0xe0: {  	[sflag:s26] =	ssyncadd.s32 @!p0 $0xFFFFD300;
	s26 =	simm.s32 @!p0 $0x4  }
0xe1: {  	_ =	swait.ge @!p0 [sflag:s26], $0x2D00  }
0xe2: {  	[sflag:s26] =	ssyncset.done @!p0 $0x0  }
0xe3: {  	[sflag:s26] =	ssyncadd.s32 @!p0 $0xFFFFD300  }
0xe4: {  	s26 =	simm.s32 @!p0 $0x10E00;
	[bflag:$0x0] =	sbarrier.arrive @!p0 $0xFFFF  }
0xe5: {  	[tilespmem:s26], [sflag:$0x7] =	stream.linear.gather @!p0 [spmem:s20], $0x1680, $0x38;
	[tilespmem:$0x1A600] =	vst v63  }
0xe6: {  	s26 =	simm.s32 @!p0 $0x7  }
0xe7: {  	s22 =	sadd.s32 @!p0 $0x3, s22;
	_ =	swait.ge @!p0 [sflag:s26], $0x1680  }
0xe8: {  	s22 =	sand.u32 @!p0 $0x3F, s22;
	[sflag:s26] =	ssyncset.done @!p0 $0x0  }
0xe9: {  	s22 =	smul.u32 @!p0 $0x16800, s22;
	s28 =	simm.s32 @!p0 $0x12480;
	[sflag:s26] =	ssyncadd.s32 @!p0 $0xFFFFE980  }
0xea: {  	[tilespmem:s28], [sflag:$0x7] =	stream.linear.gather @!p0 [spmem:s21], $0x1680, $0x38;
	[tilespmem:$0x1A600] =	vst v63  }
0xeb: {  	_ =	swait.ge @!p0 [sflag:s26], $0x1680  }
0xec: {  	s22 =	sadd.s32 @!p0 s12, s22;
	[sflag:s26] =	ssyncset.done @!p0 $0x0  }
0xed: {  	s22 =	sshrl.u32 @!p0 s22, $0x3;
	[sflag:s26] =	ssyncadd.s32 @!p0 $0xFFFFE980  }
0xee: {  	s28 =	simm.s32 @!p0 $0x1C03;
	s26 =	sadd.s32 @!p0 s0, s22;
	[bflag:$0x0] =	sbarrier.arrive @!p0 $0xFFFF  }
0xef: {  	[spmem:s11], [sflag:s28] =	dma.local @!p0 [hbm:s26], $0x2D00  }
0xf0: {  	v12 =	vadd.s32 $0x6, v0;
	s22 =	sadd.s32 @!p0 s1, s22;
	s26 =	simm.s32 @!p0 $0x1C04  }
0xf1: {  	[spmem:s13], [sflag:s26] =	dma.local @!p0 [hbm:s22], $0x2D00  }
0xf2: {  	v13 =	vld.idx.msk [tilespmem:v0+s4+$0x0], $0xffff  }
0xf3: {  	v17 =	vld.idx.msk [tilespmem:v0+s5+$0x0], $0xffff  }
0xf4: {  	v16 =	vld.idx.msk [tilespmem:v3+s4+$0x0], $0xffff  }
0xf5: {  	v14 =	vadd.s32 $0x5, v0;
	v11 =	vld.idx.msk [tilespmem:v12+s4+$0x0], $0xffff  }
0xf6: {  	v18 =	vld.idx.msk [tilespmem:v4+s4+$0x0], $0xffff  }
0xf7: {  	v15 =	vld.idx.msk [tilespmem:v3+s5+$0x0], $0xffff  }
0xf8: {  	v19 =	vld.idx.msk [tilespmem:v5+s4+$0x0], $0xffff  }
0xf9: {  	v23 =	vld.idx.msk [tilespmem:v6+s4+$0x0], $0xffff  }
0xfa: {  	v22 =	vld.idx.msk [tilespmem:v14+s4+$0x0], $0xffff  }
0xfb: {  	v13 =	vld.idx.msk [tilespmem:v13+s9+$0x0], $0xffff  }
0xfc: {  	v20 =	vld.idx.msk [tilespmem:v4+s5+$0x0], $0xffff  }
0xfd: {  	v24 =	vld.idx.msk [tilespmem:v16+s9+$0x0], $0xffff  }
0xfe: {  	v21 =	vld.idx.msk [tilespmem:v18+s9+$0x0], $0xffff  }
0xff: {  	v16 =	vld.idx.msk [tilespmem:v5+s5+$0x0], $0xffff  }
0x100: {  	v19 =	vld.idx.msk [tilespmem:v19+s9+$0x0], $0xffff;
	v26 =	vmul.f32 v13, v17  }
0x101: {  	v25 =	vimm.f32 $0.0e+00;
	s22 =	simm.s32 $0x1C;
	v18 =	vld.idx.msk [tilespmem:v6+s5+$0x0], $0xffff;
	v17 =	vor.u32 $0x1, v12;
	v13 =	vmov v12  }
.LBB2_7:
0x102: {  	p1 =	sne.s32 s22, $0x1;
	v12 =	vadd.s32 $0x6, v12;
	v25 =	vadd.f32 v26, v25;
	v15 =	vmul.f32 v24, v15;
	v23 =	vld.idx.msk [tilespmem:v23+s9+$0x0], $0xffff  }
0x103: {  	v26 =	vadd.s32 $0x2, v13;
	v24 =	vld.idx.msk [tilespmem:v14+s5+$0x0], $0xffff  }
0x104: {  	v14 =	vadd.f32 v15, v25;
	v15 =	vmul.f32 v21, v20;
	v20 =	vld.idx.msk [tilespmem:v22+s9+$0x0], $0xffff  }
0x105: {  	v28 =	vadd.s32 $0x3, v13;
	v27 =	vld.idx.msk [tilespmem:v13+s5+$0x0], $0xffff  }
0x106: {  	v29 =	vadd.s32 $0x4, v13;
	v16 =	vmul.f32 v19, v16;
	v21 =	vld.idx.msk [tilespmem:v17+s4+$0x0], $0xffff;
	v15 =	vadd.f32 v15, v14  }
0x107: {  	v19 =	vld.idx.msk [tilespmem:v12+s4+$0x0], $0xffff  }
0x108: {  	v14 =	vadd.s32 $0x5, v13;
	v13 =	vmovc v12;
	v18 =	vmul.f32 v23, v18;
	v30 =	vld.idx.msk [tilespmem:v26+s4+$0x0], $0xffff;
	v16 =	vadd.f32 v16, v15  }
0x109: {  	v15 =	vld.idx.msk [tilespmem:v17+s5+$0x0], $0xffff  }
0x10a: {  	v17 =	vld.idx.msk [tilespmem:v28+s4+$0x0], $0xffff;
	v16 =	vadd.f32 v18, v16;
	v18 =	vmul.f32 v20, v24  }
0x10b: {  	v23 =	vld.idx.msk [tilespmem:v29+s4+$0x0], $0xffff  }
0x10c: {  	v31 =	vld.idx.msk [tilespmem:v11+s9+$0x0], $0xffff;
	v25 =	vadd.f32 v18, v16;
	v11 =	vmov v19  }
0x10d: {  	v22 =	vld.idx.msk [tilespmem:v14+s4+$0x0], $0xffff  }
0x10e: {  	v24 =	vld.idx.msk [tilespmem:v21+s9+$0x0], $0xffff  }
.Ltmp2:
0x10f: {  	v20 =	vld.idx.msk [tilespmem:v26+s5+$0x0], $0xffff;
	(pc) =	sbr.rel @p1 .LBB2_7-.Ltmp2, $4  }
0x110: {  	v21 =	vld.idx.msk [tilespmem:v30+s9+$0x0], $0xffff  }
0x111: {  	v16 =	vld.idx.msk [tilespmem:v28+s5+$0x0], $0xffff  }
0x112: {  	v26 =	vmul.f32 v31, v27;
	v19 =	vld.idx.msk [tilespmem:v17+s9+$0x0], $0xffff  }
0x113: {  	s22 =	sadd.s32 $0xFFFFFFFF, s22;
	v17 =	vor.u32 $0x1, v12;
	v18 =	vld.idx.msk [tilespmem:v29+s5+$0x0], $0xffff  }
0x114: {  	_ =	sdelay $0x3  }
0x115: {  	v12 =	vld.idx.msk [tilespmem:v23+s9+$0x0], $0xffff;
	v23 =	vadd.s32 $0x2, v13  }
0x116: {  	v14 =	vld.idx.msk [tilespmem:v14+s5+$0x0], $0xffff  }
0x117: {  	v22 =	vld.idx.msk [tilespmem:v22+s9+$0x0], $0xffff;
	v27 =	vadd.s32 $0x3, v13  }
0x118: {  	v28 =	vld.idx.msk [tilespmem:v17+s4+$0x0], $0xffff  }
0x119: {  	v29 =	vadd.s32 $0x4, v13;
	v25 =	vadd.f32 v26, v25;
	v15 =	vmul.f32 v24, v15;
	v24 =	vld.idx.msk [tilespmem:v13+s5+$0x0], $0xffff  }
0x11a: {  	v13 =	vadd.s32 $0x5, v13;
	v26 =	vld.idx.msk [tilespmem:v23+s4+$0x0], $0xffff  }
0x11b: {  	v17 =	vld.idx.msk [tilespmem:v17+s5+$0x0], $0xffff;
	v20 =	vmul.f32 v21, v20;
	v15 =	vadd.f32 v15, v25  }
0x11c: {  	v21 =	vld.idx.msk [tilespmem:v27+s4+$0x0], $0xffff  }
0x11d: {  	v11 =	vld.idx.msk [tilespmem:v11+s9+$0x0], $0xffff;
	v16 =	vmul.f32 v19, v16;
	v15 =	vadd.f32 v20, v15  }
0x11e: {  	v19 =	vld.idx.msk [tilespmem:v29+s4+$0x0], $0xffff  }
0x11f: {  	v12 =	vmul.f32 v12, v18;
	v15 =	vadd.f32 v16, v15;
	v16 =	vld.idx.msk [tilespmem:v13+s4+$0x0], $0xffff  }
0x120: {  	v18 =	vld.idx.msk [tilespmem:v28+s9+$0x0], $0xffff  }
0x121: {  	v14 =	vmul.f32 v22, v14;
	v12 =	vadd.f32 v12, v15;
	v15 =	vld.idx.msk [tilespmem:v23+s5+$0x0], $0xffff  }
0x122: {  	v20 =	vld.idx.msk [tilespmem:v26+s9+$0x0], $0xffff  }
0x123: {  	v11 =	vmul.f32 v11, v24;
	v12 =	vadd.f32 v14, v12;
	v14 =	vld.idx.msk [tilespmem:v27+s5+$0x0], $0xffff  }
0x124: {  	v21 =	vld.idx.msk [tilespmem:v21+s9+$0x0], $0xffff  }
0x125: {  	v22 =	vld.idx.msk [tilespmem:v29+s5+$0x0], $0xffff;
	v11 =	vadd.f32 v11, v12;
	v12 =	vmul.f32 v18, v17  }
0x126: {  	v17 =	vld.idx.msk [tilespmem:v19+s9+$0x0], $0xffff  }
0x127: {  	v13 =	vld.idx.msk [tilespmem:v13+s5+$0x0], $0xffff;
	v11 =	vadd.f32 v12, v11;
	v12 =	vmul.f32 v20, v15  }
0x128: {  	v15 =	vld.idx.msk [tilespmem:v16+s9+$0x0], $0xffff  }
0x129: {  	v11 =	vadd.f32 v12, v11;
	v12 =	vmul.f32 v21, v14;
	_ =	sdelay $0x1  }
0x12a: {  	v11 =	vadd.f32 v12, v11;
	v12 =	vmul.f32 v17, v22;
	_ =	sdelay $0x1  }
0x12b: {  	v11 =	vadd.f32 v12, v11;
	v12 =	vmul.f32 v15, v13;
	_ =	sdelay $0x1  }
0x12c: {  	v11 =	vadd.f32 v12, v11;
	_ =	sdelay $0x1  }
0x12d: {  	v11 =	vadd.f32 v11, v2  }
0x12e: {  	v12 =	vadd.s32 $0x6, v1  }
0x12f: {  	[tilespmem:$0x13B00] =	vst v11  }
0x130: {  	v13 =	vld.idx.msk [tilespmem:v1+s4+$0x0], $0xffff  }
0x131: {  	v17 =	vld.idx.msk [tilespmem:v1+s5+$0x0], $0xffff  }
0x132: {  	v16 =	vld.idx.msk [tilespmem:v7+s4+$0x0], $0xffff  }
0x133: {  	v14 =	vadd.s32 $0x5, v1;
	v11 =	vld.idx.msk [tilespmem:v12+s4+$0x0], $0xffff  }
0x134: {  	v18 =	vld.idx.msk [tilespmem:v8+s4+$0x0], $0xffff  }
0x135: {  	v15 =	vld.idx.msk [tilespmem:v7+s5+$0x0], $0xffff  }
0x136: {  	v19 =	vld.idx.msk [tilespmem:v9+s4+$0x0], $0xffff  }
0x137: {  	v23 =	vld.idx.msk [tilespmem:v10+s4+$0x0], $0xffff  }
0x138: {  	v22 =	vld.idx.msk [tilespmem:v14+s4+$0x0], $0xffff  }
0x139: {  	v13 =	vld.idx.msk [tilespmem:v13+s9+$0x0], $0xffff  }
0x13a: {  	v20 =	vld.idx.msk [tilespmem:v8+s5+$0x0], $0xffff  }
0x13b: {  	v24 =	vld.idx.msk [tilespmem:v16+s9+$0x0], $0xffff  }
0x13c: {  	v21 =	vld.idx.msk [tilespmem:v18+s9+$0x0], $0xffff  }
0x13d: {  	v16 =	vld.idx.msk [tilespmem:v9+s5+$0x0], $0xffff  }
0x13e: {  	v19 =	vld.idx.msk [tilespmem:v19+s9+$0x0], $0xffff;
	v26 =	vmul.f32 v13, v17  }
0x13f: {  	s22 =	simm.s32 $0x1C;
	v25 =	vimm.f32 $0.0e+00;
	v18 =	vld.idx.msk [tilespmem:v10+s5+$0x0], $0xffff;
	v17 =	vor.u32 $0x1, v12;
	v13 =	vmov v12  }
.LBB2_9:
0x140: {  	p1 =	sne.s32 s22, $0x1;
	v12 =	vadd.s32 $0x6, v12;
	v25 =	vadd.f32 v26, v25;
	v15 =	vmul.f32 v24, v15;
	v23 =	vld.idx.msk [tilespmem:v23+s9+$0x0], $0xffff  }
0x141: {  	v26 =	vadd.s32 $0x2, v13;
	v24 =	vld.idx.msk [tilespmem:v14+s5+$0x0], $0xffff  }
0x142: {  	v14 =	vadd.f32 v15, v25;
	v15 =	vmul.f32 v21, v20;
	v20 =	vld.idx.msk [tilespmem:v22+s9+$0x0], $0xffff  }
0x143: {  	v28 =	vadd.s32 $0x3, v13;
	v27 =	vld.idx.msk [tilespmem:v13+s5+$0x0], $0xffff  }
0x144: {  	v29 =	vadd.s32 $0x4, v13;
	v16 =	vmul.f32 v19, v16;
	v21 =	vld.idx.msk [tilespmem:v17+s4+$0x0], $0xffff;
	v15 =	vadd.f32 v15, v14  }
0x145: {  	v19 =	vld.idx.msk [tilespmem:v12+s4+$0x0], $0xffff  }
0x146: {  	v14 =	vadd.s32 $0x5, v13;
	v13 =	vmovc v12;
	v18 =	vmul.f32 v23, v18;
	v30 =	vld.idx.msk [tilespmem:v26+s4+$0x0], $0xffff;
	v16 =	vadd.f32 v16, v15  }
0x147: {  	v15 =	vld.idx.msk [tilespmem:v17+s5+$0x0], $0xffff  }
0x148: {  	v17 =	vld.idx.msk [tilespmem:v28+s4+$0x0], $0xffff;
	v16 =	vadd.f32 v18, v16;
	v18 =	vmul.f32 v20, v24  }
0x149: {  	v23 =	vld.idx.msk [tilespmem:v29+s4+$0x0], $0xffff  }
0x14a: {  	v31 =	vld.idx.msk [tilespmem:v11+s9+$0x0], $0xffff;
	v25 =	vadd.f32 v18, v16;
	v11 =	vmov v19  }
0x14b: {  	v22 =	vld.idx.msk [tilespmem:v14+s4+$0x0], $0xffff  }
0x14c: {  	v24 =	vld.idx.msk [tilespmem:v21+s9+$0x0], $0xffff  }
.Ltmp3:
0x14d: {  	v20 =	vld.idx.msk [tilespmem:v26+s5+$0x0], $0xffff;
	(pc) =	sbr.rel @p1 .LBB2_9-.Ltmp3, $4  }
0x14e: {  	v21 =	vld.idx.msk [tilespmem:v30+s9+$0x0], $0xffff  }
0x14f: {  	v16 =	vld.idx.msk [tilespmem:v28+s5+$0x0], $0xffff  }
0x150: {  	v26 =	vmul.f32 v31, v27;
	v19 =	vld.idx.msk [tilespmem:v17+s9+$0x0], $0xffff  }
0x151: {  	s22 =	sadd.s32 $0xFFFFFFFF, s22;
	v17 =	vor.u32 $0x1, v12;
	v18 =	vld.idx.msk [tilespmem:v29+s5+$0x0], $0xffff  }
0x152: {  	_ =	sdelay $0x3  }
0x153: {  	v12 =	vld.idx.msk [tilespmem:v23+s9+$0x0], $0xffff;
	v44 =	vadd.s32 $0x2, v13  }
0x154: {  	v14 =	vld.idx.msk [tilespmem:v14+s5+$0x0], $0xffff  }
0x155: {  	v22 =	vld.idx.msk [tilespmem:v22+s9+$0x0], $0xffff;
	v27 =	vadd.s32 $0x3, v13  }
0x156: {  	v28 =	vld.idx.msk [tilespmem:v17+s4+$0x0], $0xffff  }
0x157: {  	v29 =	vadd.s32 $0x4, v13;
	v25 =	vadd.f32 v26, v25;
	v15 =	vmul.f32 v24, v15;
	v45 =	vld.idx.msk [tilespmem:v13+s5+$0x0], $0xffff  }
0x158: {  	v47 =	vadd.s32 $0x5, v13;
	v46 =	vld.idx.msk [tilespmem:v44+s4+$0x0], $0xffff  }
0x159: {  	v48 =	vld.idx.msk [tilespmem:v17+s5+$0x0], $0xffff;
	v20 =	vmul.f32 v21, v20;
	v15 =	vadd.f32 v15, v25  }
0x15a: {  	v49 =	vld.idx.msk [tilespmem:v27+s4+$0x0], $0xffff  }
0x15b: {  	v11 =	vld.idx.msk [tilespmem:v11+s9+$0x0], $0xffff;
	v16 =	vmul.f32 v19, v16;
	v15 =	vadd.f32 v20, v15  }
0x15c: {  	v50 =	vld.idx.msk [tilespmem:v29+s4+$0x0], $0xffff  }
0x15d: {  	v12 =	vmul.f32 v12, v18;
	v51 =	vld.idx.msk [tilespmem:v47+s4+$0x0], $0xffff;
	v15 =	vadd.f32 v16, v15  }
0x15e: {  	v52 =	vld.idx.msk [tilespmem:v28+s9+$0x0], $0xffff  }
0x15f: {  	v14 =	vmul.f32 v22, v14;
	v53 =	vld.idx.msk [tilespmem:v44+s5+$0x0], $0xffff;
	v12 =	vadd.f32 v12, v15  }
0x160: {  	v54 =	vld.idx.msk [tilespmem:v46+s9+$0x0], $0xffff  }
0x161: {  	v55 =	vld.idx.msk [tilespmem:v27+s5+$0x0], $0xffff;
	v11 =	vmul.f32 v11, v45;
	v12 =	vadd.f32 v14, v12  }
0x162: {  	v21 =	vld.idx.msk [tilespmem:v49+s9+$0x0], $0xffff  }
0x163: {  	v56 =	vld.idx.msk [tilespmem:v29+s5+$0x0], $0xffff;
	v11 =	vadd.f32 v11, v12;
	v57 =	vmul.f32 v52, v48  }
0x164: {  	v58 =	vld.idx.msk [tilespmem:v50+s9+$0x0], $0xffff  }
0x165: {  	v13 =	vld.idx.msk [tilespmem:v47+s5+$0x0], $0xffff;
	v11 =	vadd.f32 v57, v11;
	v59 =	vmul.f32 v54, v53  }
0x166: {  	v60 =	vld.idx.msk [tilespmem:v51+s9+$0x0], $0xffff  }
0x167: {  	v61 =	vmul.f32 v21, v55;
	v11 =	vadd.f32 v59, v11;
	_ =	sdelay $0x1  }
0x168: {  	v62 =	vmul.f32 v58, v56;
	v11 =	vadd.f32 v61, v11;
	_ =	sdelay $0x1  }
0x169: {  	v63 =	vmul.f32 v60, v13;
	v11 =	vadd.f32 v62, v11;
	_ =	sdelay $0x1  }
0x16a: {  	v11 =	vadd.f32 v63, v11;
	_ =	sdelay $0x1  }
0x16b: {  	s16 =	sadd.s32 $0x1, s16;
	v11 =	vadd.f32 v11, v2  }
0x16c: {  	p1 =	sne.s32 s16, $0x20  }
.Ltmp4:
0x16d: {  	s22 =	sadd.s32 $0x200, s25;
	[tilespmem:$0x13B10] =	vst v11;
	(pc) =	sbr.rel @p1 .LBB2_2-.Ltmp4, $4  }
0x16e: {  	[spmem:s22] =	stream.linear.scatter [tilespmem:s6], [sflag:$0x7], $0x20, $0x38;
	[tilespmem:$0x1A600] =	vst v63  }
0x16f: {  	_ =	swait.ge [sflag:s3], $0x20  }
0x170: {  	[sflag:s3] =	ssyncset.done $0x0  }
0x171: {  	[sflag:s3] =	ssyncadd.s32 $0xFFFFFFE0  }
0x172: {  	[bflag:$0x0] =	sbarrier.arrive $0xFFFF  }
0x173: {  	s14 =	sshrl.u32 @!p0 s7, $0x3;
	s15 =	simm.s32 @!p0 $0x1;
	s16 =	simm.s32 @!p0 $0x40  }
0x174: {  	s22 =	simm.s32 @!p0 $0x10;
	s25 =	simm.s32 @!p0 $0x1C05;
	s23 =	rddreg [dreg:$0x12]  }
0x175: {  	[hbm:s23@s16], [sflag:s25] =	dma.strided @!p0 [spmem:s14@s22], $0x1000, s15, $0x10   }
0x176: {  	s29 =	simm.s32 $0x200;
	s16 =	simm.s32 $0x0;
	s22 =	rddreg [dreg:$0x10]  }
0x177: {  	[tilespmem:s16], [sflag:$0x7] =	stream.strided.gather [hbm4b:s22+s30], $0x10E00, s29, s30, $0x38;
	[tilespmem:$0x1A600] =	vst v63  }
0x178: {  	_ =	swait.ge [sflag:s3], $0x10E00  }
0x179: {  	[sflag:s3] =	ssyncset.done $0x0  }
0x17a: {  	[sflag:s3] =	ssyncadd.s32 $0xFFFEF200  }
.LBB2_12:
0x17b: {  	[bflag:$0x0] =	sbarrier.arrive @p0 $0xFFFF;
	s22 =	simm.s32 @p0 $0x10E00  }
0x17c: {  	[tilespmem:s22], [sflag:$0x7] =	stream.linear.gather @p0 [spmem:s17], $0x1680, $0x38;
	[tilespmem:$0x1A600] =	vst v63  }
0x17d: {  	s22 =	simm.s32 @p0 $0x7  }
0x17e: {  	_ =	swait.ge @p0 [sflag:s22], $0x1680  }
0x17f: {  	[sflag:s22] =	ssyncset.done @p0 $0x0  }
0x180: {  	s25 =	simm.s32 @p0 $0x12480;
	[sflag:s22] =	ssyncadd.s32 @p0 $0xFFFFE980  }
0x181: {  	[tilespmem:s25], [sflag:$0x7] =	stream.linear.gather @p0 [spmem:s18], $0x1680, $0x38;
	[tilespmem:$0x1A600] =	vst v63  }
0x182: {  	_ =	swait.ge @p0 [sflag:s22], $0x1680  }
0x183: {  	[sflag:s22] =	ssyncset.done @p0 $0x0  }
0x184: {  	[sflag:s22] =	ssyncadd.s32 @p0 $0xFFFFE980  }
0x185: {  	[bflag:$0x0] =	sbarrier.arrive @p0 $0xFFFF  }
0x186: {  	_ =	swait.ge @!p0 [sflag:s15], $0x2D00  }
0x187: {  	[sflag:s15] =	ssyncset.done @!p0 $0x0  }
0x188: {  	s22 =	simm.s32 @!p0 $0x2;
	[sflag:s15] =	ssyncadd.s32 @!p0 $0xFFFFD300  }
0x189: {  	_ =	swait.ge @!p0 [sflag:s22], $0x2D00  }
0x18a: {  	[sflag:s22] =	ssyncset.done @!p0 $0x0  }
0x18b: {  	[sflag:s22] =	ssyncadd.s32 @!p0 $0xFFFFD300  }
0x18c: {  	s25 =	simm.s32 @!p0 $0x7;
	s22 =	simm.s32 @!p0 $0x10E00;
	[bflag:$0x0] =	sbarrier.arrive @!p0 $0xFFFF  }
0x18d: {  	[tilespmem:s22], [sflag:$0x7] =	stream.linear.gather @!p0 [spmem:s17], $0x1680, $0x38;
	[tilespmem:$0x1A600] =	vst v63  }
0x18e: {  	_ =	swait.ge @!p0 [sflag:s25], $0x1680  }
0x18f: {  	[sflag:s25] =	ssyncset.done @!p0 $0x0  }
0x190: {  	s26 =	simm.s32 @!p0 $0x12480;
	s22 =	sshll.u32 s16, $0x1;
	[sflag:s25] =	ssyncadd.s32 @!p0 $0xFFFFE980  }
0x191: {  	[tilespmem:s26], [sflag:$0x7] =	stream.linear.gather @!p0 [spmem:s18], $0x1680, $0x38;
	[tilespmem:$0x1A600] =	vst v63  }
0x192: {  	s26 =	sadd.s32 @!p0 $0x2, s22  }
0x193: {  	s26 =	sand.u32 @!p0 $0x3E, s26  }
0x194: {  	s26 =	smul.u32 @!p0 $0x16800, s26  }
0x195: {  	_ =	swait.ge @!p0 [sflag:s25], $0x1680  }
0x196: {  	[sflag:s25] =	ssyncset.done @!p0 $0x0;
	s26 =	sadd.s32 @!p0 s12, s26  }
0x197: {  	[sflag:s25] =	ssyncadd.s32 @!p0 $0xFFFFE980;
	s25 =	sshrl.u32 @!p0 s26, $0x3  }
0x198: {  	s28 =	simm.s32 @!p0 $0x1C01;
	[bflag:$0x0] =	sbarrier.arrive @!p0 $0xFFFF;
	s26 =	sadd.s32 @!p0 s0, s25  }
0x199: {  	[spmem:s2], [sflag:s28] =	dma.local @!p0 [hbm:s26], $0x2D00  }
0x19a: {  	v12 =	vadd.s32 $0x6, v0;
	s25 =	sadd.s32 @!p0 s1, s25;
	s26 =	simm.s32 @!p0 $0x1C02  }
0x19b: {  	[spmem:s10], [sflag:s26] =	dma.local @!p0 [hbm:s25], $0x2D00  }
0x19c: {  	v13 =	vld.idx.msk [tilespmem:v0+s4+$0x0], $0xffff  }
0x19d: {  	v17 =	vld.idx.msk [tilespmem:v0+s5+$0x0], $0xffff  }
0x19e: {  	v16 =	vld.idx.msk [tilespmem:v3+s4+$0x0], $0xffff  }
0x19f: {  	v14 =	vadd.s32 $0x5, v0;
	v11 =	vld.idx.msk [tilespmem:v12+s4+$0x0], $0xffff  }
0x1a0: {  	v18 =	vld.idx.msk [tilespmem:v4+s4+$0x0], $0xffff  }
0x1a1: {  	v15 =	vld.idx.msk [tilespmem:v3+s5+$0x0], $0xffff  }
0x1a2: {  	v19 =	vld.idx.msk [tilespmem:v5+s4+$0x0], $0xffff  }
0x1a3: {  	v23 =	vld.idx.msk [tilespmem:v6+s4+$0x0], $0xffff  }
0x1a4: {  	v22 =	vld.idx.msk [tilespmem:v14+s4+$0x0], $0xffff  }
0x1a5: {  	v13 =	vld.idx.msk [tilespmem:v13+s9+$0x0], $0xffff  }
0x1a6: {  	v20 =	vld.idx.msk [tilespmem:v4+s5+$0x0], $0xffff  }
0x1a7: {  	v24 =	vld.idx.msk [tilespmem:v16+s9+$0x0], $0xffff  }
0x1a8: {  	v21 =	vld.idx.msk [tilespmem:v18+s9+$0x0], $0xffff  }
0x1a9: {  	v16 =	vld.idx.msk [tilespmem:v5+s5+$0x0], $0xffff  }
0x1aa: {  	v19 =	vld.idx.msk [tilespmem:v19+s9+$0x0], $0xffff;
	v26 =	vmul.f32 v13, v17  }
0x1ab: {  	v25 =	vimm.f32 $0.0e+00;
	s25 =	simm.s32 $0x1C;
	v18 =	vld.idx.msk [tilespmem:v6+s5+$0x0], $0xffff;
	v17 =	vor.u32 $0x1, v12;
	v13 =	vmov v12  }
.LBB2_13:
0x1ac: {  	p1 =	sne.s32 s25, $0x1;
	v12 =	vadd.s32 $0x6, v12;
	v25 =	vadd.f32 v26, v25;
	v15 =	vmul.f32 v24, v15;
	v23 =	vld.idx.msk [tilespmem:v23+s9+$0x0], $0xffff  }
0x1ad: {  	v26 =	vadd.s32 $0x2, v13;
	v24 =	vld.idx.msk [tilespmem:v14+s5+$0x0], $0xffff  }
0x1ae: {  	v14 =	vadd.f32 v15, v25;
	v15 =	vmul.f32 v21, v20;
	v20 =	vld.idx.msk [tilespmem:v22+s9+$0x0], $0xffff  }
0x1af: {  	v28 =	vadd.s32 $0x3, v13;
	v27 =	vld.idx.msk [tilespmem:v13+s5+$0x0], $0xffff  }
0x1b0: {  	v29 =	vadd.s32 $0x4, v13;
	v16 =	vmul.f32 v19, v16;
	v21 =	vld.idx.msk [tilespmem:v17+s4+$0x0], $0xffff;
	v15 =	vadd.f32 v15, v14  }
0x1b1: {  	v19 =	vld.idx.msk [tilespmem:v12+s4+$0x0], $0xffff  }
0x1b2: {  	v14 =	vadd.s32 $0x5, v13;
	v13 =	vmovc v12;
	v18 =	vmul.f32 v23, v18;
	v30 =	vld.idx.msk [tilespmem:v26+s4+$0x0], $0xffff;
	v16 =	vadd.f32 v16, v15  }
0x1b3: {  	v15 =	vld.idx.msk [tilespmem:v17+s5+$0x0], $0xffff  }
0x1b4: {  	v17 =	vld.idx.msk [tilespmem:v28+s4+$0x0], $0xffff;
	v16 =	vadd.f32 v18, v16;
	v18 =	vmul.f32 v20, v24  }
0x1b5: {  	v23 =	vld.idx.msk [tilespmem:v29+s4+$0x0], $0xffff  }
0x1b6: {  	v31 =	vld.idx.msk [tilespmem:v11+s9+$0x0], $0xffff;
	v25 =	vadd.f32 v18, v16;
	v11 =	vmov v19  }
0x1b7: {  	v22 =	vld.idx.msk [tilespmem:v14+s4+$0x0], $0xffff  }
0x1b8: {  	v24 =	vld.idx.msk [tilespmem:v21+s9+$0x0], $0xffff  }
.Ltmp5:
0x1b9: {  	v20 =	vld.idx.msk [tilespmem:v26+s5+$0x0], $0xffff;
	(pc) =	sbr.rel @p1 .LBB2_13-.Ltmp5, $4  }
0x1ba: {  	v21 =	vld.idx.msk [tilespmem:v30+s9+$0x0], $0xffff  }
0x1bb: {  	v16 =	vld.idx.msk [tilespmem:v28+s5+$0x0], $0xffff  }
0x1bc: {  	v26 =	vmul.f32 v31, v27;
	v19 =	vld.idx.msk [tilespmem:v17+s9+$0x0], $0xffff  }
0x1bd: {  	s25 =	sadd.s32 $0xFFFFFFFF, s25;
	v17 =	vor.u32 $0x1, v12;
	v18 =	vld.idx.msk [tilespmem:v29+s5+$0x0], $0xffff  }
0x1be: {  	_ =	sdelay $0x3  }
0x1bf: {  	v12 =	vld.idx.msk [tilespmem:v23+s9+$0x0], $0xffff;
	v23 =	vadd.s32 $0x2, v13  }
0x1c0: {  	v14 =	vld.idx.msk [tilespmem:v14+s5+$0x0], $0xffff  }
0x1c1: {  	v22 =	vld.idx.msk [tilespmem:v22+s9+$0x0], $0xffff;
	v27 =	vadd.s32 $0x3, v13  }
0x1c2: {  	v28 =	vld.idx.msk [tilespmem:v17+s4+$0x0], $0xffff  }
0x1c3: {  	v29 =	vadd.s32 $0x4, v13;
	v25 =	vadd.f32 v26, v25;
	v15 =	vmul.f32 v24, v15;
	v24 =	vld.idx.msk [tilespmem:v13+s5+$0x0], $0xffff  }
0x1c4: {  	v13 =	vadd.s32 $0x5, v13;
	v26 =	vld.idx.msk [tilespmem:v23+s4+$0x0], $0xffff  }
0x1c5: {  	v17 =	vld.idx.msk [tilespmem:v17+s5+$0x0], $0xffff;
	v20 =	vmul.f32 v21, v20;
	v15 =	vadd.f32 v15, v25  }
0x1c6: {  	v21 =	vld.idx.msk [tilespmem:v27+s4+$0x0], $0xffff  }
0x1c7: {  	v11 =	vld.idx.msk [tilespmem:v11+s9+$0x0], $0xffff;
	v16 =	vmul.f32 v19, v16;
	v15 =	vadd.f32 v20, v15  }
0x1c8: {  	v19 =	vld.idx.msk [tilespmem:v29+s4+$0x0], $0xffff  }
0x1c9: {  	v12 =	vmul.f32 v12, v18;
	v15 =	vadd.f32 v16, v15;
	v16 =	vld.idx.msk [tilespmem:v13+s4+$0x0], $0xffff  }
0x1ca: {  	v18 =	vld.idx.msk [tilespmem:v28+s9+$0x0], $0xffff  }
0x1cb: {  	v14 =	vmul.f32 v22, v14;
	v12 =	vadd.f32 v12, v15;
	v15 =	vld.idx.msk [tilespmem:v23+s5+$0x0], $0xffff  }
0x1cc: {  	v20 =	vld.idx.msk [tilespmem:v26+s9+$0x0], $0xffff  }
0x1cd: {  	v11 =	vmul.f32 v11, v24;
	v12 =	vadd.f32 v14, v12;
	v14 =	vld.idx.msk [tilespmem:v27+s5+$0x0], $0xffff  }
0x1ce: {  	v21 =	vld.idx.msk [tilespmem:v21+s9+$0x0], $0xffff  }
0x1cf: {  	v22 =	vld.idx.msk [tilespmem:v29+s5+$0x0], $0xffff;
	v11 =	vadd.f32 v11, v12;
	v12 =	vmul.f32 v18, v17  }
0x1d0: {  	v17 =	vld.idx.msk [tilespmem:v19+s9+$0x0], $0xffff  }
0x1d1: {  	v13 =	vld.idx.msk [tilespmem:v13+s5+$0x0], $0xffff;
	v11 =	vadd.f32 v12, v11;
	v12 =	vmul.f32 v20, v15  }
0x1d2: {  	v15 =	vld.idx.msk [tilespmem:v16+s9+$0x0], $0xffff  }
0x1d3: {  	v11 =	vadd.f32 v12, v11;
	v12 =	vmul.f32 v21, v14;
	_ =	sdelay $0x1  }
0x1d4: {  	v11 =	vadd.f32 v12, v11;
	v12 =	vmul.f32 v17, v22;
	_ =	sdelay $0x1  }
0x1d5: {  	v11 =	vadd.f32 v12, v11;
	v12 =	vmul.f32 v15, v13;
	_ =	sdelay $0x1  }
0x1d6: {  	v11 =	vadd.f32 v12, v11;
	_ =	sdelay $0x1  }
0x1d7: {  	v11 =	vadd.f32 v11, v2  }
0x1d8: {  	v12 =	vadd.s32 $0x6, v1  }
0x1d9: {  	[tilespmem:$0x13B00] =	vst v11  }
0x1da: {  	v13 =	vld.idx.msk [tilespmem:v1+s4+$0x0], $0xffff  }
0x1db: {  	v17 =	vld.idx.msk [tilespmem:v1+s5+$0x0], $0xffff  }
0x1dc: {  	v16 =	vld.idx.msk [tilespmem:v7+s4+$0x0], $0xffff  }
0x1dd: {  	v14 =	vadd.s32 $0x5, v1;
	v11 =	vld.idx.msk [tilespmem:v12+s4+$0x0], $0xffff  }
0x1de: {  	v18 =	vld.idx.msk [tilespmem:v8+s4+$0x0], $0xffff  }
0x1df: {  	v15 =	vld.idx.msk [tilespmem:v7+s5+$0x0], $0xffff  }
0x1e0: {  	v19 =	vld.idx.msk [tilespmem:v9+s4+$0x0], $0xffff  }
0x1e1: {  	v23 =	vld.idx.msk [tilespmem:v10+s4+$0x0], $0xffff  }
0x1e2: {  	v22 =	vld.idx.msk [tilespmem:v14+s4+$0x0], $0xffff  }
0x1e3: {  	v13 =	vld.idx.msk [tilespmem:v13+s9+$0x0], $0xffff  }
0x1e4: {  	v20 =	vld.idx.msk [tilespmem:v8+s5+$0x0], $0xffff  }
0x1e5: {  	v24 =	vld.idx.msk [tilespmem:v16+s9+$0x0], $0xffff  }
0x1e6: {  	v21 =	vld.idx.msk [tilespmem:v18+s9+$0x0], $0xffff  }
0x1e7: {  	v16 =	vld.idx.msk [tilespmem:v9+s5+$0x0], $0xffff  }
0x1e8: {  	v19 =	vld.idx.msk [tilespmem:v19+s9+$0x0], $0xffff;
	v26 =	vmul.f32 v13, v17  }
0x1e9: {  	s25 =	simm.s32 $0x1C;
	v25 =	vimm.f32 $0.0e+00;
	v18 =	vld.idx.msk [tilespmem:v10+s5+$0x0], $0xffff;
	v17 =	vor.u32 $0x1, v12;
	v13 =	vmov v12  }
.LBB2_15:
0x1ea: {  	p1 =	sne.s32 s25, $0x1;
	v12 =	vadd.s32 $0x6, v12;
	v25 =	vadd.f32 v26, v25;
	v15 =	vmul.f32 v24, v15;
	v23 =	vld.idx.msk [tilespmem:v23+s9+$0x0], $0xffff  }
0x1eb: {  	v26 =	vadd.s32 $0x2, v13;
	v24 =	vld.idx.msk [tilespmem:v14+s5+$0x0], $0xffff  }
0x1ec: {  	v14 =	vadd.f32 v15, v25;
	v15 =	vmul.f32 v21, v20;
	v20 =	vld.idx.msk [tilespmem:v22+s9+$0x0], $0xffff  }
0x1ed: {  	v28 =	vadd.s32 $0x3, v13;
	v27 =	vld.idx.msk [tilespmem:v13+s5+$0x0], $0xffff  }
0x1ee: {  	v29 =	vadd.s32 $0x4, v13;
	v16 =	vmul.f32 v19, v16;
	v21 =	vld.idx.msk [tilespmem:v17+s4+$0x0], $0xffff;
	v15 =	vadd.f32 v15, v14  }
0x1ef: {  	v19 =	vld.idx.msk [tilespmem:v12+s4+$0x0], $0xffff  }
0x1f0: {  	v14 =	vadd.s32 $0x5, v13;
	v13 =	vmovc v12;
	v18 =	vmul.f32 v23, v18;
	v30 =	vld.idx.msk [tilespmem:v26+s4+$0x0], $0xffff;
	v16 =	vadd.f32 v16, v15  }
0x1f1: {  	v15 =	vld.idx.msk [tilespmem:v17+s5+$0x0], $0xffff  }
0x1f2: {  	v17 =	vld.idx.msk [tilespmem:v28+s4+$0x0], $0xffff;
	v16 =	vadd.f32 v18, v16;
	v18 =	vmul.f32 v20, v24  }
0x1f3: {  	v23 =	vld.idx.msk [tilespmem:v29+s4+$0x0], $0xffff  }
0x1f4: {  	v31 =	vld.idx.msk [tilespmem:v11+s9+$0x0], $0xffff;
	v25 =	vadd.f32 v18, v16;
	v11 =	vmov v19  }
0x1f5: {  	v22 =	vld.idx.msk [tilespmem:v14+s4+$0x0], $0xffff  }
0x1f6: {  	v24 =	vld.idx.msk [tilespmem:v21+s9+$0x0], $0xffff  }
.Ltmp6:
0x1f7: {  	v20 =	vld.idx.msk [tilespmem:v26+s5+$0x0], $0xffff;
	(pc) =	sbr.rel @p1 .LBB2_15-.Ltmp6, $4  }
0x1f8: {  	v21 =	vld.idx.msk [tilespmem:v30+s9+$0x0], $0xffff  }
0x1f9: {  	v16 =	vld.idx.msk [tilespmem:v28+s5+$0x0], $0xffff  }
0x1fa: {  	v26 =	vmul.f32 v31, v27;
	v19 =	vld.idx.msk [tilespmem:v17+s9+$0x0], $0xffff  }
0x1fb: {  	s25 =	sadd.s32 $0xFFFFFFFF, s25;
	v17 =	vor.u32 $0x1, v12;
	v18 =	vld.idx.msk [tilespmem:v29+s5+$0x0], $0xffff  }
0x1fc: {  	_ =	sdelay $0x3  }
0x1fd: {  	v12 =	vld.idx.msk [tilespmem:v23+s9+$0x0], $0xffff;
	v23 =	vadd.s32 $0x2, v13  }
0x1fe: {  	v14 =	vld.idx.msk [tilespmem:v14+s5+$0x0], $0xffff  }
0x1ff: {  	v22 =	vld.idx.msk [tilespmem:v22+s9+$0x0], $0xffff;
	v27 =	vadd.s32 $0x3, v13  }
0x200: {  	v28 =	vld.idx.msk [tilespmem:v17+s4+$0x0], $0xffff  }
0x201: {  	v29 =	vadd.s32 $0x4, v13;
	v25 =	vadd.f32 v26, v25;
	v15 =	vmul.f32 v24, v15;
	v24 =	vld.idx.msk [tilespmem:v13+s5+$0x0], $0xffff  }
0x202: {  	v13 =	vadd.s32 $0x5, v13;
	v26 =	vld.idx.msk [tilespmem:v23+s4+$0x0], $0xffff  }
0x203: {  	v17 =	vld.idx.msk [tilespmem:v17+s5+$0x0], $0xffff;
	v20 =	vmul.f32 v21, v20;
	v15 =	vadd.f32 v15, v25  }
0x204: {  	v21 =	vld.idx.msk [tilespmem:v27+s4+$0x0], $0xffff  }
0x205: {  	v11 =	vld.idx.msk [tilespmem:v11+s9+$0x0], $0xffff;
	v16 =	vmul.f32 v19, v16;
	v15 =	vadd.f32 v20, v15  }
0x206: {  	v19 =	vld.idx.msk [tilespmem:v29+s4+$0x0], $0xffff  }
0x207: {  	v12 =	vmul.f32 v12, v18;
	v15 =	vadd.f32 v16, v15;
	v16 =	vld.idx.msk [tilespmem:v13+s4+$0x0], $0xffff  }
0x208: {  	v18 =	vld.idx.msk [tilespmem:v28+s9+$0x0], $0xffff  }
0x209: {  	v14 =	vmul.f32 v22, v14;
	v12 =	vadd.f32 v12, v15;
	v15 =	vld.idx.msk [tilespmem:v23+s5+$0x0], $0xffff  }
0x20a: {  	v20 =	vld.idx.msk [tilespmem:v26+s9+$0x0], $0xffff  }
0x20b: {  	v11 =	vmul.f32 v11, v24;
	v12 =	vadd.f32 v14, v12;
	v14 =	vld.idx.msk [tilespmem:v27+s5+$0x0], $0xffff  }
0x20c: {  	v21 =	vld.idx.msk [tilespmem:v21+s9+$0x0], $0xffff  }
0x20d: {  	v22 =	vld.idx.msk [tilespmem:v29+s5+$0x0], $0xffff;
	v11 =	vadd.f32 v11, v12;
	v12 =	vmul.f32 v18, v17  }
0x20e: {  	v17 =	vld.idx.msk [tilespmem:v19+s9+$0x0], $0xffff  }
0x20f: {  	v13 =	vld.idx.msk [tilespmem:v13+s5+$0x0], $0xffff;
	v11 =	vadd.f32 v12, v11;
	v12 =	vmul.f32 v20, v15  }
0x210: {  	v15 =	vld.idx.msk [tilespmem:v16+s9+$0x0], $0xffff  }
0x211: {  	v11 =	vadd.f32 v12, v11;
	v12 =	vmul.f32 v21, v14;
	_ =	sdelay $0x1  }
0x212: {  	v11 =	vadd.f32 v12, v11;
	v12 =	vmul.f32 v17, v22;
	_ =	sdelay $0x1  }
0x213: {  	v11 =	vadd.f32 v12, v11;
	v12 =	vmul.f32 v15, v13;
	_ =	sdelay $0x1  }
0x214: {  	v11 =	vadd.f32 v12, v11  }
0x215: {  	s25 =	sshll.u32 s16, $0xA  }
0x216: {  	s25 =	sand.u32 $0x3FFFFC00, s25;
	v11 =	vadd.f32 v11, v2  }
0x217: {  	s25 =	sadd.s32 s25, s8  }
0x218: {  	s25 =	sadd.s32 s19, s25;
	[tilespmem:$0x13B10] =	vst v11  }
0x219: {  	[spmem:s25] =	stream.linear.scatter [tilespmem:s6], [sflag:$0x7], $0x20, $0x38;
	[tilespmem:$0x1A600] =	vst v63  }
0x21a: {  	_ =	swait.ge [sflag:s3], $0x20  }
0x21b: {  	[sflag:s3] =	ssyncset.done $0x0  }
0x21c: {  	[sflag:s3] =	ssyncadd.s32 $0xFFFFFFE0  }
0x21d: {  	s26 =	simm.s32 @p0 $0x10E00;
	[bflag:$0x0] =	sbarrier.arrive @p0 $0xFFFF  }
0x21e: {  	[tilespmem:s26], [sflag:$0x7] =	stream.linear.gather @p0 [spmem:s20], $0x1680, $0x38;
	[tilespmem:$0x1A600] =	vst v63  }
0x21f: {  	s26 =	simm.s32 @p0 $0x7  }
0x220: {  	_ =	swait.ge @p0 [sflag:s26], $0x1680  }
0x221: {  	[sflag:s26] =	ssyncset.done @p0 $0x0  }
0x222: {  	s28 =	simm.s32 @p0 $0x12480;
	[sflag:s26] =	ssyncadd.s32 @p0 $0xFFFFE980  }
0x223: {  	[tilespmem:s28], [sflag:$0x7] =	stream.linear.gather @p0 [spmem:s21], $0x1680, $0x38;
	[tilespmem:$0x1A600] =	vst v63  }
0x224: {  	_ =	swait.ge @p0 [sflag:s26], $0x1680  }
0x225: {  	[sflag:s26] =	ssyncset.done @p0 $0x0  }
0x226: {  	[sflag:s26] =	ssyncadd.s32 @p0 $0xFFFFE980  }
0x227: {  	s26 =	simm.s32 @!p0 $0x3;
	[bflag:$0x0] =	sbarrier.arrive @p0 $0xFFFF  }
0x228: {  	_ =	swait.ge @!p0 [sflag:s26], $0x2D00  }
0x229: {  	[sflag:s26] =	ssyncset.done @!p0 $0x0  }
0x22a: {  	[sflag:s26] =	ssyncadd.s32 @!p0 $0xFFFFD300;
	s26 =	simm.s32 @!p0 $0x4  }
0x22b: {  	_ =	swait.ge @!p0 [sflag:s26], $0x2D00  }
0x22c: {  	[sflag:s26] =	ssyncset.done @!p0 $0x0  }
0x22d: {  	[sflag:s26] =	ssyncadd.s32 @!p0 $0xFFFFD300  }
0x22e: {  	s26 =	simm.s32 @!p0 $0x10E00;
	[bflag:$0x0] =	sbarrier.arrive @!p0 $0xFFFF  }
0x22f: {  	[tilespmem:s26], [sflag:$0x7] =	stream.linear.gather @!p0 [spmem:s20], $0x1680, $0x38;
	[tilespmem:$0x1A600] =	vst v63  }
0x230: {  	s26 =	simm.s32 @!p0 $0x7  }
0x231: {  	s22 =	sadd.s32 @!p0 $0x3, s22;
	_ =	swait.ge @!p0 [sflag:s26], $0x1680  }
0x232: {  	s22 =	sand.u32 @!p0 $0x3F, s22;
	[sflag:s26] =	ssyncset.done @!p0 $0x0  }
0x233: {  	s22 =	smul.u32 @!p0 $0x16800, s22;
	s28 =	simm.s32 @!p0 $0x12480;
	[sflag:s26] =	ssyncadd.s32 @!p0 $0xFFFFE980  }
0x234: {  	[tilespmem:s28], [sflag:$0x7] =	stream.linear.gather @!p0 [spmem:s21], $0x1680, $0x38;
	[tilespmem:$0x1A600] =	vst v63  }
0x235: {  	_ =	swait.ge @!p0 [sflag:s26], $0x1680  }
0x236: {  	s22 =	sadd.s32 @!p0 s12, s22;
	[sflag:s26] =	ssyncset.done @!p0 $0x0  }
0x237: {  	s22 =	sshrl.u32 @!p0 s22, $0x3;
	[sflag:s26] =	ssyncadd.s32 @!p0 $0xFFFFE980  }
0x238: {  	s28 =	simm.s32 @!p0 $0x1C03;
	s26 =	sadd.s32 @!p0 s0, s22;
	[bflag:$0x0] =	sbarrier.arrive @!p0 $0xFFFF  }
0x239: {  	[spmem:s11], [sflag:s28] =	dma.local @!p0 [hbm:s26], $0x2D00  }
0x23a: {  	v12 =	vadd.s32 $0x6, v0;
	s22 =	sadd.s32 @!p0 s1, s22;
	s26 =	simm.s32 @!p0 $0x1C04  }
0x23b: {  	[spmem:s13], [sflag:s26] =	dma.local @!p0 [hbm:s22], $0x2D00  }
0x23c: {  	v13 =	vld.idx.msk [tilespmem:v0+s4+$0x0], $0xffff  }
0x23d: {  	v17 =	vld.idx.msk [tilespmem:v0+s5+$0x0], $0xffff  }
0x23e: {  	v16 =	vld.idx.msk [tilespmem:v3+s4+$0x0], $0xffff  }
0x23f: {  	v14 =	vadd.s32 $0x5, v0;
	v11 =	vld.idx.msk [tilespmem:v12+s4+$0x0], $0xffff  }
0x240: {  	v18 =	vld.idx.msk [tilespmem:v4+s4+$0x0], $0xffff  }
0x241: {  	v15 =	vld.idx.msk [tilespmem:v3+s5+$0x0], $0xffff  }
0x242: {  	v19 =	vld.idx.msk [tilespmem:v5+s4+$0x0], $0xffff  }
0x243: {  	v23 =	vld.idx.msk [tilespmem:v6+s4+$0x0], $0xffff  }
0x244: {  	v22 =	vld.idx.msk [tilespmem:v14+s4+$0x0], $0xffff  }
0x245: {  	v13 =	vld.idx.msk [tilespmem:v13+s9+$0x0], $0xffff  }
0x246: {  	v20 =	vld.idx.msk [tilespmem:v4+s5+$0x0], $0xffff  }
0x247: {  	v24 =	vld.idx.msk [tilespmem:v16+s9+$0x0], $0xffff  }
0x248: {  	v21 =	vld.idx.msk [tilespmem:v18+s9+$0x0], $0xffff  }
0x249: {  	v16 =	vld.idx.msk [tilespmem:v5+s5+$0x0], $0xffff  }
0x24a: {  	v19 =	vld.idx.msk [tilespmem:v19+s9+$0x0], $0xffff;
	v26 =	vmul.f32 v13, v17  }
0x24b: {  	v25 =	vimm.f32 $0.0e+00;
	s22 =	simm.s32 $0x1C;
	v18 =	vld.idx.msk [tilespmem:v6+s5+$0x0], $0xffff;
	v17 =	vor.u32 $0x1, v12;
	v13 =	vmov v12  }
.LBB2_17:
0x24c: {  	p1 =	sne.s32 s22, $0x1;
	v12 =	vadd.s32 $0x6, v12;
	v25 =	vadd.f32 v26, v25;
	v15 =	vmul.f32 v24, v15;
	v23 =	vld.idx.msk [tilespmem:v23+s9+$0x0], $0xffff  }
0x24d: {  	v26 =	vadd.s32 $0x2, v13;
	v24 =	vld.idx.msk [tilespmem:v14+s5+$0x0], $0xffff  }
0x24e: {  	v14 =	vadd.f32 v15, v25;
	v15 =	vmul.f32 v21, v20;
	v20 =	vld.idx.msk [tilespmem:v22+s9+$0x0], $0xffff  }
0x24f: {  	v28 =	vadd.s32 $0x3, v13;
	v27 =	vld.idx.msk [tilespmem:v13+s5+$0x0], $0xffff  }
0x250: {  	v29 =	vadd.s32 $0x4, v13;
	v16 =	vmul.f32 v19, v16;
	v21 =	vld.idx.msk [tilespmem:v17+s4+$0x0], $0xffff;
	v15 =	vadd.f32 v15, v14  }
0x251: {  	v19 =	vld.idx.msk [tilespmem:v12+s4+$0x0], $0xffff  }
0x252: {  	v14 =	vadd.s32 $0x5, v13;
	v13 =	vmovc v12;
	v18 =	vmul.f32 v23, v18;
	v30 =	vld.idx.msk [tilespmem:v26+s4+$0x0], $0xffff;
	v16 =	vadd.f32 v16, v15  }
0x253: {  	v15 =	vld.idx.msk [tilespmem:v17+s5+$0x0], $0xffff  }
0x254: {  	v17 =	vld.idx.msk [tilespmem:v28+s4+$0x0], $0xffff;
	v16 =	vadd.f32 v18, v16;
	v18 =	vmul.f32 v20, v24  }
0x255: {  	v23 =	vld.idx.msk [tilespmem:v29+s4+$0x0], $0xffff  }
0x256: {  	v31 =	vld.idx.msk [tilespmem:v11+s9+$0x0], $0xffff;
	v25 =	vadd.f32 v18, v16;
	v11 =	vmov v19  }
0x257: {  	v22 =	vld.idx.msk [tilespmem:v14+s4+$0x0], $0xffff  }
0x258: {  	v24 =	vld.idx.msk [tilespmem:v21+s9+$0x0], $0xffff  }
.Ltmp7:
0x259: {  	v20 =	vld.idx.msk [tilespmem:v26+s5+$0x0], $0xffff;
	(pc) =	sbr.rel @p1 .LBB2_17-.Ltmp7, $4  }
0x25a: {  	v21 =	vld.idx.msk [tilespmem:v30+s9+$0x0], $0xffff  }
0x25b: {  	v16 =	vld.idx.msk [tilespmem:v28+s5+$0x0], $0xffff  }
0x25c: {  	v26 =	vmul.f32 v31, v27;
	v19 =	vld.idx.msk [tilespmem:v17+s9+$0x0], $0xffff  }
0x25d: {  	s22 =	sadd.s32 $0xFFFFFFFF, s22;
	v17 =	vor.u32 $0x1, v12;
	v18 =	vld.idx.msk [tilespmem:v29+s5+$0x0], $0xffff  }
0x25e: {  	_ =	sdelay $0x3  }
0x25f: {  	v12 =	vld.idx.msk [tilespmem:v23+s9+$0x0], $0xffff;
	v23 =	vadd.s32 $0x2, v13  }
0x260: {  	v14 =	vld.idx.msk [tilespmem:v14+s5+$0x0], $0xffff  }
0x261: {  	v22 =	vld.idx.msk [tilespmem:v22+s9+$0x0], $0xffff;
	v27 =	vadd.s32 $0x3, v13  }
0x262: {  	v28 =	vld.idx.msk [tilespmem:v17+s4+$0x0], $0xffff  }
0x263: {  	v29 =	vadd.s32 $0x4, v13;
	v25 =	vadd.f32 v26, v25;
	v15 =	vmul.f32 v24, v15;
	v24 =	vld.idx.msk [tilespmem:v13+s5+$0x0], $0xffff  }
0x264: {  	v13 =	vadd.s32 $0x5, v13;
	v26 =	vld.idx.msk [tilespmem:v23+s4+$0x0], $0xffff  }
0x265: {  	v17 =	vld.idx.msk [tilespmem:v17+s5+$0x0], $0xffff;
	v20 =	vmul.f32 v21, v20;
	v15 =	vadd.f32 v15, v25  }
0x266: {  	v21 =	vld.idx.msk [tilespmem:v27+s4+$0x0], $0xffff  }
0x267: {  	v11 =	vld.idx.msk [tilespmem:v11+s9+$0x0], $0xffff;
	v16 =	vmul.f32 v19, v16;
	v15 =	vadd.f32 v20, v15  }
0x268: {  	v19 =	vld.idx.msk [tilespmem:v29+s4+$0x0], $0xffff  }
0x269: {  	v12 =	vmul.f32 v12, v18;
	v15 =	vadd.f32 v16, v15;
	v16 =	vld.idx.msk [tilespmem:v13+s4+$0x0], $0xffff  }
0x26a: {  	v18 =	vld.idx.msk [tilespmem:v28+s9+$0x0], $0xffff  }
0x26b: {  	v14 =	vmul.f32 v22, v14;
	v12 =	vadd.f32 v12, v15;
	v15 =	vld.idx.msk [tilespmem:v23+s5+$0x0], $0xffff  }
0x26c: {  	v20 =	vld.idx.msk [tilespmem:v26+s9+$0x0], $0xffff  }
0x26d: {  	v11 =	vmul.f32 v11, v24;
	v12 =	vadd.f32 v14, v12;
	v14 =	vld.idx.msk [tilespmem:v27+s5+$0x0], $0xffff  }
0x26e: {  	v21 =	vld.idx.msk [tilespmem:v21+s9+$0x0], $0xffff  }
0x26f: {  	v22 =	vld.idx.msk [tilespmem:v29+s5+$0x0], $0xffff;
	v11 =	vadd.f32 v11, v12;
	v12 =	vmul.f32 v18, v17  }
0x270: {  	v17 =	vld.idx.msk [tilespmem:v19+s9+$0x0], $0xffff  }
0x271: {  	v13 =	vld.idx.msk [tilespmem:v13+s5+$0x0], $0xffff;
	v11 =	vadd.f32 v12, v11;
	v12 =	vmul.f32 v20, v15  }
0x272: {  	v15 =	vld.idx.msk [tilespmem:v16+s9+$0x0], $0xffff  }
0x273: {  	v11 =	vadd.f32 v12, v11;
	v12 =	vmul.f32 v21, v14;
	_ =	sdelay $0x1  }
0x274: {  	v11 =	vadd.f32 v12, v11;
	v12 =	vmul.f32 v17, v22;
	_ =	sdelay $0x1  }
0x275: {  	v11 =	vadd.f32 v12, v11;
	v12 =	vmul.f32 v15, v13;
	_ =	sdelay $0x1  }
0x276: {  	v11 =	vadd.f32 v12, v11;
	_ =	sdelay $0x1  }
0x277: {  	v11 =	vadd.f32 v11, v2  }
0x278: {  	v12 =	vadd.s32 $0x6, v1  }
0x279: {  	[tilespmem:$0x13B00] =	vst v11  }
0x27a: {  	v13 =	vld.idx.msk [tilespmem:v1+s4+$0x0], $0xffff  }
0x27b: {  	v17 =	vld.idx.msk [tilespmem:v1+s5+$0x0], $0xffff  }
0x27c: {  	v16 =	vld.idx.msk [tilespmem:v7+s4+$0x0], $0xffff  }
0x27d: {  	v14 =	vadd.s32 $0x5, v1;
	v11 =	vld.idx.msk [tilespmem:v12+s4+$0x0], $0xffff  }
0x27e: {  	v18 =	vld.idx.msk [tilespmem:v8+s4+$0x0], $0xffff  }
0x27f: {  	v15 =	vld.idx.msk [tilespmem:v7+s5+$0x0], $0xffff  }
0x280: {  	v19 =	vld.idx.msk [tilespmem:v9+s4+$0x0], $0xffff  }
0x281: {  	v23 =	vld.idx.msk [tilespmem:v10+s4+$0x0], $0xffff  }
0x282: {  	v22 =	vld.idx.msk [tilespmem:v14+s4+$0x0], $0xffff  }
0x283: {  	v13 =	vld.idx.msk [tilespmem:v13+s9+$0x0], $0xffff  }
0x284: {  	v20 =	vld.idx.msk [tilespmem:v8+s5+$0x0], $0xffff  }
0x285: {  	v24 =	vld.idx.msk [tilespmem:v16+s9+$0x0], $0xffff  }
0x286: {  	v21 =	vld.idx.msk [tilespmem:v18+s9+$0x0], $0xffff  }
0x287: {  	v16 =	vld.idx.msk [tilespmem:v9+s5+$0x0], $0xffff  }
0x288: {  	v19 =	vld.idx.msk [tilespmem:v19+s9+$0x0], $0xffff;
	v26 =	vmul.f32 v13, v17  }
0x289: {  	s22 =	simm.s32 $0x1C;
	v25 =	vimm.f32 $0.0e+00;
	v18 =	vld.idx.msk [tilespmem:v10+s5+$0x0], $0xffff;
	v17 =	vor.u32 $0x1, v12;
	v13 =	vmov v12  }
.LBB2_19:
0x28a: {  	p1 =	sne.s32 s22, $0x1;
	v12 =	vadd.s32 $0x6, v12;
	v25 =	vadd.f32 v26, v25;
	v15 =	vmul.f32 v24, v15;
	v23 =	vld.idx.msk [tilespmem:v23+s9+$0x0], $0xffff  }
0x28b: {  	v26 =	vadd.s32 $0x2, v13;
	v24 =	vld.idx.msk [tilespmem:v14+s5+$0x0], $0xffff  }
0x28c: {  	v14 =	vadd.f32 v15, v25;
	v15 =	vmul.f32 v21, v20;
	v20 =	vld.idx.msk [tilespmem:v22+s9+$0x0], $0xffff  }
0x28d: {  	v28 =	vadd.s32 $0x3, v13;
	v27 =	vld.idx.msk [tilespmem:v13+s5+$0x0], $0xffff  }
0x28e: {  	v29 =	vadd.s32 $0x4, v13;
	v16 =	vmul.f32 v19, v16;
	v21 =	vld.idx.msk [tilespmem:v17+s4+$0x0], $0xffff;
	v15 =	vadd.f32 v15, v14  }
0x28f: {  	v19 =	vld.idx.msk [tilespmem:v12+s4+$0x0], $0xffff  }
0x290: {  	v14 =	vadd.s32 $0x5, v13;
	v13 =	vmovc v12;
	v18 =	vmul.f32 v23, v18;
	v30 =	vld.idx.msk [tilespmem:v26+s4+$0x0], $0xffff;
	v16 =	vadd.f32 v16, v15  }
0x291: {  	v15 =	vld.idx.msk [tilespmem:v17+s5+$0x0], $0xffff  }
0x292: {  	v17 =	vld.idx.msk [tilespmem:v28+s4+$0x0], $0xffff;
	v16 =	vadd.f32 v18, v16;
	v18 =	vmul.f32 v20, v24  }
0x293: {  	v23 =	vld.idx.msk [tilespmem:v29+s4+$0x0], $0xffff  }
0x294: {  	v31 =	vld.idx.msk [tilespmem:v11+s9+$0x0], $0xffff;
	v25 =	vadd.f32 v18, v16;
	v11 =	vmov v19  }
0x295: {  	v22 =	vld.idx.msk [tilespmem:v14+s4+$0x0], $0xffff  }
0x296: {  	v24 =	vld.idx.msk [tilespmem:v21+s9+$0x0], $0xffff  }
.Ltmp8:
0x297: {  	v20 =	vld.idx.msk [tilespmem:v26+s5+$0x0], $0xffff;
	(pc) =	sbr.rel @p1 .LBB2_19-.Ltmp8, $4  }
0x298: {  	v21 =	vld.idx.msk [tilespmem:v30+s9+$0x0], $0xffff  }
0x299: {  	v16 =	vld.idx.msk [tilespmem:v28+s5+$0x0], $0xffff  }
0x29a: {  	v26 =	vmul.f32 v31, v27;
	v19 =	vld.idx.msk [tilespmem:v17+s9+$0x0], $0xffff  }
0x29b: {  	s22 =	sadd.s32 $0xFFFFFFFF, s22;
	v17 =	vor.u32 $0x1, v12;
	v18 =	vld.idx.msk [tilespmem:v29+s5+$0x0], $0xffff  }
0x29c: {  	_ =	sdelay $0x3  }
0x29d: {  	v12 =	vld.idx.msk [tilespmem:v23+s9+$0x0], $0xffff;
	v44 =	vadd.s32 $0x2, v13  }
0x29e: {  	v14 =	vld.idx.msk [tilespmem:v14+s5+$0x0], $0xffff  }
0x29f: {  	v22 =	vld.idx.msk [tilespmem:v22+s9+$0x0], $0xffff;
	v27 =	vadd.s32 $0x3, v13  }
0x2a0: {  	v28 =	vld.idx.msk [tilespmem:v17+s4+$0x0], $0xffff  }
0x2a1: {  	v29 =	vadd.s32 $0x4, v13;
	v25 =	vadd.f32 v26, v25;
	v15 =	vmul.f32 v24, v15;
	v45 =	vld.idx.msk [tilespmem:v13+s5+$0x0], $0xffff  }
0x2a2: {  	v47 =	vadd.s32 $0x5, v13;
	v46 =	vld.idx.msk [tilespmem:v44+s4+$0x0], $0xffff  }
0x2a3: {  	v48 =	vld.idx.msk [tilespmem:v17+s5+$0x0], $0xffff;
	v20 =	vmul.f32 v21, v20;
	v15 =	vadd.f32 v15, v25  }
0x2a4: {  	v49 =	vld.idx.msk [tilespmem:v27+s4+$0x0], $0xffff  }
0x2a5: {  	v11 =	vld.idx.msk [tilespmem:v11+s9+$0x0], $0xffff;
	v16 =	vmul.f32 v19, v16;
	v15 =	vadd.f32 v20, v15  }
0x2a6: {  	v50 =	vld.idx.msk [tilespmem:v29+s4+$0x0], $0xffff  }
0x2a7: {  	v12 =	vmul.f32 v12, v18;
	v51 =	vld.idx.msk [tilespmem:v47+s4+$0x0], $0xffff;
	v15 =	vadd.f32 v16, v15  }
0x2a8: {  	v52 =	vld.idx.msk [tilespmem:v28+s9+$0x0], $0xffff  }
0x2a9: {  	v14 =	vmul.f32 v22, v14;
	v53 =	vld.idx.msk [tilespmem:v44+s5+$0x0], $0xffff;
	v12 =	vadd.f32 v12, v15  }
0x2aa: {  	v54 =	vld.idx.msk [tilespmem:v46+s9+$0x0], $0xffff  }
0x2ab: {  	v55 =	vld.idx.msk [tilespmem:v27+s5+$0x0], $0xffff;
	v11 =	vmul.f32 v11, v45;
	v12 =	vadd.f32 v14, v12  }
0x2ac: {  	v21 =	vld.idx.msk [tilespmem:v49+s9+$0x0], $0xffff  }
0x2ad: {  	v56 =	vld.idx.msk [tilespmem:v29+s5+$0x0], $0xffff;
	v11 =	vadd.f32 v11, v12;
	v57 =	vmul.f32 v52, v48  }
0x2ae: {  	v58 =	vld.idx.msk [tilespmem:v50+s9+$0x0], $0xffff  }
0x2af: {  	v13 =	vld.idx.msk [tilespmem:v47+s5+$0x0], $0xffff;
	v11 =	vadd.f32 v57, v11;
	v59 =	vmul.f32 v54, v53  }
0x2b0: {  	v60 =	vld.idx.msk [tilespmem:v51+s9+$0x0], $0xffff  }
0x2b1: {  	v61 =	vmul.f32 v21, v55;
	v11 =	vadd.f32 v59, v11;
	_ =	sdelay $0x1  }
0x2b2: {  	v62 =	vmul.f32 v58, v56;
	v11 =	vadd.f32 v61, v11;
	_ =	sdelay $0x1  }
0x2b3: {  	v63 =	vmul.f32 v60, v13;
	v11 =	vadd.f32 v62, v11;
	_ =	sdelay $0x1  }
0x2b4: {  	v11 =	vadd.f32 v63, v11;
	_ =	sdelay $0x1  }
0x2b5: {  	s16 =	sadd.s32 $0x1, s16;
	v11 =	vadd.f32 v11, v2  }
0x2b6: {  	p1 =	sne.s32 s16, $0x20  }
.Ltmp9:
0x2b7: {  	s22 =	sadd.s32 $0x200, s25;
	[tilespmem:$0x13B10] =	vst v11;
	(pc) =	sbr.rel @p1 .LBB2_12-.Ltmp9, $4  }
0x2b8: {  	[spmem:s22] =	stream.linear.scatter [tilespmem:s6], [sflag:$0x7], $0x20, $0x38;
	[tilespmem:$0x1A600] =	vst v63  }
0x2b9: {  	_ =	swait.ge [sflag:s3], $0x20  }
0x2ba: {  	[sflag:s3] =	ssyncset.done $0x0  }
0x2bb: {  	[sflag:s3] =	ssyncadd.s32 $0xFFFFFFE0  }
0x2bc: {  	[bflag:$0x0] =	sbarrier.arrive $0xFFFF;
	s15 =	simm.s32 @p0 $0x80  }
0x2bd: {  	s16 =	simm.s32 @p0 $0x200;
	s22 =	simm.s32 @p0 $0x0;
	s23 =	rddreg [dreg:$0x11]  }
0x2be: {  	[tilespmem:s22], [sflag:$0x7] =	stream.strided.gather @p0 [hbm4b:s23+s15], $0x10E00, s16, s15, $0x38;
	[tilespmem:$0x1A600] =	vst v63  }
0x2bf: {  	s16 =	simm.s32 @p0 $0x7  }
0x2c0: {  	s25 =	simm.s32 @!p0 $0x40;
	s26 =	simm.s32 @!p0 $0x10;
	_ =	swait.ge @p0 [sflag:s16], $0x10E00  }
0x2c1: {  	s28 =	simm.s32 @!p0 $0x1C06;
	s15 =	sshrl.u32 @!p0 s8, $0x3;
	[sflag:s16] =	ssyncset.done @p0 $0x0  }
0x2c2: {  	s22 =	simm.s32 @!p0 $0x1;
	s29 =	rddreg [dreg:$0x13];
	[sflag:s16] =	ssyncadd.s32 @p0 $0xFFFEF200  }
0x2c3: {  	[hbm:s29@s25], [sflag:s28] =	dma.strided @!p0 [spmem:s15@s26], $0x1000, s22, $0x10   }
0x2c4: {  	s25 =	simm.s32 @!p0 $0x80;
	s26 =	simm.s32 @!p0 $0x200;
	s28 =	simm.s32 @!p0 $0x0  }
0x2c5: {  	[tilespmem:s28], [sflag:$0x7] =	stream.strided.gather @!p0 [hbm4b:s23+s25], $0x10E00, s26, s25, $0x38;
	[tilespmem:$0x1A600] =	vst v63  }
0x2c6: {  	s25 =	simm.s32 @!p0 $0x7  }
0x2c7: {  	_ =	swait.ge @!p0 [sflag:s25], $0x10E00  }
0x2c8: {  	[sflag:s25] =	ssyncset.done @!p0 $0x0  }
0x2c9: {  	s26 =	simm.s32 @!p0 $0x5;
	[sflag:s25] =	ssyncadd.s32 @!p0 $0xFFFEF200  }
0x2ca: {  	_ =	swait.ge @!p0 [sflag:s26], $0x1000  }
0x2cb: {  	[sflag:s26] =	ssyncset.done @!p0 $0x0  }
0x2cc: {  	[sflag:s26] =	ssyncadd.s32 @!p0 $0xFFFFF000;
	s26 =	simm.s32 $0x0  }
.LBB2_22:
0x2cd: {  	[bflag:$0x0] =	sbarrier.arrive @p0 $0xFFFF;
	s28 =	simm.s32 @p0 $0x10E00  }
0x2ce: {  	[tilespmem:s28], [sflag:$0x7] =	stream.linear.gather @p0 [spmem:s17], $0x1680, $0x38;
	[tilespmem:$0x1A600] =	vst v63  }
0x2cf: {  	_ =	swait.ge @p0 [sflag:s16], $0x1680  }
0x2d0: {  	[sflag:s16] =	ssyncset.done @p0 $0x0  }
0x2d1: {  	s28 =	simm.s32 @p0 $0x12480;
	[sflag:s16] =	ssyncadd.s32 @p0 $0xFFFFE980  }
0x2d2: {  	[tilespmem:s28], [sflag:$0x7] =	stream.linear.gather @p0 [spmem:s18], $0x1680, $0x38;
	[tilespmem:$0x1A600] =	vst v63  }
0x2d3: {  	_ =	swait.ge @p0 [sflag:s16], $0x1680  }
0x2d4: {  	[sflag:s16] =	ssyncset.done @p0 $0x0  }
0x2d5: {  	[sflag:s16] =	ssyncadd.s32 @p0 $0xFFFFE980  }
0x2d6: {  	[bflag:$0x0] =	sbarrier.arrive @p0 $0xFFFF  }
0x2d7: {  	_ =	swait.ge @!p0 [sflag:s22], $0x2D00  }
0x2d8: {  	[sflag:s22] =	ssyncset.done @!p0 $0x0  }
0x2d9: {  	s28 =	simm.s32 @!p0 $0x2;
	[sflag:s22] =	ssyncadd.s32 @!p0 $0xFFFFD300  }
0x2da: {  	_ =	swait.ge @!p0 [sflag:s28], $0x2D00  }
0x2db: {  	[sflag:s28] =	ssyncset.done @!p0 $0x0  }
0x2dc: {  	[sflag:s28] =	ssyncadd.s32 @!p0 $0xFFFFD300  }
0x2dd: {  	s28 =	simm.s32 @!p0 $0x10E00;
	[bflag:$0x0] =	sbarrier.arrive @!p0 $0xFFFF  }
0x2de: {  	[tilespmem:s28], [sflag:$0x7] =	stream.linear.gather @!p0 [spmem:s17], $0x1680, $0x38;
	[tilespmem:$0x1A600] =	vst v63  }
0x2df: {  	_ =	swait.ge @!p0 [sflag:s25], $0x1680  }
0x2e0: {  	[sflag:s25] =	ssyncset.done @!p0 $0x0  }
0x2e1: {  	s29 =	simm.s32 @!p0 $0x12480;
	s28 =	sshll.u32 s26, $0x1;
	[sflag:s25] =	ssyncadd.s32 @!p0 $0xFFFFE980  }
0x2e2: {  	[tilespmem:s29], [sflag:$0x7] =	stream.linear.gather @!p0 [spmem:s18], $0x1680, $0x38;
	[tilespmem:$0x1A600] =	vst v63  }
0x2e3: {  	s29 =	sadd.s32 @!p0 $0x2, s28  }
0x2e4: {  	s29 =	sand.u32 @!p0 $0x3E, s29  }
0x2e5: {  	s29 =	smul.u32 @!p0 $0x16800, s29  }
0x2e6: {  	_ =	swait.ge @!p0 [sflag:s25], $0x1680  }
0x2e7: {  	[sflag:s25] =	ssyncset.done @!p0 $0x0;
	s29 =	sadd.s32 @!p0 s12, s29  }
0x2e8: {  	[sflag:s25] =	ssyncadd.s32 @!p0 $0xFFFFE980;
	s29 =	sshrl.u32 @!p0 s29, $0x3  }
0x2e9: {  	s23 =	simm.s32 @!p0 $0x1C01;
	[bflag:$0x0] =	sbarrier.arrive @!p0 $0xFFFF;
	s30 =	sadd.s32 @!p0 s0, s29  }
0x2ea: {  	[spmem:s2], [sflag:s23] =	dma.local @!p0 [hbm:s30], $0x2D00  }
0x2eb: {  	v12 =	vadd.s32 $0x6, v0;
	s23 =	sadd.s32 @!p0 s1, s29;
	s29 =	simm.s32 @!p0 $0x1C02  }
0x2ec: {  	[spmem:s10], [sflag:s29] =	dma.local @!p0 [hbm:s23], $0x2D00  }
0x2ed: {  	v13 =	vld.idx.msk [tilespmem:v0+s4+$0x0], $0xffff  }
0x2ee: {  	v17 =	vld.idx.msk [tilespmem:v0+s5+$0x0], $0xffff  }
0x2ef: {  	v16 =	vld.idx.msk [tilespmem:v3+s4+$0x0], $0xffff  }
0x2f0: {  	v14 =	vadd.s32 $0x5, v0;
	v11 =	vld.idx.msk [tilespmem:v12+s4+$0x0], $0xffff  }
0x2f1: {  	v18 =	vld.idx.msk [tilespmem:v4+s4+$0x0], $0xffff  }
0x2f2: {  	v15 =	vld.idx.msk [tilespmem:v3+s5+$0x0], $0xffff  }
0x2f3: {  	v19 =	vld.idx.msk [tilespmem:v5+s4+$0x0], $0xffff  }
0x2f4: {  	v23 =	vld.idx.msk [tilespmem:v6+s4+$0x0], $0xffff  }
0x2f5: {  	v22 =	vld.idx.msk [tilespmem:v14+s4+$0x0], $0xffff  }
0x2f6: {  	v13 =	vld.idx.msk [tilespmem:v13+s9+$0x0], $0xffff  }
0x2f7: {  	v20 =	vld.idx.msk [tilespmem:v4+s5+$0x0], $0xffff  }
0x2f8: {  	v24 =	vld.idx.msk [tilespmem:v16+s9+$0x0], $0xffff  }
0x2f9: {  	v21 =	vld.idx.msk [tilespmem:v18+s9+$0x0], $0xffff  }
0x2fa: {  	v16 =	vld.idx.msk [tilespmem:v5+s5+$0x0], $0xffff  }
0x2fb: {  	v19 =	vld.idx.msk [tilespmem:v19+s9+$0x0], $0xffff;
	v26 =	vmul.f32 v13, v17  }
0x2fc: {  	v25 =	vimm.f32 $0.0e+00;
	s29 =	simm.s32 $0x1C;
	v18 =	vld.idx.msk [tilespmem:v6+s5+$0x0], $0xffff;
	v17 =	vor.u32 $0x1, v12;
	v13 =	vmov v12  }
.LBB2_23:
0x2fd: {  	p1 =	sne.s32 s29, $0x1;
	v12 =	vadd.s32 $0x6, v12;
	v25 =	vadd.f32 v26, v25;
	v15 =	vmul.f32 v24, v15;
	v23 =	vld.idx.msk [tilespmem:v23+s9+$0x0], $0xffff  }
0x2fe: {  	v26 =	vadd.s32 $0x2, v13;
	v24 =	vld.idx.msk [tilespmem:v14+s5+$0x0], $0xffff  }
0x2ff: {  	v14 =	vadd.f32 v15, v25;
	v15 =	vmul.f32 v21, v20;
	v20 =	vld.idx.msk [tilespmem:v22+s9+$0x0], $0xffff  }
0x300: {  	v28 =	vadd.s32 $0x3, v13;
	v27 =	vld.idx.msk [tilespmem:v13+s5+$0x0], $0xffff  }
0x301: {  	v29 =	vadd.s32 $0x4, v13;
	v16 =	vmul.f32 v19, v16;
	v21 =	vld.idx.msk [tilespmem:v17+s4+$0x0], $0xffff;
	v15 =	vadd.f32 v15, v14  }
0x302: {  	v19 =	vld.idx.msk [tilespmem:v12+s4+$0x0], $0xffff  }
0x303: {  	v14 =	vadd.s32 $0x5, v13;
	v13 =	vmovc v12;
	v18 =	vmul.f32 v23, v18;
	v30 =	vld.idx.msk [tilespmem:v26+s4+$0x0], $0xffff;
	v16 =	vadd.f32 v16, v15  }
0x304: {  	v15 =	vld.idx.msk [tilespmem:v17+s5+$0x0], $0xffff  }
0x305: {  	v17 =	vld.idx.msk [tilespmem:v28+s4+$0x0], $0xffff;
	v16 =	vadd.f32 v18, v16;
	v18 =	vmul.f32 v20, v24  }
0x306: {  	v23 =	vld.idx.msk [tilespmem:v29+s4+$0x0], $0xffff  }
0x307: {  	v31 =	vld.idx.msk [tilespmem:v11+s9+$0x0], $0xffff;
	v25 =	vadd.f32 v18, v16;
	v11 =	vmov v19  }
0x308: {  	v22 =	vld.idx.msk [tilespmem:v14+s4+$0x0], $0xffff  }
0x309: {  	v24 =	vld.idx.msk [tilespmem:v21+s9+$0x0], $0xffff  }
.Ltmp10:
0x30a: {  	v20 =	vld.idx.msk [tilespmem:v26+s5+$0x0], $0xffff;
	(pc) =	sbr.rel @p1 .LBB2_23-.Ltmp10, $4  }
0x30b: {  	v21 =	vld.idx.msk [tilespmem:v30+s9+$0x0], $0xffff  }
0x30c: {  	v16 =	vld.idx.msk [tilespmem:v28+s5+$0x0], $0xffff  }
0x30d: {  	v26 =	vmul.f32 v31, v27;
	v19 =	vld.idx.msk [tilespmem:v17+s9+$0x0], $0xffff  }
0x30e: {  	s29 =	sadd.s32 $0xFFFFFFFF, s29;
	v17 =	vor.u32 $0x1, v12;
	v18 =	vld.idx.msk [tilespmem:v29+s5+$0x0], $0xffff  }
0x30f: {  	_ =	sdelay $0x3  }
0x310: {  	v12 =	vld.idx.msk [tilespmem:v23+s9+$0x0], $0xffff;
	v23 =	vadd.s32 $0x2, v13  }
0x311: {  	v14 =	vld.idx.msk [tilespmem:v14+s5+$0x0], $0xffff  }
0x312: {  	v22 =	vld.idx.msk [tilespmem:v22+s9+$0x0], $0xffff;
	v27 =	vadd.s32 $0x3, v13  }
0x313: {  	v28 =	vld.idx.msk [tilespmem:v17+s4+$0x0], $0xffff  }
0x314: {  	v29 =	vadd.s32 $0x4, v13;
	v25 =	vadd.f32 v26, v25;
	v15 =	vmul.f32 v24, v15;
	v24 =	vld.idx.msk [tilespmem:v13+s5+$0x0], $0xffff  }
0x315: {  	v13 =	vadd.s32 $0x5, v13;
	v26 =	vld.idx.msk [tilespmem:v23+s4+$0x0], $0xffff  }
0x316: {  	v17 =	vld.idx.msk [tilespmem:v17+s5+$0x0], $0xffff;
	v20 =	vmul.f32 v21, v20;
	v15 =	vadd.f32 v15, v25  }
0x317: {  	v21 =	vld.idx.msk [tilespmem:v27+s4+$0x0], $0xffff  }
0x318: {  	v11 =	vld.idx.msk [tilespmem:v11+s9+$0x0], $0xffff;
	v16 =	vmul.f32 v19, v16;
	v15 =	vadd.f32 v20, v15  }
0x319: {  	v19 =	vld.idx.msk [tilespmem:v29+s4+$0x0], $0xffff  }
0x31a: {  	v12 =	vmul.f32 v12, v18;
	v15 =	vadd.f32 v16, v15;
	v16 =	vld.idx.msk [tilespmem:v13+s4+$0x0], $0xffff  }
0x31b: {  	v18 =	vld.idx.msk [tilespmem:v28+s9+$0x0], $0xffff  }
0x31c: {  	v14 =	vmul.f32 v22, v14;
	v12 =	vadd.f32 v12, v15;
	v15 =	vld.idx.msk [tilespmem:v23+s5+$0x0], $0xffff  }
0x31d: {  	v20 =	vld.idx.msk [tilespmem:v26+s9+$0x0], $0xffff  }
0x31e: {  	v11 =	vmul.f32 v11, v24;
	v12 =	vadd.f32 v14, v12;
	v14 =	vld.idx.msk [tilespmem:v27+s5+$0x0], $0xffff  }
0x31f: {  	v21 =	vld.idx.msk [tilespmem:v21+s9+$0x0], $0xffff  }
0x320: {  	v22 =	vld.idx.msk [tilespmem:v29+s5+$0x0], $0xffff;
	v11 =	vadd.f32 v11, v12;
	v12 =	vmul.f32 v18, v17  }
0x321: {  	v17 =	vld.idx.msk [tilespmem:v19+s9+$0x0], $0xffff  }
0x322: {  	v13 =	vld.idx.msk [tilespmem:v13+s5+$0x0], $0xffff;
	v11 =	vadd.f32 v12, v11;
	v12 =	vmul.f32 v20, v15  }
0x323: {  	v15 =	vld.idx.msk [tilespmem:v16+s9+$0x0], $0xffff  }
0x324: {  	v11 =	vadd.f32 v12, v11;
	v12 =	vmul.f32 v21, v14;
	_ =	sdelay $0x1  }
0x325: {  	v11 =	vadd.f32 v12, v11;
	v12 =	vmul.f32 v17, v22;
	_ =	sdelay $0x1  }
0x326: {  	v11 =	vadd.f32 v12, v11;
	v12 =	vmul.f32 v15, v13;
	_ =	sdelay $0x1  }
0x327: {  	v11 =	vadd.f32 v12, v11;
	_ =	sdelay $0x1  }
0x328: {  	v11 =	vadd.f32 v11, v2  }
0x329: {  	v12 =	vadd.s32 $0x6, v1  }
0x32a: {  	[tilespmem:$0x13B00] =	vst v11  }
0x32b: {  	v13 =	vld.idx.msk [tilespmem:v1+s4+$0x0], $0xffff  }
0x32c: {  	v17 =	vld.idx.msk [tilespmem:v1+s5+$0x0], $0xffff  }
0x32d: {  	v16 =	vld.idx.msk [tilespmem:v7+s4+$0x0], $0xffff  }
0x32e: {  	v14 =	vadd.s32 $0x5, v1;
	v11 =	vld.idx.msk [tilespmem:v12+s4+$0x0], $0xffff  }
0x32f: {  	v18 =	vld.idx.msk [tilespmem:v8+s4+$0x0], $0xffff  }
0x330: {  	v15 =	vld.idx.msk [tilespmem:v7+s5+$0x0], $0xffff  }
0x331: {  	v19 =	vld.idx.msk [tilespmem:v9+s4+$0x0], $0xffff  }
0x332: {  	v23 =	vld.idx.msk [tilespmem:v10+s4+$0x0], $0xffff  }
0x333: {  	v22 =	vld.idx.msk [tilespmem:v14+s4+$0x0], $0xffff  }
0x334: {  	v13 =	vld.idx.msk [tilespmem:v13+s9+$0x0], $0xffff  }
0x335: {  	v20 =	vld.idx.msk [tilespmem:v8+s5+$0x0], $0xffff  }
0x336: {  	v24 =	vld.idx.msk [tilespmem:v16+s9+$0x0], $0xffff  }
0x337: {  	v21 =	vld.idx.msk [tilespmem:v18+s9+$0x0], $0xffff  }
0x338: {  	v16 =	vld.idx.msk [tilespmem:v9+s5+$0x0], $0xffff  }
0x339: {  	v19 =	vld.idx.msk [tilespmem:v19+s9+$0x0], $0xffff;
	v26 =	vmul.f32 v13, v17  }
0x33a: {  	s29 =	simm.s32 $0x1C;
	v25 =	vimm.f32 $0.0e+00;
	v18 =	vld.idx.msk [tilespmem:v10+s5+$0x0], $0xffff;
	v17 =	vor.u32 $0x1, v12;
	v13 =	vmov v12  }
.LBB2_25:
0x33b: {  	p1 =	sne.s32 s29, $0x1;
	v12 =	vadd.s32 $0x6, v12;
	v25 =	vadd.f32 v26, v25;
	v15 =	vmul.f32 v24, v15;
	v23 =	vld.idx.msk [tilespmem:v23+s9+$0x0], $0xffff  }
0x33c: {  	v26 =	vadd.s32 $0x2, v13;
	v24 =	vld.idx.msk [tilespmem:v14+s5+$0x0], $0xffff  }
0x33d: {  	v14 =	vadd.f32 v15, v25;
	v15 =	vmul.f32 v21, v20;
	v20 =	vld.idx.msk [tilespmem:v22+s9+$0x0], $0xffff  }
0x33e: {  	v28 =	vadd.s32 $0x3, v13;
	v27 =	vld.idx.msk [tilespmem:v13+s5+$0x0], $0xffff  }
0x33f: {  	v29 =	vadd.s32 $0x4, v13;
	v16 =	vmul.f32 v19, v16;
	v21 =	vld.idx.msk [tilespmem:v17+s4+$0x0], $0xffff;
	v15 =	vadd.f32 v15, v14  }
0x340: {  	v19 =	vld.idx.msk [tilespmem:v12+s4+$0x0], $0xffff  }
0x341: {  	v14 =	vadd.s32 $0x5, v13;
	v13 =	vmovc v12;
	v18 =	vmul.f32 v23, v18;
	v30 =	vld.idx.msk [tilespmem:v26+s4+$0x0], $0xffff;
	v16 =	vadd.f32 v16, v15  }
0x342: {  	v15 =	vld.idx.msk [tilespmem:v17+s5+$0x0], $0xffff  }
0x343: {  	v17 =	vld.idx.msk [tilespmem:v28+s4+$0x0], $0xffff;
	v16 =	vadd.f32 v18, v16;
	v18 =	vmul.f32 v20, v24  }
0x344: {  	v23 =	vld.idx.msk [tilespmem:v29+s4+$0x0], $0xffff  }
0x345: {  	v31 =	vld.idx.msk [tilespmem:v11+s9+$0x0], $0xffff;
	v25 =	vadd.f32 v18, v16;
	v11 =	vmov v19  }
0x346: {  	v22 =	vld.idx.msk [tilespmem:v14+s4+$0x0], $0xffff  }
0x347: {  	v24 =	vld.idx.msk [tilespmem:v21+s9+$0x0], $0xffff  }
.Ltmp11:
0x348: {  	v20 =	vld.idx.msk [tilespmem:v26+s5+$0x0], $0xffff;
	(pc) =	sbr.rel @p1 .LBB2_25-.Ltmp11, $4  }
0x349: {  	v21 =	vld.idx.msk [tilespmem:v30+s9+$0x0], $0xffff  }
0x34a: {  	v16 =	vld.idx.msk [tilespmem:v28+s5+$0x0], $0xffff  }
0x34b: {  	v26 =	vmul.f32 v31, v27;
	v19 =	vld.idx.msk [tilespmem:v17+s9+$0x0], $0xffff  }
0x34c: {  	s29 =	sadd.s32 $0xFFFFFFFF, s29;
	v17 =	vor.u32 $0x1, v12;
	v18 =	vld.idx.msk [tilespmem:v29+s5+$0x0], $0xffff  }
0x34d: {  	_ =	sdelay $0x3  }
0x34e: {  	v12 =	vld.idx.msk [tilespmem:v23+s9+$0x0], $0xffff;
	v23 =	vadd.s32 $0x2, v13  }
0x34f: {  	v14 =	vld.idx.msk [tilespmem:v14+s5+$0x0], $0xffff  }
0x350: {  	v22 =	vld.idx.msk [tilespmem:v22+s9+$0x0], $0xffff;
	v27 =	vadd.s32 $0x3, v13  }
0x351: {  	v28 =	vld.idx.msk [tilespmem:v17+s4+$0x0], $0xffff  }
0x352: {  	v29 =	vadd.s32 $0x4, v13;
	v25 =	vadd.f32 v26, v25;
	v15 =	vmul.f32 v24, v15;
	v24 =	vld.idx.msk [tilespmem:v13+s5+$0x0], $0xffff  }
0x353: {  	v13 =	vadd.s32 $0x5, v13;
	v26 =	vld.idx.msk [tilespmem:v23+s4+$0x0], $0xffff  }
0x354: {  	v17 =	vld.idx.msk [tilespmem:v17+s5+$0x0], $0xffff;
	v20 =	vmul.f32 v21, v20;
	v15 =	vadd.f32 v15, v25  }
0x355: {  	v21 =	vld.idx.msk [tilespmem:v27+s4+$0x0], $0xffff  }
0x356: {  	v11 =	vld.idx.msk [tilespmem:v11+s9+$0x0], $0xffff;
	v16 =	vmul.f32 v19, v16;
	v15 =	vadd.f32 v20, v15  }
0x357: {  	v19 =	vld.idx.msk [tilespmem:v29+s4+$0x0], $0xffff  }
0x358: {  	v12 =	vmul.f32 v12, v18;
	v15 =	vadd.f32 v16, v15;
	v16 =	vld.idx.msk [tilespmem:v13+s4+$0x0], $0xffff  }
0x359: {  	v18 =	vld.idx.msk [tilespmem:v28+s9+$0x0], $0xffff  }
0x35a: {  	v14 =	vmul.f32 v22, v14;
	v12 =	vadd.f32 v12, v15;
	v15 =	vld.idx.msk [tilespmem:v23+s5+$0x0], $0xffff  }
0x35b: {  	v20 =	vld.idx.msk [tilespmem:v26+s9+$0x0], $0xffff  }
0x35c: {  	v11 =	vmul.f32 v11, v24;
	v12 =	vadd.f32 v14, v12;
	v14 =	vld.idx.msk [tilespmem:v27+s5+$0x0], $0xffff  }
0x35d: {  	v21 =	vld.idx.msk [tilespmem:v21+s9+$0x0], $0xffff  }
0x35e: {  	v22 =	vld.idx.msk [tilespmem:v29+s5+$0x0], $0xffff;
	v11 =	vadd.f32 v11, v12;
	v12 =	vmul.f32 v18, v17  }
0x35f: {  	v17 =	vld.idx.msk [tilespmem:v19+s9+$0x0], $0xffff  }
0x360: {  	v13 =	vld.idx.msk [tilespmem:v13+s5+$0x0], $0xffff;
	v11 =	vadd.f32 v12, v11;
	v12 =	vmul.f32 v20, v15  }
0x361: {  	v15 =	vld.idx.msk [tilespmem:v16+s9+$0x0], $0xffff  }
0x362: {  	v11 =	vadd.f32 v12, v11;
	v12 =	vmul.f32 v21, v14;
	_ =	sdelay $0x1  }
0x363: {  	v11 =	vadd.f32 v12, v11;
	v12 =	vmul.f32 v17, v22;
	_ =	sdelay $0x1  }
0x364: {  	v11 =	vadd.f32 v12, v11;
	v12 =	vmul.f32 v15, v13;
	_ =	sdelay $0x1  }
0x365: {  	v11 =	vadd.f32 v12, v11  }
0x366: {  	s23 =	sshll.u32 s26, $0xA  }
0x367: {  	s23 =	sand.u32 $0x3FFFFC00, s23;
	v11 =	vadd.f32 v11, v2  }
0x368: {  	s23 =	sadd.s32 s23, s7  }
0x369: {  	s29 =	sadd.s32 s19, s23;
	[tilespmem:$0x13B10] =	vst v11  }
0x36a: {  	[spmem:s29] =	stream.linear.scatter [tilespmem:s6], [sflag:$0x7], $0x20, $0x38;
	[tilespmem:$0x1A600] =	vst v63  }
0x36b: {  	_ =	swait.ge [sflag:s3], $0x20  }
0x36c: {  	[sflag:s3] =	ssyncset.done $0x0  }
0x36d: {  	[sflag:s3] =	ssyncadd.s32 $0xFFFFFFE0  }
0x36e: {  	s23 =	simm.s32 @p0 $0x10E00;
	[bflag:$0x0] =	sbarrier.arrive @p0 $0xFFFF  }
0x36f: {  	[tilespmem:s23], [sflag:$0x7] =	stream.linear.gather @p0 [spmem:s20], $0x1680, $0x38;
	[tilespmem:$0x1A600] =	vst v63  }
0x370: {  	s23 =	simm.s32 @p0 $0x7  }
0x371: {  	_ =	swait.ge @p0 [sflag:s23], $0x1680  }
0x372: {  	[sflag:s23] =	ssyncset.done @p0 $0x0  }
0x373: {  	s30 =	simm.s32 @p0 $0x12480;
	[sflag:s23] =	ssyncadd.s32 @p0 $0xFFFFE980  }
0x374: {  	[tilespmem:s30], [sflag:$0x7] =	stream.linear.gather @p0 [spmem:s21], $0x1680, $0x38;
	[tilespmem:$0x1A600] =	vst v63  }
0x375: {  	_ =	swait.ge @p0 [sflag:s23], $0x1680  }
0x376: {  	[sflag:s23] =	ssyncset.done @p0 $0x0  }
0x377: {  	[sflag:s23] =	ssyncadd.s32 @p0 $0xFFFFE980  }
0x378: {  	s23 =	simm.s32 @!p0 $0x3;
	[bflag:$0x0] =	sbarrier.arrive @p0 $0xFFFF  }
0x379: {  	_ =	swait.ge @!p0 [sflag:s23], $0x2D00  }
0x37a: {  	[sflag:s23] =	ssyncset.done @!p0 $0x0  }
0x37b: {  	[sflag:s23] =	ssyncadd.s32 @!p0 $0xFFFFD300;
	s23 =	simm.s32 @!p0 $0x4  }
0x37c: {  	_ =	swait.ge @!p0 [sflag:s23], $0x2D00  }
0x37d: {  	[sflag:s23] =	ssyncset.done @!p0 $0x0  }
0x37e: {  	[sflag:s23] =	ssyncadd.s32 @!p0 $0xFFFFD300  }
0x37f: {  	s23 =	simm.s32 @!p0 $0x10E00;
	[bflag:$0x0] =	sbarrier.arrive @!p0 $0xFFFF  }
0x380: {  	[tilespmem:s23], [sflag:$0x7] =	stream.linear.gather @!p0 [spmem:s20], $0x1680, $0x38;
	[tilespmem:$0x1A600] =	vst v63  }
0x381: {  	s23 =	simm.s32 @!p0 $0x7  }
0x382: {  	s28 =	sadd.s32 @!p0 $0x3, s28;
	_ =	swait.ge @!p0 [sflag:s23], $0x1680  }
0x383: {  	s28 =	sand.u32 @!p0 $0x3F, s28;
	[sflag:s23] =	ssyncset.done @!p0 $0x0  }
0x384: {  	s28 =	smul.u32 @!p0 $0x16800, s28;
	s30 =	simm.s32 @!p0 $0x12480;
	[sflag:s23] =	ssyncadd.s32 @!p0 $0xFFFFE980  }
0x385: {  	[tilespmem:s30], [sflag:$0x7] =	stream.linear.gather @!p0 [spmem:s21], $0x1680, $0x38;
	[tilespmem:$0x1A600] =	vst v63  }
0x386: {  	_ =	swait.ge @!p0 [sflag:s23], $0x1680  }
0x387: {  	s28 =	sadd.s32 @!p0 s12, s28;
	[sflag:s23] =	ssyncset.done @!p0 $0x0  }
0x388: {  	[sflag:s23] =	ssyncadd.s32 @!p0 $0xFFFFE980;
	s23 =	sshrl.u32 @!p0 s28, $0x3  }
0x389: {  	s30 =	simm.s32 @!p0 $0x1C03;
	[bflag:$0x0] =	sbarrier.arrive @!p0 $0xFFFF;
	s28 =	sadd.s32 @!p0 s0, s23  }
0x38a: {  	[spmem:s11], [sflag:s30] =	dma.local @!p0 [hbm:s28], $0x2D00  }
0x38b: {  	v12 =	vadd.s32 $0x6, v0;
	s23 =	sadd.s32 @!p0 s1, s23;
	s28 =	simm.s32 @!p0 $0x1C04  }
0x38c: {  	[spmem:s13], [sflag:s28] =	dma.local @!p0 [hbm:s23], $0x2D00  }
0x38d: {  	v13 =	vld.idx.msk [tilespmem:v0+s4+$0x0], $0xffff  }
0x38e: {  	v17 =	vld.idx.msk [tilespmem:v0+s5+$0x0], $0xffff  }
0x38f: {  	v16 =	vld.idx.msk [tilespmem:v3+s4+$0x0], $0xffff  }
0x390: {  	v14 =	vadd.s32 $0x5, v0;
	v11 =	vld.idx.msk [tilespmem:v12+s4+$0x0], $0xffff  }
0x391: {  	v18 =	vld.idx.msk [tilespmem:v4+s4+$0x0], $0xffff  }
0x392: {  	v15 =	vld.idx.msk [tilespmem:v3+s5+$0x0], $0xffff  }
0x393: {  	v19 =	vld.idx.msk [tilespmem:v5+s4+$0x0], $0xffff  }
0x394: {  	v23 =	vld.idx.msk [tilespmem:v6+s4+$0x0], $0xffff  }
0x395: {  	v22 =	vld.idx.msk [tilespmem:v14+s4+$0x0], $0xffff  }
0x396: {  	v13 =	vld.idx.msk [tilespmem:v13+s9+$0x0], $0xffff  }
0x397: {  	v20 =	vld.idx.msk [tilespmem:v4+s5+$0x0], $0xffff  }
0x398: {  	v24 =	vld.idx.msk [tilespmem:v16+s9+$0x0], $0xffff  }
0x399: {  	v21 =	vld.idx.msk [tilespmem:v18+s9+$0x0], $0xffff  }
0x39a: {  	v16 =	vld.idx.msk [tilespmem:v5+s5+$0x0], $0xffff  }
0x39b: {  	v19 =	vld.idx.msk [tilespmem:v19+s9+$0x0], $0xffff;
	v26 =	vmul.f32 v13, v17  }
0x39c: {  	v25 =	vimm.f32 $0.0e+00;
	s28 =	simm.s32 $0x1C;
	v18 =	vld.idx.msk [tilespmem:v6+s5+$0x0], $0xffff;
	v17 =	vor.u32 $0x1, v12;
	v13 =	vmov v12  }
.LBB2_27:
0x39d: {  	p1 =	sne.s32 s28, $0x1;
	v12 =	vadd.s32 $0x6, v12;
	v25 =	vadd.f32 v26, v25;
	v15 =	vmul.f32 v24, v15;
	v23 =	vld.idx.msk [tilespmem:v23+s9+$0x0], $0xffff  }
0x39e: {  	v26 =	vadd.s32 $0x2, v13;
	v24 =	vld.idx.msk [tilespmem:v14+s5+$0x0], $0xffff  }
0x39f: {  	v14 =	vadd.f32 v15, v25;
	v15 =	vmul.f32 v21, v20;
	v20 =	vld.idx.msk [tilespmem:v22+s9+$0x0], $0xffff  }
0x3a0: {  	v28 =	vadd.s32 $0x3, v13;
	v27 =	vld.idx.msk [tilespmem:v13+s5+$0x0], $0xffff  }
0x3a1: {  	v29 =	vadd.s32 $0x4, v13;
	v16 =	vmul.f32 v19, v16;
	v21 =	vld.idx.msk [tilespmem:v17+s4+$0x0], $0xffff;
	v15 =	vadd.f32 v15, v14  }
0x3a2: {  	v19 =	vld.idx.msk [tilespmem:v12+s4+$0x0], $0xffff  }
0x3a3: {  	v14 =	vadd.s32 $0x5, v13;
	v13 =	vmovc v12;
	v18 =	vmul.f32 v23, v18;
	v30 =	vld.idx.msk [tilespmem:v26+s4+$0x0], $0xffff;
	v16 =	vadd.f32 v16, v15  }
0x3a4: {  	v15 =	vld.idx.msk [tilespmem:v17+s5+$0x0], $0xffff  }
0x3a5: {  	v17 =	vld.idx.msk [tilespmem:v28+s4+$0x0], $0xffff;
	v16 =	vadd.f32 v18, v16;
	v18 =	vmul.f32 v20, v24  }
0x3a6: {  	v23 =	vld.idx.msk [tilespmem:v29+s4+$0x0], $0xffff  }
0x3a7: {  	v31 =	vld.idx.msk [tilespmem:v11+s9+$0x0], $0xffff;
	v25 =	vadd.f32 v18, v16;
	v11 =	vmov v19  }
0x3a8: {  	v22 =	vld.idx.msk [tilespmem:v14+s4+$0x0], $0xffff  }
0x3a9: {  	v24 =	vld.idx.msk [tilespmem:v21+s9+$0x0], $0xffff  }
.Ltmp12:
0x3aa: {  	v20 =	vld.idx.msk [tilespmem:v26+s5+$0x0], $0xffff;
	(pc) =	sbr.rel @p1 .LBB2_27-.Ltmp12, $4  }
0x3ab: {  	v21 =	vld.idx.msk [tilespmem:v30+s9+$0x0], $0xffff  }
0x3ac: {  	v16 =	vld.idx.msk [tilespmem:v28+s5+$0x0], $0xffff  }
0x3ad: {  	v26 =	vmul.f32 v31, v27;
	v19 =	vld.idx.msk [tilespmem:v17+s9+$0x0], $0xffff  }
0x3ae: {  	s28 =	sadd.s32 $0xFFFFFFFF, s28;
	v17 =	vor.u32 $0x1, v12;
	v18 =	vld.idx.msk [tilespmem:v29+s5+$0x0], $0xffff  }
0x3af: {  	_ =	sdelay $0x3  }
0x3b0: {  	v12 =	vld.idx.msk [tilespmem:v23+s9+$0x0], $0xffff;
	v23 =	vadd.s32 $0x2, v13  }
0x3b1: {  	v14 =	vld.idx.msk [tilespmem:v14+s5+$0x0], $0xffff  }
0x3b2: {  	v22 =	vld.idx.msk [tilespmem:v22+s9+$0x0], $0xffff;
	v27 =	vadd.s32 $0x3, v13  }
0x3b3: {  	v28 =	vld.idx.msk [tilespmem:v17+s4+$0x0], $0xffff  }
0x3b4: {  	v29 =	vadd.s32 $0x4, v13;
	v25 =	vadd.f32 v26, v25;
	v15 =	vmul.f32 v24, v15;
	v24 =	vld.idx.msk [tilespmem:v13+s5+$0x0], $0xffff  }
0x3b5: {  	v13 =	vadd.s32 $0x5, v13;
	v26 =	vld.idx.msk [tilespmem:v23+s4+$0x0], $0xffff  }
0x3b6: {  	v17 =	vld.idx.msk [tilespmem:v17+s5+$0x0], $0xffff;
	v20 =	vmul.f32 v21, v20;
	v15 =	vadd.f32 v15, v25  }
0x3b7: {  	v21 =	vld.idx.msk [tilespmem:v27+s4+$0x0], $0xffff  }
0x3b8: {  	v11 =	vld.idx.msk [tilespmem:v11+s9+$0x0], $0xffff;
	v16 =	vmul.f32 v19, v16;
	v15 =	vadd.f32 v20, v15  }
0x3b9: {  	v19 =	vld.idx.msk [tilespmem:v29+s4+$0x0], $0xffff  }
0x3ba: {  	v12 =	vmul.f32 v12, v18;
	v15 =	vadd.f32 v16, v15;
	v16 =	vld.idx.msk [tilespmem:v13+s4+$0x0], $0xffff  }
0x3bb: {  	v18 =	vld.idx.msk [tilespmem:v28+s9+$0x0], $0xffff  }
0x3bc: {  	v14 =	vmul.f32 v22, v14;
	v12 =	vadd.f32 v12, v15;
	v15 =	vld.idx.msk [tilespmem:v23+s5+$0x0], $0xffff  }
0x3bd: {  	v20 =	vld.idx.msk [tilespmem:v26+s9+$0x0], $0xffff  }
0x3be: {  	v11 =	vmul.f32 v11, v24;
	v12 =	vadd.f32 v14, v12;
	v14 =	vld.idx.msk [tilespmem:v27+s5+$0x0], $0xffff  }
0x3bf: {  	v21 =	vld.idx.msk [tilespmem:v21+s9+$0x0], $0xffff  }
0x3c0: {  	v22 =	vld.idx.msk [tilespmem:v29+s5+$0x0], $0xffff;
	v11 =	vadd.f32 v11, v12;
	v12 =	vmul.f32 v18, v17  }
0x3c1: {  	v17 =	vld.idx.msk [tilespmem:v19+s9+$0x0], $0xffff  }
0x3c2: {  	v13 =	vld.idx.msk [tilespmem:v13+s5+$0x0], $0xffff;
	v11 =	vadd.f32 v12, v11;
	v12 =	vmul.f32 v20, v15  }
0x3c3: {  	v15 =	vld.idx.msk [tilespmem:v16+s9+$0x0], $0xffff  }
0x3c4: {  	v11 =	vadd.f32 v12, v11;
	v12 =	vmul.f32 v21, v14;
	_ =	sdelay $0x1  }
0x3c5: {  	v11 =	vadd.f32 v12, v11;
	v12 =	vmul.f32 v17, v22;
	_ =	sdelay $0x1  }
0x3c6: {  	v11 =	vadd.f32 v12, v11;
	v12 =	vmul.f32 v15, v13;
	_ =	sdelay $0x1  }
0x3c7: {  	v11 =	vadd.f32 v12, v11;
	_ =	sdelay $0x1  }
0x3c8: {  	v11 =	vadd.f32 v11, v2  }
0x3c9: {  	v12 =	vadd.s32 $0x6, v1  }
0x3ca: {  	[tilespmem:$0x13B00] =	vst v11  }
0x3cb: {  	v13 =	vld.idx.msk [tilespmem:v1+s4+$0x0], $0xffff  }
0x3cc: {  	v17 =	vld.idx.msk [tilespmem:v1+s5+$0x0], $0xffff  }
0x3cd: {  	v16 =	vld.idx.msk [tilespmem:v7+s4+$0x0], $0xffff  }
0x3ce: {  	v14 =	vadd.s32 $0x5, v1;
	v11 =	vld.idx.msk [tilespmem:v12+s4+$0x0], $0xffff  }
0x3cf: {  	v18 =	vld.idx.msk [tilespmem:v8+s4+$0x0], $0xffff  }
0x3d0: {  	v15 =	vld.idx.msk [tilespmem:v7+s5+$0x0], $0xffff  }
0x3d1: {  	v19 =	vld.idx.msk [tilespmem:v9+s4+$0x0], $0xffff  }
0x3d2: {  	v23 =	vld.idx.msk [tilespmem:v10+s4+$0x0], $0xffff  }
0x3d3: {  	v22 =	vld.idx.msk [tilespmem:v14+s4+$0x0], $0xffff  }
0x3d4: {  	v13 =	vld.idx.msk [tilespmem:v13+s9+$0x0], $0xffff  }
0x3d5: {  	v20 =	vld.idx.msk [tilespmem:v8+s5+$0x0], $0xffff  }
0x3d6: {  	v24 =	vld.idx.msk [tilespmem:v16+s9+$0x0], $0xffff  }
0x3d7: {  	v21 =	vld.idx.msk [tilespmem:v18+s9+$0x0], $0xffff  }
0x3d8: {  	v16 =	vld.idx.msk [tilespmem:v9+s5+$0x0], $0xffff  }
0x3d9: {  	v19 =	vld.idx.msk [tilespmem:v19+s9+$0x0], $0xffff;
	v26 =	vmul.f32 v13, v17  }
0x3da: {  	s28 =	simm.s32 $0x1C;
	v25 =	vimm.f32 $0.0e+00;
	v18 =	vld.idx.msk [tilespmem:v10+s5+$0x0], $0xffff;
	v17 =	vor.u32 $0x1, v12;
	v13 =	vmov v12  }
.LBB2_29:
0x3db: {  	p1 =	sne.s32 s28, $0x1;
	v12 =	vadd.s32 $0x6, v12;
	v25 =	vadd.f32 v26, v25;
	v15 =	vmul.f32 v24, v15;
	v23 =	vld.idx.msk [tilespmem:v23+s9+$0x0], $0xffff  }
0x3dc: {  	v26 =	vadd.s32 $0x2, v13;
	v24 =	vld.idx.msk [tilespmem:v14+s5+$0x0], $0xffff  }
0x3dd: {  	v14 =	vadd.f32 v15, v25;
	v15 =	vmul.f32 v21, v20;
	v20 =	vld.idx.msk [tilespmem:v22+s9+$0x0], $0xffff  }
0x3de: {  	v28 =	vadd.s32 $0x3, v13;
	v27 =	vld.idx.msk [tilespmem:v13+s5+$0x0], $0xffff  }
0x3df: {  	v29 =	vadd.s32 $0x4, v13;
	v16 =	vmul.f32 v19, v16;
	v21 =	vld.idx.msk [tilespmem:v17+s4+$0x0], $0xffff;
	v15 =	vadd.f32 v15, v14  }
0x3e0: {  	v19 =	vld.idx.msk [tilespmem:v12+s4+$0x0], $0xffff  }
0x3e1: {  	v14 =	vadd.s32 $0x5, v13;
	v13 =	vmovc v12;
	v18 =	vmul.f32 v23, v18;
	v30 =	vld.idx.msk [tilespmem:v26+s4+$0x0], $0xffff;
	v16 =	vadd.f32 v16, v15  }
0x3e2: {  	v15 =	vld.idx.msk [tilespmem:v17+s5+$0x0], $0xffff  }
0x3e3: {  	v17 =	vld.idx.msk [tilespmem:v28+s4+$0x0], $0xffff;
	v16 =	vadd.f32 v18, v16;
	v18 =	vmul.f32 v20, v24  }
0x3e4: {  	v23 =	vld.idx.msk [tilespmem:v29+s4+$0x0], $0xffff  }
0x3e5: {  	v31 =	vld.idx.msk [tilespmem:v11+s9+$0x0], $0xffff;
	v25 =	vadd.f32 v18, v16;
	v11 =	vmov v19  }
0x3e6: {  	v22 =	vld.idx.msk [tilespmem:v14+s4+$0x0], $0xffff  }
0x3e7: {  	v24 =	vld.idx.msk [tilespmem:v21+s9+$0x0], $0xffff  }
.Ltmp13:
0x3e8: {  	v20 =	vld.idx.msk [tilespmem:v26+s5+$0x0], $0xffff;
	(pc) =	sbr.rel @p1 .LBB2_29-.Ltmp13, $4  }
0x3e9: {  	v21 =	vld.idx.msk [tilespmem:v30+s9+$0x0], $0xffff  }
0x3ea: {  	v16 =	vld.idx.msk [tilespmem:v28+s5+$0x0], $0xffff  }
0x3eb: {  	v26 =	vmul.f32 v31, v27;
	v19 =	vld.idx.msk [tilespmem:v17+s9+$0x0], $0xffff  }
0x3ec: {  	s28 =	sadd.s32 $0xFFFFFFFF, s28;
	v17 =	vor.u32 $0x1, v12;
	v18 =	vld.idx.msk [tilespmem:v29+s5+$0x0], $0xffff  }
0x3ed: {  	_ =	sdelay $0x3  }
0x3ee: {  	v12 =	vld.idx.msk [tilespmem:v23+s9+$0x0], $0xffff;
	v44 =	vadd.s32 $0x2, v13  }
0x3ef: {  	v14 =	vld.idx.msk [tilespmem:v14+s5+$0x0], $0xffff  }
0x3f0: {  	v22 =	vld.idx.msk [tilespmem:v22+s9+$0x0], $0xffff;
	v27 =	vadd.s32 $0x3, v13  }
0x3f1: {  	v28 =	vld.idx.msk [tilespmem:v17+s4+$0x0], $0xffff  }
0x3f2: {  	v29 =	vadd.s32 $0x4, v13;
	v25 =	vadd.f32 v26, v25;
	v15 =	vmul.f32 v24, v15;
	v45 =	vld.idx.msk [tilespmem:v13+s5+$0x0], $0xffff  }
0x3f3: {  	v47 =	vadd.s32 $0x5, v13;
	v46 =	vld.idx.msk [tilespmem:v44+s4+$0x0], $0xffff  }
0x3f4: {  	v48 =	vld.idx.msk [tilespmem:v17+s5+$0x0], $0xffff;
	v20 =	vmul.f32 v21, v20;
	v15 =	vadd.f32 v15, v25  }
0x3f5: {  	v49 =	vld.idx.msk [tilespmem:v27+s4+$0x0], $0xffff  }
0x3f6: {  	v11 =	vld.idx.msk [tilespmem:v11+s9+$0x0], $0xffff;
	v16 =	vmul.f32 v19, v16;
	v15 =	vadd.f32 v20, v15  }
0x3f7: {  	v50 =	vld.idx.msk [tilespmem:v29+s4+$0x0], $0xffff  }
0x3f8: {  	v12 =	vmul.f32 v12, v18;
	v51 =	vld.idx.msk [tilespmem:v47+s4+$0x0], $0xffff;
	v15 =	vadd.f32 v16, v15  }
0x3f9: {  	v52 =	vld.idx.msk [tilespmem:v28+s9+$0x0], $0xffff  }
0x3fa: {  	v14 =	vmul.f32 v22, v14;
	v53 =	vld.idx.msk [tilespmem:v44+s5+$0x0], $0xffff;
	v12 =	vadd.f32 v12, v15  }
0x3fb: {  	v54 =	vld.idx.msk [tilespmem:v46+s9+$0x0], $0xffff  }
0x3fc: {  	v55 =	vld.idx.msk [tilespmem:v27+s5+$0x0], $0xffff;
	v11 =	vmul.f32 v11, v45;
	v12 =	vadd.f32 v14, v12  }
0x3fd: {  	v21 =	vld.idx.msk [tilespmem:v49+s9+$0x0], $0xffff  }
0x3fe: {  	v56 =	vld.idx.msk [tilespmem:v29+s5+$0x0], $0xffff;
	v11 =	vadd.f32 v11, v12;
	v57 =	vmul.f32 v52, v48  }
0x3ff: {  	v58 =	vld.idx.msk [tilespmem:v50+s9+$0x0], $0xffff  }
0x400: {  	v13 =	vld.idx.msk [tilespmem:v47+s5+$0x0], $0xffff;
	v11 =	vadd.f32 v57, v11;
	v59 =	vmul.f32 v54, v53  }
0x401: {  	v60 =	vld.idx.msk [tilespmem:v51+s9+$0x0], $0xffff  }
0x402: {  	v61 =	vmul.f32 v21, v55;
	v11 =	vadd.f32 v59, v11;
	_ =	sdelay $0x1  }
0x403: {  	v62 =	vmul.f32 v58, v56;
	v11 =	vadd.f32 v61, v11;
	_ =	sdelay $0x1  }
0x404: {  	v63 =	vmul.f32 v60, v13;
	v11 =	vadd.f32 v62, v11;
	_ =	sdelay $0x1  }
0x405: {  	v11 =	vadd.f32 v63, v11;
	_ =	sdelay $0x1  }
0x406: {  	s26 =	sadd.s32 $0x1, s26;
	v11 =	vadd.f32 v11, v2  }
0x407: {  	p1 =	sne.s32 s26, $0x20  }
.Ltmp14:
0x408: {  	s23 =	sadd.s32 $0x200, s29;
	[tilespmem:$0x13B10] =	vst v11;
	(pc) =	sbr.rel @p1 .LBB2_22-.Ltmp14, $4  }
0x409: {  	[spmem:s23] =	stream.linear.scatter [tilespmem:s6], [sflag:$0x7], $0x20, $0x38;
	[tilespmem:$0x1A600] =	vst v63  }
0x40a: {  	_ =	swait.ge [sflag:s3], $0x20  }
0x40b: {  	[sflag:s3] =	ssyncset.done $0x0  }
0x40c: {  	[sflag:s3] =	ssyncadd.s32 $0xFFFFFFE0  }
0x40d: {  	[bflag:$0x0] =	sbarrier.arrive $0xFFFF  }
0x40e: {  	s16 =	simm.s32 @p0 $0x80;
	s22 =	simm.s32 @p0 $0x200;
	s23 =	simm.s32 @p0 $0x0  }
0x40f: {  	[tilespmem:s23], [sflag:$0x7] =	stream.strided.gather @p0 [hbm4b:s24+s16], $0x10E00, s22, s16, $0x38;
	[tilespmem:$0x1A600] =	vst v63  }
0x410: {  	s16 =	simm.s32 @p0 $0x7  }
0x411: {  	s25 =	simm.s32 @!p0 $0x10;
	_ =	swait.ge @p0 [sflag:s16], $0x10E00  }
0x412: {  	s26 =	simm.s32 @!p0 $0x1C05;
	s22 =	simm.s32 @!p0 $0x1;
	[sflag:s16] =	ssyncset.done @p0 $0x0  }
0x413: {  	s23 =	simm.s32 @!p0 $0x40;
	s28 =	rddreg [dreg:$0x14];
	[sflag:s16] =	ssyncadd.s32 @p0 $0xFFFEF200  }
0x414: {  	[hbm:s28@s23], [sflag:s26] =	dma.strided @!p0 [spmem:s14@s25], $0x1000, s22, $0x10   }
0x415: {  	s14 =	simm.s32 @!p0 $0x80;
	s23 =	simm.s32 @!p0 $0x200;
	s25 =	simm.s32 @!p0 $0x0  }
0x416: {  	[tilespmem:s25], [sflag:$0x7] =	stream.strided.gather @!p0 [hbm4b:s24+s14], $0x10E00, s23, s14, $0x38;
	[tilespmem:$0x1A600] =	vst v63  }
0x417: {  	s14 =	simm.s32 @!p0 $0x7  }
0x418: {  	_ =	swait.ge @!p0 [sflag:s14], $0x10E00  }
0x419: {  	[sflag:s14] =	ssyncset.done @!p0 $0x0  }
0x41a: {  	s23 =	simm.s32 @!p0 $0x6;
	[sflag:s14] =	ssyncadd.s32 @!p0 $0xFFFEF200  }
0x41b: {  	_ =	swait.ge @!p0 [sflag:s23], $0x1000  }
0x41c: {  	[sflag:s23] =	ssyncset.done @!p0 $0x0  }
0x41d: {  	s30 =	simm.s32 $0x80;
	s25 =	simm.s32 $0x0;
	[sflag:s23] =	ssyncadd.s32 @!p0 $0xFFFFF000  }
.LBB2_32:
0x41e: {  	[bflag:$0x0] =	sbarrier.arrive @p0 $0xFFFF;
	s23 =	simm.s32 @p0 $0x10E00  }
0x41f: {  	[tilespmem:s23], [sflag:$0x7] =	stream.linear.gather @p0 [spmem:s17], $0x1680, $0x38;
	[tilespmem:$0x1A600] =	vst v63  }
0x420: {  	_ =	swait.ge @p0 [sflag:s16], $0x1680  }
0x421: {  	[sflag:s16] =	ssyncset.done @p0 $0x0  }
0x422: {  	s23 =	simm.s32 @p0 $0x12480;
	[sflag:s16] =	ssyncadd.s32 @p0 $0xFFFFE980  }
0x423: {  	[tilespmem:s23], [sflag:$0x7] =	stream.linear.gather @p0 [spmem:s18], $0x1680, $0x38;
	[tilespmem:$0x1A600] =	vst v63  }
0x424: {  	_ =	swait.ge @p0 [sflag:s16], $0x1680  }
0x425: {  	[sflag:s16] =	ssyncset.done @p0 $0x0  }
0x426: {  	[sflag:s16] =	ssyncadd.s32 @p0 $0xFFFFE980  }
0x427: {  	[bflag:$0x0] =	sbarrier.arrive @p0 $0xFFFF  }
0x428: {  	_ =	swait.ge @!p0 [sflag:s22], $0x2D00  }
0x429: {  	[sflag:s22] =	ssyncset.done @!p0 $0x0  }
0x42a: {  	s23 =	simm.s32 @!p0 $0x2;
	[sflag:s22] =	ssyncadd.s32 @!p0 $0xFFFFD300  }
0x42b: {  	_ =	swait.ge @!p0 [sflag:s23], $0x2D00  }
0x42c: {  	[sflag:s23] =	ssyncset.done @!p0 $0x0  }
0x42d: {  	[sflag:s23] =	ssyncadd.s32 @!p0 $0xFFFFD300  }
0x42e: {  	s23 =	simm.s32 @!p0 $0x10E00;
	[bflag:$0x0] =	sbarrier.arrive @!p0 $0xFFFF  }
0x42f: {  	[tilespmem:s23], [sflag:$0x7] =	stream.linear.gather @!p0 [spmem:s17], $0x1680, $0x38;
	[tilespmem:$0x1A600] =	vst v63  }
0x430: {  	_ =	swait.ge @!p0 [sflag:s14], $0x1680  }
0x431: {  	[sflag:s14] =	ssyncset.done @!p0 $0x0  }
0x432: {  	s26 =	sshll.u32 s25, $0x1;
	s23 =	simm.s32 @!p0 $0x12480;
	[sflag:s14] =	ssyncadd.s32 @!p0 $0xFFFFE980  }
0x433: {  	[tilespmem:s23], [sflag:$0x7] =	stream.linear.gather @!p0 [spmem:s18], $0x1680, $0x38;
	[tilespmem:$0x1A600] =	vst v63  }
0x434: {  	s23 =	sadd.s32 @!p0 $0x2, s26  }
0x435: {  	s23 =	sand.u32 @!p0 $0x3E, s23  }
0x436: {  	s23 =	smul.u32 @!p0 $0x16800, s23  }
0x437: {  	_ =	swait.ge @!p0 [sflag:s14], $0x1680  }
0x438: {  	[sflag:s14] =	ssyncset.done @!p0 $0x0;
	s23 =	sadd.s32 @!p0 s12, s23  }
0x439: {  	[sflag:s14] =	ssyncadd.s32 @!p0 $0xFFFFE980;
	s23 =	sshrl.u32 @!p0 s23, $0x3  }
0x43a: {  	s29 =	simm.s32 @!p0 $0x1C01;
	[bflag:$0x0] =	sbarrier.arrive @!p0 $0xFFFF;
	s28 =	sadd.s32 @!p0 s0, s23  }
0x43b: {  	[spmem:s2], [sflag:s29] =	dma.local @!p0 [hbm:s28], $0x2D00  }
0x43c: {  	v12 =	vadd.s32 $0x6, v0;
	s23 =	sadd.s32 @!p0 s1, s23;
	s28 =	simm.s32 @!p0 $0x1C02  }
0x43d: {  	[spmem:s10], [sflag:s28] =	dma.local @!p0 [hbm:s23], $0x2D00  }
0x43e: {  	v13 =	vld.idx.msk [tilespmem:v0+s4+$0x0], $0xffff  }
0x43f: {  	v17 =	vld.idx.msk [tilespmem:v0+s5+$0x0], $0xffff  }
0x440: {  	v16 =	vld.idx.msk [tilespmem:v3+s4+$0x0], $0xffff  }
0x441: {  	v14 =	vadd.s32 $0x5, v0;
	v11 =	vld.idx.msk [tilespmem:v12+s4+$0x0], $0xffff  }
0x442: {  	v18 =	vld.idx.msk [tilespmem:v4+s4+$0x0], $0xffff  }
0x443: {  	v15 =	vld.idx.msk [tilespmem:v3+s5+$0x0], $0xffff  }
0x444: {  	v19 =	vld.idx.msk [tilespmem:v5+s4+$0x0], $0xffff  }
0x445: {  	v23 =	vld.idx.msk [tilespmem:v6+s4+$0x0], $0xffff  }
0x446: {  	v22 =	vld.idx.msk [tilespmem:v14+s4+$0x0], $0xffff  }
0x447: {  	v13 =	vld.idx.msk [tilespmem:v13+s9+$0x0], $0xffff  }
0x448: {  	v20 =	vld.idx.msk [tilespmem:v4+s5+$0x0], $0xffff  }
0x449: {  	v24 =	vld.idx.msk [tilespmem:v16+s9+$0x0], $0xffff  }
0x44a: {  	v21 =	vld.idx.msk [tilespmem:v18+s9+$0x0], $0xffff  }
0x44b: {  	v16 =	vld.idx.msk [tilespmem:v5+s5+$0x0], $0xffff  }
0x44c: {  	v19 =	vld.idx.msk [tilespmem:v19+s9+$0x0], $0xffff;
	v26 =	vmul.f32 v13, v17  }
0x44d: {  	v25 =	vimm.f32 $0.0e+00;
	s28 =	simm.s32 $0x1C;
	v18 =	vld.idx.msk [tilespmem:v6+s5+$0x0], $0xffff;
	v17 =	vor.u32 $0x1, v12;
	v13 =	vmov v12  }
.LBB2_33:
0x44e: {  	p1 =	sne.s32 s28, $0x1;
	v12 =	vadd.s32 $0x6, v12;
	v25 =	vadd.f32 v26, v25;
	v15 =	vmul.f32 v24, v15;
	v23 =	vld.idx.msk [tilespmem:v23+s9+$0x0], $0xffff  }
0x44f: {  	v26 =	vadd.s32 $0x2, v13;
	v24 =	vld.idx.msk [tilespmem:v14+s5+$0x0], $0xffff  }
0x450: {  	v14 =	vadd.f32 v15, v25;
	v15 =	vmul.f32 v21, v20;
	v20 =	vld.idx.msk [tilespmem:v22+s9+$0x0], $0xffff  }
0x451: {  	v28 =	vadd.s32 $0x3, v13;
	v27 =	vld.idx.msk [tilespmem:v13+s5+$0x0], $0xffff  }
0x452: {  	v29 =	vadd.s32 $0x4, v13;
	v16 =	vmul.f32 v19, v16;
	v21 =	vld.idx.msk [tilespmem:v17+s4+$0x0], $0xffff;
	v15 =	vadd.f32 v15, v14  }
0x453: {  	v19 =	vld.idx.msk [tilespmem:v12+s4+$0x0], $0xffff  }
0x454: {  	v14 =	vadd.s32 $0x5, v13;
	v13 =	vmovc v12;
	v18 =	vmul.f32 v23, v18;
	v30 =	vld.idx.msk [tilespmem:v26+s4+$0x0], $0xffff;
	v16 =	vadd.f32 v16, v15  }
0x455: {  	v15 =	vld.idx.msk [tilespmem:v17+s5+$0x0], $0xffff  }
0x456: {  	v17 =	vld.idx.msk [tilespmem:v28+s4+$0x0], $0xffff;
	v16 =	vadd.f32 v18, v16;
	v18 =	vmul.f32 v20, v24  }
0x457: {  	v23 =	vld.idx.msk [tilespmem:v29+s4+$0x0], $0xffff  }
0x458: {  	v31 =	vld.idx.msk [tilespmem:v11+s9+$0x0], $0xffff;
	v25 =	vadd.f32 v18, v16;
	v11 =	vmov v19  }
0x459: {  	v22 =	vld.idx.msk [tilespmem:v14+s4+$0x0], $0xffff  }
0x45a: {  	v24 =	vld.idx.msk [tilespmem:v21+s9+$0x0], $0xffff  }
.Ltmp15:
0x45b: {  	v20 =	vld.idx.msk [tilespmem:v26+s5+$0x0], $0xffff;
	(pc) =	sbr.rel @p1 .LBB2_33-.Ltmp15, $4  }
0x45c: {  	v21 =	vld.idx.msk [tilespmem:v30+s9+$0x0], $0xffff  }
0x45d: {  	v16 =	vld.idx.msk [tilespmem:v28+s5+$0x0], $0xffff  }
0x45e: {  	v26 =	vmul.f32 v31, v27;
	v19 =	vld.idx.msk [tilespmem:v17+s9+$0x0], $0xffff  }
0x45f: {  	s28 =	sadd.s32 $0xFFFFFFFF, s28;
	v17 =	vor.u32 $0x1, v12;
	v18 =	vld.idx.msk [tilespmem:v29+s5+$0x0], $0xffff  }
0x460: {  	_ =	sdelay $0x3  }
0x461: {  	v12 =	vld.idx.msk [tilespmem:v23+s9+$0x0], $0xffff;
	v23 =	vadd.s32 $0x2, v13  }
0x462: {  	v14 =	vld.idx.msk [tilespmem:v14+s5+$0x0], $0xffff  }
0x463: {  	v22 =	vld.idx.msk [tilespmem:v22+s9+$0x0], $0xffff;
	v27 =	vadd.s32 $0x3, v13  }
0x464: {  	v28 =	vld.idx.msk [tilespmem:v17+s4+$0x0], $0xffff  }
0x465: {  	v29 =	vadd.s32 $0x4, v13;
	v25 =	vadd.f32 v26, v25;
	v15 =	vmul.f32 v24, v15;
	v24 =	vld.idx.msk [tilespmem:v13+s5+$0x0], $0xffff  }
0x466: {  	v13 =	vadd.s32 $0x5, v13;
	v26 =	vld.idx.msk [tilespmem:v23+s4+$0x0], $0xffff  }
0x467: {  	v17 =	vld.idx.msk [tilespmem:v17+s5+$0x0], $0xffff;
	v20 =	vmul.f32 v21, v20;
	v15 =	vadd.f32 v15, v25  }
0x468: {  	v21 =	vld.idx.msk [tilespmem:v27+s4+$0x0], $0xffff  }
0x469: {  	v11 =	vld.idx.msk [tilespmem:v11+s9+$0x0], $0xffff;
	v16 =	vmul.f32 v19, v16;
	v15 =	vadd.f32 v20, v15  }
0x46a: {  	v19 =	vld.idx.msk [tilespmem:v29+s4+$0x0], $0xffff  }
0x46b: {  	v12 =	vmul.f32 v12, v18;
	v15 =	vadd.f32 v16, v15;
	v16 =	vld.idx.msk [tilespmem:v13+s4+$0x0], $0xffff  }
0x46c: {  	v18 =	vld.idx.msk [tilespmem:v28+s9+$0x0], $0xffff  }
0x46d: {  	v14 =	vmul.f32 v22, v14;
	v12 =	vadd.f32 v12, v15;
	v15 =	vld.idx.msk [tilespmem:v23+s5+$0x0], $0xffff  }
0x46e: {  	v20 =	vld.idx.msk [tilespmem:v26+s9+$0x0], $0xffff  }
0x46f: {  	v11 =	vmul.f32 v11, v24;
	v12 =	vadd.f32 v14, v12;
	v14 =	vld.idx.msk [tilespmem:v27+s5+$0x0], $0xffff  }
0x470: {  	v21 =	vld.idx.msk [tilespmem:v21+s9+$0x0], $0xffff  }
0x471: {  	v22 =	vld.idx.msk [tilespmem:v29+s5+$0x0], $0xffff;
	v11 =	vadd.f32 v11, v12;
	v12 =	vmul.f32 v18, v17  }
0x472: {  	v17 =	vld.idx.msk [tilespmem:v19+s9+$0x0], $0xffff  }
0x473: {  	v13 =	vld.idx.msk [tilespmem:v13+s5+$0x0], $0xffff;
	v11 =	vadd.f32 v12, v11;
	v12 =	vmul.f32 v20, v15  }
0x474: {  	v15 =	vld.idx.msk [tilespmem:v16+s9+$0x0], $0xffff  }
0x475: {  	v11 =	vadd.f32 v12, v11;
	v12 =	vmul.f32 v21, v14;
	_ =	sdelay $0x1  }
0x476: {  	v11 =	vadd.f32 v12, v11;
	v12 =	vmul.f32 v17, v22;
	_ =	sdelay $0x1  }
0x477: {  	v11 =	vadd.f32 v12, v11;
	v12 =	vmul.f32 v15, v13;
	_ =	sdelay $0x1  }
0x478: {  	v11 =	vadd.f32 v12, v11;
	_ =	sdelay $0x1  }
0x479: {  	v11 =	vadd.f32 v11, v2  }
0x47a: {  	v12 =	vadd.s32 $0x6, v1  }
0x47b: {  	[tilespmem:$0x13B00] =	vst v11  }
0x47c: {  	v13 =	vld.idx.msk [tilespmem:v1+s4+$0x0], $0xffff  }
0x47d: {  	v17 =	vld.idx.msk [tilespmem:v1+s5+$0x0], $0xffff  }
0x47e: {  	v16 =	vld.idx.msk [tilespmem:v7+s4+$0x0], $0xffff  }
0x47f: {  	v14 =	vadd.s32 $0x5, v1;
	v11 =	vld.idx.msk [tilespmem:v12+s4+$0x0], $0xffff  }
0x480: {  	v18 =	vld.idx.msk [tilespmem:v8+s4+$0x0], $0xffff  }
0x481: {  	v15 =	vld.idx.msk [tilespmem:v7+s5+$0x0], $0xffff  }
0x482: {  	v19 =	vld.idx.msk [tilespmem:v9+s4+$0x0], $0xffff  }
0x483: {  	v23 =	vld.idx.msk [tilespmem:v10+s4+$0x0], $0xffff  }
0x484: {  	v22 =	vld.idx.msk [tilespmem:v14+s4+$0x0], $0xffff  }
0x485: {  	v13 =	vld.idx.msk [tilespmem:v13+s9+$0x0], $0xffff  }
0x486: {  	v20 =	vld.idx.msk [tilespmem:v8+s5+$0x0], $0xffff  }
0x487: {  	v24 =	vld.idx.msk [tilespmem:v16+s9+$0x0], $0xffff  }
0x488: {  	v21 =	vld.idx.msk [tilespmem:v18+s9+$0x0], $0xffff  }
0x489: {  	v16 =	vld.idx.msk [tilespmem:v9+s5+$0x0], $0xffff  }
0x48a: {  	v19 =	vld.idx.msk [tilespmem:v19+s9+$0x0], $0xffff;
	v26 =	vmul.f32 v13, v17  }
0x48b: {  	s28 =	simm.s32 $0x1C;
	v25 =	vimm.f32 $0.0e+00;
	v18 =	vld.idx.msk [tilespmem:v10+s5+$0x0], $0xffff;
	v17 =	vor.u32 $0x1, v12;
	v13 =	vmov v12  }
.LBB2_35:
0x48c: {  	p1 =	sne.s32 s28, $0x1;
	v12 =	vadd.s32 $0x6, v12;
	v25 =	vadd.f32 v26, v25;
	v15 =	vmul.f32 v24, v15;
	v23 =	vld.idx.msk [tilespmem:v23+s9+$0x0], $0xffff  }
0x48d: {  	v26 =	vadd.s32 $0x2, v13;
	v24 =	vld.idx.msk [tilespmem:v14+s5+$0x0], $0xffff  }
0x48e: {  	v14 =	vadd.f32 v15, v25;
	v15 =	vmul.f32 v21, v20;
	v20 =	vld.idx.msk [tilespmem:v22+s9+$0x0], $0xffff  }
0x48f: {  	v28 =	vadd.s32 $0x3, v13;
	v27 =	vld.idx.msk [tilespmem:v13+s5+$0x0], $0xffff  }
0x490: {  	v29 =	vadd.s32 $0x4, v13;
	v16 =	vmul.f32 v19, v16;
	v21 =	vld.idx.msk [tilespmem:v17+s4+$0x0], $0xffff;
	v15 =	vadd.f32 v15, v14  }
0x491: {  	v19 =	vld.idx.msk [tilespmem:v12+s4+$0x0], $0xffff  }
0x492: {  	v14 =	vadd.s32 $0x5, v13;
	v13 =	vmovc v12;
	v18 =	vmul.f32 v23, v18;
	v30 =	vld.idx.msk [tilespmem:v26+s4+$0x0], $0xffff;
	v16 =	vadd.f32 v16, v15  }
0x493: {  	v15 =	vld.idx.msk [tilespmem:v17+s5+$0x0], $0xffff  }
0x494: {  	v17 =	vld.idx.msk [tilespmem:v28+s4+$0x0], $0xffff;
	v16 =	vadd.f32 v18, v16;
	v18 =	vmul.f32 v20, v24  }
0x495: {  	v23 =	vld.idx.msk [tilespmem:v29+s4+$0x0], $0xffff  }
0x496: {  	v31 =	vld.idx.msk [tilespmem:v11+s9+$0x0], $0xffff;
	v25 =	vadd.f32 v18, v16;
	v11 =	vmov v19  }
0x497: {  	v22 =	vld.idx.msk [tilespmem:v14+s4+$0x0], $0xffff  }
0x498: {  	v24 =	vld.idx.msk [tilespmem:v21+s9+$0x0], $0xffff  }
.Ltmp16:
0x499: {  	v20 =	vld.idx.msk [tilespmem:v26+s5+$0x0], $0xffff;
	(pc) =	sbr.rel @p1 .LBB2_35-.Ltmp16, $4  }
0x49a: {  	v21 =	vld.idx.msk [tilespmem:v30+s9+$0x0], $0xffff  }
0x49b: {  	v16 =	vld.idx.msk [tilespmem:v28+s5+$0x0], $0xffff  }
0x49c: {  	v26 =	vmul.f32 v31, v27;
	v19 =	vld.idx.msk [tilespmem:v17+s9+$0x0], $0xffff  }
0x49d: {  	s28 =	sadd.s32 $0xFFFFFFFF, s28;
	v17 =	vor.u32 $0x1, v12;
	v18 =	vld.idx.msk [tilespmem:v29+s5+$0x0], $0xffff  }
0x49e: {  	_ =	sdelay $0x3  }
0x49f: {  	v12 =	vld.idx.msk [tilespmem:v23+s9+$0x0], $0xffff;
	v23 =	vadd.s32 $0x2, v13  }
0x4a0: {  	v14 =	vld.idx.msk [tilespmem:v14+s5+$0x0], $0xffff  }
0x4a1: {  	v22 =	vld.idx.msk [tilespmem:v22+s9+$0x0], $0xffff;
	v27 =	vadd.s32 $0x3, v13  }
0x4a2: {  	v28 =	vld.idx.msk [tilespmem:v17+s4+$0x0], $0xffff  }
0x4a3: {  	v29 =	vadd.s32 $0x4, v13;
	v25 =	vadd.f32 v26, v25;
	v15 =	vmul.f32 v24, v15;
	v24 =	vld.idx.msk [tilespmem:v13+s5+$0x0], $0xffff  }
0x4a4: {  	v13 =	vadd.s32 $0x5, v13;
	v26 =	vld.idx.msk [tilespmem:v23+s4+$0x0], $0xffff  }
0x4a5: {  	v17 =	vld.idx.msk [tilespmem:v17+s5+$0x0], $0xffff;
	v20 =	vmul.f32 v21, v20;
	v15 =	vadd.f32 v15, v25  }
0x4a6: {  	v21 =	vld.idx.msk [tilespmem:v27+s4+$0x0], $0xffff  }
0x4a7: {  	v11 =	vld.idx.msk [tilespmem:v11+s9+$0x0], $0xffff;
	v16 =	vmul.f32 v19, v16;
	v15 =	vadd.f32 v20, v15  }
0x4a8: {  	v19 =	vld.idx.msk [tilespmem:v29+s4+$0x0], $0xffff  }
0x4a9: {  	v12 =	vmul.f32 v12, v18;
	v15 =	vadd.f32 v16, v15;
	v16 =	vld.idx.msk [tilespmem:v13+s4+$0x0], $0xffff  }
0x4aa: {  	v18 =	vld.idx.msk [tilespmem:v28+s9+$0x0], $0xffff  }
0x4ab: {  	v14 =	vmul.f32 v22, v14;
	v12 =	vadd.f32 v12, v15;
	v15 =	vld.idx.msk [tilespmem:v23+s5+$0x0], $0xffff  }
0x4ac: {  	v20 =	vld.idx.msk [tilespmem:v26+s9+$0x0], $0xffff  }
0x4ad: {  	v11 =	vmul.f32 v11, v24;
	v12 =	vadd.f32 v14, v12;
	v14 =	vld.idx.msk [tilespmem:v27+s5+$0x0], $0xffff  }
0x4ae: {  	v21 =	vld.idx.msk [tilespmem:v21+s9+$0x0], $0xffff  }
0x4af: {  	v22 =	vld.idx.msk [tilespmem:v29+s5+$0x0], $0xffff;
	v11 =	vadd.f32 v11, v12;
	v12 =	vmul.f32 v18, v17  }
0x4b0: {  	v17 =	vld.idx.msk [tilespmem:v19+s9+$0x0], $0xffff  }
0x4b1: {  	v13 =	vld.idx.msk [tilespmem:v13+s5+$0x0], $0xffff;
	v11 =	vadd.f32 v12, v11;
	v12 =	vmul.f32 v20, v15  }
0x4b2: {  	v15 =	vld.idx.msk [tilespmem:v16+s9+$0x0], $0xffff  }
0x4b3: {  	v11 =	vadd.f32 v12, v11;
	v12 =	vmul.f32 v21, v14;
	_ =	sdelay $0x1  }
0x4b4: {  	v11 =	vadd.f32 v12, v11;
	v12 =	vmul.f32 v17, v22;
	_ =	sdelay $0x1  }
0x4b5: {  	v11 =	vadd.f32 v12, v11;
	v12 =	vmul.f32 v15, v13;
	_ =	sdelay $0x1  }
0x4b6: {  	v11 =	vadd.f32 v12, v11  }
0x4b7: {  	s23 =	sshll.u32 s25, $0xA  }
0x4b8: {  	s23 =	sand.u32 $0x3FFFFC00, s23;
	v11 =	vadd.f32 v11, v2  }
0x4b9: {  	s23 =	sadd.s32 s23, s8  }
0x4ba: {  	s28 =	sadd.s32 s19, s23;
	[tilespmem:$0x13B10] =	vst v11  }
0x4bb: {  	[spmem:s28] =	stream.linear.scatter [tilespmem:s6], [sflag:$0x7], $0x20, $0x38;
	[tilespmem:$0x1A600] =	vst v63  }
0x4bc: {  	_ =	swait.ge [sflag:s3], $0x20  }
0x4bd: {  	[sflag:s3] =	ssyncset.done $0x0  }
0x4be: {  	[sflag:s3] =	ssyncadd.s32 $0xFFFFFFE0  }
0x4bf: {  	s23 =	simm.s32 @p0 $0x10E00;
	[bflag:$0x0] =	sbarrier.arrive @p0 $0xFFFF  }
0x4c0: {  	[tilespmem:s23], [sflag:$0x7] =	stream.linear.gather @p0 [spmem:s20], $0x1680, $0x38;
	[tilespmem:$0x1A600] =	vst v63  }
0x4c1: {  	s23 =	simm.s32 @p0 $0x7  }
0x4c2: {  	_ =	swait.ge @p0 [sflag:s23], $0x1680  }
0x4c3: {  	[sflag:s23] =	ssyncset.done @p0 $0x0  }
0x4c4: {  	s29 =	simm.s32 @p0 $0x12480;
	[sflag:s23] =	ssyncadd.s32 @p0 $0xFFFFE980  }
0x4c5: {  	[tilespmem:s29], [sflag:$0x7] =	stream.linear.gather @p0 [spmem:s21], $0x1680, $0x38;
	[tilespmem:$0x1A600] =	vst v63  }
0x4c6: {  	_ =	swait.ge @p0 [sflag:s23], $0x1680  }
0x4c7: {  	[sflag:s23] =	ssyncset.done @p0 $0x0  }
0x4c8: {  	[sflag:s23] =	ssyncadd.s32 @p0 $0xFFFFE980  }
0x4c9: {  	s23 =	simm.s32 @!p0 $0x3;
	[bflag:$0x0] =	sbarrier.arrive @p0 $0xFFFF  }
0x4ca: {  	_ =	swait.ge @!p0 [sflag:s23], $0x2D00  }
0x4cb: {  	[sflag:s23] =	ssyncset.done @!p0 $0x0  }
0x4cc: {  	[sflag:s23] =	ssyncadd.s32 @!p0 $0xFFFFD300;
	s23 =	simm.s32 @!p0 $0x4  }
0x4cd: {  	_ =	swait.ge @!p0 [sflag:s23], $0x2D00  }
0x4ce: {  	[sflag:s23] =	ssyncset.done @!p0 $0x0  }
0x4cf: {  	[sflag:s23] =	ssyncadd.s32 @!p0 $0xFFFFD300  }
0x4d0: {  	s23 =	simm.s32 @!p0 $0x10E00;
	[bflag:$0x0] =	sbarrier.arrive @!p0 $0xFFFF  }
0x4d1: {  	[tilespmem:s23], [sflag:$0x7] =	stream.linear.gather @!p0 [spmem:s20], $0x1680, $0x38;
	[tilespmem:$0x1A600] =	vst v63  }
0x4d2: {  	s23 =	simm.s32 @!p0 $0x7  }
0x4d3: {  	s26 =	sadd.s32 @!p0 $0x3, s26;
	_ =	swait.ge @!p0 [sflag:s23], $0x1680  }
0x4d4: {  	s26 =	sand.u32 @!p0 $0x3F, s26;
	[sflag:s23] =	ssyncset.done @!p0 $0x0  }
0x4d5: {  	s26 =	smul.u32 @!p0 $0x16800, s26;
	s29 =	simm.s32 @!p0 $0x12480;
	[sflag:s23] =	ssyncadd.s32 @!p0 $0xFFFFE980  }
0x4d6: {  	[tilespmem:s29], [sflag:$0x7] =	stream.linear.gather @!p0 [spmem:s21], $0x1680, $0x38;
	[tilespmem:$0x1A600] =	vst v63  }
0x4d7: {  	_ =	swait.ge @!p0 [sflag:s23], $0x1680  }
0x4d8: {  	s26 =	sadd.s32 @!p0 s12, s26;
	[sflag:s23] =	ssyncset.done @!p0 $0x0  }
0x4d9: {  	[sflag:s23] =	ssyncadd.s32 @!p0 $0xFFFFE980;
	s23 =	sshrl.u32 @!p0 s26, $0x3  }
0x4da: {  	s29 =	simm.s32 @!p0 $0x1C03;
	[bflag:$0x0] =	sbarrier.arrive @!p0 $0xFFFF;
	s26 =	sadd.s32 @!p0 s0, s23  }
0x4db: {  	[spmem:s11], [sflag:s29] =	dma.local @!p0 [hbm:s26], $0x2D00  }
0x4dc: {  	v12 =	vadd.s32 $0x6, v0;
	s23 =	sadd.s32 @!p0 s1, s23;
	s26 =	simm.s32 @!p0 $0x1C04  }
0x4dd: {  	[spmem:s13], [sflag:s26] =	dma.local @!p0 [hbm:s23], $0x2D00  }
0x4de: {  	v13 =	vld.idx.msk [tilespmem:v0+s4+$0x0], $0xffff  }
0x4df: {  	v17 =	vld.idx.msk [tilespmem:v0+s5+$0x0], $0xffff  }
0x4e0: {  	v16 =	vld.idx.msk [tilespmem:v3+s4+$0x0], $0xffff  }
0x4e1: {  	v14 =	vadd.s32 $0x5, v0;
	v11 =	vld.idx.msk [tilespmem:v12+s4+$0x0], $0xffff  }
0x4e2: {  	v18 =	vld.idx.msk [tilespmem:v4+s4+$0x0], $0xffff  }
0x4e3: {  	v15 =	vld.idx.msk [tilespmem:v3+s5+$0x0], $0xffff  }
0x4e4: {  	v19 =	vld.idx.msk [tilespmem:v5+s4+$0x0], $0xffff  }
0x4e5: {  	v23 =	vld.idx.msk [tilespmem:v6+s4+$0x0], $0xffff  }
0x4e6: {  	v22 =	vld.idx.msk [tilespmem:v14+s4+$0x0], $0xffff  }
0x4e7: {  	v13 =	vld.idx.msk [tilespmem:v13+s9+$0x0], $0xffff  }
0x4e8: {  	v20 =	vld.idx.msk [tilespmem:v4+s5+$0x0], $0xffff  }
0x4e9: {  	v24 =	vld.idx.msk [tilespmem:v16+s9+$0x0], $0xffff  }
0x4ea: {  	v21 =	vld.idx.msk [tilespmem:v18+s9+$0x0], $0xffff  }
0x4eb: {  	v16 =	vld.idx.msk [tilespmem:v5+s5+$0x0], $0xffff  }
0x4ec: {  	v19 =	vld.idx.msk [tilespmem:v19+s9+$0x0], $0xffff;
	v26 =	vmul.f32 v13, v17  }
0x4ed: {  	v25 =	vimm.f32 $0.0e+00;
	s26 =	simm.s32 $0x1C;
	v18 =	vld.idx.msk [tilespmem:v6+s5+$0x0], $0xffff;
	v17 =	vor.u32 $0x1, v12;
	v13 =	vmov v12  }
.LBB2_37:
0x4ee: {  	p1 =	sne.s32 s26, $0x1;
	v12 =	vadd.s32 $0x6, v12;
	v25 =	vadd.f32 v26, v25;
	v15 =	vmul.f32 v24, v15;
	v23 =	vld.idx.msk [tilespmem:v23+s9+$0x0], $0xffff  }
0x4ef: {  	v26 =	vadd.s32 $0x2, v13;
	v24 =	vld.idx.msk [tilespmem:v14+s5+$0x0], $0xffff  }
0x4f0: {  	v14 =	vadd.f32 v15, v25;
	v15 =	vmul.f32 v21, v20;
	v20 =	vld.idx.msk [tilespmem:v22+s9+$0x0], $0xffff  }
0x4f1: {  	v28 =	vadd.s32 $0x3, v13;
	v27 =	vld.idx.msk [tilespmem:v13+s5+$0x0], $0xffff  }
0x4f2: {  	v29 =	vadd.s32 $0x4, v13;
	v16 =	vmul.f32 v19, v16;
	v21 =	vld.idx.msk [tilespmem:v17+s4+$0x0], $0xffff;
	v15 =	vadd.f32 v15, v14  }
0x4f3: {  	v19 =	vld.idx.msk [tilespmem:v12+s4+$0x0], $0xffff  }
0x4f4: {  	v14 =	vadd.s32 $0x5, v13;
	v13 =	vmovc v12;
	v18 =	vmul.f32 v23, v18;
	v30 =	vld.idx.msk [tilespmem:v26+s4+$0x0], $0xffff;
	v16 =	vadd.f32 v16, v15  }
0x4f5: {  	v15 =	vld.idx.msk [tilespmem:v17+s5+$0x0], $0xffff  }
0x4f6: {  	v17 =	vld.idx.msk [tilespmem:v28+s4+$0x0], $0xffff;
	v16 =	vadd.f32 v18, v16;
	v18 =	vmul.f32 v20, v24  }
0x4f7: {  	v23 =	vld.idx.msk [tilespmem:v29+s4+$0x0], $0xffff  }
0x4f8: {  	v31 =	vld.idx.msk [tilespmem:v11+s9+$0x0], $0xffff;
	v25 =	vadd.f32 v18, v16;
	v11 =	vmov v19  }
0x4f9: {  	v22 =	vld.idx.msk [tilespmem:v14+s4+$0x0], $0xffff  }
0x4fa: {  	v24 =	vld.idx.msk [tilespmem:v21+s9+$0x0], $0xffff  }
.Ltmp17:
0x4fb: {  	v20 =	vld.idx.msk [tilespmem:v26+s5+$0x0], $0xffff;
	(pc) =	sbr.rel @p1 .LBB2_37-.Ltmp17, $4  }
0x4fc: {  	v21 =	vld.idx.msk [tilespmem:v30+s9+$0x0], $0xffff  }
0x4fd: {  	v16 =	vld.idx.msk [tilespmem:v28+s5+$0x0], $0xffff  }
0x4fe: {  	v26 =	vmul.f32 v31, v27;
	v19 =	vld.idx.msk [tilespmem:v17+s9+$0x0], $0xffff  }
0x4ff: {  	s26 =	sadd.s32 $0xFFFFFFFF, s26;
	v17 =	vor.u32 $0x1, v12;
	v18 =	vld.idx.msk [tilespmem:v29+s5+$0x0], $0xffff  }
0x500: {  	_ =	sdelay $0x3  }
0x501: {  	v12 =	vld.idx.msk [tilespmem:v23+s9+$0x0], $0xffff;
	v23 =	vadd.s32 $0x2, v13  }
0x502: {  	v14 =	vld.idx.msk [tilespmem:v14+s5+$0x0], $0xffff  }
0x503: {  	v22 =	vld.idx.msk [tilespmem:v22+s9+$0x0], $0xffff;
	v27 =	vadd.s32 $0x3, v13  }
0x504: {  	v28 =	vld.idx.msk [tilespmem:v17+s4+$0x0], $0xffff  }
0x505: {  	v29 =	vadd.s32 $0x4, v13;
	v25 =	vadd.f32 v26, v25;
	v15 =	vmul.f32 v24, v15;
	v24 =	vld.idx.msk [tilespmem:v13+s5+$0x0], $0xffff  }
0x506: {  	v13 =	vadd.s32 $0x5, v13;
	v26 =	vld.idx.msk [tilespmem:v23+s4+$0x0], $0xffff  }
0x507: {  	v17 =	vld.idx.msk [tilespmem:v17+s5+$0x0], $0xffff;
	v20 =	vmul.f32 v21, v20;
	v15 =	vadd.f32 v15, v25  }
0x508: {  	v21 =	vld.idx.msk [tilespmem:v27+s4+$0x0], $0xffff  }
0x509: {  	v11 =	vld.idx.msk [tilespmem:v11+s9+$0x0], $0xffff;
	v16 =	vmul.f32 v19, v16;
	v15 =	vadd.f32 v20, v15  }
0x50a: {  	v19 =	vld.idx.msk [tilespmem:v29+s4+$0x0], $0xffff  }
0x50b: {  	v12 =	vmul.f32 v12, v18;
	v15 =	vadd.f32 v16, v15;
	v16 =	vld.idx.msk [tilespmem:v13+s4+$0x0], $0xffff  }
0x50c: {  	v18 =	vld.idx.msk [tilespmem:v28+s9+$0x0], $0xffff  }
0x50d: {  	v14 =	vmul.f32 v22, v14;
	v12 =	vadd.f32 v12, v15;
	v15 =	vld.idx.msk [tilespmem:v23+s5+$0x0], $0xffff  }
0x50e: {  	v20 =	vld.idx.msk [tilespmem:v26+s9+$0x0], $0xffff  }
0x50f: {  	v11 =	vmul.f32 v11, v24;
	v12 =	vadd.f32 v14, v12;
	v14 =	vld.idx.msk [tilespmem:v27+s5+$0x0], $0xffff  }
0x510: {  	v21 =	vld.idx.msk [tilespmem:v21+s9+$0x0], $0xffff  }
0x511: {  	v22 =	vld.idx.msk [tilespmem:v29+s5+$0x0], $0xffff;
	v11 =	vadd.f32 v11, v12;
	v12 =	vmul.f32 v18, v17  }
0x512: {  	v17 =	vld.idx.msk [tilespmem:v19+s9+$0x0], $0xffff  }
0x513: {  	v13 =	vld.idx.msk [tilespmem:v13+s5+$0x0], $0xffff;
	v11 =	vadd.f32 v12, v11;
	v12 =	vmul.f32 v20, v15  }
0x514: {  	v15 =	vld.idx.msk [tilespmem:v16+s9+$0x0], $0xffff  }
0x515: {  	v11 =	vadd.f32 v12, v11;
	v12 =	vmul.f32 v21, v14;
	_ =	sdelay $0x1  }
0x516: {  	v11 =	vadd.f32 v12, v11;
	v12 =	vmul.f32 v17, v22;
	_ =	sdelay $0x1  }
0x517: {  	v11 =	vadd.f32 v12, v11;
	v12 =	vmul.f32 v15, v13;
	_ =	sdelay $0x1  }
0x518: {  	v11 =	vadd.f32 v12, v11;
	_ =	sdelay $0x1  }
0x519: {  	v11 =	vadd.f32 v11, v2  }
0x51a: {  	v12 =	vadd.s32 $0x6, v1  }
0x51b: {  	[tilespmem:$0x13B00] =	vst v11  }
0x51c: {  	v13 =	vld.idx.msk [tilespmem:v1+s4+$0x0], $0xffff  }
0x51d: {  	v17 =	vld.idx.msk [tilespmem:v1+s5+$0x0], $0xffff  }
0x51e: {  	v16 =	vld.idx.msk [tilespmem:v7+s4+$0x0], $0xffff  }
0x51f: {  	v14 =	vadd.s32 $0x5, v1;
	v11 =	vld.idx.msk [tilespmem:v12+s4+$0x0], $0xffff  }
0x520: {  	v18 =	vld.idx.msk [tilespmem:v8+s4+$0x0], $0xffff  }
0x521: {  	v15 =	vld.idx.msk [tilespmem:v7+s5+$0x0], $0xffff  }
0x522: {  	v19 =	vld.idx.msk [tilespmem:v9+s4+$0x0], $0xffff  }
0x523: {  	v23 =	vld.idx.msk [tilespmem:v10+s4+$0x0], $0xffff  }
0x524: {  	v22 =	vld.idx.msk [tilespmem:v14+s4+$0x0], $0xffff  }
0x525: {  	v13 =	vld.idx.msk [tilespmem:v13+s9+$0x0], $0xffff  }
0x526: {  	v20 =	vld.idx.msk [tilespmem:v8+s5+$0x0], $0xffff  }
0x527: {  	v24 =	vld.idx.msk [tilespmem:v16+s9+$0x0], $0xffff  }
0x528: {  	v21 =	vld.idx.msk [tilespmem:v18+s9+$0x0], $0xffff  }
0x529: {  	v16 =	vld.idx.msk [tilespmem:v9+s5+$0x0], $0xffff  }
0x52a: {  	v19 =	vld.idx.msk [tilespmem:v19+s9+$0x0], $0xffff;
	v26 =	vmul.f32 v13, v17  }
0x52b: {  	s26 =	simm.s32 $0x1C;
	v25 =	vimm.f32 $0.0e+00;
	v18 =	vld.idx.msk [tilespmem:v10+s5+$0x0], $0xffff;
	v17 =	vor.u32 $0x1, v12;
	v13 =	vmov v12  }
.LBB2_39:
0x52c: {  	p1 =	sne.s32 s26, $0x1;
	v12 =	vadd.s32 $0x6, v12;
	v25 =	vadd.f32 v26, v25;
	v15 =	vmul.f32 v24, v15;
	v23 =	vld.idx.msk [tilespmem:v23+s9+$0x0], $0xffff  }
0x52d: {  	v26 =	vadd.s32 $0x2, v13;
	v24 =	vld.idx.msk [tilespmem:v14+s5+$0x0], $0xffff  }
0x52e: {  	v14 =	vadd.f32 v15, v25;
	v15 =	vmul.f32 v21, v20;
	v20 =	vld.idx.msk [tilespmem:v22+s9+$0x0], $0xffff  }
0x52f: {  	v28 =	vadd.s32 $0x3, v13;
	v27 =	vld.idx.msk [tilespmem:v13+s5+$0x0], $0xffff  }
0x530: {  	v29 =	vadd.s32 $0x4, v13;
	v16 =	vmul.f32 v19, v16;
	v21 =	vld.idx.msk [tilespmem:v17+s4+$0x0], $0xffff;
	v15 =	vadd.f32 v15, v14  }
0x531: {  	v19 =	vld.idx.msk [tilespmem:v12+s4+$0x0], $0xffff  }
0x532: {  	v14 =	vadd.s32 $0x5, v13;
	v13 =	vmovc v12;
	v18 =	vmul.f32 v23, v18;
	v30 =	vld.idx.msk [tilespmem:v26+s4+$0x0], $0xffff;
	v16 =	vadd.f32 v16, v15  }
0x533: {  	v15 =	vld.idx.msk [tilespmem:v17+s5+$0x0], $0xffff  }
0x534: {  	v17 =	vld.idx.msk [tilespmem:v28+s4+$0x0], $0xffff;
	v16 =	vadd.f32 v18, v16;
	v18 =	vmul.f32 v20, v24  }
0x535: {  	v23 =	vld.idx.msk [tilespmem:v29+s4+$0x0], $0xffff  }
0x536: {  	v31 =	vld.idx.msk [tilespmem:v11+s9+$0x0], $0xffff;
	v25 =	vadd.f32 v18, v16;
	v11 =	vmov v19  }
0x537: {  	v22 =	vld.idx.msk [tilespmem:v14+s4+$0x0], $0xffff  }
0x538: {  	v24 =	vld.idx.msk [tilespmem:v21+s9+$0x0], $0xffff  }
.Ltmp18:
0x539: {  	v20 =	vld.idx.msk [tilespmem:v26+s5+$0x0], $0xffff;
	(pc) =	sbr.rel @p1 .LBB2_39-.Ltmp18, $4  }
0x53a: {  	v21 =	vld.idx.msk [tilespmem:v30+s9+$0x0], $0xffff  }
0x53b: {  	v16 =	vld.idx.msk [tilespmem:v28+s5+$0x0], $0xffff  }
0x53c: {  	v26 =	vmul.f32 v31, v27;
	v19 =	vld.idx.msk [tilespmem:v17+s9+$0x0], $0xffff  }
0x53d: {  	s26 =	sadd.s32 $0xFFFFFFFF, s26;
	v17 =	vor.u32 $0x1, v12;
	v18 =	vld.idx.msk [tilespmem:v29+s5+$0x0], $0xffff  }
0x53e: {  	_ =	sdelay $0x3  }
0x53f: {  	v12 =	vld.idx.msk [tilespmem:v23+s9+$0x0], $0xffff;
	v44 =	vadd.s32 $0x2, v13  }
0x540: {  	v14 =	vld.idx.msk [tilespmem:v14+s5+$0x0], $0xffff  }
0x541: {  	v22 =	vld.idx.msk [tilespmem:v22+s9+$0x0], $0xffff;
	v27 =	vadd.s32 $0x3, v13  }
0x542: {  	v28 =	vld.idx.msk [tilespmem:v17+s4+$0x0], $0xffff  }
0x543: {  	v29 =	vadd.s32 $0x4, v13;
	v25 =	vadd.f32 v26, v25;
	v15 =	vmul.f32 v24, v15;
	v45 =	vld.idx.msk [tilespmem:v13+s5+$0x0], $0xffff  }
0x544: {  	v47 =	vadd.s32 $0x5, v13;
	v46 =	vld.idx.msk [tilespmem:v44+s4+$0x0], $0xffff  }
0x545: {  	v48 =	vld.idx.msk [tilespmem:v17+s5+$0x0], $0xffff;
	v20 =	vmul.f32 v21, v20;
	v15 =	vadd.f32 v15, v25  }
0x546: {  	v49 =	vld.idx.msk [tilespmem:v27+s4+$0x0], $0xffff  }
0x547: {  	v11 =	vld.idx.msk [tilespmem:v11+s9+$0x0], $0xffff;
	v16 =	vmul.f32 v19, v16;
	v15 =	vadd.f32 v20, v15  }
0x548: {  	v50 =	vld.idx.msk [tilespmem:v29+s4+$0x0], $0xffff  }
0x549: {  	v12 =	vmul.f32 v12, v18;
	v51 =	vld.idx.msk [tilespmem:v47+s4+$0x0], $0xffff;
	v15 =	vadd.f32 v16, v15  }
0x54a: {  	v52 =	vld.idx.msk [tilespmem:v28+s9+$0x0], $0xffff  }
0x54b: {  	v14 =	vmul.f32 v22, v14;
	v53 =	vld.idx.msk [tilespmem:v44+s5+$0x0], $0xffff;
	v12 =	vadd.f32 v12, v15  }
0x54c: {  	v54 =	vld.idx.msk [tilespmem:v46+s9+$0x0], $0xffff  }
0x54d: {  	v55 =	vld.idx.msk [tilespmem:v27+s5+$0x0], $0xffff;
	v11 =	vmul.f32 v11, v45;
	v12 =	vadd.f32 v14, v12  }
0x54e: {  	v21 =	vld.idx.msk [tilespmem:v49+s9+$0x0], $0xffff  }
0x54f: {  	v56 =	vld.idx.msk [tilespmem:v29+s5+$0x0], $0xffff;
	v11 =	vadd.f32 v11, v12;
	v57 =	vmul.f32 v52, v48  }
0x550: {  	v58 =	vld.idx.msk [tilespmem:v50+s9+$0x0], $0xffff  }
0x551: {  	v13 =	vld.idx.msk [tilespmem:v47+s5+$0x0], $0xffff;
	v11 =	vadd.f32 v57, v11;
	v59 =	vmul.f32 v54, v53  }
0x552: {  	v60 =	vld.idx.msk [tilespmem:v51+s9+$0x0], $0xffff  }
0x553: {  	v61 =	vmul.f32 v21, v55;
	v11 =	vadd.f32 v59, v11;
	_ =	sdelay $0x1  }
0x554: {  	v62 =	vmul.f32 v58, v56;
	v11 =	vadd.f32 v61, v11;
	_ =	sdelay $0x1  }
0x555: {  	v63 =	vmul.f32 v60, v13;
	v11 =	vadd.f32 v62, v11;
	_ =	sdelay $0x1  }
0x556: {  	v11 =	vadd.f32 v63, v11;
	_ =	sdelay $0x1  }
0x557: {  	s25 =	sadd.s32 $0x1, s25;
	v11 =	vadd.f32 v11, v2  }
0x558: {  	p1 =	sne.s32 s25, $0x20  }
.Ltmp19:
0x559: {  	s23 =	sadd.s32 $0x200, s28;
	[tilespmem:$0x13B10] =	vst v11;
	(pc) =	sbr.rel @p1 .LBB2_32-.Ltmp19, $4  }
0x55a: {  	[spmem:s23] =	stream.linear.scatter [tilespmem:s6], [sflag:$0x7], $0x20, $0x38;
	[tilespmem:$0x1A600] =	vst v63  }
0x55b: {  	_ =	swait.ge [sflag:s3], $0x20  }
0x55c: {  	[sflag:s3] =	ssyncset.done $0x0  }
0x55d: {  	[sflag:s3] =	ssyncadd.s32 $0xFFFFFFE0  }
0x55e: {  	[bflag:$0x0] =	sbarrier.arrive $0xFFFF;
	s2 =	simm.s32 @!p0 $0x1;
	s10 =	simm.s32 @!p0 $0x40  }
0x55f: {  	s11 =	simm.s32 @!p0 $0x10;
	s13 =	simm.s32 @!p0 $0x1C06;
	s14 =	rddreg [dreg:$0x15]  }
0x560: {  	[hbm:s14@s10], [sflag:s13] =	dma.strided @!p0 [spmem:s15@s11], $0x1000, s2, $0x10   }
0x561: {  	_ =	swait.ge @!p0 [sflag:s2], $0x2D00  }
0x562: {  	[sflag:s2] =	ssyncset.done @!p0 $0x0  }
0x563: {  	[sflag:s2] =	ssyncadd.s32 @!p0 $0xFFFFD300;
	s2 =	simm.s32 @!p0 $0x2  }
0x564: {  	_ =	swait.ge @!p0 [sflag:s2], $0x2D00  }
0x565: {  	[sflag:s2] =	ssyncset.done @!p0 $0x0  }
0x566: {  	[sflag:s2] =	ssyncadd.s32 @!p0 $0xFFFFD300;
	s2 =	simm.s32 @!p0 $0x3  }
0x567: {  	_ =	swait.ge @!p0 [sflag:s2], $0x2D00  }
0x568: {  	[sflag:s2] =	ssyncset.done @!p0 $0x0  }
0x569: {  	[sflag:s2] =	ssyncadd.s32 @!p0 $0xFFFFD300;
	s2 =	simm.s32 @!p0 $0x4  }
0x56a: {  	_ =	swait.ge @!p0 [sflag:s2], $0x2D00  }
0x56b: {  	[sflag:s2] =	ssyncset.done @!p0 $0x0  }
0x56c: {  	[sflag:s2] =	ssyncadd.s32 @!p0 $0xFFFFD300;
	s2 =	simm.s32 @!p0 $0x5  }
0x56d: {  	_ =	swait.ge @!p0 [sflag:s2], $0x1000  }
0x56e: {  	[sflag:s2] =	ssyncset.done @!p0 $0x0  }
0x56f: {  	[sflag:s2] =	ssyncadd.s32 @!p0 $0xFFFFF000;
	s2 =	simm.s32 @!p0 $0x6  }
0x570: {  	_ =	swait.ge @!p0 [sflag:s2], $0x1000  }
0x571: {  	s31 =	sadd.s32 $0x1, s31;
	s29 =	rddreg [dreg:$0x16]  }
0x572: {  	p1 =	sne.s32 s31, s29  }
.Ltmp20:
0x573: {  	_ = 	snop;
	(pc) =	sbr.rel @p1 .LBB2_1-.Ltmp20, $3  }
0x574: {  	_ =	sdelay $0x1  }
0x575: {  	[sflag:s2] =	ssyncset.done @!p0 $0x0  }
0x576: {  	[sflag:s2] =	ssyncadd.s32 @!p0 $0xFFFFF000  }
0x577: {  	_ =	sfence.sel $0x180000  }
0x578: {  	[bflag:$0x0] =	sbarrier.arrive $0xFFFF  }
0x579: {  	_ =	strace $0x90000047  }
0x57a: {  	[bflag:$0x2] =	sbarrier.arrive $0xFFFF  }
0x57b: {  	s0 =	rddreg [dreg:$0x9]  }
0x57c: {  	s0 =	sadd.s32 @!p0 $0x100000, s0  }
0x57d: {  	[sflag:s0] =	ssyncadd.tile.s32 @!p0 $0x1;
	_ =	shalt  }
.Lfunc_end2:
_tile_overlayer_lowered:
.L_overlay_start_2:
0x57e: {  	(tag) =	ssettag $0x2  }
0x57f: {  	s0 =	rddreg [dreg:$0x0];
	s2 =	stileid.u32  }
0x580: {  	s1 =	rddreg [dreg:$0x1];
	p0 =	sne.s32 s2, $0x0  }
0x581: {  	s3 =	rddreg [dreg:$0x2];
	[bflag:$0x3] =	sbarrier.arrive $0xFFFF;
	s2 =	simm.s32 @!p0 $0x1C07  }
0x582: {  	[timem:s3], [sflag:s2] =	dma.local @!p0 [hbm:s0], s1  }
0x583: {  	s0 =	simm.s32 @!p0 $0x7  }
0x584: {  	_ =	swait.ge @!p0 [sflag:s0], s1  }
0x585: {  	s1 =	ssub.s32 @!p0 $0x0, s1;
	[sflag:s0] =	ssyncset.done @!p0 $0x0  }
0x586: {  	[sflag:s0] =	ssyncadd.s32 @!p0 s1  }
0x587: {  	[bflag:$0x3] =	sbarrier.arrive $0xFFFF  }
0x588: {  	_ =	shalt  }

</sc_bundles>
